<compile_context>
chip_gen: v7x
topology: tpu7x:2x2x1
jax: 0.10.2.dev20260603
libtpu: 0.0.44.dev20260713+nightly
codegen_flags: <defaults>
</compile_context>

<pallas_src>
import functools

import jax
import jax.numpy as jnp
from jax import lax
from jax.experimental import pallas as pl
from jax.experimental.pallas import tpu as pltpu
from jax.experimental.pallas import tpu_sc as plsc

N = 10000
E = 320000
G = 256
D = 128

NC = 2
NS = 16
NW = NC * NS

CH = 128
K = 80
TOT = NW * K
TOT_ALLOC = TOT
E_PAD = TOT * CH
N_PAD = 10240
RPT = N_PAD // NS


def _sc_agg_body(x_hbm, src_hbm, dst_hbm, out0, out1,
                 src_v, dst_v, zbuf, gbuf, acc, sem):
    cid = lax.axis_index("c")
    sid = lax.axis_index("s")
    w = cid * NS + sid

    pltpu.sync_copy(src_hbm.at[pl.ds(w * K, K)], src_v)
    pltpu.sync_copy(dst_hbm.at[pl.ds(w * K, K)], dst_v)

    zeros16 = jnp.zeros((16,), jnp.float32)
    for r in range(16):
        for c in range(D // 16):
            zbuf[r, pl.ds(c * 16, 16)] = zeros16

    def zloop(k, carry):
        pltpu.sync_copy(zbuf, acc.at[pl.ds(sid * RPT + k * 16, 16)])
        return carry
    lax.fori_loop(0, RPT // 16, zloop, 0)

    plsc.subcore_barrier()

    def body(j, carry):
        pltpu.async_copy(x_hbm.at[src_v.at[j]], gbuf, sem).wait()
        pltpu.sync_copy(gbuf, acc.at[dst_v.at[j]], add=True)
        return carry
    lax.fori_loop(0, K, body, 0)

    plsc.subcore_barrier()

    def oloop(t, carry):
        r0 = sid * RPT + t * CH
        pltpu.sync_copy(acc.at[pl.ds(r0, CH)], gbuf)
        @pl.when(cid == 0)
        def _():
            pltpu.sync_copy(gbuf, out0.at[pl.ds(r0, CH)])
        @pl.when(cid == 1)
        def _():
            pltpu.sync_copy(gbuf, out1.at[pl.ds(r0, CH)])
        return carry
    lax.fori_loop(0, RPT // CH, oloop, 0)


_sc_agg = pl.kernel(
    _sc_agg_body,
    out_type=[jax.ShapeDtypeStruct((N_PAD, D), jnp.float32),
              jax.ShapeDtypeStruct((N_PAD, D), jnp.float32)],
    mesh=plsc.VectorSubcoreMesh(core_axis_name="c", subcore_axis_name="s",
                                num_cores=NC, num_subcores=NS),
    scratch_types=[
        pltpu.VMEM((K, CH), jnp.int32),
        pltpu.VMEM((K, CH), jnp.int32),
        pltpu.VMEM((16, D), jnp.float32),
        pltpu.VMEM((CH, D), jnp.float32),
        pltpu.VMEM_SHARED((N_PAD, D), jnp.float32),
        pltpu.SemaphoreType.DMA,
    ],
)



BLK = 2000


def _dense_relu_body(a0_ref, a1_ref, w_ref, b_ref, o_ref):
    x = a0_ref[...] + a1_ref[...]
    y = jnp.dot(x, w_ref[...], preferred_element_type=jnp.float32)
    o_ref[...] = jnp.maximum(y + b_ref[...], 0.0)


def _dense_relu(a0, a1, w, b):
    return pl.pallas_call(
        _dense_relu_body,
        grid=(N // BLK,),
        in_specs=[
            pl.BlockSpec((BLK, D), lambda i: (i, 0)),
            pl.BlockSpec((BLK, D), lambda i: (i, 0)),
            pl.BlockSpec((D, D), lambda i: (0, 0)),
            pl.BlockSpec((1, D), lambda i: (0, 0)),
        ],
        out_specs=pl.BlockSpec((BLK, D), lambda i: (i, 0)),
        out_shape=jax.ShapeDtypeStruct((N, D), jnp.float32),
    )(a0, a1, w, b.reshape(1, D))


def _final_body(a0_ref, a1_ref, h1_ref, h2_ref, pid_ref,
                w3_ref, b3_ref, wm1_ref, bm1_ref, wm2_ref, bm2_ref, o_ref):
    i = pl.program_id(0)
    h3 = (jnp.dot(a0_ref[...] + a1_ref[...], w3_ref[...],
                  preferred_element_type=jnp.float32) + b3_ref[...])
    u = (jnp.dot(h1_ref[...], wm1_ref[0:D], preferred_element_type=jnp.float32)
         + jnp.dot(h2_ref[...], wm1_ref[D:2 * D],
                   preferred_element_type=jnp.float32)
         + jnp.dot(h3, wm1_ref[2 * D:3 * D],
                   preferred_element_type=jnp.float32)
         + bm1_ref[...])
    u = jnp.maximum(u, 0.0)
    v = jnp.dot(u, wm2_ref[...], preferred_element_type=jnp.float32) + bm2_ref[...]
    onehot = (pid_ref[...] == lax.broadcasted_iota(jnp.int32, (1, G), 1)
              ).astype(jnp.float32)
    contrib = lax.dot_general(onehot, v, (((0,), (0,)), ((), ())),
                              preferred_element_type=jnp.float32)

    @pl.when(i == 0)
    def _():
        o_ref[...] = jnp.zeros_like(o_ref)
    o_ref[...] += contrib


def _final(a0, a1, h1, h2, pool2d, W3, b3, Wm1, bm1, Wm2, bm2):
    return pl.pallas_call(
        _final_body,
        grid=(N // BLK,),
        in_specs=[
            pl.BlockSpec((BLK, D), lambda i: (i, 0)),
            pl.BlockSpec((BLK, D), lambda i: (i, 0)),
            pl.BlockSpec((BLK, D), lambda i: (i, 0)),
            pl.BlockSpec((BLK, D), lambda i: (i, 0)),
            pl.BlockSpec((BLK, 1), lambda i: (i, 0)),
            pl.BlockSpec((D, D), lambda i: (0, 0)),
            pl.BlockSpec((1, D), lambda i: (0, 0)),
            pl.BlockSpec((3 * D, D), lambda i: (0, 0)),
            pl.BlockSpec((1, D), lambda i: (0, 0)),
            pl.BlockSpec((D, D), lambda i: (0, 0)),
            pl.BlockSpec((1, D), lambda i: (0, 0)),
        ],
        out_specs=pl.BlockSpec((G, D), lambda i: (0, 0)),
        out_shape=jax.ShapeDtypeStruct((G, D), jnp.float32),
    )(a0, a1, h1, h2, pool2d, W3, b3.reshape(1, D), Wm1,
      bm1.reshape(1, D), Wm2, bm2.reshape(1, D))


def kernel(features, edge_index, pool_ids,
           W1, b1, W2, b2, W3, b3, Wm1, bm1, Wm2, bm2):
    src = edge_index[0].astype(jnp.int32)
    dst = edge_index[1].astype(jnp.int32)
    pad = TOT_ALLOC * CH - E
    src_w = jnp.concatenate(
        [src, jnp.zeros((pad,), jnp.int32)]).reshape(TOT_ALLOC, CH)
    dst_w = jnp.concatenate(
        [dst, jnp.full((pad,), N, jnp.int32)]).reshape(TOT_ALLOC, CH)
    pool2d = pool_ids.astype(jnp.int32).reshape(N, 1)

    a1a, a1b = _sc_agg(features, src_w, dst_w)
    h1 = _dense_relu(a1a, a1b, W1, b1)
    a2a, a2b = _sc_agg(h1, src_w, dst_w)
    h2 = _dense_relu(a2a, a2b, W2, b2)
    a3a, a3b = _sc_agg(h2, src_w, dst_w)
    return _final(a3a, a3b, h1, h2, pool2d, W3, b3, Wm1, bm1, Wm2, bm2)

# --- scband reference (transcript-rebuilt; emitter-appended) ---
"""Pipeline reference for scband-graph-convolution-81527069213283 (READ-ONLY COPY).

The authoritative reference and input builder live on the scoring server;
editing this copy changes nothing except your own understanding.
"""

import jax, jax.numpy as jnp
import numpy as np

N_NODES = 10000
N_EDGES = 320000
N_GRAPHS = 256
IN_DIM = 128
HID_DIM = 128
OUT_DIM = 128


def setup_inputs(seed: int = 0) -> dict:
    key = jax.random.key(seed)
    ks = jax.random.split(key, 16)
    features = jax.random.normal(ks[0], (N_NODES, IN_DIM), dtype=jnp.float32)
    edge_index = jax.random.randint(ks[1], (2, N_EDGES), 0, N_NODES, dtype=jnp.int64)
    pool_ids = jnp.sort(jax.random.randint(ks[2], (N_NODES,), 0, N_GRAPHS, dtype=jnp.int64))
    def glorot(k, shape):
        lim = np.sqrt(6.0 / (shape[0] + shape[1]))
        return jax.random.uniform(k, shape, dtype=jnp.float32, minval=-lim, maxval=lim)
    W1 = glorot(ks[3], (IN_DIM, HID_DIM)); b1 = jnp.zeros((HID_DIM,), jnp.float32)
    W2 = glorot(ks[4], (HID_DIM, OUT_DIM)); b2 = jnp.zeros((OUT_DIM,), jnp.float32)
    W3 = glorot(ks[5], (OUT_DIM, OUT_DIM)); b3 = jnp.zeros((OUT_DIM,), jnp.float32)
    Wm1 = glorot(ks[6], (HID_DIM + 2 * OUT_DIM, HID_DIM)); bm1 = jnp.zeros((HID_DIM,), jnp.float32)
    Wm2 = glorot(ks[7], (HID_DIM, OUT_DIM)); bm2 = jnp.zeros((OUT_DIM,), jnp.float32)
    return {
        'features': features, 'edge_index': edge_index, 'pool_ids': pool_ids,
        'W1': W1, 'b1': b1, 'W2': W2, 'b2': b2, 'W3': W3, 'b3': b3,
        'Wm1': Wm1, 'bm1': bm1, 'Wm2': Wm2, 'bm2': bm2,
    }


def reference(features, edge_index, pool_ids, W1, b1, W2, b2, W3, b3, Wm1, bm1, Wm2, bm2):
    src = edge_index[0]
    dst = edge_index[1]

    def agg(x):
        # sparse adj @ x : gather along src, scatter-add into dst
        return jax.ops.segment_sum(jnp.take(x, src, axis=0), dst, num_segments=N_NODES)

    # graph_convolution_layer: stacked GCN layers with jumping-knowledge concat
    h1 = jax.nn.relu(agg(features) @ W1 + b1)            # [N, hidden]
    h2 = jax.nn.relu(agg(h1) @ W2 + b2)                  # [N, output]
    h3 = agg(h2) @ W3 + b3                               # [N, output]
    h = jnp.concatenate([h1, h2, h3], axis=1)            # [N, hidden + 2*output]

    # MLP head
    h = jax.nn.relu(h @ Wm1 + bm1) @ Wm2 + bm2           # [N, output]

    # graph pooling: torch.spmm(graph_pool, h) with sum-pool matrix -> segment_sum
    H = jax.ops.segment_sum(h, pool_ids, num_segments=N_GRAPHS)  # [G, output]
    return H

if __name__ == "__main__":
    import jax
    _d = setup_inputs()
    print(jax.jit(kernel)(*tuple(_d.values())))

</pallas_src>

<mosaic_0001>
#map = affine_map<(d0, d1) -> (0, 0)>
module attributes {stable_mosaic.version = 14 : i64} {
  func.func @_sc_agg_body(%arg0: i32, %arg1: i32, %arg2: memref<10000x128xf32, #tpu.memory_space<hbm>>, %arg3: memref<2560x128xi32, #tpu.memory_space<hbm>>, %arg4: memref<2560x128xi32, #tpu.memory_space<hbm>>, %arg5: memref<10240x128xf32, #tpu.memory_space<hbm>>, %arg6: memref<10240x128xf32, #tpu.memory_space<hbm>>, %arg7: memref<80x128xi32, #tpu.memory_space<vmem>>, %arg8: memref<80x128xi32, #tpu.memory_space<vmem>>, %arg9: memref<16x128xf32, #tpu.memory_space<vmem>>, %arg10: memref<128x128xf32, #tpu.memory_space<vmem>>, %arg11: memref<10240x128xf32, #tpu.memory_space<vmem_shared>>, %arg12: memref<!tpu.dma_semaphore, #tpu.memory_space<semaphore_mem>>) attributes {dimension_semantics = [#tpu.dimension_semantics<core_parallel>, #tpu.dimension_semantics<subcore_parallel>], iteration_bounds = array<i64: 2, 16>, scalar_prefetch = 0 : i64, scratch_operands = 6 : i64, tpu.core_type = #tpu.core_type<sc_vector_subcore>, window_params = [{transform_indices = #map}, {transform_indices = #map}, {transform_indices = #map}, {transform_indices = #map}, {transform_indices = #map}]} {
    %mul3A = arith.constant 16 : i32
    %mul3A_0 = arith.muli %arg0, %mul3A : i32
    %add3A = arith.addi %mul3A_0, %arg1 : i32
    %mul3A_1 = arith.constant 80 : i32
    %mul3A_2 = arith.muli %add3A, %mul3A_1 : i32
    "tpu.region"() ({
      %run_scoped3A = tpu.sem_alloc : memref<!tpu.dma_semaphore, #tpu.memory_space<semaphore_mem>>
      %dma_start3A = arith.constant 0 : i32
      %dma_start3A_791 = tpu.memref_slice %arg3[%mul3A_2, %dma_start3A] : memref<2560x128xi32, #tpu.memory_space<hbm>> -> memref<80x128xi32, #tpu.memory_space<hbm>>
      %dma_start3A_792 = arith.constant 0 : i32
      %dma_start3A_793 = tpu.memref_slice %arg3[%mul3A_2, %dma_start3A_792] : memref<2560x128xi32, #tpu.memory_space<hbm>> -> memref<80x128xi32, #tpu.memory_space<hbm>>
      tpu.enqueue_dma source(%dma_start3A_793 : memref<80x128xi32, #tpu.memory_space<hbm>>) target(%arg7 : memref<80x128xi32, #tpu.memory_space<vmem>>) target_semaphore(%run_scoped3A : memref<!tpu.dma_semaphore, #tpu.memory_space<semaphore_mem>>)
      %dma_wait3A = arith.constant 0 : i32
      %dma_wait3A_794 = tpu.memref_slice %arg3[%mul3A_2, %dma_wait3A] : memref<2560x128xi32, #tpu.memory_space<hbm>> -> memref<80x128xi32, #tpu.memory_space<hbm>>
      %dma_wait3A_795 = arith.constant 0 : i32
      %dma_wait3A_796 = tpu.memref_slice %arg3[%mul3A_2, %dma_wait3A_795] : memref<2560x128xi32, #tpu.memory_space<hbm>> -> memref<80x128xi32, #tpu.memory_space<hbm>>
      tpu.wait_dma2 semaphore(%run_scoped3A : memref<!tpu.dma_semaphore, #tpu.memory_space<semaphore_mem>>) src(%dma_wait3A_796 : memref<80x128xi32, #tpu.memory_space<hbm>>) dst(%arg7 : memref<80x128xi32, #tpu.memory_space<vmem>>)
      tpu.yield
    }) : () -> ()
    %mul3A_3 = arith.constant 80 : i32
    %mul3A_4 = arith.muli %add3A, %mul3A_3 : i32
    "tpu.region"() ({
      %run_scoped3A = tpu.sem_alloc : memref<!tpu.dma_semaphore, #tpu.memory_space<semaphore_mem>>
      %dma_start3A = arith.constant 0 : i32
      %dma_start3A_791 = tpu.memref_slice %arg4[%mul3A_4, %dma_start3A] : memref<2560x128xi32, #tpu.memory_space<hbm>> -> memref<80x128xi32, #tpu.memory_space<hbm>>
      %dma_start3A_792 = arith.constant 0 : i32
      %dma_start3A_793 = tpu.memref_slice %arg4[%mul3A_4, %dma_start3A_792] : memref<2560x128xi32, #tpu.memory_space<hbm>> -> memref<80x128xi32, #tpu.memory_space<hbm>>
      tpu.enqueue_dma source(%dma_start3A_793 : memref<80x128xi32, #tpu.memory_space<hbm>>) target(%arg8 : memref<80x128xi32, #tpu.memory_space<vmem>>) target_semaphore(%run_scoped3A : memref<!tpu.dma_semaphore, #tpu.memory_space<semaphore_mem>>)
      %dma_wait3A = arith.constant 0 : i32
      %dma_wait3A_794 = tpu.memref_slice %arg4[%mul3A_4, %dma_wait3A] : memref<2560x128xi32, #tpu.memory_space<hbm>> -> memref<80x128xi32, #tpu.memory_space<hbm>>
      %dma_wait3A_795 = arith.constant 0 : i32
      %dma_wait3A_796 = tpu.memref_slice %arg4[%mul3A_4, %dma_wait3A_795] : memref<2560x128xi32, #tpu.memory_space<hbm>> -> memref<80x128xi32, #tpu.memory_space<hbm>>
      tpu.wait_dma2 semaphore(%run_scoped3A : memref<!tpu.dma_semaphore, #tpu.memory_space<semaphore_mem>>) src(%dma_wait3A_796 : memref<80x128xi32, #tpu.memory_space<hbm>>) dst(%arg8 : memref<80x128xi32, #tpu.memory_space<vmem>>)
      tpu.yield
    }) : () -> ()
    %broadcast_in_dim3A = arith.constant 0.000000e+00 : f32
    %broadcast_in_dim3A_5 = vector.broadcast %broadcast_in_dim3A : f32 to vector<16xf32>
    %swap3A = arith.constant 0 : i32
    %swap3A_6 = arith.index_cast %swap3A : i32 to index
    %swap3A_7 = arith.constant 0 : index
    %swap3A_8 = tpu.vector_load %arg9[%swap3A_6, %swap3A_7] {strides = array<i32>} : memref<16x128xf32, #tpu.memory_space<vmem>>, vector<1x16xf32>,
    %swap3A_9 = vector.shape_cast %swap3A_8 : vector<1x16xf32> to vector<16xf32>
    %swap3A_10 = vector.shape_cast %broadcast_in_dim3A_5 : vector<16xf32> to vector<1x16xf32>
    tpu.vector_store %arg9[%swap3A_6, %swap3A_7], %swap3A_10 {strides = array<i32>} : memref<16x128xf32, #tpu.memory_space<vmem>>, vector<1x16xf32>,
    %swap3A_11 = arith.constant 0 : i32
    %swap3A_12 = arith.index_cast %swap3A_11 : i32 to index
    %swap3A_13 = arith.constant 16 : index
    %swap3A_14 = tpu.vector_load %arg9[%swap3A_12, %swap3A_13] {strides = array<i32>} : memref<16x128xf32, #tpu.memory_space<vmem>>, vector<1x16xf32>,
    %swap3A_15 = vector.shape_cast %swap3A_14 : vector<1x16xf32> to vector<16xf32>
    %swap3A_16 = vector.shape_cast %broadcast_in_dim3A_5 : vector<16xf32> to vector<1x16xf32>
    tpu.vector_store %arg9[%swap3A_12, %swap3A_13], %swap3A_16 {strides = array<i32>} : memref<16x128xf32, #tpu.memory_space<vmem>>, vector<1x16xf32>,
    %swap3A_17 = arith.constant 0 : i32
    %swap3A_18 = arith.index_cast %swap3A_17 : i32 to index
    %swap3A_19 = arith.constant 32 : index
    %swap3A_20 = tpu.vector_load %arg9[%swap3A_18, %swap3A_19] {strides = array<i32>} : memref<16x128xf32, #tpu.memory_space<vmem>>, vector<1x16xf32>,
    %swap3A_21 = vector.shape_cast %swap3A_20 : vector<1x16xf32> to vector<16xf32>
    %swap3A_22 = vector.shape_cast %broadcast_in_dim3A_5 : vector<16xf32> to vector<1x16xf32>
    tpu.vector_store %arg9[%swap3A_18, %swap3A_19], %swap3A_22 {strides = array<i32>} : memref<16x128xf32, #tpu.memory_space<vmem>>, vector<1x16xf32>,
    %swap3A_23 = arith.constant 0 : i32
    %swap3A_24 = arith.index_cast %swap3A_23 : i32 to index
    %swap3A_25 = arith.constant 48 : index
    %swap3A_26 = tpu.vector_load %arg9[%swap3A_24, %swap3A_25] {strides = array<i32>} : memref<16x128xf32, #tpu.memory_space<vmem>>, vector<1x16xf32>,
    %swap3A_27 = vector.shape_cast %swap3A_26 : vector<1x16xf32> to vector<16xf32>
    %swap3A_28 = vector.shape_cast %broadcast_in_dim3A_5 : vector<16xf32> to vector<1x16xf32>
    tpu.vector_store %arg9[%swap3A_24, %swap3A_25], %swap3A_28 {strides = array<i32>} : memref<16x128xf32, #tpu.memory_space<vmem>>, vector<1x16xf32>,
    %swap3A_29 = arith.constant 0 : i32
    %swap3A_30 = arith.index_cast %swap3A_29 : i32 to index
    %swap3A_31 = arith.constant 64 : index
    %swap3A_32 = tpu.vector_load %arg9[%swap3A_30, %swap3A_31] {strides = array<i32>} : memref<16x128xf32, #tpu.memory_space<vmem>>, vector<1x16xf32>,
    %swap3A_33 = vector.shape_cast %swap3A_32 : vector<1x16xf32> to vector<16xf32>
    %swap3A_34 = vector.shape_cast %broadcast_in_dim3A_5 : vector<16xf32> to vector<1x16xf32>
    tpu.vector_store %arg9[%swap3A_30, %swap3A_31], %swap3A_34 {strides = array<i32>} : memref<16x128xf32, #tpu.memory_space<vmem>>, vector<1x16xf32>,
    %swap3A_35 = arith.constant 0 : i32
    %swap3A_36 = arith.index_cast %swap3A_35 : i32 to index
    %swap3A_37 = arith.constant 80 : index
    %swap3A_38 = tpu.vector_load %arg9[%swap3A_36, %swap3A_37] {strides = array<i32>} : memref<16x128xf32, #tpu.memory_space<vmem>>, vector<1x16xf32>,
    %swap3A_39 = vector.shape_cast %swap3A_38 : vector<1x16xf32> to vector<16xf32>
    %swap3A_40 = vector.shape_cast %broadcast_in_dim3A_5 : vector<16xf32> to vector<1x16xf32>
    tpu.vector_store %arg9[%swap3A_36, %swap3A_37], %swap3A_40 {strides = array<i32>} : memref<16x128xf32, #tpu.memory_space<vmem>>, vector<1x16xf32>,
    %swap3A_41 = arith.constant 0 : i32
    %swap3A_42 = arith.index_cast %swap3A_41 : i32 to index
    %swap3A_43 = arith.constant 96 : index
    %swap3A_44 = tpu.vector_load %arg9[%swap3A_42, %swap3A_43] {strides = array<i32>} : memref<16x128xf32, #tpu.memory_space<vmem>>, vector<1x16xf32>,
    %swap3A_45 = vector.shape_cast %swap3A_44 : vector<1x16xf32> to vector<16xf32>
    %swap3A_46 = vector.shape_cast %broadcast_in_dim3A_5 : vector<16xf32> to vector<1x16xf32>
    tpu.vector_store %arg9[%swap3A_42, %swap3A_43], %swap3A_46 {strides = array<i32>} : memref<16x128xf32, #tpu.memory_space<vmem>>, vector<1x16xf32>,
    %swap3A_47 = arith.constant 0 : i32
    %swap3A_48 = arith.index_cast %swap3A_47 : i32 to index
    %swap3A_49 = arith.constant 112 : index
    %swap3A_50 = tpu.vector_load %arg9[%swap3A_48, %swap3A_49] {strides = array<i32>} : memref<16x128xf32, #tpu.memory_space<vmem>>, vector<1x16xf32>,
    %swap3A_51 = vector.shape_cast %swap3A_50 : vector<1x16xf32> to vector<16xf32>
    %swap3A_52 = vector.shape_cast %broadcast_in_dim3A_5 : vector<16xf32> to vector<1x16xf32>
    tpu.vector_store %arg9[%swap3A_48, %swap3A_49], %swap3A_52 {strides = array<i32>} : memref<16x128xf32, #tpu.memory_space<vmem>>, vector<1x16xf32>,
    %swap3A_53 = arith.constant 1 : i32
    %swap3A_54 = arith.index_cast %swap3A_53 : i32 to index
    %swap3A_55 = arith.constant 0 : index
    %swap3A_56 = tpu.vector_load %arg9[%swap3A_54, %swap3A_55] {strides = array<i32>} : memref<16x128xf32, #tpu.memory_space<vmem>>, vector<1x16xf32>,
    %swap3A_57 = vector.shape_cast %swap3A_56 : vector<1x16xf32> to vector<16xf32>
    %swap3A_58 = vector.shape_cast %broadcast_in_dim3A_5 : vector<16xf32> to vector<1x16xf32>
    tpu.vector_store %arg9[%swap3A_54, %swap3A_55], %swap3A_58 {strides = array<i32>} : memref<16x128xf32, #tpu.memory_space<vmem>>, vector<1x16xf32>,
    %swap3A_59 = arith.constant 1 : i32
    %swap3A_60 = arith.index_cast %swap3A_59 : i32 to index
    %swap3A_61 = arith.constant 16 : index
    %swap3A_62 = tpu.vector_load %arg9[%swap3A_60, %swap3A_61] {strides = array<i32>} : memref<16x128xf32, #tpu.memory_space<vmem>>, vector<1x16xf32>,
    %swap3A_63 = vector.shape_cast %swap3A_62 : vector<1x16xf32> to vector<16xf32>
    %swap3A_64 = vector.shape_cast %broadcast_in_dim3A_5 : vector<16xf32> to vector<1x16xf32>
    tpu.vector_store %arg9[%swap3A_60, %swap3A_61], %swap3A_64 {strides = array<i32>} : memref<16x128xf32, #tpu.memory_space<vmem>>, vector<1x16xf32>,
    %swap3A_65 = arith.constant 1 : i32
    %swap3A_66 = arith.index_cast %swap3A_65 : i32 to index
    %swap3A_67 = arith.constant 32 : index
    %swap3A_68 = tpu.vector_load %arg9[%swap3A_66, %swap3A_67] {strides = array<i32>} : memref<16x128xf32, #tpu.memory_space<vmem>>, vector<1x16xf32>,
    %swap3A_69 = vector.shape_cast %swap3A_68 : vector<1x16xf32> to vector<16xf32>
    %swap3A_70 = vector.shape_cast %broadcast_in_dim3A_5 : vector<16xf32> to vector<1x16xf32>
    tpu.vector_store %arg9[%swap3A_66, %swap3A_67], %swap3A_70 {strides = array<i32>} : memref<16x128xf32, #tpu.memory_space<vmem>>, vector<1x16xf32>,
    %swap3A_71 = arith.constant 1 : i32
    %swap3A_72 = arith.index_cast %swap3A_71 : i32 to index
    %swap3A_73 = arith.constant 48 : index
    %swap3A_74 = tpu.vector_load %arg9[%swap3A_72, %swap3A_73] {strides = array<i32>} : memref<16x128xf32, #tpu.memory_space<vmem>>, vector<1x16xf32>,
    %swap3A_75 = vector.shape_cast %swap3A_74 : vector<1x16xf32> to vector<16xf32>
    %swap3A_76 = vector.shape_cast %broadcast_in_dim3A_5 : vector<16xf32> to vector<1x16xf32>
    tpu.vector_store %arg9[%swap3A_72, %swap3A_73], %swap3A_76 {strides = array<i32>} : memref<16x128xf32, #tpu.memory_space<vmem>>, vector<1x16xf32>,
    %swap3A_77 = arith.constant 1 : i32
    %swap3A_78 = arith.index_cast %swap3A_77 : i32 to index
    %swap3A_79 = arith.constant 64 : index
    %swap3A_80 = tpu.vector_load %arg9[%swap3A_78, %swap3A_79] {strides = array<i32>} : memref<16x128xf32, #tpu.memory_space<vmem>>, vector<1x16xf32>,
    %swap3A_81 = vector.shape_cast %swap3A_80 : vector<1x16xf32> to vector<16xf32>
    %swap3A_82 = vector.shape_cast %broadcast_in_dim3A_5 : vector<16xf32> to vector<1x16xf32>
    tpu.vector_store %arg9[%swap3A_78, %swap3A_79], %swap3A_82 {strides = array<i32>} : memref<16x128xf32, #tpu.memory_space<vmem>>, vector<1x16xf32>,
    %swap3A_83 = arith.constant 1 : i32
    %swap3A_84 = arith.index_cast %swap3A_83 : i32 to index
    %swap3A_85 = arith.constant 80 : index
    %swap3A_86 = tpu.vector_load %arg9[%swap3A_84, %swap3A_85] {strides = array<i32>} : memref<16x128xf32, #tpu.memory_space<vmem>>, vector<1x16xf32>,
    %swap3A_87 = vector.shape_cast %swap3A_86 : vector<1x16xf32> to vector<16xf32>
    %swap3A_88 = vector.shape_cast %broadcast_in_dim3A_5 : vector<16xf32> to vector<1x16xf32>
    tpu.vector_store %arg9[%swap3A_84, %swap3A_85], %swap3A_88 {strides = array<i32>} : memref<16x128xf32, #tpu.memory_space<vmem>>, vector<1x16xf32>,
    %swap3A_89 = arith.constant 1 : i32
    %swap3A_90 = arith.index_cast %swap3A_89 : i32 to index
    %swap3A_91 = arith.constant 96 : index
    %swap3A_92 = tpu.vector_load %arg9[%swap3A_90, %swap3A_91] {strides = array<i32>} : memref<16x128xf32, #tpu.memory_space<vmem>>, vector<1x16xf32>,
    %swap3A_93 = vector.shape_cast %swap3A_92 : vector<1x16xf32> to vector<16xf32>
    %swap3A_94 = vector.shape_cast %broadcast_in_dim3A_5 : vector<16xf32> to vector<1x16xf32>
    tpu.vector_store %arg9[%swap3A_90, %swap3A_91], %swap3A_94 {strides = array<i32>} : memref<16x128xf32, #tpu.memory_space<vmem>>, vector<1x16xf32>,
    %swap3A_95 = arith.constant 1 : i32
    %swap3A_96 = arith.index_cast %swap3A_95 : i32 to index
    %swap3A_97 = arith.constant 112 : index
    %swap3A_98 = tpu.vector_load %arg9[%swap3A_96, %swap3A_97] {strides = array<i32>} : memref<16x128xf32, #tpu.memory_space<vmem>>, vector<1x16xf32>,
    %swap3A_99 = vector.shape_cast %swap3A_98 : vector<1x16xf32> to vector<16xf32>
    %swap3A_100 = vector.shape_cast %broadcast_in_dim3A_5 : vector<16xf32> to vector<1x16xf32>
    tpu.vector_store %arg9[%swap3A_96, %swap3A_97], %swap3A_100 {strides = array<i32>} : memref<16x128xf32, #tpu.memory_space<vmem>>, vector<1x16xf32>,
    %swap3A_101 = arith.constant 2 : i32
    %swap3A_102 = arith.index_cast %swap3A_101 : i32 to index
    %swap3A_103 = arith.constant 0 : index
    %swap3A_104 = tpu.vector_load %arg9[%swap3A_102, %swap3A_103] {strides = array<i32>} : memref<16x128xf32, #tpu.memory_space<vmem>>, vector<1x16xf32>,
    %swap3A_105 = vector.shape_cast %swap3A_104 : vector<1x16xf32> to vector<16xf32>
    %swap3A_106 = vector.shape_cast %broadcast_in_dim3A_5 : vector<16xf32> to vector<1x16xf32>
    tpu.vector_store %arg9[%swap3A_102, %swap3A_103], %swap3A_106 {strides = array<i32>} : memref<16x128xf32, #tpu.memory_space<vmem>>, vector<1x16xf32>,
    %swap3A_107 = arith.constant 2 : i32
    %swap3A_108 = arith.index_cast %swap3A_107 : i32 to index
    %swap3A_109 = arith.constant 16 : index
    %swap3A_110 = tpu.vector_load %arg9[%swap3A_108, %swap3A_109] {strides = array<i32>} : memref<16x128xf32, #tpu.memory_space<vmem>>, vector<1x16xf32>,
    %swap3A_111 = vector.shape_cast %swap3A_110 : vector<1x16xf32> to vector<16xf32>
    %swap3A_112 = vector.shape_cast %broadcast_in_dim3A_5 : vector<16xf32> to vector<1x16xf32>
    tpu.vector_store %arg9[%swap3A_108, %swap3A_109], %swap3A_112 {strides = array<i32>} : memref<16x128xf32, #tpu.memory_space<vmem>>, vector<1x16xf32>,
    %swap3A_113 = arith.constant 2 : i32
    %swap3A_114 = arith.index_cast %swap3A_113 : i32 to index
    %swap3A_115 = arith.constant 32 : index
    %swap3A_116 = tpu.vector_load %arg9[%swap3A_114, %swap3A_115] {strides = array<i32>} : memref<16x128xf32, #tpu.memory_space<vmem>>, vector<1x16xf32>,
    %swap3A_117 = vector.shape_cast %swap3A_116 : vector<1x16xf32> to vector<16xf32>
    %swap3A_118 = vector.shape_cast %broadcast_in_dim3A_5 : vector<16xf32> to vector<1x16xf32>
    tpu.vector_store %arg9[%swap3A_114, %swap3A_115], %swap3A_118 {strides = array<i32>} : memref<16x128xf32, #tpu.memory_space<vmem>>, vector<1x16xf32>,
    %swap3A_119 = arith.constant 2 : i32
    %swap3A_120 = arith.index_cast %swap3A_119 : i32 to index
    %swap3A_121 = arith.constant 48 : index
    %swap3A_122 = tpu.vector_load %arg9[%swap3A_120, %swap3A_121] {strides = array<i32>} : memref<16x128xf32, #tpu.memory_space<vmem>>, vector<1x16xf32>,
    %swap3A_123 = vector.shape_cast %swap3A_122 : vector<1x16xf32> to vector<16xf32>
    %swap3A_124 = vector.shape_cast %broadcast_in_dim3A_5 : vector<16xf32> to vector<1x16xf32>
    tpu.vector_store %arg9[%swap3A_120, %swap3A_121], %swap3A_124 {strides = array<i32>} : memref<16x128xf32, #tpu.memory_space<vmem>>, vector<1x16xf32>,
    %swap3A_125 = arith.constant 2 : i32
    %swap3A_126 = arith.index_cast %swap3A_125 : i32 to index
    %swap3A_127 = arith.constant 64 : index
    %swap3A_128 = tpu.vector_load %arg9[%swap3A_126, %swap3A_127] {strides = array<i32>} : memref<16x128xf32, #tpu.memory_space<vmem>>, vector<1x16xf32>,
    %swap3A_129 = vector.shape_cast %swap3A_128 : vector<1x16xf32> to vector<16xf32>
    %swap3A_130 = vector.shape_cast %broadcast_in_dim3A_5 : vector<16xf32> to vector<1x16xf32>
    tpu.vector_store %arg9[%swap3A_126, %swap3A_127], %swap3A_130 {strides = array<i32>} : memref<16x128xf32, #tpu.memory_space<vmem>>, vector<1x16xf32>,
    %swap3A_131 = arith.constant 2 : i32
    %swap3A_132 = arith.index_cast %swap3A_131 : i32 to index
    %swap3A_133 = arith.constant 80 : index
    %swap3A_134 = tpu.vector_load %arg9[%swap3A_132, %swap3A_133] {strides = array<i32>} : memref<16x128xf32, #tpu.memory_space<vmem>>, vector<1x16xf32>,
    %swap3A_135 = vector.shape_cast %swap3A_134 : vector<1x16xf32> to vector<16xf32>
    %swap3A_136 = vector.shape_cast %broadcast_in_dim3A_5 : vector<16xf32> to vector<1x16xf32>
    tpu.vector_store %arg9[%swap3A_132, %swap3A_133], %swap3A_136 {strides = array<i32>} : memref<16x128xf32, #tpu.memory_space<vmem>>, vector<1x16xf32>,
    %swap3A_137 = arith.constant 2 : i32
    %swap3A_138 = arith.index_cast %swap3A_137 : i32 to index
    %swap3A_139 = arith.constant 96 : index
    %swap3A_140 = tpu.vector_load %arg9[%swap3A_138, %swap3A_139] {strides = array<i32>} : memref<16x128xf32, #tpu.memory_space<vmem>>, vector<1x16xf32>,
    %swap3A_141 = vector.shape_cast %swap3A_140 : vector<1x16xf32> to vector<16xf32>
    %swap3A_142 = vector.shape_cast %broadcast_in_dim3A_5 : vector<16xf32> to vector<1x16xf32>
    tpu.vector_store %arg9[%swap3A_138, %swap3A_139], %swap3A_142 {strides = array<i32>} : memref<16x128xf32, #tpu.memory_space<vmem>>, vector<1x16xf32>,
    %swap3A_143 = arith.constant 2 : i32
    %swap3A_144 = arith.index_cast %swap3A_143 : i32 to index
    %swap3A_145 = arith.constant 112 : index
    %swap3A_146 = tpu.vector_load %arg9[%swap3A_144, %swap3A_145] {strides = array<i32>} : memref<16x128xf32, #tpu.memory_space<vmem>>, vector<1x16xf32>,
    %swap3A_147 = vector.shape_cast %swap3A_146 : vector<1x16xf32> to vector<16xf32>
    %swap3A_148 = vector.shape_cast %broadcast_in_dim3A_5 : vector<16xf32> to vector<1x16xf32>
    tpu.vector_store %arg9[%swap3A_144, %swap3A_145], %swap3A_148 {strides = array<i32>} : memref<16x128xf32, #tpu.memory_space<vmem>>, vector<1x16xf32>,
    %swap3A_149 = arith.constant 3 : i32
    %swap3A_150 = arith.index_cast %swap3A_149 : i32 to index
    %swap3A_151 = arith.constant 0 : index
    %swap3A_152 = tpu.vector_load %arg9[%swap3A_150, %swap3A_151] {strides = array<i32>} : memref<16x128xf32, #tpu.memory_space<vmem>>, vector<1x16xf32>,
    %swap3A_153 = vector.shape_cast %swap3A_152 : vector<1x16xf32> to vector<16xf32>
    %swap3A_154 = vector.shape_cast %broadcast_in_dim3A_5 : vector<16xf32> to vector<1x16xf32>
    tpu.vector_store %arg9[%swap3A_150, %swap3A_151], %swap3A_154 {strides = array<i32>} : memref<16x128xf32, #tpu.memory_space<vmem>>, vector<1x16xf32>,
    %swap3A_155 = arith.constant 3 : i32
    %swap3A_156 = arith.index_cast %swap3A_155 : i32 to index
    %swap3A_157 = arith.constant 16 : index
    %swap3A_158 = tpu.vector_load %arg9[%swap3A_156, %swap3A_157] {strides = array<i32>} : memref<16x128xf32, #tpu.memory_space<vmem>>, vector<1x16xf32>,
    %swap3A_159 = vector.shape_cast %swap3A_158 : vector<1x16xf32> to vector<16xf32>
    %swap3A_160 = vector.shape_cast %broadcast_in_dim3A_5 : vector<16xf32> to vector<1x16xf32>
    tpu.vector_store %arg9[%swap3A_156, %swap3A_157], %swap3A_160 {strides = array<i32>} : memref<16x128xf32, #tpu.memory_space<vmem>>, vector<1x16xf32>,
    %swap3A_161 = arith.constant 3 : i32
    %swap3A_162 = arith.index_cast %swap3A_161 : i32 to index
    %swap3A_163 = arith.constant 32 : index
    %swap3A_164 = tpu.vector_load %arg9[%swap3A_162, %swap3A_163] {strides = array<i32>} : memref<16x128xf32, #tpu.memory_space<vmem>>, vector<1x16xf32>,
    %swap3A_165 = vector.shape_cast %swap3A_164 : vector<1x16xf32> to vector<16xf32>
    %swap3A_166 = vector.shape_cast %broadcast_in_dim3A_5 : vector<16xf32> to vector<1x16xf32>
    tpu.vector_store %arg9[%swap3A_162, %swap3A_163], %swap3A_166 {strides = array<i32>} : memref<16x128xf32, #tpu.memory_space<vmem>>, vector<1x16xf32>,
    %swap3A_167 = arith.constant 3 : i32
    %swap3A_168 = arith.index_cast %swap3A_167 : i32 to index
    %swap3A_169 = arith.constant 48 : index
    %swap3A_170 = tpu.vector_load %arg9[%swap3A_168, %swap3A_169] {strides = array<i32>} : memref<16x128xf32, #tpu.memory_space<vmem>>, vector<1x16xf32>,
    %swap3A_171 = vector.shape_cast %swap3A_170 : vector<1x16xf32> to vector<16xf32>
    %swap3A_172 = vector.shape_cast %broadcast_in_dim3A_5 : vector<16xf32> to vector<1x16xf32>
    tpu.vector_store %arg9[%swap3A_168, %swap3A_169], %swap3A_172 {strides = array<i32>} : memref<16x128xf32, #tpu.memory_space<vmem>>, vector<1x16xf32>,
    %swap3A_173 = arith.constant 3 : i32
    %swap3A_174 = arith.index_cast %swap3A_173 : i32 to index
    %swap3A_175 = arith.constant 64 : index
    %swap3A_176 = tpu.vector_load %arg9[%swap3A_174, %swap3A_175] {strides = array<i32>} : memref<16x128xf32, #tpu.memory_space<vmem>>, vector<1x16xf32>,
    %swap3A_177 = vector.shape_cast %swap3A_176 : vector<1x16xf32> to vector<16xf32>
    %swap3A_178 = vector.shape_cast %broadcast_in_dim3A_5 : vector<16xf32> to vector<1x16xf32>
    tpu.vector_store %arg9[%swap3A_174, %swap3A_175], %swap3A_178 {strides = array<i32>} : memref<16x128xf32, #tpu.memory_space<vmem>>, vector<1x16xf32>,
    %swap3A_179 = arith.constant 3 : i32
    %swap3A_180 = arith.index_cast %swap3A_179 : i32 to index
    %swap3A_181 = arith.constant 80 : index
    %swap3A_182 = tpu.vector_load %arg9[%swap3A_180, %swap3A_181] {strides = array<i32>} : memref<16x128xf32, #tpu.memory_space<vmem>>, vector<1x16xf32>,
    %swap3A_183 = vector.shape_cast %swap3A_182 : vector<1x16xf32> to vector<16xf32>
    %swap3A_184 = vector.shape_cast %broadcast_in_dim3A_5 : vector<16xf32> to vector<1x16xf32>
    tpu.vector_store %arg9[%swap3A_180, %swap3A_181], %swap3A_184 {strides = array<i32>} : memref<16x128xf32, #tpu.memory_space<vmem>>, vector<1x16xf32>,
    %swap3A_185 = arith.constant 3 : i32
    %swap3A_186 = arith.index_cast %swap3A_185 : i32 to index
    %swap3A_187 = arith.constant 96 : index
    %swap3A_188 = tpu.vector_load %arg9[%swap3A_186, %swap3A_187] {strides = array<i32>} : memref<16x128xf32, #tpu.memory_space<vmem>>, vector<1x16xf32>,
    %swap3A_189 = vector.shape_cast %swap3A_188 : vector<1x16xf32> to vector<16xf32>
    %swap3A_190 = vector.shape_cast %broadcast_in_dim3A_5 : vector<16xf32> to vector<1x16xf32>
    tpu.vector_store %arg9[%swap3A_186, %swap3A_187], %swap3A_190 {strides = array<i32>} : memref<16x128xf32, #tpu.memory_space<vmem>>, vector<1x16xf32>,
    %swap3A_191 = arith.constant 3 : i32
    %swap3A_192 = arith.index_cast %swap3A_191 : i32 to index
    %swap3A_193 = arith.constant 112 : index
    %swap3A_194 = tpu.vector_load %arg9[%swap3A_192, %swap3A_193] {strides = array<i32>} : memref<16x128xf32, #tpu.memory_space<vmem>>, vector<1x16xf32>,
    %swap3A_195 = vector.shape_cast %swap3A_194 : vector<1x16xf32> to vector<16xf32>
    %swap3A_196 = vector.shape_cast %broadcast_in_dim3A_5 : vector<16xf32> to vector<1x16xf32>
    tpu.vector_store %arg9[%swap3A_192, %swap3A_193], %swap3A_196 {strides = array<i32>} : memref<16x128xf32, #tpu.memory_space<vmem>>, vector<1x16xf32>,
    %swap3A_197 = arith.constant 4 : i32
    %swap3A_198 = arith.index_cast %swap3A_197 : i32 to index
    %swap3A_199 = arith.constant 0 : index
    %swap3A_200 = tpu.vector_load %arg9[%swap3A_198, %swap3A_199] {strides = array<i32>} : memref<16x128xf32, #tpu.memory_space<vmem>>, vector<1x16xf32>,
    %swap3A_201 = vector.shape_cast %swap3A_200 : vector<1x16xf32> to vector<16xf32>
    %swap3A_202 = vector.shape_cast %broadcast_in_dim3A_5 : vector<16xf32> to vector<1x16xf32>
    tpu.vector_store %arg9[%swap3A_198, %swap3A_199], %swap3A_202 {strides = array<i32>} : memref<16x128xf32, #tpu.memory_space<vmem>>, vector<1x16xf32>,
    %swap3A_203 = arith.constant 4 : i32
    %swap3A_204 = arith.index_cast %swap3A_203 : i32 to index
    %swap3A_205 = arith.constant 16 : index
    %swap3A_206 = tpu.vector_load %arg9[%swap3A_204, %swap3A_205] {strides = array<i32>} : memref<16x128xf32, #tpu.memory_space<vmem>>, vector<1x16xf32>,
    %swap3A_207 = vector.shape_cast %swap3A_206 : vector<1x16xf32> to vector<16xf32>
    %swap3A_208 = vector.shape_cast %broadcast_in_dim3A_5 : vector<16xf32> to vector<1x16xf32>
    tpu.vector_store %arg9[%swap3A_204, %swap3A_205], %swap3A_208 {strides = array<i32>} : memref<16x128xf32, #tpu.memory_space<vmem>>, vector<1x16xf32>,
    %swap3A_209 = arith.constant 4 : i32
    %swap3A_210 = arith.index_cast %swap3A_209 : i32 to index
    %swap3A_211 = arith.constant 32 : index
    %swap3A_212 = tpu.vector_load %arg9[%swap3A_210, %swap3A_211] {strides = array<i32>} : memref<16x128xf32, #tpu.memory_space<vmem>>, vector<1x16xf32>,
    %swap3A_213 = vector.shape_cast %swap3A_212 : vector<1x16xf32> to vector<16xf32>
    %swap3A_214 = vector.shape_cast %broadcast_in_dim3A_5 : vector<16xf32> to vector<1x16xf32>
    tpu.vector_store %arg9[%swap3A_210, %swap3A_211], %swap3A_214 {strides = array<i32>} : memref<16x128xf32, #tpu.memory_space<vmem>>, vector<1x16xf32>,
    %swap3A_215 = arith.constant 4 : i32
    %swap3A_216 = arith.index_cast %swap3A_215 : i32 to index
    %swap3A_217 = arith.constant 48 : index
    %swap3A_218 = tpu.vector_load %arg9[%swap3A_216, %swap3A_217] {strides = array<i32>} : memref<16x128xf32, #tpu.memory_space<vmem>>, vector<1x16xf32>,
    %swap3A_219 = vector.shape_cast %swap3A_218 : vector<1x16xf32> to vector<16xf32>
    %swap3A_220 = vector.shape_cast %broadcast_in_dim3A_5 : vector<16xf32> to vector<1x16xf32>
    tpu.vector_store %arg9[%swap3A_216, %swap3A_217], %swap3A_220 {strides = array<i32>} : memref<16x128xf32, #tpu.memory_space<vmem>>, vector<1x16xf32>,
    %swap3A_221 = arith.constant 4 : i32
    %swap3A_222 = arith.index_cast %swap3A_221 : i32 to index
    %swap3A_223 = arith.constant 64 : index
    %swap3A_224 = tpu.vector_load %arg9[%swap3A_222, %swap3A_223] {strides = array<i32>} : memref<16x128xf32, #tpu.memory_space<vmem>>, vector<1x16xf32>,
    %swap3A_225 = vector.shape_cast %swap3A_224 : vector<1x16xf32> to vector<16xf32>
    %swap3A_226 = vector.shape_cast %broadcast_in_dim3A_5 : vector<16xf32> to vector<1x16xf32>
    tpu.vector_store %arg9[%swap3A_222, %swap3A_223], %swap3A_226 {strides = array<i32>} : memref<16x128xf32, #tpu.memory_space<vmem>>, vector<1x16xf32>,
    %swap3A_227 = arith.constant 4 : i32
    %swap3A_228 = arith.index_cast %swap3A_227 : i32 to index
    %swap3A_229 = arith.constant 80 : index
    %swap3A_230 = tpu.vector_load %arg9[%swap3A_228, %swap3A_229] {strides = array<i32>} : memref<16x128xf32, #tpu.memory_space<vmem>>, vector<1x16xf32>,
    %swap3A_231 = vector.shape_cast %swap3A_230 : vector<1x16xf32> to vector<16xf32>
    %swap3A_232 = vector.shape_cast %broadcast_in_dim3A_5 : vector<16xf32> to vector<1x16xf32>
    tpu.vector_store %arg9[%swap3A_228, %swap3A_229], %swap3A_232 {strides = array<i32>} : memref<16x128xf32, #tpu.memory_space<vmem>>, vector<1x16xf32>,
    %swap3A_233 = arith.constant 4 : i32
    %swap3A_234 = arith.index_cast %swap3A_233 : i32 to index
    %swap3A_235 = arith.constant 96 : index
    %swap3A_236 = tpu.vector_load %arg9[%swap3A_234, %swap3A_235] {strides = array<i32>} : memref<16x128xf32, #tpu.memory_space<vmem>>, vector<1x16xf32>,
    %swap3A_237 = vector.shape_cast %swap3A_236 : vector<1x16xf32> to vector<16xf32>
    %swap3A_238 = vector.shape_cast %broadcast_in_dim3A_5 : vector<16xf32> to vector<1x16xf32>
    tpu.vector_store %arg9[%swap3A_234, %swap3A_235], %swap3A_238 {strides = array<i32>} : memref<16x128xf32, #tpu.memory_space<vmem>>, vector<1x16xf32>,
    %swap3A_239 = arith.constant 4 : i32
    %swap3A_240 = arith.index_cast %swap3A_239 : i32 to index
    %swap3A_241 = arith.constant 112 : index
    %swap3A_242 = tpu.vector_load %arg9[%swap3A_240, %swap3A_241] {strides = array<i32>} : memref<16x128xf32, #tpu.memory_space<vmem>>, vector<1x16xf32>,
    %swap3A_243 = vector.shape_cast %swap3A_242 : vector<1x16xf32> to vector<16xf32>
    %swap3A_244 = vector.shape_cast %broadcast_in_dim3A_5 : vector<16xf32> to vector<1x16xf32>
    tpu.vector_store %arg9[%swap3A_240, %swap3A_241], %swap3A_244 {strides = array<i32>} : memref<16x128xf32, #tpu.memory_space<vmem>>, vector<1x16xf32>,
    %swap3A_245 = arith.constant 5 : i32
    %swap3A_246 = arith.index_cast %swap3A_245 : i32 to index
    %swap3A_247 = arith.constant 0 : index
    %swap3A_248 = tpu.vector_load %arg9[%swap3A_246, %swap3A_247] {strides = array<i32>} : memref<16x128xf32, #tpu.memory_space<vmem>>, vector<1x16xf32>,
    %swap3A_249 = vector.shape_cast %swap3A_248 : vector<1x16xf32> to vector<16xf32>
    %swap3A_250 = vector.shape_cast %broadcast_in_dim3A_5 : vector<16xf32> to vector<1x16xf32>
    tpu.vector_store %arg9[%swap3A_246, %swap3A_247], %swap3A_250 {strides = array<i32>} : memref<16x128xf32, #tpu.memory_space<vmem>>, vector<1x16xf32>,
    %swap3A_251 = arith.constant 5 : i32
    %swap3A_252 = arith.index_cast %swap3A_251 : i32 to index
    %swap3A_253 = arith.constant 16 : index
    %swap3A_254 = tpu.vector_load %arg9[%swap3A_252, %swap3A_253] {strides = array<i32>} : memref<16x128xf32, #tpu.memory_space<vmem>>, vector<1x16xf32>,
    %swap3A_255 = vector.shape_cast %swap3A_254 : vector<1x16xf32> to vector<16xf32>
    %swap3A_256 = vector.shape_cast %broadcast_in_dim3A_5 : vector<16xf32> to vector<1x16xf32>
    tpu.vector_store %arg9[%swap3A_252, %swap3A_253], %swap3A_256 {strides = array<i32>} : memref<16x128xf32, #tpu.memory_space<vmem>>, vector<1x16xf32>,
    %swap3A_257 = arith.constant 5 : i32
    %swap3A_258 = arith.index_cast %swap3A_257 : i32 to index
    %swap3A_259 = arith.constant 32 : index
    %swap3A_260 = tpu.vector_load %arg9[%swap3A_258, %swap3A_259] {strides = array<i32>} : memref<16x128xf32, #tpu.memory_space<vmem>>, vector<1x16xf32>,
    %swap3A_261 = vector.shape_cast %swap3A_260 : vector<1x16xf32> to vector<16xf32>
    %swap3A_262 = vector.shape_cast %broadcast_in_dim3A_5 : vector<16xf32> to vector<1x16xf32>
    tpu.vector_store %arg9[%swap3A_258, %swap3A_259], %swap3A_262 {strides = array<i32>} : memref<16x128xf32, #tpu.memory_space<vmem>>, vector<1x16xf32>,
    %swap3A_263 = arith.constant 5 : i32
    %swap3A_264 = arith.index_cast %swap3A_263 : i32 to index
    %swap3A_265 = arith.constant 48 : index
    %swap3A_266 = tpu.vector_load %arg9[%swap3A_264, %swap3A_265] {strides = array<i32>} : memref<16x128xf32, #tpu.memory_space<vmem>>, vector<1x16xf32>,
    %swap3A_267 = vector.shape_cast %swap3A_266 : vector<1x16xf32> to vector<16xf32>
    %swap3A_268 = vector.shape_cast %broadcast_in_dim3A_5 : vector<16xf32> to vector<1x16xf32>
    tpu.vector_store %arg9[%swap3A_264, %swap3A_265], %swap3A_268 {strides = array<i32>} : memref<16x128xf32, #tpu.memory_space<vmem>>, vector<1x16xf32>,
    %swap3A_269 = arith.constant 5 : i32
    %swap3A_270 = arith.index_cast %swap3A_269 : i32 to index
    %swap3A_271 = arith.constant 64 : index
    %swap3A_272 = tpu.vector_load %arg9[%swap3A_270, %swap3A_271] {strides = array<i32>} : memref<16x128xf32, #tpu.memory_space<vmem>>, vector<1x16xf32>,
    %swap3A_273 = vector.shape_cast %swap3A_272 : vector<1x16xf32> to vector<16xf32>
    %swap3A_274 = vector.shape_cast %broadcast_in_dim3A_5 : vector<16xf32> to vector<1x16xf32>
    tpu.vector_store %arg9[%swap3A_270, %swap3A_271], %swap3A_274 {strides = array<i32>} : memref<16x128xf32, #tpu.memory_space<vmem>>, vector<1x16xf32>,
    %swap3A_275 = arith.constant 5 : i32
    %swap3A_276 = arith.index_cast %swap3A_275 : i32 to index
    %swap3A_277 = arith.constant 80 : index
    %swap3A_278 = tpu.vector_load %arg9[%swap3A_276, %swap3A_277] {strides = array<i32>} : memref<16x128xf32, #tpu.memory_space<vmem>>, vector<1x16xf32>,
    %swap3A_279 = vector.shape_cast %swap3A_278 : vector<1x16xf32> to vector<16xf32>
    %swap3A_280 = vector.shape_cast %broadcast_in_dim3A_5 : vector<16xf32> to vector<1x16xf32>
    tpu.vector_store %arg9[%swap3A_276, %swap3A_277], %swap3A_280 {strides = array<i32>} : memref<16x128xf32, #tpu.memory_space<vmem>>, vector<1x16xf32>,
    %swap3A_281 = arith.constant 5 : i32
    %swap3A_282 = arith.index_cast %swap3A_281 : i32 to index
    %swap3A_283 = arith.constant 96 : index
    %swap3A_284 = tpu.vector_load %arg9[%swap3A_282, %swap3A_283] {strides = array<i32>} : memref<16x128xf32, #tpu.memory_space<vmem>>, vector<1x16xf32>,
    %swap3A_285 = vector.shape_cast %swap3A_284 : vector<1x16xf32> to vector<16xf32>
    %swap3A_286 = vector.shape_cast %broadcast_in_dim3A_5 : vector<16xf32> to vector<1x16xf32>
    tpu.vector_store %arg9[%swap3A_282, %swap3A_283], %swap3A_286 {strides = array<i32>} : memref<16x128xf32, #tpu.memory_space<vmem>>, vector<1x16xf32>,
    %swap3A_287 = arith.constant 5 : i32
    %swap3A_288 = arith.index_cast %swap3A_287 : i32 to index
    %swap3A_289 = arith.constant 112 : index
    %swap3A_290 = tpu.vector_load %arg9[%swap3A_288, %swap3A_289] {strides = array<i32>} : memref<16x128xf32, #tpu.memory_space<vmem>>, vector<1x16xf32>,
    %swap3A_291 = vector.shape_cast %swap3A_290 : vector<1x16xf32> to vector<16xf32>
    %swap3A_292 = vector.shape_cast %broadcast_in_dim3A_5 : vector<16xf32> to vector<1x16xf32>
    tpu.vector_store %arg9[%swap3A_288, %swap3A_289], %swap3A_292 {strides = array<i32>} : memref<16x128xf32, #tpu.memory_space<vmem>>, vector<1x16xf32>,
    %swap3A_293 = arith.constant 6 : i32
    %swap3A_294 = arith.index_cast %swap3A_293 : i32 to index
    %swap3A_295 = arith.constant 0 : index
    %swap3A_296 = tpu.vector_load %arg9[%swap3A_294, %swap3A_295] {strides = array<i32>} : memref<16x128xf32, #tpu.memory_space<vmem>>, vector<1x16xf32>,
    %swap3A_297 = vector.shape_cast %swap3A_296 : vector<1x16xf32> to vector<16xf32>
    %swap3A_298 = vector.shape_cast %broadcast_in_dim3A_5 : vector<16xf32> to vector<1x16xf32>
    tpu.vector_store %arg9[%swap3A_294, %swap3A_295], %swap3A_298 {strides = array<i32>} : memref<16x128xf32, #tpu.memory_space<vmem>>, vector<1x16xf32>,
    %swap3A_299 = arith.constant 6 : i32
    %swap3A_300 = arith.index_cast %swap3A_299 : i32 to index
    %swap3A_301 = arith.constant 16 : index
    %swap3A_302 = tpu.vector_load %arg9[%swap3A_300, %swap3A_301] {strides = array<i32>} : memref<16x128xf32, #tpu.memory_space<vmem>>, vector<1x16xf32>,
    %swap3A_303 = vector.shape_cast %swap3A_302 : vector<1x16xf32> to vector<16xf32>
    %swap3A_304 = vector.shape_cast %broadcast_in_dim3A_5 : vector<16xf32> to vector<1x16xf32>
    tpu.vector_store %arg9[%swap3A_300, %swap3A_301], %swap3A_304 {strides = array<i32>} : memref<16x128xf32, #tpu.memory_space<vmem>>, vector<1x16xf32>,
    %swap3A_305 = arith.constant 6 : i32
    %swap3A_306 = arith.index_cast %swap3A_305 : i32 to index
    %swap3A_307 = arith.constant 32 : index
    %swap3A_308 = tpu.vector_load %arg9[%swap3A_306, %swap3A_307] {strides = array<i32>} : memref<16x128xf32, #tpu.memory_space<vmem>>, vector<1x16xf32>,
    %swap3A_309 = vector.shape_cast %swap3A_308 : vector<1x16xf32> to vector<16xf32>
    %swap3A_310 = vector.shape_cast %broadcast_in_dim3A_5 : vector<16xf32> to vector<1x16xf32>
    tpu.vector_store %arg9[%swap3A_306, %swap3A_307], %swap3A_310 {strides = array<i32>} : memref<16x128xf32, #tpu.memory_space<vmem>>, vector<1x16xf32>,
    %swap3A_311 = arith.constant 6 : i32
    %swap3A_312 = arith.index_cast %swap3A_311 : i32 to index
    %swap3A_313 = arith.constant 48 : index
    %swap3A_314 = tpu.vector_load %arg9[%swap3A_312, %swap3A_313] {strides = array<i32>} : memref<16x128xf32, #tpu.memory_space<vmem>>, vector<1x16xf32>,
    %swap3A_315 = vector.shape_cast %swap3A_314 : vector<1x16xf32> to vector<16xf32>
    %swap3A_316 = vector.shape_cast %broadcast_in_dim3A_5 : vector<16xf32> to vector<1x16xf32>
    tpu.vector_store %arg9[%swap3A_312, %swap3A_313], %swap3A_316 {strides = array<i32>} : memref<16x128xf32, #tpu.memory_space<vmem>>, vector<1x16xf32>,
    %swap3A_317 = arith.constant 6 : i32
    %swap3A_318 = arith.index_cast %swap3A_317 : i32 to index
    %swap3A_319 = arith.constant 64 : index
    %swap3A_320 = tpu.vector_load %arg9[%swap3A_318, %swap3A_319] {strides = array<i32>} : memref<16x128xf32, #tpu.memory_space<vmem>>, vector<1x16xf32>,
    %swap3A_321 = vector.shape_cast %swap3A_320 : vector<1x16xf32> to vector<16xf32>
    %swap3A_322 = vector.shape_cast %broadcast_in_dim3A_5 : vector<16xf32> to vector<1x16xf32>
    tpu.vector_store %arg9[%swap3A_318, %swap3A_319], %swap3A_322 {strides = array<i32>} : memref<16x128xf32, #tpu.memory_space<vmem>>, vector<1x16xf32>,
    %swap3A_323 = arith.constant 6 : i32
    %swap3A_324 = arith.index_cast %swap3A_323 : i32 to index
    %swap3A_325 = arith.constant 80 : index
    %swap3A_326 = tpu.vector_load %arg9[%swap3A_324, %swap3A_325] {strides = array<i32>} : memref<16x128xf32, #tpu.memory_space<vmem>>, vector<1x16xf32>,
    %swap3A_327 = vector.shape_cast %swap3A_326 : vector<1x16xf32> to vector<16xf32>
    %swap3A_328 = vector.shape_cast %broadcast_in_dim3A_5 : vector<16xf32> to vector<1x16xf32>
    tpu.vector_store %arg9[%swap3A_324, %swap3A_325], %swap3A_328 {strides = array<i32>} : memref<16x128xf32, #tpu.memory_space<vmem>>, vector<1x16xf32>,
    %swap3A_329 = arith.constant 6 : i32
    %swap3A_330 = arith.index_cast %swap3A_329 : i32 to index
    %swap3A_331 = arith.constant 96 : index
    %swap3A_332 = tpu.vector_load %arg9[%swap3A_330, %swap3A_331] {strides = array<i32>} : memref<16x128xf32, #tpu.memory_space<vmem>>, vector<1x16xf32>,
    %swap3A_333 = vector.shape_cast %swap3A_332 : vector<1x16xf32> to vector<16xf32>
    %swap3A_334 = vector.shape_cast %broadcast_in_dim3A_5 : vector<16xf32> to vector<1x16xf32>
    tpu.vector_store %arg9[%swap3A_330, %swap3A_331], %swap3A_334 {strides = array<i32>} : memref<16x128xf32, #tpu.memory_space<vmem>>, vector<1x16xf32>,
    %swap3A_335 = arith.constant 6 : i32
    %swap3A_336 = arith.index_cast %swap3A_335 : i32 to index
    %swap3A_337 = arith.constant 112 : index
    %swap3A_338 = tpu.vector_load %arg9[%swap3A_336, %swap3A_337] {strides = array<i32>} : memref<16x128xf32, #tpu.memory_space<vmem>>, vector<1x16xf32>,
    %swap3A_339 = vector.shape_cast %swap3A_338 : vector<1x16xf32> to vector<16xf32>
    %swap3A_340 = vector.shape_cast %broadcast_in_dim3A_5 : vector<16xf32> to vector<1x16xf32>
    tpu.vector_store %arg9[%swap3A_336, %swap3A_337], %swap3A_340 {strides = array<i32>} : memref<16x128xf32, #tpu.memory_space<vmem>>, vector<1x16xf32>,
    %swap3A_341 = arith.constant 7 : i32
    %swap3A_342 = arith.index_cast %swap3A_341 : i32 to index
    %swap3A_343 = arith.constant 0 : index
    %swap3A_344 = tpu.vector_load %arg9[%swap3A_342, %swap3A_343] {strides = array<i32>} : memref<16x128xf32, #tpu.memory_space<vmem>>, vector<1x16xf32>,
    %swap3A_345 = vector.shape_cast %swap3A_344 : vector<1x16xf32> to vector<16xf32>
    %swap3A_346 = vector.shape_cast %broadcast_in_dim3A_5 : vector<16xf32> to vector<1x16xf32>
    tpu.vector_store %arg9[%swap3A_342, %swap3A_343], %swap3A_346 {strides = array<i32>} : memref<16x128xf32, #tpu.memory_space<vmem>>, vector<1x16xf32>,
    %swap3A_347 = arith.constant 7 : i32
    %swap3A_348 = arith.index_cast %swap3A_347 : i32 to index
    %swap3A_349 = arith.constant 16 : index
    %swap3A_350 = tpu.vector_load %arg9[%swap3A_348, %swap3A_349] {strides = array<i32>} : memref<16x128xf32, #tpu.memory_space<vmem>>, vector<1x16xf32>,
    %swap3A_351 = vector.shape_cast %swap3A_350 : vector<1x16xf32> to vector<16xf32>
    %swap3A_352 = vector.shape_cast %broadcast_in_dim3A_5 : vector<16xf32> to vector<1x16xf32>
    tpu.vector_store %arg9[%swap3A_348, %swap3A_349], %swap3A_352 {strides = array<i32>} : memref<16x128xf32, #tpu.memory_space<vmem>>, vector<1x16xf32>,
    %swap3A_353 = arith.constant 7 : i32
    %swap3A_354 = arith.index_cast %swap3A_353 : i32 to index
    %swap3A_355 = arith.constant 32 : index
    %swap3A_356 = tpu.vector_load %arg9[%swap3A_354, %swap3A_355] {strides = array<i32>} : memref<16x128xf32, #tpu.memory_space<vmem>>, vector<1x16xf32>,
    %swap3A_357 = vector.shape_cast %swap3A_356 : vector<1x16xf32> to vector<16xf32>
    %swap3A_358 = vector.shape_cast %broadcast_in_dim3A_5 : vector<16xf32> to vector<1x16xf32>
    tpu.vector_store %arg9[%swap3A_354, %swap3A_355], %swap3A_358 {strides = array<i32>} : memref<16x128xf32, #tpu.memory_space<vmem>>, vector<1x16xf32>,
    %swap3A_359 = arith.constant 7 : i32
    %swap3A_360 = arith.index_cast %swap3A_359 : i32 to index
    %swap3A_361 = arith.constant 48 : index
    %swap3A_362 = tpu.vector_load %arg9[%swap3A_360, %swap3A_361] {strides = array<i32>} : memref<16x128xf32, #tpu.memory_space<vmem>>, vector<1x16xf32>,
    %swap3A_363 = vector.shape_cast %swap3A_362 : vector<1x16xf32> to vector<16xf32>
    %swap3A_364 = vector.shape_cast %broadcast_in_dim3A_5 : vector<16xf32> to vector<1x16xf32>
    tpu.vector_store %arg9[%swap3A_360, %swap3A_361], %swap3A_364 {strides = array<i32>} : memref<16x128xf32, #tpu.memory_space<vmem>>, vector<1x16xf32>,
    %swap3A_365 = arith.constant 7 : i32
    %swap3A_366 = arith.index_cast %swap3A_365 : i32 to index
    %swap3A_367 = arith.constant 64 : index
    %swap3A_368 = tpu.vector_load %arg9[%swap3A_366, %swap3A_367] {strides = array<i32>} : memref<16x128xf32, #tpu.memory_space<vmem>>, vector<1x16xf32>,
    %swap3A_369 = vector.shape_cast %swap3A_368 : vector<1x16xf32> to vector<16xf32>
    %swap3A_370 = vector.shape_cast %broadcast_in_dim3A_5 : vector<16xf32> to vector<1x16xf32>
    tpu.vector_store %arg9[%swap3A_366, %swap3A_367], %swap3A_370 {strides = array<i32>} : memref<16x128xf32, #tpu.memory_space<vmem>>, vector<1x16xf32>,
    %swap3A_371 = arith.constant 7 : i32
    %swap3A_372 = arith.index_cast %swap3A_371 : i32 to index
    %swap3A_373 = arith.constant 80 : index
    %swap3A_374 = tpu.vector_load %arg9[%swap3A_372, %swap3A_373] {strides = array<i32>} : memref<16x128xf32, #tpu.memory_space<vmem>>, vector<1x16xf32>,
    %swap3A_375 = vector.shape_cast %swap3A_374 : vector<1x16xf32> to vector<16xf32>
    %swap3A_376 = vector.shape_cast %broadcast_in_dim3A_5 : vector<16xf32> to vector<1x16xf32>
    tpu.vector_store %arg9[%swap3A_372, %swap3A_373], %swap3A_376 {strides = array<i32>} : memref<16x128xf32, #tpu.memory_space<vmem>>, vector<1x16xf32>,
    %swap3A_377 = arith.constant 7 : i32
    %swap3A_378 = arith.index_cast %swap3A_377 : i32 to index
    %swap3A_379 = arith.constant 96 : index
    %swap3A_380 = tpu.vector_load %arg9[%swap3A_378, %swap3A_379] {strides = array<i32>} : memref<16x128xf32, #tpu.memory_space<vmem>>, vector<1x16xf32>,
    %swap3A_381 = vector.shape_cast %swap3A_380 : vector<1x16xf32> to vector<16xf32>
    %swap3A_382 = vector.shape_cast %broadcast_in_dim3A_5 : vector<16xf32> to vector<1x16xf32>
    tpu.vector_store %arg9[%swap3A_378, %swap3A_379], %swap3A_382 {strides = array<i32>} : memref<16x128xf32, #tpu.memory_space<vmem>>, vector<1x16xf32>,
    %swap3A_383 = arith.constant 7 : i32
    %swap3A_384 = arith.index_cast %swap3A_383 : i32 to index
    %swap3A_385 = arith.constant 112 : index
    %swap3A_386 = tpu.vector_load %arg9[%swap3A_384, %swap3A_385] {strides = array<i32>} : memref<16x128xf32, #tpu.memory_space<vmem>>, vector<1x16xf32>,
    %swap3A_387 = vector.shape_cast %swap3A_386 : vector<1x16xf32> to vector<16xf32>
    %swap3A_388 = vector.shape_cast %broadcast_in_dim3A_5 : vector<16xf32> to vector<1x16xf32>
    tpu.vector_store %arg9[%swap3A_384, %swap3A_385], %swap3A_388 {strides = array<i32>} : memref<16x128xf32, #tpu.memory_space<vmem>>, vector<1x16xf32>,
    %swap3A_389 = arith.constant 8 : i32
    %swap3A_390 = arith.index_cast %swap3A_389 : i32 to index
    %swap3A_391 = arith.constant 0 : index
    %swap3A_392 = tpu.vector_load %arg9[%swap3A_390, %swap3A_391] {strides = array<i32>} : memref<16x128xf32, #tpu.memory_space<vmem>>, vector<1x16xf32>,
    %swap3A_393 = vector.shape_cast %swap3A_392 : vector<1x16xf32> to vector<16xf32>
    %swap3A_394 = vector.shape_cast %broadcast_in_dim3A_5 : vector<16xf32> to vector<1x16xf32>
    tpu.vector_store %arg9[%swap3A_390, %swap3A_391], %swap3A_394 {strides = array<i32>} : memref<16x128xf32, #tpu.memory_space<vmem>>, vector<1x16xf32>,
    %swap3A_395 = arith.constant 8 : i32
    %swap3A_396 = arith.index_cast %swap3A_395 : i32 to index
    %swap3A_397 = arith.constant 16 : index
    %swap3A_398 = tpu.vector_load %arg9[%swap3A_396, %swap3A_397] {strides = array<i32>} : memref<16x128xf32, #tpu.memory_space<vmem>>, vector<1x16xf32>,
    %swap3A_399 = vector.shape_cast %swap3A_398 : vector<1x16xf32> to vector<16xf32>
    %swap3A_400 = vector.shape_cast %broadcast_in_dim3A_5 : vector<16xf32> to vector<1x16xf32>
    tpu.vector_store %arg9[%swap3A_396, %swap3A_397], %swap3A_400 {strides = array<i32>} : memref<16x128xf32, #tpu.memory_space<vmem>>, vector<1x16xf32>,
    %swap3A_401 = arith.constant 8 : i32
    %swap3A_402 = arith.index_cast %swap3A_401 : i32 to index
    %swap3A_403 = arith.constant 32 : index
    %swap3A_404 = tpu.vector_load %arg9[%swap3A_402, %swap3A_403] {strides = array<i32>} : memref<16x128xf32, #tpu.memory_space<vmem>>, vector<1x16xf32>,
    %swap3A_405 = vector.shape_cast %swap3A_404 : vector<1x16xf32> to vector<16xf32>
    %swap3A_406 = vector.shape_cast %broadcast_in_dim3A_5 : vector<16xf32> to vector<1x16xf32>
    tpu.vector_store %arg9[%swap3A_402, %swap3A_403], %swap3A_406 {strides = array<i32>} : memref<16x128xf32, #tpu.memory_space<vmem>>, vector<1x16xf32>,
    %swap3A_407 = arith.constant 8 : i32
    %swap3A_408 = arith.index_cast %swap3A_407 : i32 to index
    %swap3A_409 = arith.constant 48 : index
    %swap3A_410 = tpu.vector_load %arg9[%swap3A_408, %swap3A_409] {strides = array<i32>} : memref<16x128xf32, #tpu.memory_space<vmem>>, vector<1x16xf32>,
    %swap3A_411 = vector.shape_cast %swap3A_410 : vector<1x16xf32> to vector<16xf32>
    %swap3A_412 = vector.shape_cast %broadcast_in_dim3A_5 : vector<16xf32> to vector<1x16xf32>
    tpu.vector_store %arg9[%swap3A_408, %swap3A_409], %swap3A_412 {strides = array<i32>} : memref<16x128xf32, #tpu.memory_space<vmem>>, vector<1x16xf32>,
    %swap3A_413 = arith.constant 8 : i32
    %swap3A_414 = arith.index_cast %swap3A_413 : i32 to index
    %swap3A_415 = arith.constant 64 : index
    %swap3A_416 = tpu.vector_load %arg9[%swap3A_414, %swap3A_415] {strides = array<i32>} : memref<16x128xf32, #tpu.memory_space<vmem>>, vector<1x16xf32>,
    %swap3A_417 = vector.shape_cast %swap3A_416 : vector<1x16xf32> to vector<16xf32>
    %swap3A_418 = vector.shape_cast %broadcast_in_dim3A_5 : vector<16xf32> to vector<1x16xf32>
    tpu.vector_store %arg9[%swap3A_414, %swap3A_415], %swap3A_418 {strides = array<i32>} : memref<16x128xf32, #tpu.memory_space<vmem>>, vector<1x16xf32>,
    %swap3A_419 = arith.constant 8 : i32
    %swap3A_420 = arith.index_cast %swap3A_419 : i32 to index
    %swap3A_421 = arith.constant 80 : index
    %swap3A_422 = tpu.vector_load %arg9[%swap3A_420, %swap3A_421] {strides = array<i32>} : memref<16x128xf32, #tpu.memory_space<vmem>>, vector<1x16xf32>,
    %swap3A_423 = vector.shape_cast %swap3A_422 : vector<1x16xf32> to vector<16xf32>
    %swap3A_424 = vector.shape_cast %broadcast_in_dim3A_5 : vector<16xf32> to vector<1x16xf32>
    tpu.vector_store %arg9[%swap3A_420, %swap3A_421], %swap3A_424 {strides = array<i32>} : memref<16x128xf32, #tpu.memory_space<vmem>>, vector<1x16xf32>,
    %swap3A_425 = arith.constant 8 : i32
    %swap3A_426 = arith.index_cast %swap3A_425 : i32 to index
    %swap3A_427 = arith.constant 96 : index
    %swap3A_428 = tpu.vector_load %arg9[%swap3A_426, %swap3A_427] {strides = array<i32>} : memref<16x128xf32, #tpu.memory_space<vmem>>, vector<1x16xf32>,
    %swap3A_429 = vector.shape_cast %swap3A_428 : vector<1x16xf32> to vector<16xf32>
    %swap3A_430 = vector.shape_cast %broadcast_in_dim3A_5 : vector<16xf32> to vector<1x16xf32>
    tpu.vector_store %arg9[%swap3A_426, %swap3A_427], %swap3A_430 {strides = array<i32>} : memref<16x128xf32, #tpu.memory_space<vmem>>, vector<1x16xf32>,
    %swap3A_431 = arith.constant 8 : i32
    %swap3A_432 = arith.index_cast %swap3A_431 : i32 to index
    %swap3A_433 = arith.constant 112 : index
    %swap3A_434 = tpu.vector_load %arg9[%swap3A_432, %swap3A_433] {strides = array<i32>} : memref<16x128xf32, #tpu.memory_space<vmem>>, vector<1x16xf32>,
    %swap3A_435 = vector.shape_cast %swap3A_434 : vector<1x16xf32> to vector<16xf32>
    %swap3A_436 = vector.shape_cast %broadcast_in_dim3A_5 : vector<16xf32> to vector<1x16xf32>
    tpu.vector_store %arg9[%swap3A_432, %swap3A_433], %swap3A_436 {strides = array<i32>} : memref<16x128xf32, #tpu.memory_space<vmem>>, vector<1x16xf32>,
    %swap3A_437 = arith.constant 9 : i32
    %swap3A_438 = arith.index_cast %swap3A_437 : i32 to index
    %swap3A_439 = arith.constant 0 : index
    %swap3A_440 = tpu.vector_load %arg9[%swap3A_438, %swap3A_439] {strides = array<i32>} : memref<16x128xf32, #tpu.memory_space<vmem>>, vector<1x16xf32>,
    %swap3A_441 = vector.shape_cast %swap3A_440 : vector<1x16xf32> to vector<16xf32>
    %swap3A_442 = vector.shape_cast %broadcast_in_dim3A_5 : vector<16xf32> to vector<1x16xf32>
    tpu.vector_store %arg9[%swap3A_438, %swap3A_439], %swap3A_442 {strides = array<i32>} : memref<16x128xf32, #tpu.memory_space<vmem>>, vector<1x16xf32>,
    %swap3A_443 = arith.constant 9 : i32
    %swap3A_444 = arith.index_cast %swap3A_443 : i32 to index
    %swap3A_445 = arith.constant 16 : index
    %swap3A_446 = tpu.vector_load %arg9[%swap3A_444, %swap3A_445] {strides = array<i32>} : memref<16x128xf32, #tpu.memory_space<vmem>>, vector<1x16xf32>,
    %swap3A_447 = vector.shape_cast %swap3A_446 : vector<1x16xf32> to vector<16xf32>
    %swap3A_448 = vector.shape_cast %broadcast_in_dim3A_5 : vector<16xf32> to vector<1x16xf32>
    tpu.vector_store %arg9[%swap3A_444, %swap3A_445], %swap3A_448 {strides = array<i32>} : memref<16x128xf32, #tpu.memory_space<vmem>>, vector<1x16xf32>,
    %swap3A_449 = arith.constant 9 : i32
    %swap3A_450 = arith.index_cast %swap3A_449 : i32 to index
    %swap3A_451 = arith.constant 32 : index
    %swap3A_452 = tpu.vector_load %arg9[%swap3A_450, %swap3A_451] {strides = array<i32>} : memref<16x128xf32, #tpu.memory_space<vmem>>, vector<1x16xf32>,
    %swap3A_453 = vector.shape_cast %swap3A_452 : vector<1x16xf32> to vector<16xf32>
    %swap3A_454 = vector.shape_cast %broadcast_in_dim3A_5 : vector<16xf32> to vector<1x16xf32>
    tpu.vector_store %arg9[%swap3A_450, %swap3A_451], %swap3A_454 {strides = array<i32>} : memref<16x128xf32, #tpu.memory_space<vmem>>, vector<1x16xf32>,
    %swap3A_455 = arith.constant 9 : i32
    %swap3A_456 = arith.index_cast %swap3A_455 : i32 to index
    %swap3A_457 = arith.constant 48 : index
    %swap3A_458 = tpu.vector_load %arg9[%swap3A_456, %swap3A_457] {strides = array<i32>} : memref<16x128xf32, #tpu.memory_space<vmem>>, vector<1x16xf32>,
    %swap3A_459 = vector.shape_cast %swap3A_458 : vector<1x16xf32> to vector<16xf32>
    %swap3A_460 = vector.shape_cast %broadcast_in_dim3A_5 : vector<16xf32> to vector<1x16xf32>
    tpu.vector_store %arg9[%swap3A_456, %swap3A_457], %swap3A_460 {strides = array<i32>} : memref<16x128xf32, #tpu.memory_space<vmem>>, vector<1x16xf32>,
    %swap3A_461 = arith.constant 9 : i32
    %swap3A_462 = arith.index_cast %swap3A_461 : i32 to index
    %swap3A_463 = arith.constant 64 : index
    %swap3A_464 = tpu.vector_load %arg9[%swap3A_462, %swap3A_463] {strides = array<i32>} : memref<16x128xf32, #tpu.memory_space<vmem>>, vector<1x16xf32>,
    %swap3A_465 = vector.shape_cast %swap3A_464 : vector<1x16xf32> to vector<16xf32>
    %swap3A_466 = vector.shape_cast %broadcast_in_dim3A_5 : vector<16xf32> to vector<1x16xf32>
    tpu.vector_store %arg9[%swap3A_462, %swap3A_463], %swap3A_466 {strides = array<i32>} : memref<16x128xf32, #tpu.memory_space<vmem>>, vector<1x16xf32>,
    %swap3A_467 = arith.constant 9 : i32
    %swap3A_468 = arith.index_cast %swap3A_467 : i32 to index
    %swap3A_469 = arith.constant 80 : index
    %swap3A_470 = tpu.vector_load %arg9[%swap3A_468, %swap3A_469] {strides = array<i32>} : memref<16x128xf32, #tpu.memory_space<vmem>>, vector<1x16xf32>,
    %swap3A_471 = vector.shape_cast %swap3A_470 : vector<1x16xf32> to vector<16xf32>
    %swap3A_472 = vector.shape_cast %broadcast_in_dim3A_5 : vector<16xf32> to vector<1x16xf32>
    tpu.vector_store %arg9[%swap3A_468, %swap3A_469], %swap3A_472 {strides = array<i32>} : memref<16x128xf32, #tpu.memory_space<vmem>>, vector<1x16xf32>,
    %swap3A_473 = arith.constant 9 : i32
    %swap3A_474 = arith.index_cast %swap3A_473 : i32 to index
    %swap3A_475 = arith.constant 96 : index
    %swap3A_476 = tpu.vector_load %arg9[%swap3A_474, %swap3A_475] {strides = array<i32>} : memref<16x128xf32, #tpu.memory_space<vmem>>, vector<1x16xf32>,
    %swap3A_477 = vector.shape_cast %swap3A_476 : vector<1x16xf32> to vector<16xf32>
    %swap3A_478 = vector.shape_cast %broadcast_in_dim3A_5 : vector<16xf32> to vector<1x16xf32>
    tpu.vector_store %arg9[%swap3A_474, %swap3A_475], %swap3A_478 {strides = array<i32>} : memref<16x128xf32, #tpu.memory_space<vmem>>, vector<1x16xf32>,
    %swap3A_479 = arith.constant 9 : i32
    %swap3A_480 = arith.index_cast %swap3A_479 : i32 to index
    %swap3A_481 = arith.constant 112 : index
    %swap3A_482 = tpu.vector_load %arg9[%swap3A_480, %swap3A_481] {strides = array<i32>} : memref<16x128xf32, #tpu.memory_space<vmem>>, vector<1x16xf32>,
    %swap3A_483 = vector.shape_cast %swap3A_482 : vector<1x16xf32> to vector<16xf32>
    %swap3A_484 = vector.shape_cast %broadcast_in_dim3A_5 : vector<16xf32> to vector<1x16xf32>
    tpu.vector_store %arg9[%swap3A_480, %swap3A_481], %swap3A_484 {strides = array<i32>} : memref<16x128xf32, #tpu.memory_space<vmem>>, vector<1x16xf32>,
    %swap3A_485 = arith.constant 10 : i32
    %swap3A_486 = arith.index_cast %swap3A_485 : i32 to index
    %swap3A_487 = arith.constant 0 : index
    %swap3A_488 = tpu.vector_load %arg9[%swap3A_486, %swap3A_487] {strides = array<i32>} : memref<16x128xf32, #tpu.memory_space<vmem>>, vector<1x16xf32>,
    %swap3A_489 = vector.shape_cast %swap3A_488 : vector<1x16xf32> to vector<16xf32>
    %swap3A_490 = vector.shape_cast %broadcast_in_dim3A_5 : vector<16xf32> to vector<1x16xf32>
    tpu.vector_store %arg9[%swap3A_486, %swap3A_487], %swap3A_490 {strides = array<i32>} : memref<16x128xf32, #tpu.memory_space<vmem>>, vector<1x16xf32>,
    %swap3A_491 = arith.constant 10 : i32
    %swap3A_492 = arith.index_cast %swap3A_491 : i32 to index
    %swap3A_493 = arith.constant 16 : index
    %swap3A_494 = tpu.vector_load %arg9[%swap3A_492, %swap3A_493] {strides = array<i32>} : memref<16x128xf32, #tpu.memory_space<vmem>>, vector<1x16xf32>,
    %swap3A_495 = vector.shape_cast %swap3A_494 : vector<1x16xf32> to vector<16xf32>
    %swap3A_496 = vector.shape_cast %broadcast_in_dim3A_5 : vector<16xf32> to vector<1x16xf32>
    tpu.vector_store %arg9[%swap3A_492, %swap3A_493], %swap3A_496 {strides = array<i32>} : memref<16x128xf32, #tpu.memory_space<vmem>>, vector<1x16xf32>,
    %swap3A_497 = arith.constant 10 : i32
    %swap3A_498 = arith.index_cast %swap3A_497 : i32 to index
    %swap3A_499 = arith.constant 32 : index
    %swap3A_500 = tpu.vector_load %arg9[%swap3A_498, %swap3A_499] {strides = array<i32>} : memref<16x128xf32, #tpu.memory_space<vmem>>, vector<1x16xf32>,
    %swap3A_501 = vector.shape_cast %swap3A_500 : vector<1x16xf32> to vector<16xf32>
    %swap3A_502 = vector.shape_cast %broadcast_in_dim3A_5 : vector<16xf32> to vector<1x16xf32>
    tpu.vector_store %arg9[%swap3A_498, %swap3A_499], %swap3A_502 {strides = array<i32>} : memref<16x128xf32, #tpu.memory_space<vmem>>, vector<1x16xf32>,
    %swap3A_503 = arith.constant 10 : i32
    %swap3A_504 = arith.index_cast %swap3A_503 : i32 to index
    %swap3A_505 = arith.constant 48 : index
    %swap3A_506 = tpu.vector_load %arg9[%swap3A_504, %swap3A_505] {strides = array<i32>} : memref<16x128xf32, #tpu.memory_space<vmem>>, vector<1x16xf32>,
    %swap3A_507 = vector.shape_cast %swap3A_506 : vector<1x16xf32> to vector<16xf32>
    %swap3A_508 = vector.shape_cast %broadcast_in_dim3A_5 : vector<16xf32> to vector<1x16xf32>
    tpu.vector_store %arg9[%swap3A_504, %swap3A_505], %swap3A_508 {strides = array<i32>} : memref<16x128xf32, #tpu.memory_space<vmem>>, vector<1x16xf32>,
    %swap3A_509 = arith.constant 10 : i32
    %swap3A_510 = arith.index_cast %swap3A_509 : i32 to index
    %swap3A_511 = arith.constant 64 : index
    %swap3A_512 = tpu.vector_load %arg9[%swap3A_510, %swap3A_511] {strides = array<i32>} : memref<16x128xf32, #tpu.memory_space<vmem>>, vector<1x16xf32>,
    %swap3A_513 = vector.shape_cast %swap3A_512 : vector<1x16xf32> to vector<16xf32>
    %swap3A_514 = vector.shape_cast %broadcast_in_dim3A_5 : vector<16xf32> to vector<1x16xf32>
    tpu.vector_store %arg9[%swap3A_510, %swap3A_511], %swap3A_514 {strides = array<i32>} : memref<16x128xf32, #tpu.memory_space<vmem>>, vector<1x16xf32>,
    %swap3A_515 = arith.constant 10 : i32
    %swap3A_516 = arith.index_cast %swap3A_515 : i32 to index
    %swap3A_517 = arith.constant 80 : index
    %swap3A_518 = tpu.vector_load %arg9[%swap3A_516, %swap3A_517] {strides = array<i32>} : memref<16x128xf32, #tpu.memory_space<vmem>>, vector<1x16xf32>,
    %swap3A_519 = vector.shape_cast %swap3A_518 : vector<1x16xf32> to vector<16xf32>
    %swap3A_520 = vector.shape_cast %broadcast_in_dim3A_5 : vector<16xf32> to vector<1x16xf32>
    tpu.vector_store %arg9[%swap3A_516, %swap3A_517], %swap3A_520 {strides = array<i32>} : memref<16x128xf32, #tpu.memory_space<vmem>>, vector<1x16xf32>,
    %swap3A_521 = arith.constant 10 : i32
    %swap3A_522 = arith.index_cast %swap3A_521 : i32 to index
    %swap3A_523 = arith.constant 96 : index
    %swap3A_524 = tpu.vector_load %arg9[%swap3A_522, %swap3A_523] {strides = array<i32>} : memref<16x128xf32, #tpu.memory_space<vmem>>, vector<1x16xf32>,
    %swap3A_525 = vector.shape_cast %swap3A_524 : vector<1x16xf32> to vector<16xf32>
    %swap3A_526 = vector.shape_cast %broadcast_in_dim3A_5 : vector<16xf32> to vector<1x16xf32>
    tpu.vector_store %arg9[%swap3A_522, %swap3A_523], %swap3A_526 {strides = array<i32>} : memref<16x128xf32, #tpu.memory_space<vmem>>, vector<1x16xf32>,
    %swap3A_527 = arith.constant 10 : i32
    %swap3A_528 = arith.index_cast %swap3A_527 : i32 to index
    %swap3A_529 = arith.constant 112 : index
    %swap3A_530 = tpu.vector_load %arg9[%swap3A_528, %swap3A_529] {strides = array<i32>} : memref<16x128xf32, #tpu.memory_space<vmem>>, vector<1x16xf32>,
    %swap3A_531 = vector.shape_cast %swap3A_530 : vector<1x16xf32> to vector<16xf32>
    %swap3A_532 = vector.shape_cast %broadcast_in_dim3A_5 : vector<16xf32> to vector<1x16xf32>
    tpu.vector_store %arg9[%swap3A_528, %swap3A_529], %swap3A_532 {strides = array<i32>} : memref<16x128xf32, #tpu.memory_space<vmem>>, vector<1x16xf32>,
    %swap3A_533 = arith.constant 11 : i32
    %swap3A_534 = arith.index_cast %swap3A_533 : i32 to index
    %swap3A_535 = arith.constant 0 : index
    %swap3A_536 = tpu.vector_load %arg9[%swap3A_534, %swap3A_535] {strides = array<i32>} : memref<16x128xf32, #tpu.memory_space<vmem>>, vector<1x16xf32>,
    %swap3A_537 = vector.shape_cast %swap3A_536 : vector<1x16xf32> to vector<16xf32>
    %swap3A_538 = vector.shape_cast %broadcast_in_dim3A_5 : vector<16xf32> to vector<1x16xf32>
    tpu.vector_store %arg9[%swap3A_534, %swap3A_535], %swap3A_538 {strides = array<i32>} : memref<16x128xf32, #tpu.memory_space<vmem>>, vector<1x16xf32>,
    %swap3A_539 = arith.constant 11 : i32
    %swap3A_540 = arith.index_cast %swap3A_539 : i32 to index
    %swap3A_541 = arith.constant 16 : index
    %swap3A_542 = tpu.vector_load %arg9[%swap3A_540, %swap3A_541] {strides = array<i32>} : memref<16x128xf32, #tpu.memory_space<vmem>>, vector<1x16xf32>,
    %swap3A_543 = vector.shape_cast %swap3A_542 : vector<1x16xf32> to vector<16xf32>
    %swap3A_544 = vector.shape_cast %broadcast_in_dim3A_5 : vector<16xf32> to vector<1x16xf32>
    tpu.vector_store %arg9[%swap3A_540, %swap3A_541], %swap3A_544 {strides = array<i32>} : memref<16x128xf32, #tpu.memory_space<vmem>>, vector<1x16xf32>,
    %swap3A_545 = arith.constant 11 : i32
    %swap3A_546 = arith.index_cast %swap3A_545 : i32 to index
    %swap3A_547 = arith.constant 32 : index
    %swap3A_548 = tpu.vector_load %arg9[%swap3A_546, %swap3A_547] {strides = array<i32>} : memref<16x128xf32, #tpu.memory_space<vmem>>, vector<1x16xf32>,
    %swap3A_549 = vector.shape_cast %swap3A_548 : vector<1x16xf32> to vector<16xf32>
    %swap3A_550 = vector.shape_cast %broadcast_in_dim3A_5 : vector<16xf32> to vector<1x16xf32>
    tpu.vector_store %arg9[%swap3A_546, %swap3A_547], %swap3A_550 {strides = array<i32>} : memref<16x128xf32, #tpu.memory_space<vmem>>, vector<1x16xf32>,
    %swap3A_551 = arith.constant 11 : i32
    %swap3A_552 = arith.index_cast %swap3A_551 : i32 to index
    %swap3A_553 = arith.constant 48 : index
    %swap3A_554 = tpu.vector_load %arg9[%swap3A_552, %swap3A_553] {strides = array<i32>} : memref<16x128xf32, #tpu.memory_space<vmem>>, vector<1x16xf32>,
    %swap3A_555 = vector.shape_cast %swap3A_554 : vector<1x16xf32> to vector<16xf32>
    %swap3A_556 = vector.shape_cast %broadcast_in_dim3A_5 : vector<16xf32> to vector<1x16xf32>
    tpu.vector_store %arg9[%swap3A_552, %swap3A_553], %swap3A_556 {strides = array<i32>} : memref<16x128xf32, #tpu.memory_space<vmem>>, vector<1x16xf32>,
    %swap3A_557 = arith.constant 11 : i32
    %swap3A_558 = arith.index_cast %swap3A_557 : i32 to index
    %swap3A_559 = arith.constant 64 : index
    %swap3A_560 = tpu.vector_load %arg9[%swap3A_558, %swap3A_559] {strides = array<i32>} : memref<16x128xf32, #tpu.memory_space<vmem>>, vector<1x16xf32>,
    %swap3A_561 = vector.shape_cast %swap3A_560 : vector<1x16xf32> to vector<16xf32>
    %swap3A_562 = vector.shape_cast %broadcast_in_dim3A_5 : vector<16xf32> to vector<1x16xf32>
    tpu.vector_store %arg9[%swap3A_558, %swap3A_559], %swap3A_562 {strides = array<i32>} : memref<16x128xf32, #tpu.memory_space<vmem>>, vector<1x16xf32>,
    %swap3A_563 = arith.constant 11 : i32
    %swap3A_564 = arith.index_cast %swap3A_563 : i32 to index
    %swap3A_565 = arith.constant 80 : index
    %swap3A_566 = tpu.vector_load %arg9[%swap3A_564, %swap3A_565] {strides = array<i32>} : memref<16x128xf32, #tpu.memory_space<vmem>>, vector<1x16xf32>,
    %swap3A_567 = vector.shape_cast %swap3A_566 : vector<1x16xf32> to vector<16xf32>
    %swap3A_568 = vector.shape_cast %broadcast_in_dim3A_5 : vector<16xf32> to vector<1x16xf32>
    tpu.vector_store %arg9[%swap3A_564, %swap3A_565], %swap3A_568 {strides = array<i32>} : memref<16x128xf32, #tpu.memory_space<vmem>>, vector<1x16xf32>,
    %swap3A_569 = arith.constant 11 : i32
    %swap3A_570 = arith.index_cast %swap3A_569 : i32 to index
    %swap3A_571 = arith.constant 96 : index
    %swap3A_572 = tpu.vector_load %arg9[%swap3A_570, %swap3A_571] {strides = array<i32>} : memref<16x128xf32, #tpu.memory_space<vmem>>, vector<1x16xf32>,
    %swap3A_573 = vector.shape_cast %swap3A_572 : vector<1x16xf32> to vector<16xf32>
    %swap3A_574 = vector.shape_cast %broadcast_in_dim3A_5 : vector<16xf32> to vector<1x16xf32>
    tpu.vector_store %arg9[%swap3A_570, %swap3A_571], %swap3A_574 {strides = array<i32>} : memref<16x128xf32, #tpu.memory_space<vmem>>, vector<1x16xf32>,
    %swap3A_575 = arith.constant 11 : i32
    %swap3A_576 = arith.index_cast %swap3A_575 : i32 to index
    %swap3A_577 = arith.constant 112 : index
    %swap3A_578 = tpu.vector_load %arg9[%swap3A_576, %swap3A_577] {strides = array<i32>} : memref<16x128xf32, #tpu.memory_space<vmem>>, vector<1x16xf32>,
    %swap3A_579 = vector.shape_cast %swap3A_578 : vector<1x16xf32> to vector<16xf32>
    %swap3A_580 = vector.shape_cast %broadcast_in_dim3A_5 : vector<16xf32> to vector<1x16xf32>
    tpu.vector_store %arg9[%swap3A_576, %swap3A_577], %swap3A_580 {strides = array<i32>} : memref<16x128xf32, #tpu.memory_space<vmem>>, vector<1x16xf32>,
    %swap3A_581 = arith.constant 12 : i32
    %swap3A_582 = arith.index_cast %swap3A_581 : i32 to index
    %swap3A_583 = arith.constant 0 : index
    %swap3A_584 = tpu.vector_load %arg9[%swap3A_582, %swap3A_583] {strides = array<i32>} : memref<16x128xf32, #tpu.memory_space<vmem>>, vector<1x16xf32>,
    %swap3A_585 = vector.shape_cast %swap3A_584 : vector<1x16xf32> to vector<16xf32>
    %swap3A_586 = vector.shape_cast %broadcast_in_dim3A_5 : vector<16xf32> to vector<1x16xf32>
    tpu.vector_store %arg9[%swap3A_582, %swap3A_583], %swap3A_586 {strides = array<i32>} : memref<16x128xf32, #tpu.memory_space<vmem>>, vector<1x16xf32>,
    %swap3A_587 = arith.constant 12 : i32
    %swap3A_588 = arith.index_cast %swap3A_587 : i32 to index
    %swap3A_589 = arith.constant 16 : index
    %swap3A_590 = tpu.vector_load %arg9[%swap3A_588, %swap3A_589] {strides = array<i32>} : memref<16x128xf32, #tpu.memory_space<vmem>>, vector<1x16xf32>,
    %swap3A_591 = vector.shape_cast %swap3A_590 : vector<1x16xf32> to vector<16xf32>
    %swap3A_592 = vector.shape_cast %broadcast_in_dim3A_5 : vector<16xf32> to vector<1x16xf32>
    tpu.vector_store %arg9[%swap3A_588, %swap3A_589], %swap3A_592 {strides = array<i32>} : memref<16x128xf32, #tpu.memory_space<vmem>>, vector<1x16xf32>,
    %swap3A_593 = arith.constant 12 : i32
    %swap3A_594 = arith.index_cast %swap3A_593 : i32 to index
    %swap3A_595 = arith.constant 32 : index
    %swap3A_596 = tpu.vector_load %arg9[%swap3A_594, %swap3A_595] {strides = array<i32>} : memref<16x128xf32, #tpu.memory_space<vmem>>, vector<1x16xf32>,
    %swap3A_597 = vector.shape_cast %swap3A_596 : vector<1x16xf32> to vector<16xf32>
    %swap3A_598 = vector.shape_cast %broadcast_in_dim3A_5 : vector<16xf32> to vector<1x16xf32>
    tpu.vector_store %arg9[%swap3A_594, %swap3A_595], %swap3A_598 {strides = array<i32>} : memref<16x128xf32, #tpu.memory_space<vmem>>, vector<1x16xf32>,
    %swap3A_599 = arith.constant 12 : i32
    %swap3A_600 = arith.index_cast %swap3A_599 : i32 to index
    %swap3A_601 = arith.constant 48 : index
    %swap3A_602 = tpu.vector_load %arg9[%swap3A_600, %swap3A_601] {strides = array<i32>} : memref<16x128xf32, #tpu.memory_space<vmem>>, vector<1x16xf32>,
    %swap3A_603 = vector.shape_cast %swap3A_602 : vector<1x16xf32> to vector<16xf32>
    %swap3A_604 = vector.shape_cast %broadcast_in_dim3A_5 : vector<16xf32> to vector<1x16xf32>
    tpu.vector_store %arg9[%swap3A_600, %swap3A_601], %swap3A_604 {strides = array<i32>} : memref<16x128xf32, #tpu.memory_space<vmem>>, vector<1x16xf32>,
    %swap3A_605 = arith.constant 12 : i32
    %swap3A_606 = arith.index_cast %swap3A_605 : i32 to index
    %swap3A_607 = arith.constant 64 : index
    %swap3A_608 = tpu.vector_load %arg9[%swap3A_606, %swap3A_607] {strides = array<i32>} : memref<16x128xf32, #tpu.memory_space<vmem>>, vector<1x16xf32>,
    %swap3A_609 = vector.shape_cast %swap3A_608 : vector<1x16xf32> to vector<16xf32>
    %swap3A_610 = vector.shape_cast %broadcast_in_dim3A_5 : vector<16xf32> to vector<1x16xf32>
    tpu.vector_store %arg9[%swap3A_606, %swap3A_607], %swap3A_610 {strides = array<i32>} : memref<16x128xf32, #tpu.memory_space<vmem>>, vector<1x16xf32>,
    %swap3A_611 = arith.constant 12 : i32
    %swap3A_612 = arith.index_cast %swap3A_611 : i32 to index
    %swap3A_613 = arith.constant 80 : index
    %swap3A_614 = tpu.vector_load %arg9[%swap3A_612, %swap3A_613] {strides = array<i32>} : memref<16x128xf32, #tpu.memory_space<vmem>>, vector<1x16xf32>,
    %swap3A_615 = vector.shape_cast %swap3A_614 : vector<1x16xf32> to vector<16xf32>
    %swap3A_616 = vector.shape_cast %broadcast_in_dim3A_5 : vector<16xf32> to vector<1x16xf32>
    tpu.vector_store %arg9[%swap3A_612, %swap3A_613], %swap3A_616 {strides = array<i32>} : memref<16x128xf32, #tpu.memory_space<vmem>>, vector<1x16xf32>,
    %swap3A_617 = arith.constant 12 : i32
    %swap3A_618 = arith.index_cast %swap3A_617 : i32 to index
    %swap3A_619 = arith.constant 96 : index
    %swap3A_620 = tpu.vector_load %arg9[%swap3A_618, %swap3A_619] {strides = array<i32>} : memref<16x128xf32, #tpu.memory_space<vmem>>, vector<1x16xf32>,
    %swap3A_621 = vector.shape_cast %swap3A_620 : vector<1x16xf32> to vector<16xf32>
    %swap3A_622 = vector.shape_cast %broadcast_in_dim3A_5 : vector<16xf32> to vector<1x16xf32>
    tpu.vector_store %arg9[%swap3A_618, %swap3A_619], %swap3A_622 {strides = array<i32>} : memref<16x128xf32, #tpu.memory_space<vmem>>, vector<1x16xf32>,
    %swap3A_623 = arith.constant 12 : i32
    %swap3A_624 = arith.index_cast %swap3A_623 : i32 to index
    %swap3A_625 = arith.constant 112 : index
    %swap3A_626 = tpu.vector_load %arg9[%swap3A_624, %swap3A_625] {strides = array<i32>} : memref<16x128xf32, #tpu.memory_space<vmem>>, vector<1x16xf32>,
    %swap3A_627 = vector.shape_cast %swap3A_626 : vector<1x16xf32> to vector<16xf32>
    %swap3A_628 = vector.shape_cast %broadcast_in_dim3A_5 : vector<16xf32> to vector<1x16xf32>
    tpu.vector_store %arg9[%swap3A_624, %swap3A_625], %swap3A_628 {strides = array<i32>} : memref<16x128xf32, #tpu.memory_space<vmem>>, vector<1x16xf32>,
    %swap3A_629 = arith.constant 13 : i32
    %swap3A_630 = arith.index_cast %swap3A_629 : i32 to index
    %swap3A_631 = arith.constant 0 : index
    %swap3A_632 = tpu.vector_load %arg9[%swap3A_630, %swap3A_631] {strides = array<i32>} : memref<16x128xf32, #tpu.memory_space<vmem>>, vector<1x16xf32>,
    %swap3A_633 = vector.shape_cast %swap3A_632 : vector<1x16xf32> to vector<16xf32>
    %swap3A_634 = vector.shape_cast %broadcast_in_dim3A_5 : vector<16xf32> to vector<1x16xf32>
    tpu.vector_store %arg9[%swap3A_630, %swap3A_631], %swap3A_634 {strides = array<i32>} : memref<16x128xf32, #tpu.memory_space<vmem>>, vector<1x16xf32>,
    %swap3A_635 = arith.constant 13 : i32
    %swap3A_636 = arith.index_cast %swap3A_635 : i32 to index
    %swap3A_637 = arith.constant 16 : index
    %swap3A_638 = tpu.vector_load %arg9[%swap3A_636, %swap3A_637] {strides = array<i32>} : memref<16x128xf32, #tpu.memory_space<vmem>>, vector<1x16xf32>,
    %swap3A_639 = vector.shape_cast %swap3A_638 : vector<1x16xf32> to vector<16xf32>
    %swap3A_640 = vector.shape_cast %broadcast_in_dim3A_5 : vector<16xf32> to vector<1x16xf32>
    tpu.vector_store %arg9[%swap3A_636, %swap3A_637], %swap3A_640 {strides = array<i32>} : memref<16x128xf32, #tpu.memory_space<vmem>>, vector<1x16xf32>,
    %swap3A_641 = arith.constant 13 : i32
    %swap3A_642 = arith.index_cast %swap3A_641 : i32 to index
    %swap3A_643 = arith.constant 32 : index
    %swap3A_644 = tpu.vector_load %arg9[%swap3A_642, %swap3A_643] {strides = array<i32>} : memref<16x128xf32, #tpu.memory_space<vmem>>, vector<1x16xf32>,
    %swap3A_645 = vector.shape_cast %swap3A_644 : vector<1x16xf32> to vector<16xf32>
    %swap3A_646 = vector.shape_cast %broadcast_in_dim3A_5 : vector<16xf32> to vector<1x16xf32>
    tpu.vector_store %arg9[%swap3A_642, %swap3A_643], %swap3A_646 {strides = array<i32>} : memref<16x128xf32, #tpu.memory_space<vmem>>, vector<1x16xf32>,
    %swap3A_647 = arith.constant 13 : i32
    %swap3A_648 = arith.index_cast %swap3A_647 : i32 to index
    %swap3A_649 = arith.constant 48 : index
    %swap3A_650 = tpu.vector_load %arg9[%swap3A_648, %swap3A_649] {strides = array<i32>} : memref<16x128xf32, #tpu.memory_space<vmem>>, vector<1x16xf32>,
    %swap3A_651 = vector.shape_cast %swap3A_650 : vector<1x16xf32> to vector<16xf32>
    %swap3A_652 = vector.shape_cast %broadcast_in_dim3A_5 : vector<16xf32> to vector<1x16xf32>
    tpu.vector_store %arg9[%swap3A_648, %swap3A_649], %swap3A_652 {strides = array<i32>} : memref<16x128xf32, #tpu.memory_space<vmem>>, vector<1x16xf32>,
    %swap3A_653 = arith.constant 13 : i32
    %swap3A_654 = arith.index_cast %swap3A_653 : i32 to index
    %swap3A_655 = arith.constant 64 : index
    %swap3A_656 = tpu.vector_load %arg9[%swap3A_654, %swap3A_655] {strides = array<i32>} : memref<16x128xf32, #tpu.memory_space<vmem>>, vector<1x16xf32>,
    %swap3A_657 = vector.shape_cast %swap3A_656 : vector<1x16xf32> to vector<16xf32>
    %swap3A_658 = vector.shape_cast %broadcast_in_dim3A_5 : vector<16xf32> to vector<1x16xf32>
    tpu.vector_store %arg9[%swap3A_654, %swap3A_655], %swap3A_658 {strides = array<i32>} : memref<16x128xf32, #tpu.memory_space<vmem>>, vector<1x16xf32>,
    %swap3A_659 = arith.constant 13 : i32
    %swap3A_660 = arith.index_cast %swap3A_659 : i32 to index
    %swap3A_661 = arith.constant 80 : index
    %swap3A_662 = tpu.vector_load %arg9[%swap3A_660, %swap3A_661] {strides = array<i32>} : memref<16x128xf32, #tpu.memory_space<vmem>>, vector<1x16xf32>,
    %swap3A_663 = vector.shape_cast %swap3A_662 : vector<1x16xf32> to vector<16xf32>
    %swap3A_664 = vector.shape_cast %broadcast_in_dim3A_5 : vector<16xf32> to vector<1x16xf32>
    tpu.vector_store %arg9[%swap3A_660, %swap3A_661], %swap3A_664 {strides = array<i32>} : memref<16x128xf32, #tpu.memory_space<vmem>>, vector<1x16xf32>,
    %swap3A_665 = arith.constant 13 : i32
    %swap3A_666 = arith.index_cast %swap3A_665 : i32 to index
    %swap3A_667 = arith.constant 96 : index
    %swap3A_668 = tpu.vector_load %arg9[%swap3A_666, %swap3A_667] {strides = array<i32>} : memref<16x128xf32, #tpu.memory_space<vmem>>, vector<1x16xf32>,
    %swap3A_669 = vector.shape_cast %swap3A_668 : vector<1x16xf32> to vector<16xf32>
    %swap3A_670 = vector.shape_cast %broadcast_in_dim3A_5 : vector<16xf32> to vector<1x16xf32>
    tpu.vector_store %arg9[%swap3A_666, %swap3A_667], %swap3A_670 {strides = array<i32>} : memref<16x128xf32, #tpu.memory_space<vmem>>, vector<1x16xf32>,
    %swap3A_671 = arith.constant 13 : i32
    %swap3A_672 = arith.index_cast %swap3A_671 : i32 to index
    %swap3A_673 = arith.constant 112 : index
    %swap3A_674 = tpu.vector_load %arg9[%swap3A_672, %swap3A_673] {strides = array<i32>} : memref<16x128xf32, #tpu.memory_space<vmem>>, vector<1x16xf32>,
    %swap3A_675 = vector.shape_cast %swap3A_674 : vector<1x16xf32> to vector<16xf32>
    %swap3A_676 = vector.shape_cast %broadcast_in_dim3A_5 : vector<16xf32> to vector<1x16xf32>
    tpu.vector_store %arg9[%swap3A_672, %swap3A_673], %swap3A_676 {strides = array<i32>} : memref<16x128xf32, #tpu.memory_space<vmem>>, vector<1x16xf32>,
    %swap3A_677 = arith.constant 14 : i32
    %swap3A_678 = arith.index_cast %swap3A_677 : i32 to index
    %swap3A_679 = arith.constant 0 : index
    %swap3A_680 = tpu.vector_load %arg9[%swap3A_678, %swap3A_679] {strides = array<i32>} : memref<16x128xf32, #tpu.memory_space<vmem>>, vector<1x16xf32>,
    %swap3A_681 = vector.shape_cast %swap3A_680 : vector<1x16xf32> to vector<16xf32>
    %swap3A_682 = vector.shape_cast %broadcast_in_dim3A_5 : vector<16xf32> to vector<1x16xf32>
    tpu.vector_store %arg9[%swap3A_678, %swap3A_679], %swap3A_682 {strides = array<i32>} : memref<16x128xf32, #tpu.memory_space<vmem>>, vector<1x16xf32>,
    %swap3A_683 = arith.constant 14 : i32
    %swap3A_684 = arith.index_cast %swap3A_683 : i32 to index
    %swap3A_685 = arith.constant 16 : index
    %swap3A_686 = tpu.vector_load %arg9[%swap3A_684, %swap3A_685] {strides = array<i32>} : memref<16x128xf32, #tpu.memory_space<vmem>>, vector<1x16xf32>,
    %swap3A_687 = vector.shape_cast %swap3A_686 : vector<1x16xf32> to vector<16xf32>
    %swap3A_688 = vector.shape_cast %broadcast_in_dim3A_5 : vector<16xf32> to vector<1x16xf32>
    tpu.vector_store %arg9[%swap3A_684, %swap3A_685], %swap3A_688 {strides = array<i32>} : memref<16x128xf32, #tpu.memory_space<vmem>>, vector<1x16xf32>,
    %swap3A_689 = arith.constant 14 : i32
    %swap3A_690 = arith.index_cast %swap3A_689 : i32 to index
    %swap3A_691 = arith.constant 32 : index
    %swap3A_692 = tpu.vector_load %arg9[%swap3A_690, %swap3A_691] {strides = array<i32>} : memref<16x128xf32, #tpu.memory_space<vmem>>, vector<1x16xf32>,
    %swap3A_693 = vector.shape_cast %swap3A_692 : vector<1x16xf32> to vector<16xf32>
    %swap3A_694 = vector.shape_cast %broadcast_in_dim3A_5 : vector<16xf32> to vector<1x16xf32>
    tpu.vector_store %arg9[%swap3A_690, %swap3A_691], %swap3A_694 {strides = array<i32>} : memref<16x128xf32, #tpu.memory_space<vmem>>, vector<1x16xf32>,
    %swap3A_695 = arith.constant 14 : i32
    %swap3A_696 = arith.index_cast %swap3A_695 : i32 to index
    %swap3A_697 = arith.constant 48 : index
    %swap3A_698 = tpu.vector_load %arg9[%swap3A_696, %swap3A_697] {strides = array<i32>} : memref<16x128xf32, #tpu.memory_space<vmem>>, vector<1x16xf32>,
    %swap3A_699 = vector.shape_cast %swap3A_698 : vector<1x16xf32> to vector<16xf32>
    %swap3A_700 = vector.shape_cast %broadcast_in_dim3A_5 : vector<16xf32> to vector<1x16xf32>
    tpu.vector_store %arg9[%swap3A_696, %swap3A_697], %swap3A_700 {strides = array<i32>} : memref<16x128xf32, #tpu.memory_space<vmem>>, vector<1x16xf32>,
    %swap3A_701 = arith.constant 14 : i32
    %swap3A_702 = arith.index_cast %swap3A_701 : i32 to index
    %swap3A_703 = arith.constant 64 : index
    %swap3A_704 = tpu.vector_load %arg9[%swap3A_702, %swap3A_703] {strides = array<i32>} : memref<16x128xf32, #tpu.memory_space<vmem>>, vector<1x16xf32>,
    %swap3A_705 = vector.shape_cast %swap3A_704 : vector<1x16xf32> to vector<16xf32>
    %swap3A_706 = vector.shape_cast %broadcast_in_dim3A_5 : vector<16xf32> to vector<1x16xf32>
    tpu.vector_store %arg9[%swap3A_702, %swap3A_703], %swap3A_706 {strides = array<i32>} : memref<16x128xf32, #tpu.memory_space<vmem>>, vector<1x16xf32>,
    %swap3A_707 = arith.constant 14 : i32
    %swap3A_708 = arith.index_cast %swap3A_707 : i32 to index
    %swap3A_709 = arith.constant 80 : index
    %swap3A_710 = tpu.vector_load %arg9[%swap3A_708, %swap3A_709] {strides = array<i32>} : memref<16x128xf32, #tpu.memory_space<vmem>>, vector<1x16xf32>,
    %swap3A_711 = vector.shape_cast %swap3A_710 : vector<1x16xf32> to vector<16xf32>
    %swap3A_712 = vector.shape_cast %broadcast_in_dim3A_5 : vector<16xf32> to vector<1x16xf32>
    tpu.vector_store %arg9[%swap3A_708, %swap3A_709], %swap3A_712 {strides = array<i32>} : memref<16x128xf32, #tpu.memory_space<vmem>>, vector<1x16xf32>,
    %swap3A_713 = arith.constant 14 : i32
    %swap3A_714 = arith.index_cast %swap3A_713 : i32 to index
    %swap3A_715 = arith.constant 96 : index
    %swap3A_716 = tpu.vector_load %arg9[%swap3A_714, %swap3A_715] {strides = array<i32>} : memref<16x128xf32, #tpu.memory_space<vmem>>, vector<1x16xf32>,
    %swap3A_717 = vector.shape_cast %swap3A_716 : vector<1x16xf32> to vector<16xf32>
    %swap3A_718 = vector.shape_cast %broadcast_in_dim3A_5 : vector<16xf32> to vector<1x16xf32>
    tpu.vector_store %arg9[%swap3A_714, %swap3A_715], %swap3A_718 {strides = array<i32>} : memref<16x128xf32, #tpu.memory_space<vmem>>, vector<1x16xf32>,
    %swap3A_719 = arith.constant 14 : i32
    %swap3A_720 = arith.index_cast %swap3A_719 : i32 to index
    %swap3A_721 = arith.constant 112 : index
    %swap3A_722 = tpu.vector_load %arg9[%swap3A_720, %swap3A_721] {strides = array<i32>} : memref<16x128xf32, #tpu.memory_space<vmem>>, vector<1x16xf32>,
    %swap3A_723 = vector.shape_cast %swap3A_722 : vector<1x16xf32> to vector<16xf32>
    %swap3A_724 = vector.shape_cast %broadcast_in_dim3A_5 : vector<16xf32> to vector<1x16xf32>
    tpu.vector_store %arg9[%swap3A_720, %swap3A_721], %swap3A_724 {strides = array<i32>} : memref<16x128xf32, #tpu.memory_space<vmem>>, vector<1x16xf32>,
    %swap3A_725 = arith.constant 15 : i32
    %swap3A_726 = arith.index_cast %swap3A_725 : i32 to index
    %swap3A_727 = arith.constant 0 : index
    %swap3A_728 = tpu.vector_load %arg9[%swap3A_726, %swap3A_727] {strides = array<i32>} : memref<16x128xf32, #tpu.memory_space<vmem>>, vector<1x16xf32>,
    %swap3A_729 = vector.shape_cast %swap3A_728 : vector<1x16xf32> to vector<16xf32>
    %swap3A_730 = vector.shape_cast %broadcast_in_dim3A_5 : vector<16xf32> to vector<1x16xf32>
    tpu.vector_store %arg9[%swap3A_726, %swap3A_727], %swap3A_730 {strides = array<i32>} : memref<16x128xf32, #tpu.memory_space<vmem>>, vector<1x16xf32>,
    %swap3A_731 = arith.constant 15 : i32
    %swap3A_732 = arith.index_cast %swap3A_731 : i32 to index
    %swap3A_733 = arith.constant 16 : index
    %swap3A_734 = tpu.vector_load %arg9[%swap3A_732, %swap3A_733] {strides = array<i32>} : memref<16x128xf32, #tpu.memory_space<vmem>>, vector<1x16xf32>,
    %swap3A_735 = vector.shape_cast %swap3A_734 : vector<1x16xf32> to vector<16xf32>
    %swap3A_736 = vector.shape_cast %broadcast_in_dim3A_5 : vector<16xf32> to vector<1x16xf32>
    tpu.vector_store %arg9[%swap3A_732, %swap3A_733], %swap3A_736 {strides = array<i32>} : memref<16x128xf32, #tpu.memory_space<vmem>>, vector<1x16xf32>,
    %swap3A_737 = arith.constant 15 : i32
    %swap3A_738 = arith.index_cast %swap3A_737 : i32 to index
    %swap3A_739 = arith.constant 32 : index
    %swap3A_740 = tpu.vector_load %arg9[%swap3A_738, %swap3A_739] {strides = array<i32>} : memref<16x128xf32, #tpu.memory_space<vmem>>, vector<1x16xf32>,
    %swap3A_741 = vector.shape_cast %swap3A_740 : vector<1x16xf32> to vector<16xf32>
    %swap3A_742 = vector.shape_cast %broadcast_in_dim3A_5 : vector<16xf32> to vector<1x16xf32>
    tpu.vector_store %arg9[%swap3A_738, %swap3A_739], %swap3A_742 {strides = array<i32>} : memref<16x128xf32, #tpu.memory_space<vmem>>, vector<1x16xf32>,
    %swap3A_743 = arith.constant 15 : i32
    %swap3A_744 = arith.index_cast %swap3A_743 : i32 to index
    %swap3A_745 = arith.constant 48 : index
    %swap3A_746 = tpu.vector_load %arg9[%swap3A_744, %swap3A_745] {strides = array<i32>} : memref<16x128xf32, #tpu.memory_space<vmem>>, vector<1x16xf32>,
    %swap3A_747 = vector.shape_cast %swap3A_746 : vector<1x16xf32> to vector<16xf32>
    %swap3A_748 = vector.shape_cast %broadcast_in_dim3A_5 : vector<16xf32> to vector<1x16xf32>
    tpu.vector_store %arg9[%swap3A_744, %swap3A_745], %swap3A_748 {strides = array<i32>} : memref<16x128xf32, #tpu.memory_space<vmem>>, vector<1x16xf32>,
    %swap3A_749 = arith.constant 15 : i32
    %swap3A_750 = arith.index_cast %swap3A_749 : i32 to index
    %swap3A_751 = arith.constant 64 : index
    %swap3A_752 = tpu.vector_load %arg9[%swap3A_750, %swap3A_751] {strides = array<i32>} : memref<16x128xf32, #tpu.memory_space<vmem>>, vector<1x16xf32>,
    %swap3A_753 = vector.shape_cast %swap3A_752 : vector<1x16xf32> to vector<16xf32>
    %swap3A_754 = vector.shape_cast %broadcast_in_dim3A_5 : vector<16xf32> to vector<1x16xf32>
    tpu.vector_store %arg9[%swap3A_750, %swap3A_751], %swap3A_754 {strides = array<i32>} : memref<16x128xf32, #tpu.memory_space<vmem>>, vector<1x16xf32>,
    %swap3A_755 = arith.constant 15 : i32
    %swap3A_756 = arith.index_cast %swap3A_755 : i32 to index
    %swap3A_757 = arith.constant 80 : index
    %swap3A_758 = tpu.vector_load %arg9[%swap3A_756, %swap3A_757] {strides = array<i32>} : memref<16x128xf32, #tpu.memory_space<vmem>>, vector<1x16xf32>,
    %swap3A_759 = vector.shape_cast %swap3A_758 : vector<1x16xf32> to vector<16xf32>
    %swap3A_760 = vector.shape_cast %broadcast_in_dim3A_5 : vector<16xf32> to vector<1x16xf32>
    tpu.vector_store %arg9[%swap3A_756, %swap3A_757], %swap3A_760 {strides = array<i32>} : memref<16x128xf32, #tpu.memory_space<vmem>>, vector<1x16xf32>,
    %swap3A_761 = arith.constant 15 : i32
    %swap3A_762 = arith.index_cast %swap3A_761 : i32 to index
    %swap3A_763 = arith.constant 96 : index
    %swap3A_764 = tpu.vector_load %arg9[%swap3A_762, %swap3A_763] {strides = array<i32>} : memref<16x128xf32, #tpu.memory_space<vmem>>, vector<1x16xf32>,
    %swap3A_765 = vector.shape_cast %swap3A_764 : vector<1x16xf32> to vector<16xf32>
    %swap3A_766 = vector.shape_cast %broadcast_in_dim3A_5 : vector<16xf32> to vector<1x16xf32>
    tpu.vector_store %arg9[%swap3A_762, %swap3A_763], %swap3A_766 {strides = array<i32>} : memref<16x128xf32, #tpu.memory_space<vmem>>, vector<1x16xf32>,
    %swap3A_767 = arith.constant 15 : i32
    %swap3A_768 = arith.index_cast %swap3A_767 : i32 to index
    %swap3A_769 = arith.constant 112 : index
    %swap3A_770 = tpu.vector_load %arg9[%swap3A_768, %swap3A_769] {strides = array<i32>} : memref<16x128xf32, #tpu.memory_space<vmem>>, vector<1x16xf32>,
    %swap3A_771 = vector.shape_cast %swap3A_770 : vector<1x16xf32> to vector<16xf32>
    %swap3A_772 = vector.shape_cast %broadcast_in_dim3A_5 : vector<16xf32> to vector<1x16xf32>
    tpu.vector_store %arg9[%swap3A_768, %swap3A_769], %swap3A_772 {strides = array<i32>} : memref<16x128xf32, #tpu.memory_space<vmem>>, vector<1x16xf32>,
    %scan3A = arith.constant 0 : i32
    %scan3A_773 = arith.constant 0 : i32
    %scan3A_774 = arith.constant 40 : i32
    %scan3A_775 = arith.addi %scan3A_773, %scan3A_774 : i32
    %scan3A_776 = arith.constant 1 : i32
    scf.for %scan3A_791 = %scan3A_773 to %scan3A_775 step %scan3A_776  : i32 {
      %mul3A_792 = arith.constant 640 : i32
      %mul3A_793 = arith.muli %arg1, %mul3A_792 : i32
      %mul3A_794 = arith.constant 16 : i32
      %mul3A_795 = arith.muli %scan3A_791, %mul3A_794 : i32
      %add3A_796 = arith.addi %mul3A_793, %mul3A_795 : i32
      "tpu.region"() ({
        %run_scoped3A = tpu.sem_alloc : memref<!tpu.dma_semaphore, #tpu.memory_space<semaphore_mem>>
        %dma_start3A = arith.constant 0 : i32
        %dma_start3A_797 = tpu.memref_slice %arg11[%add3A_796, %dma_start3A] : memref<10240x128xf32, #tpu.memory_space<vmem_shared>> -> memref<16x128xf32, #tpu.memory_space<vmem_shared>>
        %dma_start3A_798 = arith.constant 0 : i32
        %dma_start3A_799 = tpu.memref_slice %arg11[%add3A_796, %dma_start3A_798] : memref<10240x128xf32, #tpu.memory_space<vmem_shared>> -> memref<16x128xf32, #tpu.memory_space<vmem_shared>>
        tpu.enqueue_dma source(%arg9 : memref<16x128xf32, #tpu.memory_space<vmem>>) target(%dma_start3A_799 : memref<16x128xf32, #tpu.memory_space<vmem_shared>>) target_semaphore(%run_scoped3A : memref<!tpu.dma_semaphore, #tpu.memory_space<semaphore_mem>>)
        %dma_wait3A = arith.constant 0 : i32
        %dma_wait3A_800 = tpu.memref_slice %arg11[%add3A_796, %dma_wait3A] : memref<10240x128xf32, #tpu.memory_space<vmem_shared>> -> memref<16x128xf32, #tpu.memory_space<vmem_shared>>
        %dma_wait3A_801 = arith.constant 0 : i32
        %dma_wait3A_802 = tpu.memref_slice %arg11[%add3A_796, %dma_wait3A_801] : memref<10240x128xf32, #tpu.memory_space<vmem_shared>> -> memref<16x128xf32, #tpu.memory_space<vmem_shared>>
        tpu.wait_dma2 semaphore(%run_scoped3A : memref<!tpu.dma_semaphore, #tpu.memory_space<semaphore_mem>>) src(%arg9 : memref<16x128xf32, #tpu.memory_space<vmem>>) dst(%dma_wait3A_802 : memref<16x128xf32, #tpu.memory_space<vmem_shared>>)
        tpu.yield
      }) : () -> ()
    }
    %scan3A_777 = arith.constant 40 : i32
    %barrier3A = arith.constant 0 : index
    tpu.barrier barrier_id(%barrier3A)
    %scan3A_778 = arith.constant 0 : i32
    %scan3A_779 = arith.constant 0 : i32
    %scan3A_780 = arith.constant 80 : i32
    %scan3A_781 = arith.addi %scan3A_779, %scan3A_780 : i32
    %scan3A_782 = arith.constant 1 : i32
    scf.for %scan3A_791 = %scan3A_779 to %scan3A_781 step %scan3A_782  : i32 {
      %dma_start3A = arith.constant 0 : i32
      %dma_start3A_792 = tpu.memref_slice %arg7[%scan3A_791, %dma_start3A] : memref<80x128xi32, #tpu.memory_space<vmem>> -> memref<1x128xi32, #tpu.memory_space<vmem>>
      %dma_start3A_793 = tpu.memref_squeeze %dma_start3A_792 : memref<1x128xi32, #tpu.memory_space<vmem>> -> memref<128xi32, #tpu.memory_space<vmem>>
      %dma_start3A_794 = arith.constant 0 : i32
      %dma_start3A_795 = arith.constant 0 : i32
      %dma_start3A_796 = tpu.memref_slice %arg2[%dma_start3A_794, %dma_start3A_795] : memref<10000x128xf32, #tpu.memory_space<hbm>> -> memref<10000x128xf32, #tpu.memory_space<hbm>>
      tpu.enqueue_indirect_dma source(%dma_start3A_796 : memref<10000x128xf32, #tpu.memory_space<hbm>>) target(%arg10 : memref<128x128xf32, #tpu.memory_space<vmem>>) offsets(%dma_start3A_793 : memref<128xi32, #tpu.memory_space<vmem>>) semaphore(%arg12 : memref<!tpu.dma_semaphore, #tpu.memory_space<semaphore_mem>>)
      %dma_wait3A = arith.constant 0 : i32
      %dma_wait3A_797 = tpu.memref_slice %arg7[%scan3A_791, %dma_wait3A] : memref<80x128xi32, #tpu.memory_space<vmem>> -> memref<1x128xi32, #tpu.memory_space<vmem>>
      %dma_wait3A_798 = tpu.memref_squeeze %dma_wait3A_797 : memref<1x128xi32, #tpu.memory_space<vmem>> -> memref<128xi32, #tpu.memory_space<vmem>>
      %dma_wait3A_799 = arith.constant 0 : i32
      %dma_wait3A_800 = arith.constant 0 : i32
      %dma_wait3A_801 = tpu.memref_slice %arg2[%dma_wait3A_799, %dma_wait3A_800] : memref<10000x128xf32, #tpu.memory_space<hbm>> -> memref<10000x128xf32, #tpu.memory_space<hbm>>
      tpu.wait_indirect_dma semaphore(%arg12 : memref<!tpu.dma_semaphore, #tpu.memory_space<semaphore_mem>>) src(%dma_wait3A_801 : memref<10000x128xf32, #tpu.memory_space<hbm>>) dst(%arg10 : memref<128x128xf32, #tpu.memory_space<vmem>>)
      "tpu.region"() ({
        %run_scoped3A = tpu.sem_alloc : memref<!tpu.dma_semaphore, #tpu.memory_space<semaphore_mem>>
        %dma_start3A_802 = arith.constant 0 : i32
        %dma_start3A_803 = tpu.memref_slice %arg8[%scan3A_791, %dma_start3A_802] : memref<80x128xi32, #tpu.memory_space<vmem>> -> memref<1x128xi32, #tpu.memory_space<vmem>>
        %dma_start3A_804 = tpu.memref_squeeze %dma_start3A_803 : memref<1x128xi32, #tpu.memory_space<vmem>> -> memref<128xi32, #tpu.memory_space<vmem>>
        %dma_start3A_805 = arith.constant 0 : i32
        %dma_start3A_806 = arith.constant 0 : i32
        %dma_start3A_807 = tpu.memref_slice %arg11[%dma_start3A_805, %dma_start3A_806] : memref<10240x128xf32, #tpu.memory_space<vmem_shared>> -> memref<10240x128xf32, #tpu.memory_space<vmem_shared>>
        tpu.enqueue_indirect_dma source(%arg10 : memref<128x128xf32, #tpu.memory_space<vmem>>) target(%dma_start3A_807 : memref<10240x128xf32, #tpu.memory_space<vmem_shared>>) offsets(%dma_start3A_804 : memref<128xi32, #tpu.memory_space<vmem>>) semaphore(%run_scoped3A : memref<!tpu.dma_semaphore, #tpu.memory_space<semaphore_mem>>) {add = true}
        %dma_wait3A_808 = arith.constant 0 : i32
        %dma_wait3A_809 = tpu.memref_slice %arg8[%scan3A_791, %dma_wait3A_808] : memref<80x128xi32, #tpu.memory_space<vmem>> -> memref<1x128xi32, #tpu.memory_space<vmem>>
        %dma_wait3A_810 = tpu.memref_squeeze %dma_wait3A_809 : memref<1x128xi32, #tpu.memory_space<vmem>> -> memref<128xi32, #tpu.memory_space<vmem>>
        %dma_wait3A_811 = arith.constant 0 : i32
        %dma_wait3A_812 = arith.constant 0 : i32
        %dma_wait3A_813 = tpu.memref_slice %arg11[%dma_wait3A_811, %dma_wait3A_812] : memref<10240x128xf32, #tpu.memory_space<vmem_shared>> -> memref<10240x128xf32, #tpu.memory_space<vmem_shared>>
        tpu.wait_indirect_dma semaphore(%run_scoped3A : memref<!tpu.dma_semaphore, #tpu.memory_space<semaphore_mem>>) src(%arg10 : memref<128x128xf32, #tpu.memory_space<vmem>>) dst(%dma_wait3A_813 : memref<10240x128xf32, #tpu.memory_space<vmem_shared>>)
        tpu.yield
      }) : () -> ()
    }
    %scan3A_783 = arith.constant 80 : i32
    %barrier3A_784 = arith.constant 0 : index
    tpu.barrier barrier_id(%barrier3A_784)
    %scan3A_785 = arith.constant 0 : i32
    %scan3A_786 = arith.constant 0 : i32
    %scan3A_787 = arith.constant 5 : i32
    %scan3A_788 = arith.addi %scan3A_786, %scan3A_787 : i32
    %scan3A_789 = arith.constant 1 : i32
    scf.for %scan3A_791 = %scan3A_786 to %scan3A_788 step %scan3A_789  : i32 {
      %mul3A_792 = arith.constant 640 : i32
      %mul3A_793 = arith.muli %arg1, %mul3A_792 : i32
      %mul3A_794 = arith.constant 128 : i32
      %mul3A_795 = arith.muli %scan3A_791, %mul3A_794 : i32
      %add3A_796 = arith.addi %mul3A_793, %mul3A_795 : i32
      "tpu.region"() ({
        %run_scoped3A = tpu.sem_alloc : memref<!tpu.dma_semaphore, #tpu.memory_space<semaphore_mem>>
        %dma_start3A = arith.constant 0 : i32
        %dma_start3A_804 = tpu.memref_slice %arg11[%add3A_796, %dma_start3A] : memref<10240x128xf32, #tpu.memory_space<vmem_shared>> -> memref<128x128xf32, #tpu.memory_space<vmem_shared>>
        %dma_start3A_805 = arith.constant 0 : i32
        %dma_start3A_806 = tpu.memref_slice %arg11[%add3A_796, %dma_start3A_805] : memref<10240x128xf32, #tpu.memory_space<vmem_shared>> -> memref<128x128xf32, #tpu.memory_space<vmem_shared>>
        tpu.enqueue_dma source(%dma_start3A_806 : memref<128x128xf32, #tpu.memory_space<vmem_shared>>) target(%arg10 : memref<128x128xf32, #tpu.memory_space<vmem>>) target_semaphore(%run_scoped3A : memref<!tpu.dma_semaphore, #tpu.memory_space<semaphore_mem>>)
        %dma_wait3A = arith.constant 0 : i32
        %dma_wait3A_807 = tpu.memref_slice %arg11[%add3A_796, %dma_wait3A] : memref<10240x128xf32, #tpu.memory_space<vmem_shared>> -> memref<128x128xf32, #tpu.memory_space<vmem_shared>>
        %dma_wait3A_808 = arith.constant 0 : i32
        %dma_wait3A_809 = tpu.memref_slice %arg11[%add3A_796, %dma_wait3A_808] : memref<10240x128xf32, #tpu.memory_space<vmem_shared>> -> memref<128x128xf32, #tpu.memory_space<vmem_shared>>
        tpu.wait_dma2 semaphore(%run_scoped3A : memref<!tpu.dma_semaphore, #tpu.memory_space<semaphore_mem>>) src(%dma_wait3A_809 : memref<128x128xf32, #tpu.memory_space<vmem_shared>>) dst(%arg10 : memref<128x128xf32, #tpu.memory_space<vmem>>)
        tpu.yield
      }) : () -> ()
      %eq3A = arith.constant 0 : i32
      %eq3A_797 = arith.cmpi eq, %arg0, %eq3A : i32
      %convert_element_type3A = arith.extui %eq3A_797 : i1 to i32
      %cond3A = arith.constant 0 : i32
      %cond3A_798 = arith.cmpi ne, %convert_element_type3A, %cond3A : i32
      scf.if %cond3A_798 {
        "tpu.region"() ({
          %run_scoped3A = tpu.sem_alloc : memref<!tpu.dma_semaphore, #tpu.memory_space<semaphore_mem>>
          %dma_start3A = arith.constant 0 : i32
          %dma_start3A_804 = tpu.memref_slice %arg5[%add3A_796, %dma_start3A] : memref<10240x128xf32, #tpu.memory_space<hbm>> -> memref<128x128xf32, #tpu.memory_space<hbm>>
          %dma_start3A_805 = arith.constant 0 : i32
          %dma_start3A_806 = tpu.memref_slice %arg5[%add3A_796, %dma_start3A_805] : memref<10240x128xf32, #tpu.memory_space<hbm>> -> memref<128x128xf32, #tpu.memory_space<hbm>>
          tpu.enqueue_dma source(%arg10 : memref<128x128xf32, #tpu.memory_space<vmem>>) target(%dma_start3A_806 : memref<128x128xf32, #tpu.memory_space<hbm>>) target_semaphore(%run_scoped3A : memref<!tpu.dma_semaphore, #tpu.memory_space<semaphore_mem>>)
          %dma_wait3A = arith.constant 0 : i32
          %dma_wait3A_807 = tpu.memref_slice %arg5[%add3A_796, %dma_wait3A] : memref<10240x128xf32, #tpu.memory_space<hbm>> -> memref<128x128xf32, #tpu.memory_space<hbm>>
          %dma_wait3A_808 = arith.constant 0 : i32
          %dma_wait3A_809 = tpu.memref_slice %arg5[%add3A_796, %dma_wait3A_808] : memref<10240x128xf32, #tpu.memory_space<hbm>> -> memref<128x128xf32, #tpu.memory_space<hbm>>
          tpu.wait_dma2 semaphore(%run_scoped3A : memref<!tpu.dma_semaphore, #tpu.memory_space<semaphore_mem>>) src(%arg10 : memref<128x128xf32, #tpu.memory_space<vmem>>) dst(%dma_wait3A_809 : memref<128x128xf32, #tpu.memory_space<hbm>>)
          tpu.yield
        }) : () -> ()
      } else {
      }
      %eq3A_799 = arith.constant 1 : i32
      %eq3A_800 = arith.cmpi eq, %arg0, %eq3A_799 : i32
      %convert_element_type3A_801 = arith.extui %eq3A_800 : i1 to i32
      %cond3A_802 = arith.constant 0 : i32
      %cond3A_803 = arith.cmpi ne, %convert_element_type3A_801, %cond3A_802 : i32
      scf.if %cond3A_803 {
        "tpu.region"() ({
          %run_scoped3A = tpu.sem_alloc : memref<!tpu.dma_semaphore, #tpu.memory_space<semaphore_mem>>
          %dma_start3A = arith.constant 0 : i32
          %dma_start3A_804 = tpu.memref_slice %arg6[%add3A_796, %dma_start3A] : memref<10240x128xf32, #tpu.memory_space<hbm>> -> memref<128x128xf32, #tpu.memory_space<hbm>>
          %dma_start3A_805 = arith.constant 0 : i32
          %dma_start3A_806 = tpu.memref_slice %arg6[%add3A_796, %dma_start3A_805] : memref<10240x128xf32, #tpu.memory_space<hbm>> -> memref<128x128xf32, #tpu.memory_space<hbm>>
          tpu.enqueue_dma source(%arg10 : memref<128x128xf32, #tpu.memory_space<vmem>>) target(%dma_start3A_806 : memref<128x128xf32, #tpu.memory_space<hbm>>) target_semaphore(%run_scoped3A : memref<!tpu.dma_semaphore, #tpu.memory_space<semaphore_mem>>)
          %dma_wait3A = arith.constant 0 : i32
          %dma_wait3A_807 = tpu.memref_slice %arg6[%add3A_796, %dma_wait3A] : memref<10240x128xf32, #tpu.memory_space<hbm>> -> memref<128x128xf32, #tpu.memory_space<hbm>>
          %dma_wait3A_808 = arith.constant 0 : i32
          %dma_wait3A_809 = tpu.memref_slice %arg6[%add3A_796, %dma_wait3A_808] : memref<10240x128xf32, #tpu.memory_space<hbm>> -> memref<128x128xf32, #tpu.memory_space<hbm>>
          tpu.wait_dma2 semaphore(%run_scoped3A : memref<!tpu.dma_semaphore, #tpu.memory_space<semaphore_mem>>) src(%arg10 : memref<128x128xf32, #tpu.memory_space<vmem>>) dst(%dma_wait3A_809 : memref<128x128xf32, #tpu.memory_space<hbm>>)
          tpu.yield
        }) : () -> ()
      } else {
      }
    }
    %scan3A_790 = arith.constant 5 : i32
    return
  }
}

#map = affine_map<(d0, d1) -> (0, 0)>
module attributes {stable_mosaic.version = 14 : i64} {
  func.func @_sc_agg_body(%arg0: i32, %arg1: i32, %arg2: memref<10000x128xf32, #tpu.memory_space<hbm>>, %arg3: memref<2560x128xi32, #tpu.memory_space<hbm>>, %arg4: memref<2560x128xi32, #tpu.memory_space<hbm>>, %arg5: memref<10240x128xf32, #tpu.memory_space<hbm>>, %arg6: memref<10240x128xf32, #tpu.memory_space<hbm>>, %arg7: memref<80x128xi32, #tpu.memory_space<vmem>>, %arg8: memref<80x128xi32, #tpu.memory_space<vmem>>, %arg9: memref<16x128xf32, #tpu.memory_space<vmem>>, %arg10: memref<128x128xf32, #tpu.memory_space<vmem>>, %arg11: memref<10240x128xf32, #tpu.memory_space<vmem_shared>>, %arg12: memref<!tpu.dma_semaphore, #tpu.memory_space<semaphore_mem>>) attributes {dimension_semantics = [#tpu.dimension_semantics<core_parallel>, #tpu.dimension_semantics<subcore_parallel>], iteration_bounds = array<i64: 2, 16>, scalar_prefetch = 0 : i64, scratch_operands = 6 : i64, tpu.core_type = #tpu.core_type<sc_vector_subcore>, window_params = [{transform_indices = #map}, {transform_indices = #map}, {transform_indices = #map}, {transform_indices = #map}, {transform_indices = #map}]} {
    %mul3A = arith.constant 16 : i32
    %mul3A_0 = arith.muli %arg0, %mul3A : i32
    %add3A = arith.addi %mul3A_0, %arg1 : i32
    %mul3A_1 = arith.constant 80 : i32
    %mul3A_2 = arith.muli %add3A, %mul3A_1 : i32
    "tpu.region"() ({
      %run_scoped3A = tpu.sem_alloc : memref<!tpu.dma_semaphore, #tpu.memory_space<semaphore_mem>>
      %dma_start3A = arith.constant 0 : i32
      %dma_start3A_791 = tpu.memref_slice %arg3[%mul3A_2, %dma_start3A] : memref<2560x128xi32, #tpu.memory_space<hbm>> -> memref<80x128xi32, #tpu.memory_space<hbm>>
      %dma_start3A_792 = arith.constant 0 : i32
      %dma_start3A_793 = tpu.memref_slice %arg3[%mul3A_2, %dma_start3A_792] : memref<2560x128xi32, #tpu.memory_space<hbm>> -> memref<80x128xi32, #tpu.memory_space<hbm>>
      tpu.enqueue_dma source(%dma_start3A_793 : memref<80x128xi32, #tpu.memory_space<hbm>>) target(%arg7 : memref<80x128xi32, #tpu.memory_space<vmem>>) target_semaphore(%run_scoped3A : memref<!tpu.dma_semaphore, #tpu.memory_space<semaphore_mem>>)
      %dma_wait3A = arith.constant 0 : i32
      %dma_wait3A_794 = tpu.memref_slice %arg3[%mul3A_2, %dma_wait3A] : memref<2560x128xi32, #tpu.memory_space<hbm>> -> memref<80x128xi32, #tpu.memory_space<hbm>>
      %dma_wait3A_795 = arith.constant 0 : i32
      %dma_wait3A_796 = tpu.memref_slice %arg3[%mul3A_2, %dma_wait3A_795] : memref<2560x128xi32, #tpu.memory_space<hbm>> -> memref<80x128xi32, #tpu.memory_space<hbm>>
      tpu.wait_dma2 semaphore(%run_scoped3A : memref<!tpu.dma_semaphore, #tpu.memory_space<semaphore_mem>>) src(%dma_wait3A_796 : memref<80x128xi32, #tpu.memory_space<hbm>>) dst(%arg7 : memref<80x128xi32, #tpu.memory_space<vmem>>)
      tpu.yield
    }) : () -> ()
    %mul3A_3 = arith.constant 80 : i32
    %mul3A_4 = arith.muli %add3A, %mul3A_3 : i32
    "tpu.region"() ({
      %run_scoped3A = tpu.sem_alloc : memref<!tpu.dma_semaphore, #tpu.memory_space<semaphore_mem>>
      %dma_start3A = arith.constant 0 : i32
      %dma_start3A_791 = tpu.memref_slice %arg4[%mul3A_4, %dma_start3A] : memref<2560x128xi32, #tpu.memory_space<hbm>> -> memref<80x128xi32, #tpu.memory_space<hbm>>
      %dma_start3A_792 = arith.constant 0 : i32
      %dma_start3A_793 = tpu.memref_slice %arg4[%mul3A_4, %dma_start3A_792] : memref<2560x128xi32, #tpu.memory_space<hbm>> -> memref<80x128xi32, #tpu.memory_space<hbm>>
      tpu.enqueue_dma source(%dma_start3A_793 : memref<80x128xi32, #tpu.memory_space<hbm>>) target(%arg8 : memref<80x128xi32, #tpu.memory_space<vmem>>) target_semaphore(%run_scoped3A : memref<!tpu.dma_semaphore, #tpu.memory_space<semaphore_mem>>)
      %dma_wait3A = arith.constant 0 : i32
      %dma_wait3A_794 = tpu.memref_slice %arg4[%mul3A_4, %dma_wait3A] : memref<2560x128xi32, #tpu.memory_space<hbm>> -> memref<80x128xi32, #tpu.memory_space<hbm>>
      %dma_wait3A_795 = arith.constant 0 : i32
      %dma_wait3A_796 = tpu.memref_slice %arg4[%mul3A_4, %dma_wait3A_795] : memref<2560x128xi32, #tpu.memory_space<hbm>> -> memref<80x128xi32, #tpu.memory_space<hbm>>
      tpu.wait_dma2 semaphore(%run_scoped3A : memref<!tpu.dma_semaphore, #tpu.memory_space<semaphore_mem>>) src(%dma_wait3A_796 : memref<80x128xi32, #tpu.memory_space<hbm>>) dst(%arg8 : memref<80x128xi32, #tpu.memory_space<vmem>>)
      tpu.yield
    }) : () -> ()
    %broadcast_in_dim3A = arith.constant 0.000000e+00 : f32
    %broadcast_in_dim3A_5 = vector.broadcast %broadcast_in_dim3A : f32 to vector<16xf32>
    %swap3A = arith.constant 0 : i32
    %swap3A_6 = arith.index_cast %swap3A : i32 to index
    %swap3A_7 = arith.constant 0 : index
    %swap3A_8 = tpu.vector_load %arg9[%swap3A_6, %swap3A_7] {strides = array<i32>} : memref<16x128xf32, #tpu.memory_space<vmem>>, vector<1x16xf32>,
    %swap3A_9 = vector.shape_cast %swap3A_8 : vector<1x16xf32> to vector<16xf32>
    %swap3A_10 = vector.shape_cast %broadcast_in_dim3A_5 : vector<16xf32> to vector<1x16xf32>
    tpu.vector_store %arg9[%swap3A_6, %swap3A_7], %swap3A_10 {strides = array<i32>} : memref<16x128xf32, #tpu.memory_space<vmem>>, vector<1x16xf32>,
    %swap3A_11 = arith.constant 0 : i32
    %swap3A_12 = arith.index_cast %swap3A_11 : i32 to index
    %swap3A_13 = arith.constant 16 : index
    %swap3A_14 = tpu.vector_load %arg9[%swap3A_12, %swap3A_13] {strides = array<i32>} : memref<16x128xf32, #tpu.memory_space<vmem>>, vector<1x16xf32>,
    %swap3A_15 = vector.shape_cast %swap3A_14 : vector<1x16xf32> to vector<16xf32>
    %swap3A_16 = vector.shape_cast %broadcast_in_dim3A_5 : vector<16xf32> to vector<1x16xf32>
    tpu.vector_store %arg9[%swap3A_12, %swap3A_13], %swap3A_16 {strides = array<i32>} : memref<16x128xf32, #tpu.memory_space<vmem>>, vector<1x16xf32>,
    %swap3A_17 = arith.constant 0 : i32
    %swap3A_18 = arith.index_cast %swap3A_17 : i32 to index
    %swap3A_19 = arith.constant 32 : index
    %swap3A_20 = tpu.vector_load %arg9[%swap3A_18, %swap3A_19] {strides = array<i32>} : memref<16x128xf32, #tpu.memory_space<vmem>>, vector<1x16xf32>,
    %swap3A_21 = vector.shape_cast %swap3A_20 : vector<1x16xf32> to vector<16xf32>
    %swap3A_22 = vector.shape_cast %broadcast_in_dim3A_5 : vector<16xf32> to vector<1x16xf32>
    tpu.vector_store %arg9[%swap3A_18, %swap3A_19], %swap3A_22 {strides = array<i32>} : memref<16x128xf32, #tpu.memory_space<vmem>>, vector<1x16xf32>,
    %swap3A_23 = arith.constant 0 : i32
    %swap3A_24 = arith.index_cast %swap3A_23 : i32 to index
    %swap3A_25 = arith.constant 48 : index
    %swap3A_26 = tpu.vector_load %arg9[%swap3A_24, %swap3A_25] {strides = array<i32>} : memref<16x128xf32, #tpu.memory_space<vmem>>, vector<1x16xf32>,
    %swap3A_27 = vector.shape_cast %swap3A_26 : vector<1x16xf32> to vector<16xf32>
    %swap3A_28 = vector.shape_cast %broadcast_in_dim3A_5 : vector<16xf32> to vector<1x16xf32>
    tpu.vector_store %arg9[%swap3A_24, %swap3A_25], %swap3A_28 {strides = array<i32>} : memref<16x128xf32, #tpu.memory_space<vmem>>, vector<1x16xf32>,
    %swap3A_29 = arith.constant 0 : i32
    %swap3A_30 = arith.index_cast %swap3A_29 : i32 to index
    %swap3A_31 = arith.constant 64 : index
    %swap3A_32 = tpu.vector_load %arg9[%swap3A_30, %swap3A_31] {strides = array<i32>} : memref<16x128xf32, #tpu.memory_space<vmem>>, vector<1x16xf32>,
    %swap3A_33 = vector.shape_cast %swap3A_32 : vector<1x16xf32> to vector<16xf32>
    %swap3A_34 = vector.shape_cast %broadcast_in_dim3A_5 : vector<16xf32> to vector<1x16xf32>
    tpu.vector_store %arg9[%swap3A_30, %swap3A_31], %swap3A_34 {strides = array<i32>} : memref<16x128xf32, #tpu.memory_space<vmem>>, vector<1x16xf32>,
    %swap3A_35 = arith.constant 0 : i32
    %swap3A_36 = arith.index_cast %swap3A_35 : i32 to index
    %swap3A_37 = arith.constant 80 : index
    %swap3A_38 = tpu.vector_load %arg9[%swap3A_36, %swap3A_37] {strides = array<i32>} : memref<16x128xf32, #tpu.memory_space<vmem>>, vector<1x16xf32>,
    %swap3A_39 = vector.shape_cast %swap3A_38 : vector<1x16xf32> to vector<16xf32>
    %swap3A_40 = vector.shape_cast %broadcast_in_dim3A_5 : vector<16xf32> to vector<1x16xf32>
    tpu.vector_store %arg9[%swap3A_36, %swap3A_37], %swap3A_40 {strides = array<i32>} : memref<16x128xf32, #tpu.memory_space<vmem>>, vector<1x16xf32>,
    %swap3A_41 = arith.constant 0 : i32
    %swap3A_42 = arith.index_cast %swap3A_41 : i32 to index
    %swap3A_43 = arith.constant 96 : index
    %swap3A_44 = tpu.vector_load %arg9[%swap3A_42, %swap3A_43] {strides = array<i32>} : memref<16x128xf32, #tpu.memory_space<vmem>>, vector<1x16xf32>,
    %swap3A_45 = vector.shape_cast %swap3A_44 : vector<1x16xf32> to vector<16xf32>
    %swap3A_46 = vector.shape_cast %broadcast_in_dim3A_5 : vector<16xf32> to vector<1x16xf32>
    tpu.vector_store %arg9[%swap3A_42, %swap3A_43], %swap3A_46 {strides = array<i32>} : memref<16x128xf32, #tpu.memory_space<vmem>>, vector<1x16xf32>,
    %swap3A_47 = arith.constant 0 : i32
    %swap3A_48 = arith.index_cast %swap3A_47 : i32 to index
    %swap3A_49 = arith.constant 112 : index
    %swap3A_50 = tpu.vector_load %arg9[%swap3A_48, %swap3A_49] {strides = array<i32>} : memref<16x128xf32, #tpu.memory_space<vmem>>, vector<1x16xf32>,
    %swap3A_51 = vector.shape_cast %swap3A_50 : vector<1x16xf32> to vector<16xf32>
    %swap3A_52 = vector.shape_cast %broadcast_in_dim3A_5 : vector<16xf32> to vector<1x16xf32>
    tpu.vector_store %arg9[%swap3A_48, %swap3A_49], %swap3A_52 {strides = array<i32>} : memref<16x128xf32, #tpu.memory_space<vmem>>, vector<1x16xf32>,
    %swap3A_53 = arith.constant 1 : i32
    %swap3A_54 = arith.index_cast %swap3A_53 : i32 to index
    %swap3A_55 = arith.constant 0 : index
    %swap3A_56 = tpu.vector_load %arg9[%swap3A_54, %swap3A_55] {strides = array<i32>} : memref<16x128xf32, #tpu.memory_space<vmem>>, vector<1x16xf32>,
    %swap3A_57 = vector.shape_cast %swap3A_56 : vector<1x16xf32> to vector<16xf32>
    %swap3A_58 = vector.shape_cast %broadcast_in_dim3A_5 : vector<16xf32> to vector<1x16xf32>
    tpu.vector_store %arg9[%swap3A_54, %swap3A_55], %swap3A_58 {strides = array<i32>} : memref<16x128xf32, #tpu.memory_space<vmem>>, vector<1x16xf32>,
    %swap3A_59 = arith.constant 1 : i32
    %swap3A_60 = arith.index_cast %swap3A_59 : i32 to index
    %swap3A_61 = arith.constant 16 : index
    %swap3A_62 = tpu.vector_load %arg9[%swap3A_60, %swap3A_61] {strides = array<i32>} : memref<16x128xf32, #tpu.memory_space<vmem>>, vector<1x16xf32>,
    %swap3A_63 = vector.shape_cast %swap3A_62 : vector<1x16xf32> to vector<16xf32>
    %swap3A_64 = vector.shape_cast %broadcast_in_dim3A_5 : vector<16xf32> to vector<1x16xf32>
    tpu.vector_store %arg9[%swap3A_60, %swap3A_61], %swap3A_64 {strides = array<i32>} : memref<16x128xf32, #tpu.memory_space<vmem>>, vector<1x16xf32>,
    %swap3A_65 = arith.constant 1 : i32
    %swap3A_66 = arith.index_cast %swap3A_65 : i32 to index
    %swap3A_67 = arith.constant 32 : index
    %swap3A_68 = tpu.vector_load %arg9[%swap3A_66, %swap3A_67] {strides = array<i32>} : memref<16x128xf32, #tpu.memory_space<vmem>>, vector<1x16xf32>,
    %swap3A_69 = vector.shape_cast %swap3A_68 : vector<1x16xf32> to vector<16xf32>
    %swap3A_70 = vector.shape_cast %broadcast_in_dim3A_5 : vector<16xf32> to vector<1x16xf32>
    tpu.vector_store %arg9[%swap3A_66, %swap3A_67], %swap3A_70 {strides = array<i32>} : memref<16x128xf32, #tpu.memory_space<vmem>>, vector<1x16xf32>,
    %swap3A_71 = arith.constant 1 : i32
    %swap3A_72 = arith.index_cast %swap3A_71 : i32 to index
    %swap3A_73 = arith.constant 48 : index
    %swap3A_74 = tpu.vector_load %arg9[%swap3A_72, %swap3A_73] {strides = array<i32>} : memref<16x128xf32, #tpu.memory_space<vmem>>, vector<1x16xf32>,
    %swap3A_75 = vector.shape_cast %swap3A_74 : vector<1x16xf32> to vector<16xf32>
    %swap3A_76 = vector.shape_cast %broadcast_in_dim3A_5 : vector<16xf32> to vector<1x16xf32>
    tpu.vector_store %arg9[%swap3A_72, %swap3A_73], %swap3A_76 {strides = array<i32>} : memref<16x128xf32, #tpu.memory_space<vmem>>, vector<1x16xf32>,
    %swap3A_77 = arith.constant 1 : i32
    %swap3A_78 = arith.index_cast %swap3A_77 : i32 to index
    %swap3A_79 = arith.constant 64 : index
    %swap3A_80 = tpu.vector_load %arg9[%swap3A_78, %swap3A_79] {strides = array<i32>} : memref<16x128xf32, #tpu.memory_space<vmem>>, vector<1x16xf32>,
    %swap3A_81 = vector.shape_cast %swap3A_80 : vector<1x16xf32> to vector<16xf32>
    %swap3A_82 = vector.shape_cast %broadcast_in_dim3A_5 : vector<16xf32> to vector<1x16xf32>
    tpu.vector_store %arg9[%swap3A_78, %swap3A_79], %swap3A_82 {strides = array<i32>} : memref<16x128xf32, #tpu.memory_space<vmem>>, vector<1x16xf32>,
    %swap3A_83 = arith.constant 1 : i32
    %swap3A_84 = arith.index_cast %swap3A_83 : i32 to index
    %swap3A_85 = arith.constant 80 : index
    %swap3A_86 = tpu.vector_load %arg9[%swap3A_84, %swap3A_85] {strides = array<i32>} : memref<16x128xf32, #tpu.memory_space<vmem>>, vector<1x16xf32>,
    %swap3A_87 = vector.shape_cast %swap3A_86 : vector<1x16xf32> to vector<16xf32>
    %swap3A_88 = vector.shape_cast %broadcast_in_dim3A_5 : vector<16xf32> to vector<1x16xf32>
    tpu.vector_store %arg9[%swap3A_84, %swap3A_85], %swap3A_88 {strides = array<i32>} : memref<16x128xf32, #tpu.memory_space<vmem>>, vector<1x16xf32>,
    %swap3A_89 = arith.constant 1 : i32
    %swap3A_90 = arith.index_cast %swap3A_89 : i32 to index
    %swap3A_91 = arith.constant 96 : index
    %swap3A_92 = tpu.vector_load %arg9[%swap3A_90, %swap3A_91] {strides = array<i32>} : memref<16x128xf32, #tpu.memory_space<vmem>>, vector<1x16xf32>,
    %swap3A_93 = vector.shape_cast %swap3A_92 : vector<1x16xf32> to vector<16xf32>
    %swap3A_94 = vector.shape_cast %broadcast_in_dim3A_5 : vector<16xf32> to vector<1x16xf32>
    tpu.vector_store %arg9[%swap3A_90, %swap3A_91], %swap3A_94 {strides = array<i32>} : memref<16x128xf32, #tpu.memory_space<vmem>>, vector<1x16xf32>,
    %swap3A_95 = arith.constant 1 : i32
    %swap3A_96 = arith.index_cast %swap3A_95 : i32 to index
    %swap3A_97 = arith.constant 112 : index
    %swap3A_98 = tpu.vector_load %arg9[%swap3A_96, %swap3A_97] {strides = array<i32>} : memref<16x128xf32, #tpu.memory_space<vmem>>, vector<1x16xf32>,
    %swap3A_99 = vector.shape_cast %swap3A_98 : vector<1x16xf32> to vector<16xf32>
    %swap3A_100 = vector.shape_cast %broadcast_in_dim3A_5 : vector<16xf32> to vector<1x16xf32>
    tpu.vector_store %arg9[%swap3A_96, %swap3A_97], %swap3A_100 {strides = array<i32>} : memref<16x128xf32, #tpu.memory_space<vmem>>, vector<1x16xf32>,
    %swap3A_101 = arith.constant 2 : i32
    %swap3A_102 = arith.index_cast %swap3A_101 : i32 to index
    %swap3A_103 = arith.constant 0 : index
    %swap3A_104 = tpu.vector_load %arg9[%swap3A_102, %swap3A_103] {strides = array<i32>} : memref<16x128xf32, #tpu.memory_space<vmem>>, vector<1x16xf32>,
    %swap3A_105 = vector.shape_cast %swap3A_104 : vector<1x16xf32> to vector<16xf32>
    %swap3A_106 = vector.shape_cast %broadcast_in_dim3A_5 : vector<16xf32> to vector<1x16xf32>
    tpu.vector_store %arg9[%swap3A_102, %swap3A_103], %swap3A_106 {strides = array<i32>} : memref<16x128xf32, #tpu.memory_space<vmem>>, vector<1x16xf32>,
    %swap3A_107 = arith.constant 2 : i32
    %swap3A_108 = arith.index_cast %swap3A_107 : i32 to index
    %swap3A_109 = arith.constant 16 : index
    %swap3A_110 = tpu.vector_load %arg9[%swap3A_108, %swap3A_109] {strides = array<i32>} : memref<16x128xf32, #tpu.memory_space<vmem>>, vector<1x16xf32>,
    %swap3A_111 = vector.shape_cast %swap3A_110 : vector<1x16xf32> to vector<16xf32>
    %swap3A_112 = vector.shape_cast %broadcast_in_dim3A_5 : vector<16xf32> to vector<1x16xf32>
    tpu.vector_store %arg9[%swap3A_108, %swap3A_109], %swap3A_112 {strides = array<i32>} : memref<16x128xf32, #tpu.memory_space<vmem>>, vector<1x16xf32>,
    %swap3A_113 = arith.constant 2 : i32
    %swap3A_114 = arith.index_cast %swap3A_113 : i32 to index
    %swap3A_115 = arith.constant 32 : index
    %swap3A_116 = tpu.vector_load %arg9[%swap3A_114, %swap3A_115] {strides = array<i32>} : memref<16x128xf32, #tpu.memory_space<vmem>>, vector<1x16xf32>,
    %swap3A_117 = vector.shape_cast %swap3A_116 : vector<1x16xf32> to vector<16xf32>
    %swap3A_118 = vector.shape_cast %broadcast_in_dim3A_5 : vector<16xf32> to vector<1x16xf32>
    tpu.vector_store %arg9[%swap3A_114, %swap3A_115], %swap3A_118 {strides = array<i32>} : memref<16x128xf32, #tpu.memory_space<vmem>>, vector<1x16xf32>,
    %swap3A_119 = arith.constant 2 : i32
    %swap3A_120 = arith.index_cast %swap3A_119 : i32 to index
    %swap3A_121 = arith.constant 48 : index
    %swap3A_122 = tpu.vector_load %arg9[%swap3A_120, %swap3A_121] {strides = array<i32>} : memref<16x128xf32, #tpu.memory_space<vmem>>, vector<1x16xf32>,
    %swap3A_123 = vector.shape_cast %swap3A_122 : vector<1x16xf32> to vector<16xf32>
    %swap3A_124 = vector.shape_cast %broadcast_in_dim3A_5 : vector<16xf32> to vector<1x16xf32>
    tpu.vector_store %arg9[%swap3A_120, %swap3A_121], %swap3A_124 {strides = array<i32>} : memref<16x128xf32, #tpu.memory_space<vmem>>, vector<1x16xf32>,
    %swap3A_125 = arith.constant 2 : i32
    %swap3A_126 = arith.index_cast %swap3A_125 : i32 to index
    %swap3A_127 = arith.constant 64 : index
    %swap3A_128 = tpu.vector_load %arg9[%swap3A_126, %swap3A_127] {strides = array<i32>} : memref<16x128xf32, #tpu.memory_space<vmem>>, vector<1x16xf32>,
    %swap3A_129 = vector.shape_cast %swap3A_128 : vector<1x16xf32> to vector<16xf32>
    %swap3A_130 = vector.shape_cast %broadcast_in_dim3A_5 : vector<16xf32> to vector<1x16xf32>
    tpu.vector_store %arg9[%swap3A_126, %swap3A_127], %swap3A_130 {strides = array<i32>} : memref<16x128xf32, #tpu.memory_space<vmem>>, vector<1x16xf32>,
    %swap3A_131 = arith.constant 2 : i32
    %swap3A_132 = arith.index_cast %swap3A_131 : i32 to index
    %swap3A_133 = arith.constant 80 : index
    %swap3A_134 = tpu.vector_load %arg9[%swap3A_132, %swap3A_133] {strides = array<i32>} : memref<16x128xf32, #tpu.memory_space<vmem>>, vector<1x16xf32>,
    %swap3A_135 = vector.shape_cast %swap3A_134 : vector<1x16xf32> to vector<16xf32>
    %swap3A_136 = vector.shape_cast %broadcast_in_dim3A_5 : vector<16xf32> to vector<1x16xf32>
    tpu.vector_store %arg9[%swap3A_132, %swap3A_133], %swap3A_136 {strides = array<i32>} : memref<16x128xf32, #tpu.memory_space<vmem>>, vector<1x16xf32>,
    %swap3A_137 = arith.constant 2 : i32
    %swap3A_138 = arith.index_cast %swap3A_137 : i32 to index
    %swap3A_139 = arith.constant 96 : index
    %swap3A_140 = tpu.vector_load %arg9[%swap3A_138, %swap3A_139] {strides = array<i32>} : memref<16x128xf32, #tpu.memory_space<vmem>>, vector<1x16xf32>,
    %swap3A_141 = vector.shape_cast %swap3A_140 : vector<1x16xf32> to vector<16xf32>
    %swap3A_142 = vector.shape_cast %broadcast_in_dim3A_5 : vector<16xf32> to vector<1x16xf32>
    tpu.vector_store %arg9[%swap3A_138, %swap3A_139], %swap3A_142 {strides = array<i32>} : memref<16x128xf32, #tpu.memory_space<vmem>>, vector<1x16xf32>,
    %swap3A_143 = arith.constant 2 : i32
    %swap3A_144 = arith.index_cast %swap3A_143 : i32 to index
    %swap3A_145 = arith.constant 112 : index
    %swap3A_146 = tpu.vector_load %arg9[%swap3A_144, %swap3A_145] {strides = array<i32>} : memref<16x128xf32, #tpu.memory_space<vmem>>, vector<1x16xf32>,
    %swap3A_147 = vector.shape_cast %swap3A_146 : vector<1x16xf32> to vector<16xf32>
    %swap3A_148 = vector.shape_cast %broadcast_in_dim3A_5 : vector<16xf32> to vector<1x16xf32>
    tpu.vector_store %arg9[%swap3A_144, %swap3A_145], %swap3A_148 {strides = array<i32>} : memref<16x128xf32, #tpu.memory_space<vmem>>, vector<1x16xf32>,
    %swap3A_149 = arith.constant 3 : i32
    %swap3A_150 = arith.index_cast %swap3A_149 : i32 to index
    %swap3A_151 = arith.constant 0 : index
    %swap3A_152 = tpu.vector_load %arg9[%swap3A_150, %swap3A_151] {strides = array<i32>} : memref<16x128xf32, #tpu.memory_space<vmem>>, vector<1x16xf32>,
    %swap3A_153 = vector.shape_cast %swap3A_152 : vector<1x16xf32> to vector<16xf32>
    %swap3A_154 = vector.shape_cast %broadcast_in_dim3A_5 : vector<16xf32> to vector<1x16xf32>
    tpu.vector_store %arg9[%swap3A_150, %swap3A_151], %swap3A_154 {strides = array<i32>} : memref<16x128xf32, #tpu.memory_space<vmem>>, vector<1x16xf32>,
    %swap3A_155 = arith.constant 3 : i32
    %swap3A_156 = arith.index_cast %swap3A_155 : i32 to index
    %swap3A_157 = arith.constant 16 : index
    %swap3A_158 = tpu.vector_load %arg9[%swap3A_156, %swap3A_157] {strides = array<i32>} : memref<16x128xf32, #tpu.memory_space<vmem>>, vector<1x16xf32>,
    %swap3A_159 = vector.shape_cast %swap3A_158 : vector<1x16xf32> to vector<16xf32>
    %swap3A_160 = vector.shape_cast %broadcast_in_dim3A_5 : vector<16xf32> to vector<1x16xf32>
    tpu.vector_store %arg9[%swap3A_156, %swap3A_157], %swap3A_160 {strides = array<i32>} : memref<16x128xf32, #tpu.memory_space<vmem>>, vector<1x16xf32>,
    %swap3A_161 = arith.constant 3 : i32
    %swap3A_162 = arith.index_cast %swap3A_161 : i32 to index
    %swap3A_163 = arith.constant 32 : index
    %swap3A_164 = tpu.vector_load %arg9[%swap3A_162, %swap3A_163] {strides = array<i32>} : memref<16x128xf32, #tpu.memory_space<vmem>>, vector<1x16xf32>,
    %swap3A_165 = vector.shape_cast %swap3A_164 : vector<1x16xf32> to vector<16xf32>
    %swap3A_166 = vector.shape_cast %broadcast_in_dim3A_5 : vector<16xf32> to vector<1x16xf32>
    tpu.vector_store %arg9[%swap3A_162, %swap3A_163], %swap3A_166 {strides = array<i32>} : memref<16x128xf32, #tpu.memory_space<vmem>>, vector<1x16xf32>,
    %swap3A_167 = arith.constant 3 : i32
    %swap3A_168 = arith.index_cast %swap3A_167 : i32 to index
    %swap3A_169 = arith.constant 48 : index
    %swap3A_170 = tpu.vector_load %arg9[%swap3A_168, %swap3A_169] {strides = array<i32>} : memref<16x128xf32, #tpu.memory_space<vmem>>, vector<1x16xf32>,
    %swap3A_171 = vector.shape_cast %swap3A_170 : vector<1x16xf32> to vector<16xf32>
    %swap3A_172 = vector.shape_cast %broadcast_in_dim3A_5 : vector<16xf32> to vector<1x16xf32>
    tpu.vector_store %arg9[%swap3A_168, %swap3A_169], %swap3A_172 {strides = array<i32>} : memref<16x128xf32, #tpu.memory_space<vmem>>, vector<1x16xf32>,
    %swap3A_173 = arith.constant 3 : i32
    %swap3A_174 = arith.index_cast %swap3A_173 : i32 to index
    %swap3A_175 = arith.constant 64 : index
    %swap3A_176 = tpu.vector_load %arg9[%swap3A_174, %swap3A_175] {strides = array<i32>} : memref<16x128xf32, #tpu.memory_space<vmem>>, vector<1x16xf32>,
    %swap3A_177 = vector.shape_cast %swap3A_176 : vector<1x16xf32> to vector<16xf32>
    %swap3A_178 = vector.shape_cast %broadcast_in_dim3A_5 : vector<16xf32> to vector<1x16xf32>
    tpu.vector_store %arg9[%swap3A_174, %swap3A_175], %swap3A_178 {strides = array<i32>} : memref<16x128xf32, #tpu.memory_space<vmem>>, vector<1x16xf32>,
    %swap3A_179 = arith.constant 3 : i32
    %swap3A_180 = arith.index_cast %swap3A_179 : i32 to index
    %swap3A_181 = arith.constant 80 : index
    %swap3A_182 = tpu.vector_load %arg9[%swap3A_180, %swap3A_181] {strides = array<i32>} : memref<16x128xf32, #tpu.memory_space<vmem>>, vector<1x16xf32>,
    %swap3A_183 = vector.shape_cast %swap3A_182 : vector<1x16xf32> to vector<16xf32>
    %swap3A_184 = vector.shape_cast %broadcast_in_dim3A_5 : vector<16xf32> to vector<1x16xf32>
    tpu.vector_store %arg9[%swap3A_180, %swap3A_181], %swap3A_184 {strides = array<i32>} : memref<16x128xf32, #tpu.memory_space<vmem>>, vector<1x16xf32>,
    %swap3A_185 = arith.constant 3 : i32
    %swap3A_186 = arith.index_cast %swap3A_185 : i32 to index
    %swap3A_187 = arith.constant 96 : index
    %swap3A_188 = tpu.vector_load %arg9[%swap3A_186, %swap3A_187] {strides = array<i32>} : memref<16x128xf32, #tpu.memory_space<vmem>>, vector<1x16xf32>,
    %swap3A_189 = vector.shape_cast %swap3A_188 : vector<1x16xf32> to vector<16xf32>
    %swap3A_190 = vector.shape_cast %broadcast_in_dim3A_5 : vector<16xf32> to vector<1x16xf32>
    tpu.vector_store %arg9[%swap3A_186, %swap3A_187], %swap3A_190 {strides = array<i32>} : memref<16x128xf32, #tpu.memory_space<vmem>>, vector<1x16xf32>,
    %swap3A_191 = arith.constant 3 : i32
    %swap3A_192 = arith.index_cast %swap3A_191 : i32 to index
    %swap3A_193 = arith.constant 112 : index
    %swap3A_194 = tpu.vector_load %arg9[%swap3A_192, %swap3A_193] {strides = array<i32>} : memref<16x128xf32, #tpu.memory_space<vmem>>, vector<1x16xf32>,
    %swap3A_195 = vector.shape_cast %swap3A_194 : vector<1x16xf32> to vector<16xf32>
    %swap3A_196 = vector.shape_cast %broadcast_in_dim3A_5 : vector<16xf32> to vector<1x16xf32>
    tpu.vector_store %arg9[%swap3A_192, %swap3A_193], %swap3A_196 {strides = array<i32>} : memref<16x128xf32, #tpu.memory_space<vmem>>, vector<1x16xf32>,
    %swap3A_197 = arith.constant 4 : i32
    %swap3A_198 = arith.index_cast %swap3A_197 : i32 to index
    %swap3A_199 = arith.constant 0 : index
    %swap3A_200 = tpu.vector_load %arg9[%swap3A_198, %swap3A_199] {strides = array<i32>} : memref<16x128xf32, #tpu.memory_space<vmem>>, vector<1x16xf32>,
    %swap3A_201 = vector.shape_cast %swap3A_200 : vector<1x16xf32> to vector<16xf32>
    %swap3A_202 = vector.shape_cast %broadcast_in_dim3A_5 : vector<16xf32> to vector<1x16xf32>
    tpu.vector_store %arg9[%swap3A_198, %swap3A_199], %swap3A_202 {strides = array<i32>} : memref<16x128xf32, #tpu.memory_space<vmem>>, vector<1x16xf32>,
    %swap3A_203 = arith.constant 4 : i32
    %swap3A_204 = arith.index_cast %swap3A_203 : i32 to index
    %swap3A_205 = arith.constant 16 : index
    %swap3A_206 = tpu.vector_load %arg9[%swap3A_204, %swap3A_205] {strides = array<i32>} : memref<16x128xf32, #tpu.memory_space<vmem>>, vector<1x16xf32>,
    %swap3A_207 = vector.shape_cast %swap3A_206 : vector<1x16xf32> to vector<16xf32>
    %swap3A_208 = vector.shape_cast %broadcast_in_dim3A_5 : vector<16xf32> to vector<1x16xf32>
    tpu.vector_store %arg9[%swap3A_204, %swap3A_205], %swap3A_208 {strides = array<i32>} : memref<16x128xf32, #tpu.memory_space<vmem>>, vector<1x16xf32>,
    %swap3A_209 = arith.constant 4 : i32
    %swap3A_210 = arith.index_cast %swap3A_209 : i32 to index
    %swap3A_211 = arith.constant 32 : index
    %swap3A_212 = tpu.vector_load %arg9[%swap3A_210, %swap3A_211] {strides = array<i32>} : memref<16x128xf32, #tpu.memory_space<vmem>>, vector<1x16xf32>,
    %swap3A_213 = vector.shape_cast %swap3A_212 : vector<1x16xf32> to vector<16xf32>
    %swap3A_214 = vector.shape_cast %broadcast_in_dim3A_5 : vector<16xf32> to vector<1x16xf32>
    tpu.vector_store %arg9[%swap3A_210, %swap3A_211], %swap3A_214 {strides = array<i32>} : memref<16x128xf32, #tpu.memory_space<vmem>>, vector<1x16xf32>,
    %swap3A_215 = arith.constant 4 : i32
    %swap3A_216 = arith.index_cast %swap3A_215 : i32 to index
    %swap3A_217 = arith.constant 48 : index
    %swap3A_218 = tpu.vector_load %arg9[%swap3A_216, %swap3A_217] {strides = array<i32>} : memref<16x128xf32, #tpu.memory_space<vmem>>, vector<1x16xf32>,
    %swap3A_219 = vector.shape_cast %swap3A_218 : vector<1x16xf32> to vector<16xf32>
    %swap3A_220 = vector.shape_cast %broadcast_in_dim3A_5 : vector<16xf32> to vector<1x16xf32>
    tpu.vector_store %arg9[%swap3A_216, %swap3A_217], %swap3A_220 {strides = array<i32>} : memref<16x128xf32, #tpu.memory_space<vmem>>, vector<1x16xf32>,
    %swap3A_221 = arith.constant 4 : i32
    %swap3A_222 = arith.index_cast %swap3A_221 : i32 to index
    %swap3A_223 = arith.constant 64 : index
    %swap3A_224 = tpu.vector_load %arg9[%swap3A_222, %swap3A_223] {strides = array<i32>} : memref<16x128xf32, #tpu.memory_space<vmem>>, vector<1x16xf32>,
    %swap3A_225 = vector.shape_cast %swap3A_224 : vector<1x16xf32> to vector<16xf32>
    %swap3A_226 = vector.shape_cast %broadcast_in_dim3A_5 : vector<16xf32> to vector<1x16xf32>
    tpu.vector_store %arg9[%swap3A_222, %swap3A_223], %swap3A_226 {strides = array<i32>} : memref<16x128xf32, #tpu.memory_space<vmem>>, vector<1x16xf32>,
    %swap3A_227 = arith.constant 4 : i32
    %swap3A_228 = arith.index_cast %swap3A_227 : i32 to index
    %swap3A_229 = arith.constant 80 : index
    %swap3A_230 = tpu.vector_load %arg9[%swap3A_228, %swap3A_229] {strides = array<i32>} : memref<16x128xf32, #tpu.memory_space<vmem>>, vector<1x16xf32>,
    %swap3A_231 = vector.shape_cast %swap3A_230 : vector<1x16xf32> to vector<16xf32>
    %swap3A_232 = vector.shape_cast %broadcast_in_dim3A_5 : vector<16xf32> to vector<1x16xf32>
    tpu.vector_store %arg9[%swap3A_228, %swap3A_229], %swap3A_232 {strides = array<i32>} : memref<16x128xf32, #tpu.memory_space<vmem>>, vector<1x16xf32>,
    %swap3A_233 = arith.constant 4 : i32
    %swap3A_234 = arith.index_cast %swap3A_233 : i32 to index
    %swap3A_235 = arith.constant 96 : index
    %swap3A_236 = tpu.vector_load %arg9[%swap3A_234, %swap3A_235] {strides = array<i32>} : memref<16x128xf32, #tpu.memory_space<vmem>>, vector<1x16xf32>,
    %swap3A_237 = vector.shape_cast %swap3A_236 : vector<1x16xf32> to vector<16xf32>
    %swap3A_238 = vector.shape_cast %broadcast_in_dim3A_5 : vector<16xf32> to vector<1x16xf32>
    tpu.vector_store %arg9[%swap3A_234, %swap3A_235], %swap3A_238 {strides = array<i32>} : memref<16x128xf32, #tpu.memory_space<vmem>>, vector<1x16xf32>,
    %swap3A_239 = arith.constant 4 : i32
    %swap3A_240 = arith.index_cast %swap3A_239 : i32 to index
    %swap3A_241 = arith.constant 112 : index
    %swap3A_242 = tpu.vector_load %arg9[%swap3A_240, %swap3A_241] {strides = array<i32>} : memref<16x128xf32, #tpu.memory_space<vmem>>, vector<1x16xf32>,
    %swap3A_243 = vector.shape_cast %swap3A_242 : vector<1x16xf32> to vector<16xf32>
    %swap3A_244 = vector.shape_cast %broadcast_in_dim3A_5 : vector<16xf32> to vector<1x16xf32>
    tpu.vector_store %arg9[%swap3A_240, %swap3A_241], %swap3A_244 {strides = array<i32>} : memref<16x128xf32, #tpu.memory_space<vmem>>, vector<1x16xf32>,
    %swap3A_245 = arith.constant 5 : i32
    %swap3A_246 = arith.index_cast %swap3A_245 : i32 to index
    %swap3A_247 = arith.constant 0 : index
    %swap3A_248 = tpu.vector_load %arg9[%swap3A_246, %swap3A_247] {strides = array<i32>} : memref<16x128xf32, #tpu.memory_space<vmem>>, vector<1x16xf32>,
    %swap3A_249 = vector.shape_cast %swap3A_248 : vector<1x16xf32> to vector<16xf32>
    %swap3A_250 = vector.shape_cast %broadcast_in_dim3A_5 : vector<16xf32> to vector<1x16xf32>
    tpu.vector_store %arg9[%swap3A_246, %swap3A_247], %swap3A_250 {strides = array<i32>} : memref<16x128xf32, #tpu.memory_space<vmem>>, vector<1x16xf32>,
    %swap3A_251 = arith.constant 5 : i32
    %swap3A_252 = arith.index_cast %swap3A_251 : i32 to index
    %swap3A_253 = arith.constant 16 : index
    %swap3A_254 = tpu.vector_load %arg9[%swap3A_252, %swap3A_253] {strides = array<i32>} : memref<16x128xf32, #tpu.memory_space<vmem>>, vector<1x16xf32>,
    %swap3A_255 = vector.shape_cast %swap3A_254 : vector<1x16xf32> to vector<16xf32>
    %swap3A_256 = vector.shape_cast %broadcast_in_dim3A_5 : vector<16xf32> to vector<1x16xf32>
    tpu.vector_store %arg9[%swap3A_252, %swap3A_253], %swap3A_256 {strides = array<i32>} : memref<16x128xf32, #tpu.memory_space<vmem>>, vector<1x16xf32>,
    %swap3A_257 = arith.constant 5 : i32
    %swap3A_258 = arith.index_cast %swap3A_257 : i32 to index
    %swap3A_259 = arith.constant 32 : index
    %swap3A_260 = tpu.vector_load %arg9[%swap3A_258, %swap3A_259] {strides = array<i32>} : memref<16x128xf32, #tpu.memory_space<vmem>>, vector<1x16xf32>,
    %swap3A_261 = vector.shape_cast %swap3A_260 : vector<1x16xf32> to vector<16xf32>
    %swap3A_262 = vector.shape_cast %broadcast_in_dim3A_5 : vector<16xf32> to vector<1x16xf32>
    tpu.vector_store %arg9[%swap3A_258, %swap3A_259], %swap3A_262 {strides = array<i32>} : memref<16x128xf32, #tpu.memory_space<vmem>>, vector<1x16xf32>,
    %swap3A_263 = arith.constant 5 : i32
    %swap3A_264 = arith.index_cast %swap3A_263 : i32 to index
    %swap3A_265 = arith.constant 48 : index
    %swap3A_266 = tpu.vector_load %arg9[%swap3A_264, %swap3A_265] {strides = array<i32>} : memref<16x128xf32, #tpu.memory_space<vmem>>, vector<1x16xf32>,
    %swap3A_267 = vector.shape_cast %swap3A_266 : vector<1x16xf32> to vector<16xf32>
    %swap3A_268 = vector.shape_cast %broadcast_in_dim3A_5 : vector<16xf32> to vector<1x16xf32>
    tpu.vector_store %arg9[%swap3A_264, %swap3A_265], %swap3A_268 {strides = array<i32>} : memref<16x128xf32, #tpu.memory_space<vmem>>, vector<1x16xf32>,
    %swap3A_269 = arith.constant 5 : i32
    %swap3A_270 = arith.index_cast %swap3A_269 : i32 to index
    %swap3A_271 = arith.constant 64 : index
    %swap3A_272 = tpu.vector_load %arg9[%swap3A_270, %swap3A_271] {strides = array<i32>} : memref<16x128xf32, #tpu.memory_space<vmem>>, vector<1x16xf32>,
    %swap3A_273 = vector.shape_cast %swap3A_272 : vector<1x16xf32> to vector<16xf32>
    %swap3A_274 = vector.shape_cast %broadcast_in_dim3A_5 : vector<16xf32> to vector<1x16xf32>
    tpu.vector_store %arg9[%swap3A_270, %swap3A_271], %swap3A_274 {strides = array<i32>} : memref<16x128xf32, #tpu.memory_space<vmem>>, vector<1x16xf32>,
    %swap3A_275 = arith.constant 5 : i32
    %swap3A_276 = arith.index_cast %swap3A_275 : i32 to index
    %swap3A_277 = arith.constant 80 : index
    %swap3A_278 = tpu.vector_load %arg9[%swap3A_276, %swap3A_277] {strides = array<i32>} : memref<16x128xf32, #tpu.memory_space<vmem>>, vector<1x16xf32>,
    %swap3A_279 = vector.shape_cast %swap3A_278 : vector<1x16xf32> to vector<16xf32>
    %swap3A_280 = vector.shape_cast %broadcast_in_dim3A_5 : vector<16xf32> to vector<1x16xf32>
    tpu.vector_store %arg9[%swap3A_276, %swap3A_277], %swap3A_280 {strides = array<i32>} : memref<16x128xf32, #tpu.memory_space<vmem>>, vector<1x16xf32>,
    %swap3A_281 = arith.constant 5 : i32
    %swap3A_282 = arith.index_cast %swap3A_281 : i32 to index
    %swap3A_283 = arith.constant 96 : index
    %swap3A_284 = tpu.vector_load %arg9[%swap3A_282, %swap3A_283] {strides = array<i32>} : memref<16x128xf32, #tpu.memory_space<vmem>>, vector<1x16xf32>,
    %swap3A_285 = vector.shape_cast %swap3A_284 : vector<1x16xf32> to vector<16xf32>
    %swap3A_286 = vector.shape_cast %broadcast_in_dim3A_5 : vector<16xf32> to vector<1x16xf32>
    tpu.vector_store %arg9[%swap3A_282, %swap3A_283], %swap3A_286 {strides = array<i32>} : memref<16x128xf32, #tpu.memory_space<vmem>>, vector<1x16xf32>,
    %swap3A_287 = arith.constant 5 : i32
    %swap3A_288 = arith.index_cast %swap3A_287 : i32 to index
    %swap3A_289 = arith.constant 112 : index
    %swap3A_290 = tpu.vector_load %arg9[%swap3A_288, %swap3A_289] {strides = array<i32>} : memref<16x128xf32, #tpu.memory_space<vmem>>, vector<1x16xf32>,
    %swap3A_291 = vector.shape_cast %swap3A_290 : vector<1x16xf32> to vector<16xf32>
    %swap3A_292 = vector.shape_cast %broadcast_in_dim3A_5 : vector<16xf32> to vector<1x16xf32>
    tpu.vector_store %arg9[%swap3A_288, %swap3A_289], %swap3A_292 {strides = array<i32>} : memref<16x128xf32, #tpu.memory_space<vmem>>, vector<1x16xf32>,
    %swap3A_293 = arith.constant 6 : i32
    %swap3A_294 = arith.index_cast %swap3A_293 : i32 to index
    %swap3A_295 = arith.constant 0 : index
    %swap3A_296 = tpu.vector_load %arg9[%swap3A_294, %swap3A_295] {strides = array<i32>} : memref<16x128xf32, #tpu.memory_space<vmem>>, vector<1x16xf32>,
    %swap3A_297 = vector.shape_cast %swap3A_296 : vector<1x16xf32> to vector<16xf32>
    %swap3A_298 = vector.shape_cast %broadcast_in_dim3A_5 : vector<16xf32> to vector<1x16xf32>
    tpu.vector_store %arg9[%swap3A_294, %swap3A_295], %swap3A_298 {strides = array<i32>} : memref<16x128xf32, #tpu.memory_space<vmem>>, vector<1x16xf32>,
    %swap3A_299 = arith.constant 6 : i32
    %swap3A_300 = arith.index_cast %swap3A_299 : i32 to index
    %swap3A_301 = arith.constant 16 : index
    %swap3A_302 = tpu.vector_load %arg9[%swap3A_300, %swap3A_301] {strides = array<i32>} : memref<16x128xf32, #tpu.memory_space<vmem>>, vector<1x16xf32>,
    %swap3A_303 = vector.shape_cast %swap3A_302 : vector<1x16xf32> to vector<16xf32>
    %swap3A_304 = vector.shape_cast %broadcast_in_dim3A_5 : vector<16xf32> to vector<1x16xf32>
    tpu.vector_store %arg9[%swap3A_300, %swap3A_301], %swap3A_304 {strides = array<i32>} : memref<16x128xf32, #tpu.memory_space<vmem>>, vector<1x16xf32>,
    %swap3A_305 = arith.constant 6 : i32
    %swap3A_306 = arith.index_cast %swap3A_305 : i32 to index
    %swap3A_307 = arith.constant 32 : index
    %swap3A_308 = tpu.vector_load %arg9[%swap3A_306, %swap3A_307] {strides = array<i32>} : memref<16x128xf32, #tpu.memory_space<vmem>>, vector<1x16xf32>,
    %swap3A_309 = vector.shape_cast %swap3A_308 : vector<1x16xf32> to vector<16xf32>
    %swap3A_310 = vector.shape_cast %broadcast_in_dim3A_5 : vector<16xf32> to vector<1x16xf32>
    tpu.vector_store %arg9[%swap3A_306, %swap3A_307], %swap3A_310 {strides = array<i32>} : memref<16x128xf32, #tpu.memory_space<vmem>>, vector<1x16xf32>,
    %swap3A_311 = arith.constant 6 : i32
    %swap3A_312 = arith.index_cast %swap3A_311 : i32 to index
    %swap3A_313 = arith.constant 48 : index
    %swap3A_314 = tpu.vector_load %arg9[%swap3A_312, %swap3A_313] {strides = array<i32>} : memref<16x128xf32, #tpu.memory_space<vmem>>, vector<1x16xf32>,
    %swap3A_315 = vector.shape_cast %swap3A_314 : vector<1x16xf32> to vector<16xf32>
    %swap3A_316 = vector.shape_cast %broadcast_in_dim3A_5 : vector<16xf32> to vector<1x16xf32>
    tpu.vector_store %arg9[%swap3A_312, %swap3A_313], %swap3A_316 {strides = array<i32>} : memref<16x128xf32, #tpu.memory_space<vmem>>, vector<1x16xf32>,
    %swap3A_317 = arith.constant 6 : i32
    %swap3A_318 = arith.index_cast %swap3A_317 : i32 to index
    %swap3A_319 = arith.constant 64 : index
    %swap3A_320 = tpu.vector_load %arg9[%swap3A_318, %swap3A_319] {strides = array<i32>} : memref<16x128xf32, #tpu.memory_space<vmem>>, vector<1x16xf32>,
    %swap3A_321 = vector.shape_cast %swap3A_320 : vector<1x16xf32> to vector<16xf32>
    %swap3A_322 = vector.shape_cast %broadcast_in_dim3A_5 : vector<16xf32> to vector<1x16xf32>
    tpu.vector_store %arg9[%swap3A_318, %swap3A_319], %swap3A_322 {strides = array<i32>} : memref<16x128xf32, #tpu.memory_space<vmem>>, vector<1x16xf32>,
    %swap3A_323 = arith.constant 6 : i32
    %swap3A_324 = arith.index_cast %swap3A_323 : i32 to index
    %swap3A_325 = arith.constant 80 : index
    %swap3A_326 = tpu.vector_load %arg9[%swap3A_324, %swap3A_325] {strides = array<i32>} : memref<16x128xf32, #tpu.memory_space<vmem>>, vector<1x16xf32>,
    %swap3A_327 = vector.shape_cast %swap3A_326 : vector<1x16xf32> to vector<16xf32>
    %swap3A_328 = vector.shape_cast %broadcast_in_dim3A_5 : vector<16xf32> to vector<1x16xf32>
    tpu.vector_store %arg9[%swap3A_324, %swap3A_325], %swap3A_328 {strides = array<i32>} : memref<16x128xf32, #tpu.memory_space<vmem>>, vector<1x16xf32>,
    %swap3A_329 = arith.constant 6 : i32
    %swap3A_330 = arith.index_cast %swap3A_329 : i32 to index
    %swap3A_331 = arith.constant 96 : index
    %swap3A_332 = tpu.vector_load %arg9[%swap3A_330, %swap3A_331] {strides = array<i32>} : memref<16x128xf32, #tpu.memory_space<vmem>>, vector<1x16xf32>,
    %swap3A_333 = vector.shape_cast %swap3A_332 : vector<1x16xf32> to vector<16xf32>
    %swap3A_334 = vector.shape_cast %broadcast_in_dim3A_5 : vector<16xf32> to vector<1x16xf32>
    tpu.vector_store %arg9[%swap3A_330, %swap3A_331], %swap3A_334 {strides = array<i32>} : memref<16x128xf32, #tpu.memory_space<vmem>>, vector<1x16xf32>,
    %swap3A_335 = arith.constant 6 : i32
    %swap3A_336 = arith.index_cast %swap3A_335 : i32 to index
    %swap3A_337 = arith.constant 112 : index
    %swap3A_338 = tpu.vector_load %arg9[%swap3A_336, %swap3A_337] {strides = array<i32>} : memref<16x128xf32, #tpu.memory_space<vmem>>, vector<1x16xf32>,
    %swap3A_339 = vector.shape_cast %swap3A_338 : vector<1x16xf32> to vector<16xf32>
    %swap3A_340 = vector.shape_cast %broadcast_in_dim3A_5 : vector<16xf32> to vector<1x16xf32>
    tpu.vector_store %arg9[%swap3A_336, %swap3A_337], %swap3A_340 {strides = array<i32>} : memref<16x128xf32, #tpu.memory_space<vmem>>, vector<1x16xf32>,
    %swap3A_341 = arith.constant 7 : i32
    %swap3A_342 = arith.index_cast %swap3A_341 : i32 to index
    %swap3A_343 = arith.constant 0 : index
    %swap3A_344 = tpu.vector_load %arg9[%swap3A_342, %swap3A_343] {strides = array<i32>} : memref<16x128xf32, #tpu.memory_space<vmem>>, vector<1x16xf32>,
    %swap3A_345 = vector.shape_cast %swap3A_344 : vector<1x16xf32> to vector<16xf32>
    %swap3A_346 = vector.shape_cast %broadcast_in_dim3A_5 : vector<16xf32> to vector<1x16xf32>
    tpu.vector_store %arg9[%swap3A_342, %swap3A_343], %swap3A_346 {strides = array<i32>} : memref<16x128xf32, #tpu.memory_space<vmem>>, vector<1x16xf32>,
    %swap3A_347 = arith.constant 7 : i32
    %swap3A_348 = arith.index_cast %swap3A_347 : i32 to index
    %swap3A_349 = arith.constant 16 : index
    %swap3A_350 = tpu.vector_load %arg9[%swap3A_348, %swap3A_349] {strides = array<i32>} : memref<16x128xf32, #tpu.memory_space<vmem>>, vector<1x16xf32>,
    %swap3A_351 = vector.shape_cast %swap3A_350 : vector<1x16xf32> to vector<16xf32>
    %swap3A_352 = vector.shape_cast %broadcast_in_dim3A_5 : vector<16xf32> to vector<1x16xf32>
    tpu.vector_store %arg9[%swap3A_348, %swap3A_349], %swap3A_352 {strides = array<i32>} : memref<16x128xf32, #tpu.memory_space<vmem>>, vector<1x16xf32>,
    %swap3A_353 = arith.constant 7 : i32
    %swap3A_354 = arith.index_cast %swap3A_353 : i32 to index
    %swap3A_355 = arith.constant 32 : index
    %swap3A_356 = tpu.vector_load %arg9[%swap3A_354, %swap3A_355] {strides = array<i32>} : memref<16x128xf32, #tpu.memory_space<vmem>>, vector<1x16xf32>,
    %swap3A_357 = vector.shape_cast %swap3A_356 : vector<1x16xf32> to vector<16xf32>
    %swap3A_358 = vector.shape_cast %broadcast_in_dim3A_5 : vector<16xf32> to vector<1x16xf32>
    tpu.vector_store %arg9[%swap3A_354, %swap3A_355], %swap3A_358 {strides = array<i32>} : memref<16x128xf32, #tpu.memory_space<vmem>>, vector<1x16xf32>,
    %swap3A_359 = arith.constant 7 : i32
    %swap3A_360 = arith.index_cast %swap3A_359 : i32 to index
    %swap3A_361 = arith.constant 48 : index
    %swap3A_362 = tpu.vector_load %arg9[%swap3A_360, %swap3A_361] {strides = array<i32>} : memref<16x128xf32, #tpu.memory_space<vmem>>, vector<1x16xf32>,
    %swap3A_363 = vector.shape_cast %swap3A_362 : vector<1x16xf32> to vector<16xf32>
    %swap3A_364 = vector.shape_cast %broadcast_in_dim3A_5 : vector<16xf32> to vector<1x16xf32>
    tpu.vector_store %arg9[%swap3A_360, %swap3A_361], %swap3A_364 {strides = array<i32>} : memref<16x128xf32, #tpu.memory_space<vmem>>, vector<1x16xf32>,
    %swap3A_365 = arith.constant 7 : i32
    %swap3A_366 = arith.index_cast %swap3A_365 : i32 to index
    %swap3A_367 = arith.constant 64 : index
    %swap3A_368 = tpu.vector_load %arg9[%swap3A_366, %swap3A_367] {strides = array<i32>} : memref<16x128xf32, #tpu.memory_space<vmem>>, vector<1x16xf32>,
    %swap3A_369 = vector.shape_cast %swap3A_368 : vector<1x16xf32> to vector<16xf32>
    %swap3A_370 = vector.shape_cast %broadcast_in_dim3A_5 : vector<16xf32> to vector<1x16xf32>
    tpu.vector_store %arg9[%swap3A_366, %swap3A_367], %swap3A_370 {strides = array<i32>} : memref<16x128xf32, #tpu.memory_space<vmem>>, vector<1x16xf32>,
    %swap3A_371 = arith.constant 7 : i32
    %swap3A_372 = arith.index_cast %swap3A_371 : i32 to index
    %swap3A_373 = arith.constant 80 : index
    %swap3A_374 = tpu.vector_load %arg9[%swap3A_372, %swap3A_373] {strides = array<i32>} : memref<16x128xf32, #tpu.memory_space<vmem>>, vector<1x16xf32>,
    %swap3A_375 = vector.shape_cast %swap3A_374 : vector<1x16xf32> to vector<16xf32>
    %swap3A_376 = vector.shape_cast %broadcast_in_dim3A_5 : vector<16xf32> to vector<1x16xf32>
    tpu.vector_store %arg9[%swap3A_372, %swap3A_373], %swap3A_376 {strides = array<i32>} : memref<16x128xf32, #tpu.memory_space<vmem>>, vector<1x16xf32>,
    %swap3A_377 = arith.constant 7 : i32
    %swap3A_378 = arith.index_cast %swap3A_377 : i32 to index
    %swap3A_379 = arith.constant 96 : index
    %swap3A_380 = tpu.vector_load %arg9[%swap3A_378, %swap3A_379] {strides = array<i32>} : memref<16x128xf32, #tpu.memory_space<vmem>>, vector<1x16xf32>,
    %swap3A_381 = vector.shape_cast %swap3A_380 : vector<1x16xf32> to vector<16xf32>
    %swap3A_382 = vector.shape_cast %broadcast_in_dim3A_5 : vector<16xf32> to vector<1x16xf32>
    tpu.vector_store %arg9[%swap3A_378, %swap3A_379], %swap3A_382 {strides = array<i32>} : memref<16x128xf32, #tpu.memory_space<vmem>>, vector<1x16xf32>,
    %swap3A_383 = arith.constant 7 : i32
    %swap3A_384 = arith.index_cast %swap3A_383 : i32 to index
    %swap3A_385 = arith.constant 112 : index
    %swap3A_386 = tpu.vector_load %arg9[%swap3A_384, %swap3A_385] {strides = array<i32>} : memref<16x128xf32, #tpu.memory_space<vmem>>, vector<1x16xf32>,
    %swap3A_387 = vector.shape_cast %swap3A_386 : vector<1x16xf32> to vector<16xf32>
    %swap3A_388 = vector.shape_cast %broadcast_in_dim3A_5 : vector<16xf32> to vector<1x16xf32>
    tpu.vector_store %arg9[%swap3A_384, %swap3A_385], %swap3A_388 {strides = array<i32>} : memref<16x128xf32, #tpu.memory_space<vmem>>, vector<1x16xf32>,
    %swap3A_389 = arith.constant 8 : i32
    %swap3A_390 = arith.index_cast %swap3A_389 : i32 to index
    %swap3A_391 = arith.constant 0 : index
    %swap3A_392 = tpu.vector_load %arg9[%swap3A_390, %swap3A_391] {strides = array<i32>} : memref<16x128xf32, #tpu.memory_space<vmem>>, vector<1x16xf32>,
    %swap3A_393 = vector.shape_cast %swap3A_392 : vector<1x16xf32> to vector<16xf32>
    %swap3A_394 = vector.shape_cast %broadcast_in_dim3A_5 : vector<16xf32> to vector<1x16xf32>
    tpu.vector_store %arg9[%swap3A_390, %swap3A_391], %swap3A_394 {strides = array<i32>} : memref<16x128xf32, #tpu.memory_space<vmem>>, vector<1x16xf32>,
    %swap3A_395 = arith.constant 8 : i32
    %swap3A_396 = arith.index_cast %swap3A_395 : i32 to index
    %swap3A_397 = arith.constant 16 : index
    %swap3A_398 = tpu.vector_load %arg9[%swap3A_396, %swap3A_397] {strides = array<i32>} : memref<16x128xf32, #tpu.memory_space<vmem>>, vector<1x16xf32>,
    %swap3A_399 = vector.shape_cast %swap3A_398 : vector<1x16xf32> to vector<16xf32>
    %swap3A_400 = vector.shape_cast %broadcast_in_dim3A_5 : vector<16xf32> to vector<1x16xf32>
    tpu.vector_store %arg9[%swap3A_396, %swap3A_397], %swap3A_400 {strides = array<i32>} : memref<16x128xf32, #tpu.memory_space<vmem>>, vector<1x16xf32>,
    %swap3A_401 = arith.constant 8 : i32
    %swap3A_402 = arith.index_cast %swap3A_401 : i32 to index
    %swap3A_403 = arith.constant 32 : index
    %swap3A_404 = tpu.vector_load %arg9[%swap3A_402, %swap3A_403] {strides = array<i32>} : memref<16x128xf32, #tpu.memory_space<vmem>>, vector<1x16xf32>,
    %swap3A_405 = vector.shape_cast %swap3A_404 : vector<1x16xf32> to vector<16xf32>
    %swap3A_406 = vector.shape_cast %broadcast_in_dim3A_5 : vector<16xf32> to vector<1x16xf32>
    tpu.vector_store %arg9[%swap3A_402, %swap3A_403], %swap3A_406 {strides = array<i32>} : memref<16x128xf32, #tpu.memory_space<vmem>>, vector<1x16xf32>,
    %swap3A_407 = arith.constant 8 : i32
    %swap3A_408 = arith.index_cast %swap3A_407 : i32 to index
    %swap3A_409 = arith.constant 48 : index
    %swap3A_410 = tpu.vector_load %arg9[%swap3A_408, %swap3A_409] {strides = array<i32>} : memref<16x128xf32, #tpu.memory_space<vmem>>, vector<1x16xf32>,
    %swap3A_411 = vector.shape_cast %swap3A_410 : vector<1x16xf32> to vector<16xf32>
    %swap3A_412 = vector.shape_cast %broadcast_in_dim3A_5 : vector<16xf32> to vector<1x16xf32>
    tpu.vector_store %arg9[%swap3A_408, %swap3A_409], %swap3A_412 {strides = array<i32>} : memref<16x128xf32, #tpu.memory_space<vmem>>, vector<1x16xf32>,
    %swap3A_413 = arith.constant 8 : i32
    %swap3A_414 = arith.index_cast %swap3A_413 : i32 to index
    %swap3A_415 = arith.constant 64 : index
    %swap3A_416 = tpu.vector_load %arg9[%swap3A_414, %swap3A_415] {strides = array<i32>} : memref<16x128xf32, #tpu.memory_space<vmem>>, vector<1x16xf32>,
    %swap3A_417 = vector.shape_cast %swap3A_416 : vector<1x16xf32> to vector<16xf32>
    %swap3A_418 = vector.shape_cast %broadcast_in_dim3A_5 : vector<16xf32> to vector<1x16xf32>
    tpu.vector_store %arg9[%swap3A_414, %swap3A_415], %swap3A_418 {strides = array<i32>} : memref<16x128xf32, #tpu.memory_space<vmem>>, vector<1x16xf32>,
    %swap3A_419 = arith.constant 8 : i32
    %swap3A_420 = arith.index_cast %swap3A_419 : i32 to index
    %swap3A_421 = arith.constant 80 : index
    %swap3A_422 = tpu.vector_load %arg9[%swap3A_420, %swap3A_421] {strides = array<i32>} : memref<16x128xf32, #tpu.memory_space<vmem>>, vector<1x16xf32>,
    %swap3A_423 = vector.shape_cast %swap3A_422 : vector<1x16xf32> to vector<16xf32>
    %swap3A_424 = vector.shape_cast %broadcast_in_dim3A_5 : vector<16xf32> to vector<1x16xf32>
    tpu.vector_store %arg9[%swap3A_420, %swap3A_421], %swap3A_424 {strides = array<i32>} : memref<16x128xf32, #tpu.memory_space<vmem>>, vector<1x16xf32>,
    %swap3A_425 = arith.constant 8 : i32
    %swap3A_426 = arith.index_cast %swap3A_425 : i32 to index
    %swap3A_427 = arith.constant 96 : index
    %swap3A_428 = tpu.vector_load %arg9[%swap3A_426, %swap3A_427] {strides = array<i32>} : memref<16x128xf32, #tpu.memory_space<vmem>>, vector<1x16xf32>,
    %swap3A_429 = vector.shape_cast %swap3A_428 : vector<1x16xf32> to vector<16xf32>
    %swap3A_430 = vector.shape_cast %broadcast_in_dim3A_5 : vector<16xf32> to vector<1x16xf32>
    tpu.vector_store %arg9[%swap3A_426, %swap3A_427], %swap3A_430 {strides = array<i32>} : memref<16x128xf32, #tpu.memory_space<vmem>>, vector<1x16xf32>,
    %swap3A_431 = arith.constant 8 : i32
    %swap3A_432 = arith.index_cast %swap3A_431 : i32 to index
    %swap3A_433 = arith.constant 112 : index
    %swap3A_434 = tpu.vector_load %arg9[%swap3A_432, %swap3A_433] {strides = array<i32>} : memref<16x128xf32, #tpu.memory_space<vmem>>, vector<1x16xf32>,
    %swap3A_435 = vector.shape_cast %swap3A_434 : vector<1x16xf32> to vector<16xf32>
    %swap3A_436 = vector.shape_cast %broadcast_in_dim3A_5 : vector<16xf32> to vector<1x16xf32>
    tpu.vector_store %arg9[%swap3A_432, %swap3A_433], %swap3A_436 {strides = array<i32>} : memref<16x128xf32, #tpu.memory_space<vmem>>, vector<1x16xf32>,
    %swap3A_437 = arith.constant 9 : i32
    %swap3A_438 = arith.index_cast %swap3A_437 : i32 to index
    %swap3A_439 = arith.constant 0 : index
    %swap3A_440 = tpu.vector_load %arg9[%swap3A_438, %swap3A_439] {strides = array<i32>} : memref<16x128xf32, #tpu.memory_space<vmem>>, vector<1x16xf32>,
    %swap3A_441 = vector.shape_cast %swap3A_440 : vector<1x16xf32> to vector<16xf32>
    %swap3A_442 = vector.shape_cast %broadcast_in_dim3A_5 : vector<16xf32> to vector<1x16xf32>
    tpu.vector_store %arg9[%swap3A_438, %swap3A_439], %swap3A_442 {strides = array<i32>} : memref<16x128xf32, #tpu.memory_space<vmem>>, vector<1x16xf32>,
    %swap3A_443 = arith.constant 9 : i32
    %swap3A_444 = arith.index_cast %swap3A_443 : i32 to index
    %swap3A_445 = arith.constant 16 : index
    %swap3A_446 = tpu.vector_load %arg9[%swap3A_444, %swap3A_445] {strides = array<i32>} : memref<16x128xf32, #tpu.memory_space<vmem>>, vector<1x16xf32>,
    %swap3A_447 = vector.shape_cast %swap3A_446 : vector<1x16xf32> to vector<16xf32>
    %swap3A_448 = vector.shape_cast %broadcast_in_dim3A_5 : vector<16xf32> to vector<1x16xf32>
    tpu.vector_store %arg9[%swap3A_444, %swap3A_445], %swap3A_448 {strides = array<i32>} : memref<16x128xf32, #tpu.memory_space<vmem>>, vector<1x16xf32>,
    %swap3A_449 = arith.constant 9 : i32
    %swap3A_450 = arith.index_cast %swap3A_449 : i32 to index
    %swap3A_451 = arith.constant 32 : index
    %swap3A_452 = tpu.vector_load %arg9[%swap3A_450, %swap3A_451] {strides = array<i32>} : memref<16x128xf32, #tpu.memory_space<vmem>>, vector<1x16xf32>,
    %swap3A_453 = vector.shape_cast %swap3A_452 : vector<1x16xf32> to vector<16xf32>
    %swap3A_454 = vector.shape_cast %broadcast_in_dim3A_5 : vector<16xf32> to vector<1x16xf32>
    tpu.vector_store %arg9[%swap3A_450, %swap3A_451], %swap3A_454 {strides = array<i32>} : memref<16x128xf32, #tpu.memory_space<vmem>>, vector<1x16xf32>,
    %swap3A_455 = arith.constant 9 : i32
    %swap3A_456 = arith.index_cast %swap3A_455 : i32 to index
    %swap3A_457 = arith.constant 48 : index
    %swap3A_458 = tpu.vector_load %arg9[%swap3A_456, %swap3A_457] {strides = array<i32>} : memref<16x128xf32, #tpu.memory_space<vmem>>, vector<1x16xf32>,
    %swap3A_459 = vector.shape_cast %swap3A_458 : vector<1x16xf32> to vector<16xf32>
    %swap3A_460 = vector.shape_cast %broadcast_in_dim3A_5 : vector<16xf32> to vector<1x16xf32>
    tpu.vector_store %arg9[%swap3A_456, %swap3A_457], %swap3A_460 {strides = array<i32>} : memref<16x128xf32, #tpu.memory_space<vmem>>, vector<1x16xf32>,
    %swap3A_461 = arith.constant 9 : i32
    %swap3A_462 = arith.index_cast %swap3A_461 : i32 to index
    %swap3A_463 = arith.constant 64 : index
    %swap3A_464 = tpu.vector_load %arg9[%swap3A_462, %swap3A_463] {strides = array<i32>} : memref<16x128xf32, #tpu.memory_space<vmem>>, vector<1x16xf32>,
    %swap3A_465 = vector.shape_cast %swap3A_464 : vector<1x16xf32> to vector<16xf32>
    %swap3A_466 = vector.shape_cast %broadcast_in_dim3A_5 : vector<16xf32> to vector<1x16xf32>
    tpu.vector_store %arg9[%swap3A_462, %swap3A_463], %swap3A_466 {strides = array<i32>} : memref<16x128xf32, #tpu.memory_space<vmem>>, vector<1x16xf32>,
    %swap3A_467 = arith.constant 9 : i32
    %swap3A_468 = arith.index_cast %swap3A_467 : i32 to index
    %swap3A_469 = arith.constant 80 : index
    %swap3A_470 = tpu.vector_load %arg9[%swap3A_468, %swap3A_469] {strides = array<i32>} : memref<16x128xf32, #tpu.memory_space<vmem>>, vector<1x16xf32>,
    %swap3A_471 = vector.shape_cast %swap3A_470 : vector<1x16xf32> to vector<16xf32>
    %swap3A_472 = vector.shape_cast %broadcast_in_dim3A_5 : vector<16xf32> to vector<1x16xf32>
    tpu.vector_store %arg9[%swap3A_468, %swap3A_469], %swap3A_472 {strides = array<i32>} : memref<16x128xf32, #tpu.memory_space<vmem>>, vector<1x16xf32>,
    %swap3A_473 = arith.constant 9 : i32
    %swap3A_474 = arith.index_cast %swap3A_473 : i32 to index
    %swap3A_475 = arith.constant 96 : index
    %swap3A_476 = tpu.vector_load %arg9[%swap3A_474, %swap3A_475] {strides = array<i32>} : memref<16x128xf32, #tpu.memory_space<vmem>>, vector<1x16xf32>,
    %swap3A_477 = vector.shape_cast %swap3A_476 : vector<1x16xf32> to vector<16xf32>
    %swap3A_478 = vector.shape_cast %broadcast_in_dim3A_5 : vector<16xf32> to vector<1x16xf32>
    tpu.vector_store %arg9[%swap3A_474, %swap3A_475], %swap3A_478 {strides = array<i32>} : memref<16x128xf32, #tpu.memory_space<vmem>>, vector<1x16xf32>,
    %swap3A_479 = arith.constant 9 : i32
    %swap3A_480 = arith.index_cast %swap3A_479 : i32 to index
    %swap3A_481 = arith.constant 112 : index
    %swap3A_482 = tpu.vector_load %arg9[%swap3A_480, %swap3A_481] {strides = array<i32>} : memref<16x128xf32, #tpu.memory_space<vmem>>, vector<1x16xf32>,
    %swap3A_483 = vector.shape_cast %swap3A_482 : vector<1x16xf32> to vector<16xf32>
    %swap3A_484 = vector.shape_cast %broadcast_in_dim3A_5 : vector<16xf32> to vector<1x16xf32>
    tpu.vector_store %arg9[%swap3A_480, %swap3A_481], %swap3A_484 {strides = array<i32>} : memref<16x128xf32, #tpu.memory_space<vmem>>, vector<1x16xf32>,
    %swap3A_485 = arith.constant 10 : i32
    %swap3A_486 = arith.index_cast %swap3A_485 : i32 to index
    %swap3A_487 = arith.constant 0 : index
    %swap3A_488 = tpu.vector_load %arg9[%swap3A_486, %swap3A_487] {strides = array<i32>} : memref<16x128xf32, #tpu.memory_space<vmem>>, vector<1x16xf32>,
    %swap3A_489 = vector.shape_cast %swap3A_488 : vector<1x16xf32> to vector<16xf32>
    %swap3A_490 = vector.shape_cast %broadcast_in_dim3A_5 : vector<16xf32> to vector<1x16xf32>
    tpu.vector_store %arg9[%swap3A_486, %swap3A_487], %swap3A_490 {strides = array<i32>} : memref<16x128xf32, #tpu.memory_space<vmem>>, vector<1x16xf32>,
    %swap3A_491 = arith.constant 10 : i32
    %swap3A_492 = arith.index_cast %swap3A_491 : i32 to index
    %swap3A_493 = arith.constant 16 : index
    %swap3A_494 = tpu.vector_load %arg9[%swap3A_492, %swap3A_493] {strides = array<i32>} : memref<16x128xf32, #tpu.memory_space<vmem>>, vector<1x16xf32>,
    %swap3A_495 = vector.shape_cast %swap3A_494 : vector<1x16xf32> to vector<16xf32>
    %swap3A_496 = vector.shape_cast %broadcast_in_dim3A_5 : vector<16xf32> to vector<1x16xf32>
    tpu.vector_store %arg9[%swap3A_492, %swap3A_493], %swap3A_496 {strides = array<i32>} : memref<16x128xf32, #tpu.memory_space<vmem>>, vector<1x16xf32>,
    %swap3A_497 = arith.constant 10 : i32
    %swap3A_498 = arith.index_cast %swap3A_497 : i32 to index
    %swap3A_499 = arith.constant 32 : index
    %swap3A_500 = tpu.vector_load %arg9[%swap3A_498, %swap3A_499] {strides = array<i32>} : memref<16x128xf32, #tpu.memory_space<vmem>>, vector<1x16xf32>,
    %swap3A_501 = vector.shape_cast %swap3A_500 : vector<1x16xf32> to vector<16xf32>
    %swap3A_502 = vector.shape_cast %broadcast_in_dim3A_5 : vector<16xf32> to vector<1x16xf32>
    tpu.vector_store %arg9[%swap3A_498, %swap3A_499], %swap3A_502 {strides = array<i32>} : memref<16x128xf32, #tpu.memory_space<vmem>>, vector<1x16xf32>,
    %swap3A_503 = arith.constant 10 : i32
    %swap3A_504 = arith.index_cast %swap3A_503 : i32 to index
    %swap3A_505 = arith.constant 48 : index
    %swap3A_506 = tpu.vector_load %arg9[%swap3A_504, %swap3A_505] {strides = array<i32>} : memref<16x128xf32, #tpu.memory_space<vmem>>, vector<1x16xf32>,
    %swap3A_507 = vector.shape_cast %swap3A_506 : vector<1x16xf32> to vector<16xf32>
    %swap3A_508 = vector.shape_cast %broadcast_in_dim3A_5 : vector<16xf32> to vector<1x16xf32>
    tpu.vector_store %arg9[%swap3A_504, %swap3A_505], %swap3A_508 {strides = array<i32>} : memref<16x128xf32, #tpu.memory_space<vmem>>, vector<1x16xf32>,
    %swap3A_509 = arith.constant 10 : i32
    %swap3A_510 = arith.index_cast %swap3A_509 : i32 to index
    %swap3A_511 = arith.constant 64 : index
    %swap3A_512 = tpu.vector_load %arg9[%swap3A_510, %swap3A_511] {strides = array<i32>} : memref<16x128xf32, #tpu.memory_space<vmem>>, vector<1x16xf32>,
    %swap3A_513 = vector.shape_cast %swap3A_512 : vector<1x16xf32> to vector<16xf32>
    %swap3A_514 = vector.shape_cast %broadcast_in_dim3A_5 : vector<16xf32> to vector<1x16xf32>
    tpu.vector_store %arg9[%swap3A_510, %swap3A_511], %swap3A_514 {strides = array<i32>} : memref<16x128xf32, #tpu.memory_space<vmem>>, vector<1x16xf32>,
    %swap3A_515 = arith.constant 10 : i32
    %swap3A_516 = arith.index_cast %swap3A_515 : i32 to index
    %swap3A_517 = arith.constant 80 : index
    %swap3A_518 = tpu.vector_load %arg9[%swap3A_516, %swap3A_517] {strides = array<i32>} : memref<16x128xf32, #tpu.memory_space<vmem>>, vector<1x16xf32>,
    %swap3A_519 = vector.shape_cast %swap3A_518 : vector<1x16xf32> to vector<16xf32>
    %swap3A_520 = vector.shape_cast %broadcast_in_dim3A_5 : vector<16xf32> to vector<1x16xf32>
    tpu.vector_store %arg9[%swap3A_516, %swap3A_517], %swap3A_520 {strides = array<i32>} : memref<16x128xf32, #tpu.memory_space<vmem>>, vector<1x16xf32>,
    %swap3A_521 = arith.constant 10 : i32
    %swap3A_522 = arith.index_cast %swap3A_521 : i32 to index
    %swap3A_523 = arith.constant 96 : index
    %swap3A_524 = tpu.vector_load %arg9[%swap3A_522, %swap3A_523] {strides = array<i32>} : memref<16x128xf32, #tpu.memory_space<vmem>>, vector<1x16xf32>,
    %swap3A_525 = vector.shape_cast %swap3A_524 : vector<1x16xf32> to vector<16xf32>
    %swap3A_526 = vector.shape_cast %broadcast_in_dim3A_5 : vector<16xf32> to vector<1x16xf32>
    tpu.vector_store %arg9[%swap3A_522, %swap3A_523], %swap3A_526 {strides = array<i32>} : memref<16x128xf32, #tpu.memory_space<vmem>>, vector<1x16xf32>,
    %swap3A_527 = arith.constant 10 : i32
    %swap3A_528 = arith.index_cast %swap3A_527 : i32 to index
    %swap3A_529 = arith.constant 112 : index
    %swap3A_530 = tpu.vector_load %arg9[%swap3A_528, %swap3A_529] {strides = array<i32>} : memref<16x128xf32, #tpu.memory_space<vmem>>, vector<1x16xf32>,
    %swap3A_531 = vector.shape_cast %swap3A_530 : vector<1x16xf32> to vector<16xf32>
    %swap3A_532 = vector.shape_cast %broadcast_in_dim3A_5 : vector<16xf32> to vector<1x16xf32>
    tpu.vector_store %arg9[%swap3A_528, %swap3A_529], %swap3A_532 {strides = array<i32>} : memref<16x128xf32, #tpu.memory_space<vmem>>, vector<1x16xf32>,
    %swap3A_533 = arith.constant 11 : i32
    %swap3A_534 = arith.index_cast %swap3A_533 : i32 to index
    %swap3A_535 = arith.constant 0 : index
    %swap3A_536 = tpu.vector_load %arg9[%swap3A_534, %swap3A_535] {strides = array<i32>} : memref<16x128xf32, #tpu.memory_space<vmem>>, vector<1x16xf32>,
    %swap3A_537 = vector.shape_cast %swap3A_536 : vector<1x16xf32> to vector<16xf32>
    %swap3A_538 = vector.shape_cast %broadcast_in_dim3A_5 : vector<16xf32> to vector<1x16xf32>
    tpu.vector_store %arg9[%swap3A_534, %swap3A_535], %swap3A_538 {strides = array<i32>} : memref<16x128xf32, #tpu.memory_space<vmem>>, vector<1x16xf32>,
    %swap3A_539 = arith.constant 11 : i32
    %swap3A_540 = arith.index_cast %swap3A_539 : i32 to index
    %swap3A_541 = arith.constant 16 : index
    %swap3A_542 = tpu.vector_load %arg9[%swap3A_540, %swap3A_541] {strides = array<i32>} : memref<16x128xf32, #tpu.memory_space<vmem>>, vector<1x16xf32>,
    %swap3A_543 = vector.shape_cast %swap3A_542 : vector<1x16xf32> to vector<16xf32>
    %swap3A_544 = vector.shape_cast %broadcast_in_dim3A_5 : vector<16xf32> to vector<1x16xf32>
    tpu.vector_store %arg9[%swap3A_540, %swap3A_541], %swap3A_544 {strides = array<i32>} : memref<16x128xf32, #tpu.memory_space<vmem>>, vector<1x16xf32>,
    %swap3A_545 = arith.constant 11 : i32
    %swap3A_546 = arith.index_cast %swap3A_545 : i32 to index
    %swap3A_547 = arith.constant 32 : index
    %swap3A_548 = tpu.vector_load %arg9[%swap3A_546, %swap3A_547] {strides = array<i32>} : memref<16x128xf32, #tpu.memory_space<vmem>>, vector<1x16xf32>,
    %swap3A_549 = vector.shape_cast %swap3A_548 : vector<1x16xf32> to vector<16xf32>
    %swap3A_550 = vector.shape_cast %broadcast_in_dim3A_5 : vector<16xf32> to vector<1x16xf32>
    tpu.vector_store %arg9[%swap3A_546, %swap3A_547], %swap3A_550 {strides = array<i32>} : memref<16x128xf32, #tpu.memory_space<vmem>>, vector<1x16xf32>,
    %swap3A_551 = arith.constant 11 : i32
    %swap3A_552 = arith.index_cast %swap3A_551 : i32 to index
    %swap3A_553 = arith.constant 48 : index
    %swap3A_554 = tpu.vector_load %arg9[%swap3A_552, %swap3A_553] {strides = array<i32>} : memref<16x128xf32, #tpu.memory_space<vmem>>, vector<1x16xf32>,
    %swap3A_555 = vector.shape_cast %swap3A_554 : vector<1x16xf32> to vector<16xf32>
    %swap3A_556 = vector.shape_cast %broadcast_in_dim3A_5 : vector<16xf32> to vector<1x16xf32>
    tpu.vector_store %arg9[%swap3A_552, %swap3A_553], %swap3A_556 {strides = array<i32>} : memref<16x128xf32, #tpu.memory_space<vmem>>, vector<1x16xf32>,
    %swap3A_557 = arith.constant 11 : i32
    %swap3A_558 = arith.index_cast %swap3A_557 : i32 to index
    %swap3A_559 = arith.constant 64 : index
    %swap3A_560 = tpu.vector_load %arg9[%swap3A_558, %swap3A_559] {strides = array<i32>} : memref<16x128xf32, #tpu.memory_space<vmem>>, vector<1x16xf32>,
    %swap3A_561 = vector.shape_cast %swap3A_560 : vector<1x16xf32> to vector<16xf32>
    %swap3A_562 = vector.shape_cast %broadcast_in_dim3A_5 : vector<16xf32> to vector<1x16xf32>
    tpu.vector_store %arg9[%swap3A_558, %swap3A_559], %swap3A_562 {strides = array<i32>} : memref<16x128xf32, #tpu.memory_space<vmem>>, vector<1x16xf32>,
    %swap3A_563 = arith.constant 11 : i32
    %swap3A_564 = arith.index_cast %swap3A_563 : i32 to index
    %swap3A_565 = arith.constant 80 : index
    %swap3A_566 = tpu.vector_load %arg9[%swap3A_564, %swap3A_565] {strides = array<i32>} : memref<16x128xf32, #tpu.memory_space<vmem>>, vector<1x16xf32>,
    %swap3A_567 = vector.shape_cast %swap3A_566 : vector<1x16xf32> to vector<16xf32>
    %swap3A_568 = vector.shape_cast %broadcast_in_dim3A_5 : vector<16xf32> to vector<1x16xf32>
    tpu.vector_store %arg9[%swap3A_564, %swap3A_565], %swap3A_568 {strides = array<i32>} : memref<16x128xf32, #tpu.memory_space<vmem>>, vector<1x16xf32>,
    %swap3A_569 = arith.constant 11 : i32
    %swap3A_570 = arith.index_cast %swap3A_569 : i32 to index
    %swap3A_571 = arith.constant 96 : index
    %swap3A_572 = tpu.vector_load %arg9[%swap3A_570, %swap3A_571] {strides = array<i32>} : memref<16x128xf32, #tpu.memory_space<vmem>>, vector<1x16xf32>,
    %swap3A_573 = vector.shape_cast %swap3A_572 : vector<1x16xf32> to vector<16xf32>
    %swap3A_574 = vector.shape_cast %broadcast_in_dim3A_5 : vector<16xf32> to vector<1x16xf32>
    tpu.vector_store %arg9[%swap3A_570, %swap3A_571], %swap3A_574 {strides = array<i32>} : memref<16x128xf32, #tpu.memory_space<vmem>>, vector<1x16xf32>,
    %swap3A_575 = arith.constant 11 : i32
    %swap3A_576 = arith.index_cast %swap3A_575 : i32 to index
    %swap3A_577 = arith.constant 112 : index
    %swap3A_578 = tpu.vector_load %arg9[%swap3A_576, %swap3A_577] {strides = array<i32>} : memref<16x128xf32, #tpu.memory_space<vmem>>, vector<1x16xf32>,
    %swap3A_579 = vector.shape_cast %swap3A_578 : vector<1x16xf32> to vector<16xf32>
    %swap3A_580 = vector.shape_cast %broadcast_in_dim3A_5 : vector<16xf32> to vector<1x16xf32>
    tpu.vector_store %arg9[%swap3A_576, %swap3A_577], %swap3A_580 {strides = array<i32>} : memref<16x128xf32, #tpu.memory_space<vmem>>, vector<1x16xf32>,
    %swap3A_581 = arith.constant 12 : i32
    %swap3A_582 = arith.index_cast %swap3A_581 : i32 to index
    %swap3A_583 = arith.constant 0 : index
    %swap3A_584 = tpu.vector_load %arg9[%swap3A_582, %swap3A_583] {strides = array<i32>} : memref<16x128xf32, #tpu.memory_space<vmem>>, vector<1x16xf32>,
    %swap3A_585 = vector.shape_cast %swap3A_584 : vector<1x16xf32> to vector<16xf32>
    %swap3A_586 = vector.shape_cast %broadcast_in_dim3A_5 : vector<16xf32> to vector<1x16xf32>
    tpu.vector_store %arg9[%swap3A_582, %swap3A_583], %swap3A_586 {strides = array<i32>} : memref<16x128xf32, #tpu.memory_space<vmem>>, vector<1x16xf32>,
    %swap3A_587 = arith.constant 12 : i32
    %swap3A_588 = arith.index_cast %swap3A_587 : i32 to index
    %swap3A_589 = arith.constant 16 : index
    %swap3A_590 = tpu.vector_load %arg9[%swap3A_588, %swap3A_589] {strides = array<i32>} : memref<16x128xf32, #tpu.memory_space<vmem>>, vector<1x16xf32>,
    %swap3A_591 = vector.shape_cast %swap3A_590 : vector<1x16xf32> to vector<16xf32>
    %swap3A_592 = vector.shape_cast %broadcast_in_dim3A_5 : vector<16xf32> to vector<1x16xf32>
    tpu.vector_store %arg9[%swap3A_588, %swap3A_589], %swap3A_592 {strides = array<i32>} : memref<16x128xf32, #tpu.memory_space<vmem>>, vector<1x16xf32>,
    %swap3A_593 = arith.constant 12 : i32
    %swap3A_594 = arith.index_cast %swap3A_593 : i32 to index
    %swap3A_595 = arith.constant 32 : index
    %swap3A_596 = tpu.vector_load %arg9[%swap3A_594, %swap3A_595] {strides = array<i32>} : memref<16x128xf32, #tpu.memory_space<vmem>>, vector<1x16xf32>,
    %swap3A_597 = vector.shape_cast %swap3A_596 : vector<1x16xf32> to vector<16xf32>
    %swap3A_598 = vector.shape_cast %broadcast_in_dim3A_5 : vector<16xf32> to vector<1x16xf32>
    tpu.vector_store %arg9[%swap3A_594, %swap3A_595], %swap3A_598 {strides = array<i32>} : memref<16x128xf32, #tpu.memory_space<vmem>>, vector<1x16xf32>,
    %swap3A_599 = arith.constant 12 : i32
    %swap3A_600 = arith.index_cast %swap3A_599 : i32 to index
    %swap3A_601 = arith.constant 48 : index
    %swap3A_602 = tpu.vector_load %arg9[%swap3A_600, %swap3A_601] {strides = array<i32>} : memref<16x128xf32, #tpu.memory_space<vmem>>, vector<1x16xf32>,
    %swap3A_603 = vector.shape_cast %swap3A_602 : vector<1x16xf32> to vector<16xf32>
    %swap3A_604 = vector.shape_cast %broadcast_in_dim3A_5 : vector<16xf32> to vector<1x16xf32>
    tpu.vector_store %arg9[%swap3A_600, %swap3A_601], %swap3A_604 {strides = array<i32>} : memref<16x128xf32, #tpu.memory_space<vmem>>, vector<1x16xf32>,
    %swap3A_605 = arith.constant 12 : i32
    %swap3A_606 = arith.index_cast %swap3A_605 : i32 to index
    %swap3A_607 = arith.constant 64 : index
    %swap3A_608 = tpu.vector_load %arg9[%swap3A_606, %swap3A_607] {strides = array<i32>} : memref<16x128xf32, #tpu.memory_space<vmem>>, vector<1x16xf32>,
    %swap3A_609 = vector.shape_cast %swap3A_608 : vector<1x16xf32> to vector<16xf32>
    %swap3A_610 = vector.shape_cast %broadcast_in_dim3A_5 : vector<16xf32> to vector<1x16xf32>
    tpu.vector_store %arg9[%swap3A_606, %swap3A_607], %swap3A_610 {strides = array<i32>} : memref<16x128xf32, #tpu.memory_space<vmem>>, vector<1x16xf32>,
    %swap3A_611 = arith.constant 12 : i32
    %swap3A_612 = arith.index_cast %swap3A_611 : i32 to index
    %swap3A_613 = arith.constant 80 : index
    %swap3A_614 = tpu.vector_load %arg9[%swap3A_612, %swap3A_613] {strides = array<i32>} : memref<16x128xf32, #tpu.memory_space<vmem>>, vector<1x16xf32>,
    %swap3A_615 = vector.shape_cast %swap3A_614 : vector<1x16xf32> to vector<16xf32>
    %swap3A_616 = vector.shape_cast %broadcast_in_dim3A_5 : vector<16xf32> to vector<1x16xf32>
    tpu.vector_store %arg9[%swap3A_612, %swap3A_613], %swap3A_616 {strides = array<i32>} : memref<16x128xf32, #tpu.memory_space<vmem>>, vector<1x16xf32>,
    %swap3A_617 = arith.constant 12 : i32
    %swap3A_618 = arith.index_cast %swap3A_617 : i32 to index
    %swap3A_619 = arith.constant 96 : index
    %swap3A_620 = tpu.vector_load %arg9[%swap3A_618, %swap3A_619] {strides = array<i32>} : memref<16x128xf32, #tpu.memory_space<vmem>>, vector<1x16xf32>,
    %swap3A_621 = vector.shape_cast %swap3A_620 : vector<1x16xf32> to vector<16xf32>
    %swap3A_622 = vector.shape_cast %broadcast_in_dim3A_5 : vector<16xf32> to vector<1x16xf32>
    tpu.vector_store %arg9[%swap3A_618, %swap3A_619], %swap3A_622 {strides = array<i32>} : memref<16x128xf32, #tpu.memory_space<vmem>>, vector<1x16xf32>,
    %swap3A_623 = arith.constant 12 : i32
    %swap3A_624 = arith.index_cast %swap3A_623 : i32 to index
    %swap3A_625 = arith.constant 112 : index
    %swap3A_626 = tpu.vector_load %arg9[%swap3A_624, %swap3A_625] {strides = array<i32>} : memref<16x128xf32, #tpu.memory_space<vmem>>, vector<1x16xf32>,
    %swap3A_627 = vector.shape_cast %swap3A_626 : vector<1x16xf32> to vector<16xf32>
    %swap3A_628 = vector.shape_cast %broadcast_in_dim3A_5 : vector<16xf32> to vector<1x16xf32>
    tpu.vector_store %arg9[%swap3A_624, %swap3A_625], %swap3A_628 {strides = array<i32>} : memref<16x128xf32, #tpu.memory_space<vmem>>, vector<1x16xf32>,
    %swap3A_629 = arith.constant 13 : i32
    %swap3A_630 = arith.index_cast %swap3A_629 : i32 to index
    %swap3A_631 = arith.constant 0 : index
    %swap3A_632 = tpu.vector_load %arg9[%swap3A_630, %swap3A_631] {strides = array<i32>} : memref<16x128xf32, #tpu.memory_space<vmem>>, vector<1x16xf32>,
    %swap3A_633 = vector.shape_cast %swap3A_632 : vector<1x16xf32> to vector<16xf32>
    %swap3A_634 = vector.shape_cast %broadcast_in_dim3A_5 : vector<16xf32> to vector<1x16xf32>
    tpu.vector_store %arg9[%swap3A_630, %swap3A_631], %swap3A_634 {strides = array<i32>} : memref<16x128xf32, #tpu.memory_space<vmem>>, vector<1x16xf32>,
    %swap3A_635 = arith.constant 13 : i32
    %swap3A_636 = arith.index_cast %swap3A_635 : i32 to index
    %swap3A_637 = arith.constant 16 : index
    %swap3A_638 = tpu.vector_load %arg9[%swap3A_636, %swap3A_637] {strides = array<i32>} : memref<16x128xf32, #tpu.memory_space<vmem>>, vector<1x16xf32>,
    %swap3A_639 = vector.shape_cast %swap3A_638 : vector<1x16xf32> to vector<16xf32>
    %swap3A_640 = vector.shape_cast %broadcast_in_dim3A_5 : vector<16xf32> to vector<1x16xf32>
    tpu.vector_store %arg9[%swap3A_636, %swap3A_637], %swap3A_640 {strides = array<i32>} : memref<16x128xf32, #tpu.memory_space<vmem>>, vector<1x16xf32>,
    %swap3A_641 = arith.constant 13 : i32
    %swap3A_642 = arith.index_cast %swap3A_641 : i32 to index
    %swap3A_643 = arith.constant 32 : index
    %swap3A_644 = tpu.vector_load %arg9[%swap3A_642, %swap3A_643] {strides = array<i32>} : memref<16x128xf32, #tpu.memory_space<vmem>>, vector<1x16xf32>,
    %swap3A_645 = vector.shape_cast %swap3A_644 : vector<1x16xf32> to vector<16xf32>
    %swap3A_646 = vector.shape_cast %broadcast_in_dim3A_5 : vector<16xf32> to vector<1x16xf32>
    tpu.vector_store %arg9[%swap3A_642, %swap3A_643], %swap3A_646 {strides = array<i32>} : memref<16x128xf32, #tpu.memory_space<vmem>>, vector<1x16xf32>,
    %swap3A_647 = arith.constant 13 : i32
    %swap3A_648 = arith.index_cast %swap3A_647 : i32 to index
    %swap3A_649 = arith.constant 48 : index
    %swap3A_650 = tpu.vector_load %arg9[%swap3A_648, %swap3A_649] {strides = array<i32>} : memref<16x128xf32, #tpu.memory_space<vmem>>, vector<1x16xf32>,
    %swap3A_651 = vector.shape_cast %swap3A_650 : vector<1x16xf32> to vector<16xf32>
    %swap3A_652 = vector.shape_cast %broadcast_in_dim3A_5 : vector<16xf32> to vector<1x16xf32>
    tpu.vector_store %arg9[%swap3A_648, %swap3A_649], %swap3A_652 {strides = array<i32>} : memref<16x128xf32, #tpu.memory_space<vmem>>, vector<1x16xf32>,
    %swap3A_653 = arith.constant 13 : i32
    %swap3A_654 = arith.index_cast %swap3A_653 : i32 to index
    %swap3A_655 = arith.constant 64 : index
    %swap3A_656 = tpu.vector_load %arg9[%swap3A_654, %swap3A_655] {strides = array<i32>} : memref<16x128xf32, #tpu.memory_space<vmem>>, vector<1x16xf32>,
    %swap3A_657 = vector.shape_cast %swap3A_656 : vector<1x16xf32> to vector<16xf32>
    %swap3A_658 = vector.shape_cast %broadcast_in_dim3A_5 : vector<16xf32> to vector<1x16xf32>
    tpu.vector_store %arg9[%swap3A_654, %swap3A_655], %swap3A_658 {strides = array<i32>} : memref<16x128xf32, #tpu.memory_space<vmem>>, vector<1x16xf32>,
    %swap3A_659 = arith.constant 13 : i32
    %swap3A_660 = arith.index_cast %swap3A_659 : i32 to index
    %swap3A_661 = arith.constant 80 : index
    %swap3A_662 = tpu.vector_load %arg9[%swap3A_660, %swap3A_661] {strides = array<i32>} : memref<16x128xf32, #tpu.memory_space<vmem>>, vector<1x16xf32>,
    %swap3A_663 = vector.shape_cast %swap3A_662 : vector<1x16xf32> to vector<16xf32>
    %swap3A_664 = vector.shape_cast %broadcast_in_dim3A_5 : vector<16xf32> to vector<1x16xf32>
    tpu.vector_store %arg9[%swap3A_660, %swap3A_661], %swap3A_664 {strides = array<i32>} : memref<16x128xf32, #tpu.memory_space<vmem>>, vector<1x16xf32>,
    %swap3A_665 = arith.constant 13 : i32
    %swap3A_666 = arith.index_cast %swap3A_665 : i32 to index
    %swap3A_667 = arith.constant 96 : index
    %swap3A_668 = tpu.vector_load %arg9[%swap3A_666, %swap3A_667] {strides = array<i32>} : memref<16x128xf32, #tpu.memory_space<vmem>>, vector<1x16xf32>,
    %swap3A_669 = vector.shape_cast %swap3A_668 : vector<1x16xf32> to vector<16xf32>
    %swap3A_670 = vector.shape_cast %broadcast_in_dim3A_5 : vector<16xf32> to vector<1x16xf32>
    tpu.vector_store %arg9[%swap3A_666, %swap3A_667], %swap3A_670 {strides = array<i32>} : memref<16x128xf32, #tpu.memory_space<vmem>>, vector<1x16xf32>,
    %swap3A_671 = arith.constant 13 : i32
    %swap3A_672 = arith.index_cast %swap3A_671 : i32 to index
    %swap3A_673 = arith.constant 112 : index
    %swap3A_674 = tpu.vector_load %arg9[%swap3A_672, %swap3A_673] {strides = array<i32>} : memref<16x128xf32, #tpu.memory_space<vmem>>, vector<1x16xf32>,
    %swap3A_675 = vector.shape_cast %swap3A_674 : vector<1x16xf32> to vector<16xf32>
    %swap3A_676 = vector.shape_cast %broadcast_in_dim3A_5 : vector<16xf32> to vector<1x16xf32>
    tpu.vector_store %arg9[%swap3A_672, %swap3A_673], %swap3A_676 {strides = array<i32>} : memref<16x128xf32, #tpu.memory_space<vmem>>, vector<1x16xf32>,
    %swap3A_677 = arith.constant 14 : i32
    %swap3A_678 = arith.index_cast %swap3A_677 : i32 to index
    %swap3A_679 = arith.constant 0 : index
    %swap3A_680 = tpu.vector_load %arg9[%swap3A_678, %swap3A_679] {strides = array<i32>} : memref<16x128xf32, #tpu.memory_space<vmem>>, vector<1x16xf32>,
    %swap3A_681 = vector.shape_cast %swap3A_680 : vector<1x16xf32> to vector<16xf32>
    %swap3A_682 = vector.shape_cast %broadcast_in_dim3A_5 : vector<16xf32> to vector<1x16xf32>
    tpu.vector_store %arg9[%swap3A_678, %swap3A_679], %swap3A_682 {strides = array<i32>} : memref<16x128xf32, #tpu.memory_space<vmem>>, vector<1x16xf32>,
    %swap3A_683 = arith.constant 14 : i32
    %swap3A_684 = arith.index_cast %swap3A_683 : i32 to index
    %swap3A_685 = arith.constant 16 : index
    %swap3A_686 = tpu.vector_load %arg9[%swap3A_684, %swap3A_685] {strides = array<i32>} : memref<16x128xf32, #tpu.memory_space<vmem>>, vector<1x16xf32>,
    %swap3A_687 = vector.shape_cast %swap3A_686 : vector<1x16xf32> to vector<16xf32>
    %swap3A_688 = vector.shape_cast %broadcast_in_dim3A_5 : vector<16xf32> to vector<1x16xf32>
    tpu.vector_store %arg9[%swap3A_684, %swap3A_685], %swap3A_688 {strides = array<i32>} : memref<16x128xf32, #tpu.memory_space<vmem>>, vector<1x16xf32>,
    %swap3A_689 = arith.constant 14 : i32
    %swap3A_690 = arith.index_cast %swap3A_689 : i32 to index
    %swap3A_691 = arith.constant 32 : index
    %swap3A_692 = tpu.vector_load %arg9[%swap3A_690, %swap3A_691] {strides = array<i32>} : memref<16x128xf32, #tpu.memory_space<vmem>>, vector<1x16xf32>,
    %swap3A_693 = vector.shape_cast %swap3A_692 : vector<1x16xf32> to vector<16xf32>
    %swap3A_694 = vector.shape_cast %broadcast_in_dim3A_5 : vector<16xf32> to vector<1x16xf32>
    tpu.vector_store %arg9[%swap3A_690, %swap3A_691], %swap3A_694 {strides = array<i32>} : memref<16x128xf32, #tpu.memory_space<vmem>>, vector<1x16xf32>,
    %swap3A_695 = arith.constant 14 : i32
    %swap3A_696 = arith.index_cast %swap3A_695 : i32 to index
    %swap3A_697 = arith.constant 48 : index
    %swap3A_698 = tpu.vector_load %arg9[%swap3A_696, %swap3A_697] {strides = array<i32>} : memref<16x128xf32, #tpu.memory_space<vmem>>, vector<1x16xf32>,
    %swap3A_699 = vector.shape_cast %swap3A_698 : vector<1x16xf32> to vector<16xf32>
    %swap3A_700 = vector.shape_cast %broadcast_in_dim3A_5 : vector<16xf32> to vector<1x16xf32>
    tpu.vector_store %arg9[%swap3A_696, %swap3A_697], %swap3A_700 {strides = array<i32>} : memref<16x128xf32, #tpu.memory_space<vmem>>, vector<1x16xf32>,
    %swap3A_701 = arith.constant 14 : i32
    %swap3A_702 = arith.index_cast %swap3A_701 : i32 to index
    %swap3A_703 = arith.constant 64 : index
    %swap3A_704 = tpu.vector_load %arg9[%swap3A_702, %swap3A_703] {strides = array<i32>} : memref<16x128xf32, #tpu.memory_space<vmem>>, vector<1x16xf32>,
    %swap3A_705 = vector.shape_cast %swap3A_704 : vector<1x16xf32> to vector<16xf32>
    %swap3A_706 = vector.shape_cast %broadcast_in_dim3A_5 : vector<16xf32> to vector<1x16xf32>
    tpu.vector_store %arg9[%swap3A_702, %swap3A_703], %swap3A_706 {strides = array<i32>} : memref<16x128xf32, #tpu.memory_space<vmem>>, vector<1x16xf32>,
    %swap3A_707 = arith.constant 14 : i32
    %swap3A_708 = arith.index_cast %swap3A_707 : i32 to index
    %swap3A_709 = arith.constant 80 : index
    %swap3A_710 = tpu.vector_load %arg9[%swap3A_708, %swap3A_709] {strides = array<i32>} : memref<16x128xf32, #tpu.memory_space<vmem>>, vector<1x16xf32>,
    %swap3A_711 = vector.shape_cast %swap3A_710 : vector<1x16xf32> to vector<16xf32>
    %swap3A_712 = vector.shape_cast %broadcast_in_dim3A_5 : vector<16xf32> to vector<1x16xf32>
    tpu.vector_store %arg9[%swap3A_708, %swap3A_709], %swap3A_712 {strides = array<i32>} : memref<16x128xf32, #tpu.memory_space<vmem>>, vector<1x16xf32>,
    %swap3A_713 = arith.constant 14 : i32
    %swap3A_714 = arith.index_cast %swap3A_713 : i32 to index
    %swap3A_715 = arith.constant 96 : index
    %swap3A_716 = tpu.vector_load %arg9[%swap3A_714, %swap3A_715] {strides = array<i32>} : memref<16x128xf32, #tpu.memory_space<vmem>>, vector<1x16xf32>,
    %swap3A_717 = vector.shape_cast %swap3A_716 : vector<1x16xf32> to vector<16xf32>
    %swap3A_718 = vector.shape_cast %broadcast_in_dim3A_5 : vector<16xf32> to vector<1x16xf32>
    tpu.vector_store %arg9[%swap3A_714, %swap3A_715], %swap3A_718 {strides = array<i32>} : memref<16x128xf32, #tpu.memory_space<vmem>>, vector<1x16xf32>,
    %swap3A_719 = arith.constant 14 : i32
    %swap3A_720 = arith.index_cast %swap3A_719 : i32 to index
    %swap3A_721 = arith.constant 112 : index
    %swap3A_722 = tpu.vector_load %arg9[%swap3A_720, %swap3A_721] {strides = array<i32>} : memref<16x128xf32, #tpu.memory_space<vmem>>, vector<1x16xf32>,
    %swap3A_723 = vector.shape_cast %swap3A_722 : vector<1x16xf32> to vector<16xf32>
    %swap3A_724 = vector.shape_cast %broadcast_in_dim3A_5 : vector<16xf32> to vector<1x16xf32>
    tpu.vector_store %arg9[%swap3A_720, %swap3A_721], %swap3A_724 {strides = array<i32>} : memref<16x128xf32, #tpu.memory_space<vmem>>, vector<1x16xf32>,
    %swap3A_725 = arith.constant 15 : i32
    %swap3A_726 = arith.index_cast %swap3A_725 : i32 to index
    %swap3A_727 = arith.constant 0 : index
    %swap3A_728 = tpu.vector_load %arg9[%swap3A_726, %swap3A_727] {strides = array<i32>} : memref<16x128xf32, #tpu.memory_space<vmem>>, vector<1x16xf32>,
    %swap3A_729 = vector.shape_cast %swap3A_728 : vector<1x16xf32> to vector<16xf32>
    %swap3A_730 = vector.shape_cast %broadcast_in_dim3A_5 : vector<16xf32> to vector<1x16xf32>
    tpu.vector_store %arg9[%swap3A_726, %swap3A_727], %swap3A_730 {strides = array<i32>} : memref<16x128xf32, #tpu.memory_space<vmem>>, vector<1x16xf32>,
    %swap3A_731 = arith.constant 15 : i32
    %swap3A_732 = arith.index_cast %swap3A_731 : i32 to index
    %swap3A_733 = arith.constant 16 : index
    %swap3A_734 = tpu.vector_load %arg9[%swap3A_732, %swap3A_733] {strides = array<i32>} : memref<16x128xf32, #tpu.memory_space<vmem>>, vector<1x16xf32>,
    %swap3A_735 = vector.shape_cast %swap3A_734 : vector<1x16xf32> to vector<16xf32>
    %swap3A_736 = vector.shape_cast %broadcast_in_dim3A_5 : vector<16xf32> to vector<1x16xf32>
    tpu.vector_store %arg9[%swap3A_732, %swap3A_733], %swap3A_736 {strides = array<i32>} : memref<16x128xf32, #tpu.memory_space<vmem>>, vector<1x16xf32>,
    %swap3A_737 = arith.constant 15 : i32
    %swap3A_738 = arith.index_cast %swap3A_737 : i32 to index
    %swap3A_739 = arith.constant 32 : index
    %swap3A_740 = tpu.vector_load %arg9[%swap3A_738, %swap3A_739] {strides = array<i32>} : memref<16x128xf32, #tpu.memory_space<vmem>>, vector<1x16xf32>,
    %swap3A_741 = vector.shape_cast %swap3A_740 : vector<1x16xf32> to vector<16xf32>
    %swap3A_742 = vector.shape_cast %broadcast_in_dim3A_5 : vector<16xf32> to vector<1x16xf32>
    tpu.vector_store %arg9[%swap3A_738, %swap3A_739], %swap3A_742 {strides = array<i32>} : memref<16x128xf32, #tpu.memory_space<vmem>>, vector<1x16xf32>,
    %swap3A_743 = arith.constant 15 : i32
    %swap3A_744 = arith.index_cast %swap3A_743 : i32 to index
    %swap3A_745 = arith.constant 48 : index
    %swap3A_746 = tpu.vector_load %arg9[%swap3A_744, %swap3A_745] {strides = array<i32>} : memref<16x128xf32, #tpu.memory_space<vmem>>, vector<1x16xf32>,
    %swap3A_747 = vector.shape_cast %swap3A_746 : vector<1x16xf32> to vector<16xf32>
    %swap3A_748 = vector.shape_cast %broadcast_in_dim3A_5 : vector<16xf32> to vector<1x16xf32>
    tpu.vector_store %arg9[%swap3A_744, %swap3A_745], %swap3A_748 {strides = array<i32>} : memref<16x128xf32, #tpu.memory_space<vmem>>, vector<1x16xf32>,
    %swap3A_749 = arith.constant 15 : i32
    %swap3A_750 = arith.index_cast %swap3A_749 : i32 to index
    %swap3A_751 = arith.constant 64 : index
    %swap3A_752 = tpu.vector_load %arg9[%swap3A_750, %swap3A_751] {strides = array<i32>} : memref<16x128xf32, #tpu.memory_space<vmem>>, vector<1x16xf32>,
    %swap3A_753 = vector.shape_cast %swap3A_752 : vector<1x16xf32> to vector<16xf32>
    %swap3A_754 = vector.shape_cast %broadcast_in_dim3A_5 : vector<16xf32> to vector<1x16xf32>
    tpu.vector_store %arg9[%swap3A_750, %swap3A_751], %swap3A_754 {strides = array<i32>} : memref<16x128xf32, #tpu.memory_space<vmem>>, vector<1x16xf32>,
    %swap3A_755 = arith.constant 15 : i32
    %swap3A_756 = arith.index_cast %swap3A_755 : i32 to index
    %swap3A_757 = arith.constant 80 : index
    %swap3A_758 = tpu.vector_load %arg9[%swap3A_756, %swap3A_757] {strides = array<i32>} : memref<16x128xf32, #tpu.memory_space<vmem>>, vector<1x16xf32>,
    %swap3A_759 = vector.shape_cast %swap3A_758 : vector<1x16xf32> to vector<16xf32>
    %swap3A_760 = vector.shape_cast %broadcast_in_dim3A_5 : vector<16xf32> to vector<1x16xf32>
    tpu.vector_store %arg9[%swap3A_756, %swap3A_757], %swap3A_760 {strides = array<i32>} : memref<16x128xf32, #tpu.memory_space<vmem>>, vector<1x16xf32>,
    %swap3A_761 = arith.constant 15 : i32
    %swap3A_762 = arith.index_cast %swap3A_761 : i32 to index
    %swap3A_763 = arith.constant 96 : index
    %swap3A_764 = tpu.vector_load %arg9[%swap3A_762, %swap3A_763] {strides = array<i32>} : memref<16x128xf32, #tpu.memory_space<vmem>>, vector<1x16xf32>,
    %swap3A_765 = vector.shape_cast %swap3A_764 : vector<1x16xf32> to vector<16xf32>
    %swap3A_766 = vector.shape_cast %broadcast_in_dim3A_5 : vector<16xf32> to vector<1x16xf32>
    tpu.vector_store %arg9[%swap3A_762, %swap3A_763], %swap3A_766 {strides = array<i32>} : memref<16x128xf32, #tpu.memory_space<vmem>>, vector<1x16xf32>,
    %swap3A_767 = arith.constant 15 : i32
    %swap3A_768 = arith.index_cast %swap3A_767 : i32 to index
    %swap3A_769 = arith.constant 112 : index
    %swap3A_770 = tpu.vector_load %arg9[%swap3A_768, %swap3A_769] {strides = array<i32>} : memref<16x128xf32, #tpu.memory_space<vmem>>, vector<1x16xf32>,
    %swap3A_771 = vector.shape_cast %swap3A_770 : vector<1x16xf32> to vector<16xf32>
    %swap3A_772 = vector.shape_cast %broadcast_in_dim3A_5 : vector<16xf32> to vector<1x16xf32>
    tpu.vector_store %arg9[%swap3A_768, %swap3A_769], %swap3A_772 {strides = array<i32>} : memref<16x128xf32, #tpu.memory_space<vmem>>, vector<1x16xf32>,
    %scan3A = arith.constant 0 : i32
    %scan3A_773 = arith.constant 0 : i32
    %scan3A_774 = arith.constant 40 : i32
    %scan3A_775 = arith.addi %scan3A_773, %scan3A_774 : i32
    %scan3A_776 = arith.constant 1 : i32
    scf.for %scan3A_791 = %scan3A_773 to %scan3A_775 step %scan3A_776  : i32 {
      %mul3A_792 = arith.constant 640 : i32
      %mul3A_793 = arith.muli %arg1, %mul3A_792 : i32
      %mul3A_794 = arith.constant 16 : i32
      %mul3A_795 = arith.muli %scan3A_791, %mul3A_794 : i32
      %add3A_796 = arith.addi %mul3A_793, %mul3A_795 : i32
      "tpu.region"() ({
        %run_scoped3A = tpu.sem_alloc : memref<!tpu.dma_semaphore, #tpu.memory_space<semaphore_mem>>
        %dma_start3A = arith.constant 0 : i32
        %dma_start3A_797 = tpu.memref_slice %arg11[%add3A_796, %dma_start3A] : memref<10240x128xf32, #tpu.memory_space<vmem_shared>> -> memref<16x128xf32, #tpu.memory_space<vmem_shared>>
        %dma_start3A_798 = arith.constant 0 : i32
        %dma_start3A_799 = tpu.memref_slice %arg11[%add3A_796, %dma_start3A_798] : memref<10240x128xf32, #tpu.memory_space<vmem_shared>> -> memref<16x128xf32, #tpu.memory_space<vmem_shared>>
        tpu.enqueue_dma source(%arg9 : memref<16x128xf32, #tpu.memory_space<vmem>>) target(%dma_start3A_799 : memref<16x128xf32, #tpu.memory_space<vmem_shared>>) target_semaphore(%run_scoped3A : memref<!tpu.dma_semaphore, #tpu.memory_space<semaphore_mem>>)
        %dma_wait3A = arith.constant 0 : i32
        %dma_wait3A_800 = tpu.memref_slice %arg11[%add3A_796, %dma_wait3A] : memref<10240x128xf32, #tpu.memory_space<vmem_shared>> -> memref<16x128xf32, #tpu.memory_space<vmem_shared>>
        %dma_wait3A_801 = arith.constant 0 : i32
        %dma_wait3A_802 = tpu.memref_slice %arg11[%add3A_796, %dma_wait3A_801] : memref<10240x128xf32, #tpu.memory_space<vmem_shared>> -> memref<16x128xf32, #tpu.memory_space<vmem_shared>>
        tpu.wait_dma2 semaphore(%run_scoped3A : memref<!tpu.dma_semaphore, #tpu.memory_space<semaphore_mem>>) src(%arg9 : memref<16x128xf32, #tpu.memory_space<vmem>>) dst(%dma_wait3A_802 : memref<16x128xf32, #tpu.memory_space<vmem_shared>>)
        tpu.yield
      }) : () -> ()
    }
    %scan3A_777 = arith.constant 40 : i32
    %barrier3A = arith.constant 0 : index
    tpu.barrier barrier_id(%barrier3A)
    %scan3A_778 = arith.constant 0 : i32
    %scan3A_779 = arith.constant 0 : i32
    %scan3A_780 = arith.constant 80 : i32
    %scan3A_781 = arith.addi %scan3A_779, %scan3A_780 : i32
    %scan3A_782 = arith.constant 1 : i32
    scf.for %scan3A_791 = %scan3A_779 to %scan3A_781 step %scan3A_782  : i32 {
      %dma_start3A = arith.constant 0 : i32
      %dma_start3A_792 = tpu.memref_slice %arg7[%scan3A_791, %dma_start3A] : memref<80x128xi32, #tpu.memory_space<vmem>> -> memref<1x128xi32, #tpu.memory_space<vmem>>
      %dma_start3A_793 = tpu.memref_squeeze %dma_start3A_792 : memref<1x128xi32, #tpu.memory_space<vmem>> -> memref<128xi32, #tpu.memory_space<vmem>>
      %dma_start3A_794 = arith.constant 0 : i32
      %dma_start3A_795 = arith.constant 0 : i32
      %dma_start3A_796 = tpu.memref_slice %arg2[%dma_start3A_794, %dma_start3A_795] : memref<10000x128xf32, #tpu.memory_space<hbm>> -> memref<10000x128xf32, #tpu.memory_space<hbm>>
      tpu.enqueue_indirect_dma source(%dma_start3A_796 : memref<10000x128xf32, #tpu.memory_space<hbm>>) target(%arg10 : memref<128x128xf32, #tpu.memory_space<vmem>>) offsets(%dma_start3A_793 : memref<128xi32, #tpu.memory_space<vmem>>) semaphore(%arg12 : memref<!tpu.dma_semaphore, #tpu.memory_space<semaphore_mem>>)
      %dma_wait3A = arith.constant 0 : i32
      %dma_wait3A_797 = tpu.memref_slice %arg7[%scan3A_791, %dma_wait3A] : memref<80x128xi32, #tpu.memory_space<vmem>> -> memref<1x128xi32, #tpu.memory_space<vmem>>
      %dma_wait3A_798 = tpu.memref_squeeze %dma_wait3A_797 : memref<1x128xi32, #tpu.memory_space<vmem>> -> memref<128xi32, #tpu.memory_space<vmem>>
      %dma_wait3A_799 = arith.constant 0 : i32
      %dma_wait3A_800 = arith.constant 0 : i32
      %dma_wait3A_801 = tpu.memref_slice %arg2[%dma_wait3A_799, %dma_wait3A_800] : memref<10000x128xf32, #tpu.memory_space<hbm>> -> memref<10000x128xf32, #tpu.memory_space<hbm>>
      tpu.wait_indirect_dma semaphore(%arg12 : memref<!tpu.dma_semaphore, #tpu.memory_space<semaphore_mem>>) src(%dma_wait3A_801 : memref<10000x128xf32, #tpu.memory_space<hbm>>) dst(%arg10 : memref<128x128xf32, #tpu.memory_space<vmem>>)
      "tpu.region"() ({
        %run_scoped3A = tpu.sem_alloc : memref<!tpu.dma_semaphore, #tpu.memory_space<semaphore_mem>>
        %dma_start3A_802 = arith.constant 0 : i32
        %dma_start3A_803 = tpu.memref_slice %arg8[%scan3A_791, %dma_start3A_802] : memref<80x128xi32, #tpu.memory_space<vmem>> -> memref<1x128xi32, #tpu.memory_space<vmem>>
        %dma_start3A_804 = tpu.memref_squeeze %dma_start3A_803 : memref<1x128xi32, #tpu.memory_space<vmem>> -> memref<128xi32, #tpu.memory_space<vmem>>
        %dma_start3A_805 = arith.constant 0 : i32
        %dma_start3A_806 = arith.constant 0 : i32
        %dma_start3A_807 = tpu.memref_slice %arg11[%dma_start3A_805, %dma_start3A_806] : memref<10240x128xf32, #tpu.memory_space<vmem_shared>> -> memref<10240x128xf32, #tpu.memory_space<vmem_shared>>
        tpu.enqueue_indirect_dma source(%arg10 : memref<128x128xf32, #tpu.memory_space<vmem>>) target(%dma_start3A_807 : memref<10240x128xf32, #tpu.memory_space<vmem_shared>>) offsets(%dma_start3A_804 : memref<128xi32, #tpu.memory_space<vmem>>) semaphore(%run_scoped3A : memref<!tpu.dma_semaphore, #tpu.memory_space<semaphore_mem>>) {add = true}
        %dma_wait3A_808 = arith.constant 0 : i32
        %dma_wait3A_809 = tpu.memref_slice %arg8[%scan3A_791, %dma_wait3A_808] : memref<80x128xi32, #tpu.memory_space<vmem>> -> memref<1x128xi32, #tpu.memory_space<vmem>>
        %dma_wait3A_810 = tpu.memref_squeeze %dma_wait3A_809 : memref<1x128xi32, #tpu.memory_space<vmem>> -> memref<128xi32, #tpu.memory_space<vmem>>
        %dma_wait3A_811 = arith.constant 0 : i32
        %dma_wait3A_812 = arith.constant 0 : i32
        %dma_wait3A_813 = tpu.memref_slice %arg11[%dma_wait3A_811, %dma_wait3A_812] : memref<10240x128xf32, #tpu.memory_space<vmem_shared>> -> memref<10240x128xf32, #tpu.memory_space<vmem_shared>>
        tpu.wait_indirect_dma semaphore(%run_scoped3A : memref<!tpu.dma_semaphore, #tpu.memory_space<semaphore_mem>>) src(%arg10 : memref<128x128xf32, #tpu.memory_space<vmem>>) dst(%dma_wait3A_813 : memref<10240x128xf32, #tpu.memory_space<vmem_shared>>)
        tpu.yield
      }) : () -> ()
    }
    %scan3A_783 = arith.constant 80 : i32
    %barrier3A_784 = arith.constant 0 : index
    tpu.barrier barrier_id(%barrier3A_784)
    %scan3A_785 = arith.constant 0 : i32
    %scan3A_786 = arith.constant 0 : i32
    %scan3A_787 = arith.constant 5 : i32
    %scan3A_788 = arith.addi %scan3A_786, %scan3A_787 : i32
    %scan3A_789 = arith.constant 1 : i32
    scf.for %scan3A_791 = %scan3A_786 to %scan3A_788 step %scan3A_789  : i32 {
      %mul3A_792 = arith.constant 640 : i32
      %mul3A_793 = arith.muli %arg1, %mul3A_792 : i32
      %mul3A_794 = arith.constant 128 : i32
      %mul3A_795 = arith.muli %scan3A_791, %mul3A_794 : i32
      %add3A_796 = arith.addi %mul3A_793, %mul3A_795 : i32
      "tpu.region"() ({
        %run_scoped3A = tpu.sem_alloc : memref<!tpu.dma_semaphore, #tpu.memory_space<semaphore_mem>>
        %dma_start3A = arith.constant 0 : i32
        %dma_start3A_804 = tpu.memref_slice %arg11[%add3A_796, %dma_start3A] : memref<10240x128xf32, #tpu.memory_space<vmem_shared>> -> memref<128x128xf32, #tpu.memory_space<vmem_shared>>
        %dma_start3A_805 = arith.constant 0 : i32
        %dma_start3A_806 = tpu.memref_slice %arg11[%add3A_796, %dma_start3A_805] : memref<10240x128xf32, #tpu.memory_space<vmem_shared>> -> memref<128x128xf32, #tpu.memory_space<vmem_shared>>
        tpu.enqueue_dma source(%dma_start3A_806 : memref<128x128xf32, #tpu.memory_space<vmem_shared>>) target(%arg10 : memref<128x128xf32, #tpu.memory_space<vmem>>) target_semaphore(%run_scoped3A : memref<!tpu.dma_semaphore, #tpu.memory_space<semaphore_mem>>)
        %dma_wait3A = arith.constant 0 : i32
        %dma_wait3A_807 = tpu.memref_slice %arg11[%add3A_796, %dma_wait3A] : memref<10240x128xf32, #tpu.memory_space<vmem_shared>> -> memref<128x128xf32, #tpu.memory_space<vmem_shared>>
        %dma_wait3A_808 = arith.constant 0 : i32
        %dma_wait3A_809 = tpu.memref_slice %arg11[%add3A_796, %dma_wait3A_808] : memref<10240x128xf32, #tpu.memory_space<vmem_shared>> -> memref<128x128xf32, #tpu.memory_space<vmem_shared>>
        tpu.wait_dma2 semaphore(%run_scoped3A : memref<!tpu.dma_semaphore, #tpu.memory_space<semaphore_mem>>) src(%dma_wait3A_809 : memref<128x128xf32, #tpu.memory_space<vmem_shared>>) dst(%arg10 : memref<128x128xf32, #tpu.memory_space<vmem>>)
        tpu.yield
      }) : () -> ()
      %eq3A = arith.constant 0 : i32
      %eq3A_797 = arith.cmpi eq, %arg0, %eq3A : i32
      %convert_element_type3A = arith.extui %eq3A_797 : i1 to i32
      %cond3A = arith.constant 0 : i32
      %cond3A_798 = arith.cmpi ne, %convert_element_type3A, %cond3A : i32
      scf.if %cond3A_798 {
        "tpu.region"() ({
          %run_scoped3A = tpu.sem_alloc : memref<!tpu.dma_semaphore, #tpu.memory_space<semaphore_mem>>
          %dma_start3A = arith.constant 0 : i32
          %dma_start3A_804 = tpu.memref_slice %arg5[%add3A_796, %dma_start3A] : memref<10240x128xf32, #tpu.memory_space<hbm>> -> memref<128x128xf32, #tpu.memory_space<hbm>>
          %dma_start3A_805 = arith.constant 0 : i32
          %dma_start3A_806 = tpu.memref_slice %arg5[%add3A_796, %dma_start3A_805] : memref<10240x128xf32, #tpu.memory_space<hbm>> -> memref<128x128xf32, #tpu.memory_space<hbm>>
          tpu.enqueue_dma source(%arg10 : memref<128x128xf32, #tpu.memory_space<vmem>>) target(%dma_start3A_806 : memref<128x128xf32, #tpu.memory_space<hbm>>) target_semaphore(%run_scoped3A : memref<!tpu.dma_semaphore, #tpu.memory_space<semaphore_mem>>)
          %dma_wait3A = arith.constant 0 : i32
          %dma_wait3A_807 = tpu.memref_slice %arg5[%add3A_796, %dma_wait3A] : memref<10240x128xf32, #tpu.memory_space<hbm>> -> memref<128x128xf32, #tpu.memory_space<hbm>>
          %dma_wait3A_808 = arith.constant 0 : i32
          %dma_wait3A_809 = tpu.memref_slice %arg5[%add3A_796, %dma_wait3A_808] : memref<10240x128xf32, #tpu.memory_space<hbm>> -> memref<128x128xf32, #tpu.memory_space<hbm>>
          tpu.wait_dma2 semaphore(%run_scoped3A : memref<!tpu.dma_semaphore, #tpu.memory_space<semaphore_mem>>) src(%arg10 : memref<128x128xf32, #tpu.memory_space<vmem>>) dst(%dma_wait3A_809 : memref<128x128xf32, #tpu.memory_space<hbm>>)
          tpu.yield
        }) : () -> ()
      } else {
      }
      %eq3A_799 = arith.constant 1 : i32
      %eq3A_800 = arith.cmpi eq, %arg0, %eq3A_799 : i32
      %convert_element_type3A_801 = arith.extui %eq3A_800 : i1 to i32
      %cond3A_802 = arith.constant 0 : i32
      %cond3A_803 = arith.cmpi ne, %convert_element_type3A_801, %cond3A_802 : i32
      scf.if %cond3A_803 {
        "tpu.region"() ({
          %run_scoped3A = tpu.sem_alloc : memref<!tpu.dma_semaphore, #tpu.memory_space<semaphore_mem>>
          %dma_start3A = arith.constant 0 : i32
          %dma_start3A_804 = tpu.memref_slice %arg6[%add3A_796, %dma_start3A] : memref<10240x128xf32, #tpu.memory_space<hbm>> -> memref<128x128xf32, #tpu.memory_space<hbm>>
          %dma_start3A_805 = arith.constant 0 : i32
          %dma_start3A_806 = tpu.memref_slice %arg6[%add3A_796, %dma_start3A_805] : memref<10240x128xf32, #tpu.memory_space<hbm>> -> memref<128x128xf32, #tpu.memory_space<hbm>>
          tpu.enqueue_dma source(%arg10 : memref<128x128xf32, #tpu.memory_space<vmem>>) target(%dma_start3A_806 : memref<128x128xf32, #tpu.memory_space<hbm>>) target_semaphore(%run_scoped3A : memref<!tpu.dma_semaphore, #tpu.memory_space<semaphore_mem>>)
          %dma_wait3A = arith.constant 0 : i32
          %dma_wait3A_807 = tpu.memref_slice %arg6[%add3A_796, %dma_wait3A] : memref<10240x128xf32, #tpu.memory_space<hbm>> -> memref<128x128xf32, #tpu.memory_space<hbm>>
          %dma_wait3A_808 = arith.constant 0 : i32
          %dma_wait3A_809 = tpu.memref_slice %arg6[%add3A_796, %dma_wait3A_808] : memref<10240x128xf32, #tpu.memory_space<hbm>> -> memref<128x128xf32, #tpu.memory_space<hbm>>
          tpu.wait_dma2 semaphore(%run_scoped3A : memref<!tpu.dma_semaphore, #tpu.memory_space<semaphore_mem>>) src(%arg10 : memref<128x128xf32, #tpu.memory_space<vmem>>) dst(%dma_wait3A_809 : memref<128x128xf32, #tpu.memory_space<hbm>>)
          tpu.yield
        }) : () -> ()
      } else {
      }
    }
    %scan3A_790 = arith.constant 5 : i32
    return
  }
}

#map = affine_map<(d0, d1) -> (0, 0)>
module attributes {stable_mosaic.version = 14 : i64} {
  func.func @_sc_agg_body(%arg0: i32, %arg1: i32, %arg2: memref<10000x128xf32, #tpu.memory_space<hbm>>, %arg3: memref<2560x128xi32, #tpu.memory_space<hbm>>, %arg4: memref<2560x128xi32, #tpu.memory_space<hbm>>, %arg5: memref<10240x128xf32, #tpu.memory_space<hbm>>, %arg6: memref<10240x128xf32, #tpu.memory_space<hbm>>, %arg7: memref<80x128xi32, #tpu.memory_space<vmem>>, %arg8: memref<80x128xi32, #tpu.memory_space<vmem>>, %arg9: memref<16x128xf32, #tpu.memory_space<vmem>>, %arg10: memref<128x128xf32, #tpu.memory_space<vmem>>, %arg11: memref<10240x128xf32, #tpu.memory_space<vmem_shared>>, %arg12: memref<!tpu.dma_semaphore, #tpu.memory_space<semaphore_mem>>) attributes {dimension_semantics = [#tpu.dimension_semantics<core_parallel>, #tpu.dimension_semantics<subcore_parallel>], iteration_bounds = array<i64: 2, 16>, scalar_prefetch = 0 : i64, scratch_operands = 6 : i64, tpu.core_type = #tpu.core_type<sc_vector_subcore>, window_params = [{transform_indices = #map}, {transform_indices = #map}, {transform_indices = #map}, {transform_indices = #map}, {transform_indices = #map}]} {
    %mul3A = arith.constant 16 : i32
    %mul3A_0 = arith.muli %arg0, %mul3A : i32
    %add3A = arith.addi %mul3A_0, %arg1 : i32
    %mul3A_1 = arith.constant 80 : i32
    %mul3A_2 = arith.muli %add3A, %mul3A_1 : i32
    "tpu.region"() ({
      %run_scoped3A = tpu.sem_alloc : memref<!tpu.dma_semaphore, #tpu.memory_space<semaphore_mem>>
      %dma_start3A = arith.constant 0 : i32
      %dma_start3A_791 = tpu.memref_slice %arg3[%mul3A_2, %dma_start3A] : memref<2560x128xi32, #tpu.memory_space<hbm>> -> memref<80x128xi32, #tpu.memory_space<hbm>>
      %dma_start3A_792 = arith.constant 0 : i32
      %dma_start3A_793 = tpu.memref_slice %arg3[%mul3A_2, %dma_start3A_792] : memref<2560x128xi32, #tpu.memory_space<hbm>> -> memref<80x128xi32, #tpu.memory_space<hbm>>
      tpu.enqueue_dma source(%dma_start3A_793 : memref<80x128xi32, #tpu.memory_space<hbm>>) target(%arg7 : memref<80x128xi32, #tpu.memory_space<vmem>>) target_semaphore(%run_scoped3A : memref<!tpu.dma_semaphore, #tpu.memory_space<semaphore_mem>>)
      %dma_wait3A = arith.constant 0 : i32
      %dma_wait3A_794 = tpu.memref_slice %arg3[%mul3A_2, %dma_wait3A] : memref<2560x128xi32, #tpu.memory_space<hbm>> -> memref<80x128xi32, #tpu.memory_space<hbm>>
      %dma_wait3A_795 = arith.constant 0 : i32
      %dma_wait3A_796 = tpu.memref_slice %arg3[%mul3A_2, %dma_wait3A_795] : memref<2560x128xi32, #tpu.memory_space<hbm>> -> memref<80x128xi32, #tpu.memory_space<hbm>>
      tpu.wait_dma2 semaphore(%run_scoped3A : memref<!tpu.dma_semaphore, #tpu.memory_space<semaphore_mem>>) src(%dma_wait3A_796 : memref<80x128xi32, #tpu.memory_space<hbm>>) dst(%arg7 : memref<80x128xi32, #tpu.memory_space<vmem>>)
      tpu.yield
    }) : () -> ()
    %mul3A_3 = arith.constant 80 : i32
    %mul3A_4 = arith.muli %add3A, %mul3A_3 : i32
    "tpu.region"() ({
      %run_scoped3A = tpu.sem_alloc : memref<!tpu.dma_semaphore, #tpu.memory_space<semaphore_mem>>
      %dma_start3A = arith.constant 0 : i32
      %dma_start3A_791 = tpu.memref_slice %arg4[%mul3A_4, %dma_start3A] : memref<2560x128xi32, #tpu.memory_space<hbm>> -> memref<80x128xi32, #tpu.memory_space<hbm>>
      %dma_start3A_792 = arith.constant 0 : i32
      %dma_start3A_793 = tpu.memref_slice %arg4[%mul3A_4, %dma_start3A_792] : memref<2560x128xi32, #tpu.memory_space<hbm>> -> memref<80x128xi32, #tpu.memory_space<hbm>>
      tpu.enqueue_dma source(%dma_start3A_793 : memref<80x128xi32, #tpu.memory_space<hbm>>) target(%arg8 : memref<80x128xi32, #tpu.memory_space<vmem>>) target_semaphore(%run_scoped3A : memref<!tpu.dma_semaphore, #tpu.memory_space<semaphore_mem>>)
      %dma_wait3A = arith.constant 0 : i32
      %dma_wait3A_794 = tpu.memref_slice %arg4[%mul3A_4, %dma_wait3A] : memref<2560x128xi32, #tpu.memory_space<hbm>> -> memref<80x128xi32, #tpu.memory_space<hbm>>
      %dma_wait3A_795 = arith.constant 0 : i32
      %dma_wait3A_796 = tpu.memref_slice %arg4[%mul3A_4, %dma_wait3A_795] : memref<2560x128xi32, #tpu.memory_space<hbm>> -> memref<80x128xi32, #tpu.memory_space<hbm>>
      tpu.wait_dma2 semaphore(%run_scoped3A : memref<!tpu.dma_semaphore, #tpu.memory_space<semaphore_mem>>) src(%dma_wait3A_796 : memref<80x128xi32, #tpu.memory_space<hbm>>) dst(%arg8 : memref<80x128xi32, #tpu.memory_space<vmem>>)
      tpu.yield
    }) : () -> ()
    %broadcast_in_dim3A = arith.constant 0.000000e+00 : f32
    %broadcast_in_dim3A_5 = vector.broadcast %broadcast_in_dim3A : f32 to vector<16xf32>
    %swap3A = arith.constant 0 : i32
    %swap3A_6 = arith.index_cast %swap3A : i32 to index
    %swap3A_7 = arith.constant 0 : index
    %swap3A_8 = tpu.vector_load %arg9[%swap3A_6, %swap3A_7] {strides = array<i32>} : memref<16x128xf32, #tpu.memory_space<vmem>>, vector<1x16xf32>,
    %swap3A_9 = vector.shape_cast %swap3A_8 : vector<1x16xf32> to vector<16xf32>
    %swap3A_10 = vector.shape_cast %broadcast_in_dim3A_5 : vector<16xf32> to vector<1x16xf32>
    tpu.vector_store %arg9[%swap3A_6, %swap3A_7], %swap3A_10 {strides = array<i32>} : memref<16x128xf32, #tpu.memory_space<vmem>>, vector<1x16xf32>,
    %swap3A_11 = arith.constant 0 : i32
    %swap3A_12 = arith.index_cast %swap3A_11 : i32 to index
    %swap3A_13 = arith.constant 16 : index
    %swap3A_14 = tpu.vector_load %arg9[%swap3A_12, %swap3A_13] {strides = array<i32>} : memref<16x128xf32, #tpu.memory_space<vmem>>, vector<1x16xf32>,
    %swap3A_15 = vector.shape_cast %swap3A_14 : vector<1x16xf32> to vector<16xf32>
    %swap3A_16 = vector.shape_cast %broadcast_in_dim3A_5 : vector<16xf32> to vector<1x16xf32>
    tpu.vector_store %arg9[%swap3A_12, %swap3A_13], %swap3A_16 {strides = array<i32>} : memref<16x128xf32, #tpu.memory_space<vmem>>, vector<1x16xf32>,
    %swap3A_17 = arith.constant 0 : i32
    %swap3A_18 = arith.index_cast %swap3A_17 : i32 to index
    %swap3A_19 = arith.constant 32 : index
    %swap3A_20 = tpu.vector_load %arg9[%swap3A_18, %swap3A_19] {strides = array<i32>} : memref<16x128xf32, #tpu.memory_space<vmem>>, vector<1x16xf32>,
    %swap3A_21 = vector.shape_cast %swap3A_20 : vector<1x16xf32> to vector<16xf32>
    %swap3A_22 = vector.shape_cast %broadcast_in_dim3A_5 : vector<16xf32> to vector<1x16xf32>
    tpu.vector_store %arg9[%swap3A_18, %swap3A_19], %swap3A_22 {strides = array<i32>} : memref<16x128xf32, #tpu.memory_space<vmem>>, vector<1x16xf32>,
    %swap3A_23 = arith.constant 0 : i32
    %swap3A_24 = arith.index_cast %swap3A_23 : i32 to index
    %swap3A_25 = arith.constant 48 : index
    %swap3A_26 = tpu.vector_load %arg9[%swap3A_24, %swap3A_25] {strides = array<i32>} : memref<16x128xf32, #tpu.memory_space<vmem>>, vector<1x16xf32>,
    %swap3A_27 = vector.shape_cast %swap3A_26 : vector<1x16xf32> to vector<16xf32>
    %swap3A_28 = vector.shape_cast %broadcast_in_dim3A_5 : vector<16xf32> to vector<1x16xf32>
    tpu.vector_store %arg9[%swap3A_24, %swap3A_25], %swap3A_28 {strides = array<i32>} : memref<16x128xf32, #tpu.memory_space<vmem>>, vector<1x16xf32>,
    %swap3A_29 = arith.constant 0 : i32
    %swap3A_30 = arith.index_cast %swap3A_29 : i32 to index
    %swap3A_31 = arith.constant 64 : index
    %swap3A_32 = tpu.vector_load %arg9[%swap3A_30, %swap3A_31] {strides = array<i32>} : memref<16x128xf32, #tpu.memory_space<vmem>>, vector<1x16xf32>,
    %swap3A_33 = vector.shape_cast %swap3A_32 : vector<1x16xf32> to vector<16xf32>
    %swap3A_34 = vector.shape_cast %broadcast_in_dim3A_5 : vector<16xf32> to vector<1x16xf32>
    tpu.vector_store %arg9[%swap3A_30, %swap3A_31], %swap3A_34 {strides = array<i32>} : memref<16x128xf32, #tpu.memory_space<vmem>>, vector<1x16xf32>,
    %swap3A_35 = arith.constant 0 : i32
    %swap3A_36 = arith.index_cast %swap3A_35 : i32 to index
    %swap3A_37 = arith.constant 80 : index
    %swap3A_38 = tpu.vector_load %arg9[%swap3A_36, %swap3A_37] {strides = array<i32>} : memref<16x128xf32, #tpu.memory_space<vmem>>, vector<1x16xf32>,
    %swap3A_39 = vector.shape_cast %swap3A_38 : vector<1x16xf32> to vector<16xf32>
    %swap3A_40 = vector.shape_cast %broadcast_in_dim3A_5 : vector<16xf32> to vector<1x16xf32>
    tpu.vector_store %arg9[%swap3A_36, %swap3A_37], %swap3A_40 {strides = array<i32>} : memref<16x128xf32, #tpu.memory_space<vmem>>, vector<1x16xf32>,
    %swap3A_41 = arith.constant 0 : i32
    %swap3A_42 = arith.index_cast %swap3A_41 : i32 to index
    %swap3A_43 = arith.constant 96 : index
    %swap3A_44 = tpu.vector_load %arg9[%swap3A_42, %swap3A_43] {strides = array<i32>} : memref<16x128xf32, #tpu.memory_space<vmem>>, vector<1x16xf32>,
    %swap3A_45 = vector.shape_cast %swap3A_44 : vector<1x16xf32> to vector<16xf32>
    %swap3A_46 = vector.shape_cast %broadcast_in_dim3A_5 : vector<16xf32> to vector<1x16xf32>
    tpu.vector_store %arg9[%swap3A_42, %swap3A_43], %swap3A_46 {strides = array<i32>} : memref<16x128xf32, #tpu.memory_space<vmem>>, vector<1x16xf32>,
    %swap3A_47 = arith.constant 0 : i32
    %swap3A_48 = arith.index_cast %swap3A_47 : i32 to index
    %swap3A_49 = arith.constant 112 : index
    %swap3A_50 = tpu.vector_load %arg9[%swap3A_48, %swap3A_49] {strides = array<i32>} : memref<16x128xf32, #tpu.memory_space<vmem>>, vector<1x16xf32>,
    %swap3A_51 = vector.shape_cast %swap3A_50 : vector<1x16xf32> to vector<16xf32>
    %swap3A_52 = vector.shape_cast %broadcast_in_dim3A_5 : vector<16xf32> to vector<1x16xf32>
    tpu.vector_store %arg9[%swap3A_48, %swap3A_49], %swap3A_52 {strides = array<i32>} : memref<16x128xf32, #tpu.memory_space<vmem>>, vector<1x16xf32>,
    %swap3A_53 = arith.constant 1 : i32
    %swap3A_54 = arith.index_cast %swap3A_53 : i32 to index
    %swap3A_55 = arith.constant 0 : index
    %swap3A_56 = tpu.vector_load %arg9[%swap3A_54, %swap3A_55] {strides = array<i32>} : memref<16x128xf32, #tpu.memory_space<vmem>>, vector<1x16xf32>,
    %swap3A_57 = vector.shape_cast %swap3A_56 : vector<1x16xf32> to vector<16xf32>
    %swap3A_58 = vector.shape_cast %broadcast_in_dim3A_5 : vector<16xf32> to vector<1x16xf32>
    tpu.vector_store %arg9[%swap3A_54, %swap3A_55], %swap3A_58 {strides = array<i32>} : memref<16x128xf32, #tpu.memory_space<vmem>>, vector<1x16xf32>,
    %swap3A_59 = arith.constant 1 : i32
    %swap3A_60 = arith.index_cast %swap3A_59 : i32 to index
    %swap3A_61 = arith.constant 16 : index
    %swap3A_62 = tpu.vector_load %arg9[%swap3A_60, %swap3A_61] {strides = array<i32>} : memref<16x128xf32, #tpu.memory_space<vmem>>, vector<1x16xf32>,
    %swap3A_63 = vector.shape_cast %swap3A_62 : vector<1x16xf32> to vector<16xf32>
    %swap3A_64 = vector.shape_cast %broadcast_in_dim3A_5 : vector<16xf32> to vector<1x16xf32>
    tpu.vector_store %arg9[%swap3A_60, %swap3A_61], %swap3A_64 {strides = array<i32>} : memref<16x128xf32, #tpu.memory_space<vmem>>, vector<1x16xf32>,
    %swap3A_65 = arith.constant 1 : i32
    %swap3A_66 = arith.index_cast %swap3A_65 : i32 to index
    %swap3A_67 = arith.constant 32 : index
    %swap3A_68 = tpu.vector_load %arg9[%swap3A_66, %swap3A_67] {strides = array<i32>} : memref<16x128xf32, #tpu.memory_space<vmem>>, vector<1x16xf32>,
    %swap3A_69 = vector.shape_cast %swap3A_68 : vector<1x16xf32> to vector<16xf32>
    %swap3A_70 = vector.shape_cast %broadcast_in_dim3A_5 : vector<16xf32> to vector<1x16xf32>
    tpu.vector_store %arg9[%swap3A_66, %swap3A_67], %swap3A_70 {strides = array<i32>} : memref<16x128xf32, #tpu.memory_space<vmem>>, vector<1x16xf32>,
    %swap3A_71 = arith.constant 1 : i32
    %swap3A_72 = arith.index_cast %swap3A_71 : i32 to index
    %swap3A_73 = arith.constant 48 : index
    %swap3A_74 = tpu.vector_load %arg9[%swap3A_72, %swap3A_73] {strides = array<i32>} : memref<16x128xf32, #tpu.memory_space<vmem>>, vector<1x16xf32>,
    %swap3A_75 = vector.shape_cast %swap3A_74 : vector<1x16xf32> to vector<16xf32>
    %swap3A_76 = vector.shape_cast %broadcast_in_dim3A_5 : vector<16xf32> to vector<1x16xf32>
    tpu.vector_store %arg9[%swap3A_72, %swap3A_73], %swap3A_76 {strides = array<i32>} : memref<16x128xf32, #tpu.memory_space<vmem>>, vector<1x16xf32>,
    %swap3A_77 = arith.constant 1 : i32
    %swap3A_78 = arith.index_cast %swap3A_77 : i32 to index
    %swap3A_79 = arith.constant 64 : index
    %swap3A_80 = tpu.vector_load %arg9[%swap3A_78, %swap3A_79] {strides = array<i32>} : memref<16x128xf32, #tpu.memory_space<vmem>>, vector<1x16xf32>,
    %swap3A_81 = vector.shape_cast %swap3A_80 : vector<1x16xf32> to vector<16xf32>
    %swap3A_82 = vector.shape_cast %broadcast_in_dim3A_5 : vector<16xf32> to vector<1x16xf32>
    tpu.vector_store %arg9[%swap3A_78, %swap3A_79], %swap3A_82 {strides = array<i32>} : memref<16x128xf32, #tpu.memory_space<vmem>>, vector<1x16xf32>,
    %swap3A_83 = arith.constant 1 : i32
    %swap3A_84 = arith.index_cast %swap3A_83 : i32 to index
    %swap3A_85 = arith.constant 80 : index
    %swap3A_86 = tpu.vector_load %arg9[%swap3A_84, %swap3A_85] {strides = array<i32>} : memref<16x128xf32, #tpu.memory_space<vmem>>, vector<1x16xf32>,
    %swap3A_87 = vector.shape_cast %swap3A_86 : vector<1x16xf32> to vector<16xf32>
    %swap3A_88 = vector.shape_cast %broadcast_in_dim3A_5 : vector<16xf32> to vector<1x16xf32>
    tpu.vector_store %arg9[%swap3A_84, %swap3A_85], %swap3A_88 {strides = array<i32>} : memref<16x128xf32, #tpu.memory_space<vmem>>, vector<1x16xf32>,
    %swap3A_89 = arith.constant 1 : i32
    %swap3A_90 = arith.index_cast %swap3A_89 : i32 to index
    %swap3A_91 = arith.constant 96 : index
    %swap3A_92 = tpu.vector_load %arg9[%swap3A_90, %swap3A_91] {strides = array<i32>} : memref<16x128xf32, #tpu.memory_space<vmem>>, vector<1x16xf32>,
    %swap3A_93 = vector.shape_cast %swap3A_92 : vector<1x16xf32> to vector<16xf32>
    %swap3A_94 = vector.shape_cast %broadcast_in_dim3A_5 : vector<16xf32> to vector<1x16xf32>
    tpu.vector_store %arg9[%swap3A_90, %swap3A_91], %swap3A_94 {strides = array<i32>} : memref<16x128xf32, #tpu.memory_space<vmem>>, vector<1x16xf32>,
    %swap3A_95 = arith.constant 1 : i32
    %swap3A_96 = arith.index_cast %swap3A_95 : i32 to index
    %swap3A_97 = arith.constant 112 : index
    %swap3A_98 = tpu.vector_load %arg9[%swap3A_96, %swap3A_97] {strides = array<i32>} : memref<16x128xf32, #tpu.memory_space<vmem>>, vector<1x16xf32>,
    %swap3A_99 = vector.shape_cast %swap3A_98 : vector<1x16xf32> to vector<16xf32>
    %swap3A_100 = vector.shape_cast %broadcast_in_dim3A_5 : vector<16xf32> to vector<1x16xf32>
    tpu.vector_store %arg9[%swap3A_96, %swap3A_97], %swap3A_100 {strides = array<i32>} : memref<16x128xf32, #tpu.memory_space<vmem>>, vector<1x16xf32>,
    %swap3A_101 = arith.constant 2 : i32
    %swap3A_102 = arith.index_cast %swap3A_101 : i32 to index
    %swap3A_103 = arith.constant 0 : index
    %swap3A_104 = tpu.vector_load %arg9[%swap3A_102, %swap3A_103] {strides = array<i32>} : memref<16x128xf32, #tpu.memory_space<vmem>>, vector<1x16xf32>,
    %swap3A_105 = vector.shape_cast %swap3A_104 : vector<1x16xf32> to vector<16xf32>
    %swap3A_106 = vector.shape_cast %broadcast_in_dim3A_5 : vector<16xf32> to vector<1x16xf32>
    tpu.vector_store %arg9[%swap3A_102, %swap3A_103], %swap3A_106 {strides = array<i32>} : memref<16x128xf32, #tpu.memory_space<vmem>>, vector<1x16xf32>,
    %swap3A_107 = arith.constant 2 : i32
    %swap3A_108 = arith.index_cast %swap3A_107 : i32 to index
    %swap3A_109 = arith.constant 16 : index
    %swap3A_110 = tpu.vector_load %arg9[%swap3A_108, %swap3A_109] {strides = array<i32>} : memref<16x128xf32, #tpu.memory_space<vmem>>, vector<1x16xf32>,
    %swap3A_111 = vector.shape_cast %swap3A_110 : vector<1x16xf32> to vector<16xf32>
    %swap3A_112 = vector.shape_cast %broadcast_in_dim3A_5 : vector<16xf32> to vector<1x16xf32>
    tpu.vector_store %arg9[%swap3A_108, %swap3A_109], %swap3A_112 {strides = array<i32>} : memref<16x128xf32, #tpu.memory_space<vmem>>, vector<1x16xf32>,
    %swap3A_113 = arith.constant 2 : i32
    %swap3A_114 = arith.index_cast %swap3A_113 : i32 to index
    %swap3A_115 = arith.constant 32 : index
    %swap3A_116 = tpu.vector_load %arg9[%swap3A_114, %swap3A_115] {strides = array<i32>} : memref<16x128xf32, #tpu.memory_space<vmem>>, vector<1x16xf32>,
    %swap3A_117 = vector.shape_cast %swap3A_116 : vector<1x16xf32> to vector<16xf32>
    %swap3A_118 = vector.shape_cast %broadcast_in_dim3A_5 : vector<16xf32> to vector<1x16xf32>
    tpu.vector_store %arg9[%swap3A_114, %swap3A_115], %swap3A_118 {strides = array<i32>} : memref<16x128xf32, #tpu.memory_space<vmem>>, vector<1x16xf32>,
    %swap3A_119 = arith.constant 2 : i32
    %swap3A_120 = arith.index_cast %swap3A_119 : i32 to index
    %swap3A_121 = arith.constant 48 : index
    %swap3A_122 = tpu.vector_load %arg9[%swap3A_120, %swap3A_121] {strides = array<i32>} : memref<16x128xf32, #tpu.memory_space<vmem>>, vector<1x16xf32>,
    %swap3A_123 = vector.shape_cast %swap3A_122 : vector<1x16xf32> to vector<16xf32>
    %swap3A_124 = vector.shape_cast %broadcast_in_dim3A_5 : vector<16xf32> to vector<1x16xf32>
    tpu.vector_store %arg9[%swap3A_120, %swap3A_121], %swap3A_124 {strides = array<i32>} : memref<16x128xf32, #tpu.memory_space<vmem>>, vector<1x16xf32>,
    %swap3A_125 = arith.constant 2 : i32
    %swap3A_126 = arith.index_cast %swap3A_125 : i32 to index
    %swap3A_127 = arith.constant 64 : index
    %swap3A_128 = tpu.vector_load %arg9[%swap3A_126, %swap3A_127] {strides = array<i32>} : memref<16x128xf32, #tpu.memory_space<vmem>>, vector<1x16xf32>,
    %swap3A_129 = vector.shape_cast %swap3A_128 : vector<1x16xf32> to vector<16xf32>
    %swap3A_130 = vector.shape_cast %broadcast_in_dim3A_5 : vector<16xf32> to vector<1x16xf32>
    tpu.vector_store %arg9[%swap3A_126, %swap3A_127], %swap3A_130 {strides = array<i32>} : memref<16x128xf32, #tpu.memory_space<vmem>>, vector<1x16xf32>,
    %swap3A_131 = arith.constant 2 : i32
    %swap3A_132 = arith.index_cast %swap3A_131 : i32 to index
    %swap3A_133 = arith.constant 80 : index
    %swap3A_134 = tpu.vector_load %arg9[%swap3A_132, %swap3A_133] {strides = array<i32>} : memref<16x128xf32, #tpu.memory_space<vmem>>, vector<1x16xf32>,
    %swap3A_135 = vector.shape_cast %swap3A_134 : vector<1x16xf32> to vector<16xf32>
    %swap3A_136 = vector.shape_cast %broadcast_in_dim3A_5 : vector<16xf32> to vector<1x16xf32>
    tpu.vector_store %arg9[%swap3A_132, %swap3A_133], %swap3A_136 {strides = array<i32>} : memref<16x128xf32, #tpu.memory_space<vmem>>, vector<1x16xf32>,
    %swap3A_137 = arith.constant 2 : i32
    %swap3A_138 = arith.index_cast %swap3A_137 : i32 to index
    %swap3A_139 = arith.constant 96 : index
    %swap3A_140 = tpu.vector_load %arg9[%swap3A_138, %swap3A_139] {strides = array<i32>} : memref<16x128xf32, #tpu.memory_space<vmem>>, vector<1x16xf32>,
    %swap3A_141 = vector.shape_cast %swap3A_140 : vector<1x16xf32> to vector<16xf32>
    %swap3A_142 = vector.shape_cast %broadcast_in_dim3A_5 : vector<16xf32> to vector<1x16xf32>
    tpu.vector_store %arg9[%swap3A_138, %swap3A_139], %swap3A_142 {strides = array<i32>} : memref<16x128xf32, #tpu.memory_space<vmem>>, vector<1x16xf32>,
    %swap3A_143 = arith.constant 2 : i32
    %swap3A_144 = arith.index_cast %swap3A_143 : i32 to index
    %swap3A_145 = arith.constant 112 : index
    %swap3A_146 = tpu.vector_load %arg9[%swap3A_144, %swap3A_145] {strides = array<i32>} : memref<16x128xf32, #tpu.memory_space<vmem>>, vector<1x16xf32>,
    %swap3A_147 = vector.shape_cast %swap3A_146 : vector<1x16xf32> to vector<16xf32>
    %swap3A_148 = vector.shape_cast %broadcast_in_dim3A_5 : vector<16xf32> to vector<1x16xf32>
    tpu.vector_store %arg9[%swap3A_144, %swap3A_145], %swap3A_148 {strides = array<i32>} : memref<16x128xf32, #tpu.memory_space<vmem>>, vector<1x16xf32>,
    %swap3A_149 = arith.constant 3 : i32
    %swap3A_150 = arith.index_cast %swap3A_149 : i32 to index
    %swap3A_151 = arith.constant 0 : index
    %swap3A_152 = tpu.vector_load %arg9[%swap3A_150, %swap3A_151] {strides = array<i32>} : memref<16x128xf32, #tpu.memory_space<vmem>>, vector<1x16xf32>,
    %swap3A_153 = vector.shape_cast %swap3A_152 : vector<1x16xf32> to vector<16xf32>
    %swap3A_154 = vector.shape_cast %broadcast_in_dim3A_5 : vector<16xf32> to vector<1x16xf32>
    tpu.vector_store %arg9[%swap3A_150, %swap3A_151], %swap3A_154 {strides = array<i32>} : memref<16x128xf32, #tpu.memory_space<vmem>>, vector<1x16xf32>,
    %swap3A_155 = arith.constant 3 : i32
    %swap3A_156 = arith.index_cast %swap3A_155 : i32 to index
    %swap3A_157 = arith.constant 16 : index
    %swap3A_158 = tpu.vector_load %arg9[%swap3A_156, %swap3A_157] {strides = array<i32>} : memref<16x128xf32, #tpu.memory_space<vmem>>, vector<1x16xf32>,
    %swap3A_159 = vector.shape_cast %swap3A_158 : vector<1x16xf32> to vector<16xf32>
    %swap3A_160 = vector.shape_cast %broadcast_in_dim3A_5 : vector<16xf32> to vector<1x16xf32>
    tpu.vector_store %arg9[%swap3A_156, %swap3A_157], %swap3A_160 {strides = array<i32>} : memref<16x128xf32, #tpu.memory_space<vmem>>, vector<1x16xf32>,
    %swap3A_161 = arith.constant 3 : i32
    %swap3A_162 = arith.index_cast %swap3A_161 : i32 to index
    %swap3A_163 = arith.constant 32 : index
    %swap3A_164 = tpu.vector_load %arg9[%swap3A_162, %swap3A_163] {strides = array<i32>} : memref<16x128xf32, #tpu.memory_space<vmem>>, vector<1x16xf32>,
    %swap3A_165 = vector.shape_cast %swap3A_164 : vector<1x16xf32> to vector<16xf32>
    %swap3A_166 = vector.shape_cast %broadcast_in_dim3A_5 : vector<16xf32> to vector<1x16xf32>
    tpu.vector_store %arg9[%swap3A_162, %swap3A_163], %swap3A_166 {strides = array<i32>} : memref<16x128xf32, #tpu.memory_space<vmem>>, vector<1x16xf32>,
    %swap3A_167 = arith.constant 3 : i32
    %swap3A_168 = arith.index_cast %swap3A_167 : i32 to index
    %swap3A_169 = arith.constant 48 : index
    %swap3A_170 = tpu.vector_load %arg9[%swap3A_168, %swap3A_169] {strides = array<i32>} : memref<16x128xf32, #tpu.memory_space<vmem>>, vector<1x16xf32>,
    %swap3A_171 = vector.shape_cast %swap3A_170 : vector<1x16xf32> to vector<16xf32>
    %swap3A_172 = vector.shape_cast %broadcast_in_dim3A_5 : vector<16xf32> to vector<1x16xf32>
    tpu.vector_store %arg9[%swap3A_168, %swap3A_169], %swap3A_172 {strides = array<i32>} : memref<16x128xf32, #tpu.memory_space<vmem>>, vector<1x16xf32>,
    %swap3A_173 = arith.constant 3 : i32
    %swap3A_174 = arith.index_cast %swap3A_173 : i32 to index
    %swap3A_175 = arith.constant 64 : index
    %swap3A_176 = tpu.vector_load %arg9[%swap3A_174, %swap3A_175] {strides = array<i32>} : memref<16x128xf32, #tpu.memory_space<vmem>>, vector<1x16xf32>,
    %swap3A_177 = vector.shape_cast %swap3A_176 : vector<1x16xf32> to vector<16xf32>
    %swap3A_178 = vector.shape_cast %broadcast_in_dim3A_5 : vector<16xf32> to vector<1x16xf32>
    tpu.vector_store %arg9[%swap3A_174, %swap3A_175], %swap3A_178 {strides = array<i32>} : memref<16x128xf32, #tpu.memory_space<vmem>>, vector<1x16xf32>,
    %swap3A_179 = arith.constant 3 : i32
    %swap3A_180 = arith.index_cast %swap3A_179 : i32 to index
    %swap3A_181 = arith.constant 80 : index
    %swap3A_182 = tpu.vector_load %arg9[%swap3A_180, %swap3A_181] {strides = array<i32>} : memref<16x128xf32, #tpu.memory_space<vmem>>, vector<1x16xf32>,
    %swap3A_183 = vector.shape_cast %swap3A_182 : vector<1x16xf32> to vector<16xf32>
    %swap3A_184 = vector.shape_cast %broadcast_in_dim3A_5 : vector<16xf32> to vector<1x16xf32>
    tpu.vector_store %arg9[%swap3A_180, %swap3A_181], %swap3A_184 {strides = array<i32>} : memref<16x128xf32, #tpu.memory_space<vmem>>, vector<1x16xf32>,
    %swap3A_185 = arith.constant 3 : i32
    %swap3A_186 = arith.index_cast %swap3A_185 : i32 to index
    %swap3A_187 = arith.constant 96 : index
    %swap3A_188 = tpu.vector_load %arg9[%swap3A_186, %swap3A_187] {strides = array<i32>} : memref<16x128xf32, #tpu.memory_space<vmem>>, vector<1x16xf32>,
    %swap3A_189 = vector.shape_cast %swap3A_188 : vector<1x16xf32> to vector<16xf32>
    %swap3A_190 = vector.shape_cast %broadcast_in_dim3A_5 : vector<16xf32> to vector<1x16xf32>
    tpu.vector_store %arg9[%swap3A_186, %swap3A_187], %swap3A_190 {strides = array<i32>} : memref<16x128xf32, #tpu.memory_space<vmem>>, vector<1x16xf32>,
    %swap3A_191 = arith.constant 3 : i32
    %swap3A_192 = arith.index_cast %swap3A_191 : i32 to index
    %swap3A_193 = arith.constant 112 : index
    %swap3A_194 = tpu.vector_load %arg9[%swap3A_192, %swap3A_193] {strides = array<i32>} : memref<16x128xf32, #tpu.memory_space<vmem>>, vector<1x16xf32>,
    %swap3A_195 = vector.shape_cast %swap3A_194 : vector<1x16xf32> to vector<16xf32>
    %swap3A_196 = vector.shape_cast %broadcast_in_dim3A_5 : vector<16xf32> to vector<1x16xf32>
    tpu.vector_store %arg9[%swap3A_192, %swap3A_193], %swap3A_196 {strides = array<i32>} : memref<16x128xf32, #tpu.memory_space<vmem>>, vector<1x16xf32>,
    %swap3A_197 = arith.constant 4 : i32
    %swap3A_198 = arith.index_cast %swap3A_197 : i32 to index
    %swap3A_199 = arith.constant 0 : index
    %swap3A_200 = tpu.vector_load %arg9[%swap3A_198, %swap3A_199] {strides = array<i32>} : memref<16x128xf32, #tpu.memory_space<vmem>>, vector<1x16xf32>,
    %swap3A_201 = vector.shape_cast %swap3A_200 : vector<1x16xf32> to vector<16xf32>
    %swap3A_202 = vector.shape_cast %broadcast_in_dim3A_5 : vector<16xf32> to vector<1x16xf32>
    tpu.vector_store %arg9[%swap3A_198, %swap3A_199], %swap3A_202 {strides = array<i32>} : memref<16x128xf32, #tpu.memory_space<vmem>>, vector<1x16xf32>,
    %swap3A_203 = arith.constant 4 : i32
    %swap3A_204 = arith.index_cast %swap3A_203 : i32 to index
    %swap3A_205 = arith.constant 16 : index
    %swap3A_206 = tpu.vector_load %arg9[%swap3A_204, %swap3A_205] {strides = array<i32>} : memref<16x128xf32, #tpu.memory_space<vmem>>, vector<1x16xf32>,
    %swap3A_207 = vector.shape_cast %swap3A_206 : vector<1x16xf32> to vector<16xf32>
    %swap3A_208 = vector.shape_cast %broadcast_in_dim3A_5 : vector<16xf32> to vector<1x16xf32>
    tpu.vector_store %arg9[%swap3A_204, %swap3A_205], %swap3A_208 {strides = array<i32>} : memref<16x128xf32, #tpu.memory_space<vmem>>, vector<1x16xf32>,
    %swap3A_209 = arith.constant 4 : i32
    %swap3A_210 = arith.index_cast %swap3A_209 : i32 to index
    %swap3A_211 = arith.constant 32 : index
    %swap3A_212 = tpu.vector_load %arg9[%swap3A_210, %swap3A_211] {strides = array<i32>} : memref<16x128xf32, #tpu.memory_space<vmem>>, vector<1x16xf32>,
    %swap3A_213 = vector.shape_cast %swap3A_212 : vector<1x16xf32> to vector<16xf32>
    %swap3A_214 = vector.shape_cast %broadcast_in_dim3A_5 : vector<16xf32> to vector<1x16xf32>
    tpu.vector_store %arg9[%swap3A_210, %swap3A_211], %swap3A_214 {strides = array<i32>} : memref<16x128xf32, #tpu.memory_space<vmem>>, vector<1x16xf32>,
    %swap3A_215 = arith.constant 4 : i32
    %swap3A_216 = arith.index_cast %swap3A_215 : i32 to index
    %swap3A_217 = arith.constant 48 : index
    %swap3A_218 = tpu.vector_load %arg9[%swap3A_216, %swap3A_217] {strides = array<i32>} : memref<16x128xf32, #tpu.memory_space<vmem>>, vector<1x16xf32>,
    %swap3A_219 = vector.shape_cast %swap3A_218 : vector<1x16xf32> to vector<16xf32>
    %swap3A_220 = vector.shape_cast %broadcast_in_dim3A_5 : vector<16xf32> to vector<1x16xf32>
    tpu.vector_store %arg9[%swap3A_216, %swap3A_217], %swap3A_220 {strides = array<i32>} : memref<16x128xf32, #tpu.memory_space<vmem>>, vector<1x16xf32>,
    %swap3A_221 = arith.constant 4 : i32
    %swap3A_222 = arith.index_cast %swap3A_221 : i32 to index
    %swap3A_223 = arith.constant 64 : index
    %swap3A_224 = tpu.vector_load %arg9[%swap3A_222, %swap3A_223] {strides = array<i32>} : memref<16x128xf32, #tpu.memory_space<vmem>>, vector<1x16xf32>,
    %swap3A_225 = vector.shape_cast %swap3A_224 : vector<1x16xf32> to vector<16xf32>
    %swap3A_226 = vector.shape_cast %broadcast_in_dim3A_5 : vector<16xf32> to vector<1x16xf32>
    tpu.vector_store %arg9[%swap3A_222, %swap3A_223], %swap3A_226 {strides = array<i32>} : memref<16x128xf32, #tpu.memory_space<vmem>>, vector<1x16xf32>,
    %swap3A_227 = arith.constant 4 : i32
    %swap3A_228 = arith.index_cast %swap3A_227 : i32 to index
    %swap3A_229 = arith.constant 80 : index
    %swap3A_230 = tpu.vector_load %arg9[%swap3A_228, %swap3A_229] {strides = array<i32>} : memref<16x128xf32, #tpu.memory_space<vmem>>, vector<1x16xf32>,
    %swap3A_231 = vector.shape_cast %swap3A_230 : vector<1x16xf32> to vector<16xf32>
    %swap3A_232 = vector.shape_cast %broadcast_in_dim3A_5 : vector<16xf32> to vector<1x16xf32>
    tpu.vector_store %arg9[%swap3A_228, %swap3A_229], %swap3A_232 {strides = array<i32>} : memref<16x128xf32, #tpu.memory_space<vmem>>, vector<1x16xf32>,
    %swap3A_233 = arith.constant 4 : i32
    %swap3A_234 = arith.index_cast %swap3A_233 : i32 to index
    %swap3A_235 = arith.constant 96 : index
    %swap3A_236 = tpu.vector_load %arg9[%swap3A_234, %swap3A_235] {strides = array<i32>} : memref<16x128xf32, #tpu.memory_space<vmem>>, vector<1x16xf32>,
    %swap3A_237 = vector.shape_cast %swap3A_236 : vector<1x16xf32> to vector<16xf32>
    %swap3A_238 = vector.shape_cast %broadcast_in_dim3A_5 : vector<16xf32> to vector<1x16xf32>
    tpu.vector_store %arg9[%swap3A_234, %swap3A_235], %swap3A_238 {strides = array<i32>} : memref<16x128xf32, #tpu.memory_space<vmem>>, vector<1x16xf32>,
    %swap3A_239 = arith.constant 4 : i32
    %swap3A_240 = arith.index_cast %swap3A_239 : i32 to index
    %swap3A_241 = arith.constant 112 : index
    %swap3A_242 = tpu.vector_load %arg9[%swap3A_240, %swap3A_241] {strides = array<i32>} : memref<16x128xf32, #tpu.memory_space<vmem>>, vector<1x16xf32>,
    %swap3A_243 = vector.shape_cast %swap3A_242 : vector<1x16xf32> to vector<16xf32>
    %swap3A_244 = vector.shape_cast %broadcast_in_dim3A_5 : vector<16xf32> to vector<1x16xf32>
    tpu.vector_store %arg9[%swap3A_240, %swap3A_241], %swap3A_244 {strides = array<i32>} : memref<16x128xf32, #tpu.memory_space<vmem>>, vector<1x16xf32>,
    %swap3A_245 = arith.constant 5 : i32
    %swap3A_246 = arith.index_cast %swap3A_245 : i32 to index
    %swap3A_247 = arith.constant 0 : index
    %swap3A_248 = tpu.vector_load %arg9[%swap3A_246, %swap3A_247] {strides = array<i32>} : memref<16x128xf32, #tpu.memory_space<vmem>>, vector<1x16xf32>,
    %swap3A_249 = vector.shape_cast %swap3A_248 : vector<1x16xf32> to vector<16xf32>
    %swap3A_250 = vector.shape_cast %broadcast_in_dim3A_5 : vector<16xf32> to vector<1x16xf32>
    tpu.vector_store %arg9[%swap3A_246, %swap3A_247], %swap3A_250 {strides = array<i32>} : memref<16x128xf32, #tpu.memory_space<vmem>>, vector<1x16xf32>,
    %swap3A_251 = arith.constant 5 : i32
    %swap3A_252 = arith.index_cast %swap3A_251 : i32 to index
    %swap3A_253 = arith.constant 16 : index
    %swap3A_254 = tpu.vector_load %arg9[%swap3A_252, %swap3A_253] {strides = array<i32>} : memref<16x128xf32, #tpu.memory_space<vmem>>, vector<1x16xf32>,
    %swap3A_255 = vector.shape_cast %swap3A_254 : vector<1x16xf32> to vector<16xf32>
    %swap3A_256 = vector.shape_cast %broadcast_in_dim3A_5 : vector<16xf32> to vector<1x16xf32>
    tpu.vector_store %arg9[%swap3A_252, %swap3A_253], %swap3A_256 {strides = array<i32>} : memref<16x128xf32, #tpu.memory_space<vmem>>, vector<1x16xf32>,
    %swap3A_257 = arith.constant 5 : i32
    %swap3A_258 = arith.index_cast %swap3A_257 : i32 to index
    %swap3A_259 = arith.constant 32 : index
    %swap3A_260 = tpu.vector_load %arg9[%swap3A_258, %swap3A_259] {strides = array<i32>} : memref<16x128xf32, #tpu.memory_space<vmem>>, vector<1x16xf32>,
    %swap3A_261 = vector.shape_cast %swap3A_260 : vector<1x16xf32> to vector<16xf32>
    %swap3A_262 = vector.shape_cast %broadcast_in_dim3A_5 : vector<16xf32> to vector<1x16xf32>
    tpu.vector_store %arg9[%swap3A_258, %swap3A_259], %swap3A_262 {strides = array<i32>} : memref<16x128xf32, #tpu.memory_space<vmem>>, vector<1x16xf32>,
    %swap3A_263 = arith.constant 5 : i32
    %swap3A_264 = arith.index_cast %swap3A_263 : i32 to index
    %swap3A_265 = arith.constant 48 : index
    %swap3A_266 = tpu.vector_load %arg9[%swap3A_264, %swap3A_265] {strides = array<i32>} : memref<16x128xf32, #tpu.memory_space<vmem>>, vector<1x16xf32>,
    %swap3A_267 = vector.shape_cast %swap3A_266 : vector<1x16xf32> to vector<16xf32>
    %swap3A_268 = vector.shape_cast %broadcast_in_dim3A_5 : vector<16xf32> to vector<1x16xf32>
    tpu.vector_store %arg9[%swap3A_264, %swap3A_265], %swap3A_268 {strides = array<i32>} : memref<16x128xf32, #tpu.memory_space<vmem>>, vector<1x16xf32>,
    %swap3A_269 = arith.constant 5 : i32
    %swap3A_270 = arith.index_cast %swap3A_269 : i32 to index
    %swap3A_271 = arith.constant 64 : index
    %swap3A_272 = tpu.vector_load %arg9[%swap3A_270, %swap3A_271] {strides = array<i32>} : memref<16x128xf32, #tpu.memory_space<vmem>>, vector<1x16xf32>,
    %swap3A_273 = vector.shape_cast %swap3A_272 : vector<1x16xf32> to vector<16xf32>
    %swap3A_274 = vector.shape_cast %broadcast_in_dim3A_5 : vector<16xf32> to vector<1x16xf32>
    tpu.vector_store %arg9[%swap3A_270, %swap3A_271], %swap3A_274 {strides = array<i32>} : memref<16x128xf32, #tpu.memory_space<vmem>>, vector<1x16xf32>,
    %swap3A_275 = arith.constant 5 : i32
    %swap3A_276 = arith.index_cast %swap3A_275 : i32 to index
    %swap3A_277 = arith.constant 80 : index
    %swap3A_278 = tpu.vector_load %arg9[%swap3A_276, %swap3A_277] {strides = array<i32>} : memref<16x128xf32, #tpu.memory_space<vmem>>, vector<1x16xf32>,
    %swap3A_279 = vector.shape_cast %swap3A_278 : vector<1x16xf32> to vector<16xf32>
    %swap3A_280 = vector.shape_cast %broadcast_in_dim3A_5 : vector<16xf32> to vector<1x16xf32>
    tpu.vector_store %arg9[%swap3A_276, %swap3A_277], %swap3A_280 {strides = array<i32>} : memref<16x128xf32, #tpu.memory_space<vmem>>, vector<1x16xf32>,
    %swap3A_281 = arith.constant 5 : i32
    %swap3A_282 = arith.index_cast %swap3A_281 : i32 to index
    %swap3A_283 = arith.constant 96 : index
    %swap3A_284 = tpu.vector_load %arg9[%swap3A_282, %swap3A_283] {strides = array<i32>} : memref<16x128xf32, #tpu.memory_space<vmem>>, vector<1x16xf32>,
    %swap3A_285 = vector.shape_cast %swap3A_284 : vector<1x16xf32> to vector<16xf32>
    %swap3A_286 = vector.shape_cast %broadcast_in_dim3A_5 : vector<16xf32> to vector<1x16xf32>
    tpu.vector_store %arg9[%swap3A_282, %swap3A_283], %swap3A_286 {strides = array<i32>} : memref<16x128xf32, #tpu.memory_space<vmem>>, vector<1x16xf32>,
    %swap3A_287 = arith.constant 5 : i32
    %swap3A_288 = arith.index_cast %swap3A_287 : i32 to index
    %swap3A_289 = arith.constant 112 : index
    %swap3A_290 = tpu.vector_load %arg9[%swap3A_288, %swap3A_289] {strides = array<i32>} : memref<16x128xf32, #tpu.memory_space<vmem>>, vector<1x16xf32>,
    %swap3A_291 = vector.shape_cast %swap3A_290 : vector<1x16xf32> to vector<16xf32>
    %swap3A_292 = vector.shape_cast %broadcast_in_dim3A_5 : vector<16xf32> to vector<1x16xf32>
    tpu.vector_store %arg9[%swap3A_288, %swap3A_289], %swap3A_292 {strides = array<i32>} : memref<16x128xf32, #tpu.memory_space<vmem>>, vector<1x16xf32>,
    %swap3A_293 = arith.constant 6 : i32
    %swap3A_294 = arith.index_cast %swap3A_293 : i32 to index
    %swap3A_295 = arith.constant 0 : index
    %swap3A_296 = tpu.vector_load %arg9[%swap3A_294, %swap3A_295] {strides = array<i32>} : memref<16x128xf32, #tpu.memory_space<vmem>>, vector<1x16xf32>,
    %swap3A_297 = vector.shape_cast %swap3A_296 : vector<1x16xf32> to vector<16xf32>
    %swap3A_298 = vector.shape_cast %broadcast_in_dim3A_5 : vector<16xf32> to vector<1x16xf32>
    tpu.vector_store %arg9[%swap3A_294, %swap3A_295], %swap3A_298 {strides = array<i32>} : memref<16x128xf32, #tpu.memory_space<vmem>>, vector<1x16xf32>,
    %swap3A_299 = arith.constant 6 : i32
    %swap3A_300 = arith.index_cast %swap3A_299 : i32 to index
    %swap3A_301 = arith.constant 16 : index
    %swap3A_302 = tpu.vector_load %arg9[%swap3A_300, %swap3A_301] {strides = array<i32>} : memref<16x128xf32, #tpu.memory_space<vmem>>, vector<1x16xf32>,
    %swap3A_303 = vector.shape_cast %swap3A_302 : vector<1x16xf32> to vector<16xf32>
    %swap3A_304 = vector.shape_cast %broadcast_in_dim3A_5 : vector<16xf32> to vector<1x16xf32>
    tpu.vector_store %arg9[%swap3A_300, %swap3A_301], %swap3A_304 {strides = array<i32>} : memref<16x128xf32, #tpu.memory_space<vmem>>, vector<1x16xf32>,
    %swap3A_305 = arith.constant 6 : i32
    %swap3A_306 = arith.index_cast %swap3A_305 : i32 to index
    %swap3A_307 = arith.constant 32 : index
    %swap3A_308 = tpu.vector_load %arg9[%swap3A_306, %swap3A_307] {strides = array<i32>} : memref<16x128xf32, #tpu.memory_space<vmem>>, vector<1x16xf32>,
    %swap3A_309 = vector.shape_cast %swap3A_308 : vector<1x16xf32> to vector<16xf32>
    %swap3A_310 = vector.shape_cast %broadcast_in_dim3A_5 : vector<16xf32> to vector<1x16xf32>
    tpu.vector_store %arg9[%swap3A_306, %swap3A_307], %swap3A_310 {strides = array<i32>} : memref<16x128xf32, #tpu.memory_space<vmem>>, vector<1x16xf32>,
    %swap3A_311 = arith.constant 6 : i32
    %swap3A_312 = arith.index_cast %swap3A_311 : i32 to index
    %swap3A_313 = arith.constant 48 : index
    %swap3A_314 = tpu.vector_load %arg9[%swap3A_312, %swap3A_313] {strides = array<i32>} : memref<16x128xf32, #tpu.memory_space<vmem>>, vector<1x16xf32>,
    %swap3A_315 = vector.shape_cast %swap3A_314 : vector<1x16xf32> to vector<16xf32>
    %swap3A_316 = vector.shape_cast %broadcast_in_dim3A_5 : vector<16xf32> to vector<1x16xf32>
    tpu.vector_store %arg9[%swap3A_312, %swap3A_313], %swap3A_316 {strides = array<i32>} : memref<16x128xf32, #tpu.memory_space<vmem>>, vector<1x16xf32>,
    %swap3A_317 = arith.constant 6 : i32
    %swap3A_318 = arith.index_cast %swap3A_317 : i32 to index
    %swap3A_319 = arith.constant 64 : index
    %swap3A_320 = tpu.vector_load %arg9[%swap3A_318, %swap3A_319] {strides = array<i32>} : memref<16x128xf32, #tpu.memory_space<vmem>>, vector<1x16xf32>,
    %swap3A_321 = vector.shape_cast %swap3A_320 : vector<1x16xf32> to vector<16xf32>
    %swap3A_322 = vector.shape_cast %broadcast_in_dim3A_5 : vector<16xf32> to vector<1x16xf32>
    tpu.vector_store %arg9[%swap3A_318, %swap3A_319], %swap3A_322 {strides = array<i32>} : memref<16x128xf32, #tpu.memory_space<vmem>>, vector<1x16xf32>,
    %swap3A_323 = arith.constant 6 : i32
    %swap3A_324 = arith.index_cast %swap3A_323 : i32 to index
    %swap3A_325 = arith.constant 80 : index
    %swap3A_326 = tpu.vector_load %arg9[%swap3A_324, %swap3A_325] {strides = array<i32>} : memref<16x128xf32, #tpu.memory_space<vmem>>, vector<1x16xf32>,
    %swap3A_327 = vector.shape_cast %swap3A_326 : vector<1x16xf32> to vector<16xf32>
    %swap3A_328 = vector.shape_cast %broadcast_in_dim3A_5 : vector<16xf32> to vector<1x16xf32>
    tpu.vector_store %arg9[%swap3A_324, %swap3A_325], %swap3A_328 {strides = array<i32>} : memref<16x128xf32, #tpu.memory_space<vmem>>, vector<1x16xf32>,
    %swap3A_329 = arith.constant 6 : i32
    %swap3A_330 = arith.index_cast %swap3A_329 : i32 to index
    %swap3A_331 = arith.constant 96 : index
    %swap3A_332 = tpu.vector_load %arg9[%swap3A_330, %swap3A_331] {strides = array<i32>} : memref<16x128xf32, #tpu.memory_space<vmem>>, vector<1x16xf32>,
    %swap3A_333 = vector.shape_cast %swap3A_332 : vector<1x16xf32> to vector<16xf32>
    %swap3A_334 = vector.shape_cast %broadcast_in_dim3A_5 : vector<16xf32> to vector<1x16xf32>
    tpu.vector_store %arg9[%swap3A_330, %swap3A_331], %swap3A_334 {strides = array<i32>} : memref<16x128xf32, #tpu.memory_space<vmem>>, vector<1x16xf32>,
    %swap3A_335 = arith.constant 6 : i32
    %swap3A_336 = arith.index_cast %swap3A_335 : i32 to index
    %swap3A_337 = arith.constant 112 : index
    %swap3A_338 = tpu.vector_load %arg9[%swap3A_336, %swap3A_337] {strides = array<i32>} : memref<16x128xf32, #tpu.memory_space<vmem>>, vector<1x16xf32>,
    %swap3A_339 = vector.shape_cast %swap3A_338 : vector<1x16xf32> to vector<16xf32>
    %swap3A_340 = vector.shape_cast %broadcast_in_dim3A_5 : vector<16xf32> to vector<1x16xf32>
    tpu.vector_store %arg9[%swap3A_336, %swap3A_337], %swap3A_340 {strides = array<i32>} : memref<16x128xf32, #tpu.memory_space<vmem>>, vector<1x16xf32>,
    %swap3A_341 = arith.constant 7 : i32
    %swap3A_342 = arith.index_cast %swap3A_341 : i32 to index
    %swap3A_343 = arith.constant 0 : index
    %swap3A_344 = tpu.vector_load %arg9[%swap3A_342, %swap3A_343] {strides = array<i32>} : memref<16x128xf32, #tpu.memory_space<vmem>>, vector<1x16xf32>,
    %swap3A_345 = vector.shape_cast %swap3A_344 : vector<1x16xf32> to vector<16xf32>
    %swap3A_346 = vector.shape_cast %broadcast_in_dim3A_5 : vector<16xf32> to vector<1x16xf32>
    tpu.vector_store %arg9[%swap3A_342, %swap3A_343], %swap3A_346 {strides = array<i32>} : memref<16x128xf32, #tpu.memory_space<vmem>>, vector<1x16xf32>,
    %swap3A_347 = arith.constant 7 : i32
    %swap3A_348 = arith.index_cast %swap3A_347 : i32 to index
    %swap3A_349 = arith.constant 16 : index
    %swap3A_350 = tpu.vector_load %arg9[%swap3A_348, %swap3A_349] {strides = array<i32>} : memref<16x128xf32, #tpu.memory_space<vmem>>, vector<1x16xf32>,
    %swap3A_351 = vector.shape_cast %swap3A_350 : vector<1x16xf32> to vector<16xf32>
    %swap3A_352 = vector.shape_cast %broadcast_in_dim3A_5 : vector<16xf32> to vector<1x16xf32>
    tpu.vector_store %arg9[%swap3A_348, %swap3A_349], %swap3A_352 {strides = array<i32>} : memref<16x128xf32, #tpu.memory_space<vmem>>, vector<1x16xf32>,
    %swap3A_353 = arith.constant 7 : i32
    %swap3A_354 = arith.index_cast %swap3A_353 : i32 to index
    %swap3A_355 = arith.constant 32 : index
    %swap3A_356 = tpu.vector_load %arg9[%swap3A_354, %swap3A_355] {strides = array<i32>} : memref<16x128xf32, #tpu.memory_space<vmem>>, vector<1x16xf32>,
    %swap3A_357 = vector.shape_cast %swap3A_356 : vector<1x16xf32> to vector<16xf32>
    %swap3A_358 = vector.shape_cast %broadcast_in_dim3A_5 : vector<16xf32> to vector<1x16xf32>
    tpu.vector_store %arg9[%swap3A_354, %swap3A_355], %swap3A_358 {strides = array<i32>} : memref<16x128xf32, #tpu.memory_space<vmem>>, vector<1x16xf32>,
    %swap3A_359 = arith.constant 7 : i32
    %swap3A_360 = arith.index_cast %swap3A_359 : i32 to index
    %swap3A_361 = arith.constant 48 : index
    %swap3A_362 = tpu.vector_load %arg9[%swap3A_360, %swap3A_361] {strides = array<i32>} : memref<16x128xf32, #tpu.memory_space<vmem>>, vector<1x16xf32>,
    %swap3A_363 = vector.shape_cast %swap3A_362 : vector<1x16xf32> to vector<16xf32>
    %swap3A_364 = vector.shape_cast %broadcast_in_dim3A_5 : vector<16xf32> to vector<1x16xf32>
    tpu.vector_store %arg9[%swap3A_360, %swap3A_361], %swap3A_364 {strides = array<i32>} : memref<16x128xf32, #tpu.memory_space<vmem>>, vector<1x16xf32>,
    %swap3A_365 = arith.constant 7 : i32
    %swap3A_366 = arith.index_cast %swap3A_365 : i32 to index
    %swap3A_367 = arith.constant 64 : index
    %swap3A_368 = tpu.vector_load %arg9[%swap3A_366, %swap3A_367] {strides = array<i32>} : memref<16x128xf32, #tpu.memory_space<vmem>>, vector<1x16xf32>,
    %swap3A_369 = vector.shape_cast %swap3A_368 : vector<1x16xf32> to vector<16xf32>
    %swap3A_370 = vector.shape_cast %broadcast_in_dim3A_5 : vector<16xf32> to vector<1x16xf32>
    tpu.vector_store %arg9[%swap3A_366, %swap3A_367], %swap3A_370 {strides = array<i32>} : memref<16x128xf32, #tpu.memory_space<vmem>>, vector<1x16xf32>,
    %swap3A_371 = arith.constant 7 : i32
    %swap3A_372 = arith.index_cast %swap3A_371 : i32 to index
    %swap3A_373 = arith.constant 80 : index
    %swap3A_374 = tpu.vector_load %arg9[%swap3A_372, %swap3A_373] {strides = array<i32>} : memref<16x128xf32, #tpu.memory_space<vmem>>, vector<1x16xf32>,
    %swap3A_375 = vector.shape_cast %swap3A_374 : vector<1x16xf32> to vector<16xf32>
    %swap3A_376 = vector.shape_cast %broadcast_in_dim3A_5 : vector<16xf32> to vector<1x16xf32>
    tpu.vector_store %arg9[%swap3A_372, %swap3A_373], %swap3A_376 {strides = array<i32>} : memref<16x128xf32, #tpu.memory_space<vmem>>, vector<1x16xf32>,
    %swap3A_377 = arith.constant 7 : i32
    %swap3A_378 = arith.index_cast %swap3A_377 : i32 to index
    %swap3A_379 = arith.constant 96 : index
    %swap3A_380 = tpu.vector_load %arg9[%swap3A_378, %swap3A_379] {strides = array<i32>} : memref<16x128xf32, #tpu.memory_space<vmem>>, vector<1x16xf32>,
    %swap3A_381 = vector.shape_cast %swap3A_380 : vector<1x16xf32> to vector<16xf32>
    %swap3A_382 = vector.shape_cast %broadcast_in_dim3A_5 : vector<16xf32> to vector<1x16xf32>
    tpu.vector_store %arg9[%swap3A_378, %swap3A_379], %swap3A_382 {strides = array<i32>} : memref<16x128xf32, #tpu.memory_space<vmem>>, vector<1x16xf32>,
    %swap3A_383 = arith.constant 7 : i32
    %swap3A_384 = arith.index_cast %swap3A_383 : i32 to index
    %swap3A_385 = arith.constant 112 : index
    %swap3A_386 = tpu.vector_load %arg9[%swap3A_384, %swap3A_385] {strides = array<i32>} : memref<16x128xf32, #tpu.memory_space<vmem>>, vector<1x16xf32>,
    %swap3A_387 = vector.shape_cast %swap3A_386 : vector<1x16xf32> to vector<16xf32>
    %swap3A_388 = vector.shape_cast %broadcast_in_dim3A_5 : vector<16xf32> to vector<1x16xf32>
    tpu.vector_store %arg9[%swap3A_384, %swap3A_385], %swap3A_388 {strides = array<i32>} : memref<16x128xf32, #tpu.memory_space<vmem>>, vector<1x16xf32>,
    %swap3A_389 = arith.constant 8 : i32
    %swap3A_390 = arith.index_cast %swap3A_389 : i32 to index
    %swap3A_391 = arith.constant 0 : index
    %swap3A_392 = tpu.vector_load %arg9[%swap3A_390, %swap3A_391] {strides = array<i32>} : memref<16x128xf32, #tpu.memory_space<vmem>>, vector<1x16xf32>,
    %swap3A_393 = vector.shape_cast %swap3A_392 : vector<1x16xf32> to vector<16xf32>
    %swap3A_394 = vector.shape_cast %broadcast_in_dim3A_5 : vector<16xf32> to vector<1x16xf32>
    tpu.vector_store %arg9[%swap3A_390, %swap3A_391], %swap3A_394 {strides = array<i32>} : memref<16x128xf32, #tpu.memory_space<vmem>>, vector<1x16xf32>,
    %swap3A_395 = arith.constant 8 : i32
    %swap3A_396 = arith.index_cast %swap3A_395 : i32 to index
    %swap3A_397 = arith.constant 16 : index
    %swap3A_398 = tpu.vector_load %arg9[%swap3A_396, %swap3A_397] {strides = array<i32>} : memref<16x128xf32, #tpu.memory_space<vmem>>, vector<1x16xf32>,
    %swap3A_399 = vector.shape_cast %swap3A_398 : vector<1x16xf32> to vector<16xf32>
    %swap3A_400 = vector.shape_cast %broadcast_in_dim3A_5 : vector<16xf32> to vector<1x16xf32>
    tpu.vector_store %arg9[%swap3A_396, %swap3A_397], %swap3A_400 {strides = array<i32>} : memref<16x128xf32, #tpu.memory_space<vmem>>, vector<1x16xf32>,
    %swap3A_401 = arith.constant 8 : i32
    %swap3A_402 = arith.index_cast %swap3A_401 : i32 to index
    %swap3A_403 = arith.constant 32 : index
    %swap3A_404 = tpu.vector_load %arg9[%swap3A_402, %swap3A_403] {strides = array<i32>} : memref<16x128xf32, #tpu.memory_space<vmem>>, vector<1x16xf32>,
    %swap3A_405 = vector.shape_cast %swap3A_404 : vector<1x16xf32> to vector<16xf32>
    %swap3A_406 = vector.shape_cast %broadcast_in_dim3A_5 : vector<16xf32> to vector<1x16xf32>
    tpu.vector_store %arg9[%swap3A_402, %swap3A_403], %swap3A_406 {strides = array<i32>} : memref<16x128xf32, #tpu.memory_space<vmem>>, vector<1x16xf32>,
    %swap3A_407 = arith.constant 8 : i32
    %swap3A_408 = arith.index_cast %swap3A_407 : i32 to index
    %swap3A_409 = arith.constant 48 : index
    %swap3A_410 = tpu.vector_load %arg9[%swap3A_408, %swap3A_409] {strides = array<i32>} : memref<16x128xf32, #tpu.memory_space<vmem>>, vector<1x16xf32>,
    %swap3A_411 = vector.shape_cast %swap3A_410 : vector<1x16xf32> to vector<16xf32>
    %swap3A_412 = vector.shape_cast %broadcast_in_dim3A_5 : vector<16xf32> to vector<1x16xf32>
    tpu.vector_store %arg9[%swap3A_408, %swap3A_409], %swap3A_412 {strides = array<i32>} : memref<16x128xf32, #tpu.memory_space<vmem>>, vector<1x16xf32>,
    %swap3A_413 = arith.constant 8 : i32
    %swap3A_414 = arith.index_cast %swap3A_413 : i32 to index
    %swap3A_415 = arith.constant 64 : index
    %swap3A_416 = tpu.vector_load %arg9[%swap3A_414, %swap3A_415] {strides = array<i32>} : memref<16x128xf32, #tpu.memory_space<vmem>>, vector<1x16xf32>,
    %swap3A_417 = vector.shape_cast %swap3A_416 : vector<1x16xf32> to vector<16xf32>
    %swap3A_418 = vector.shape_cast %broadcast_in_dim3A_5 : vector<16xf32> to vector<1x16xf32>
    tpu.vector_store %arg9[%swap3A_414, %swap3A_415], %swap3A_418 {strides = array<i32>} : memref<16x128xf32, #tpu.memory_space<vmem>>, vector<1x16xf32>,
    %swap3A_419 = arith.constant 8 : i32
    %swap3A_420 = arith.index_cast %swap3A_419 : i32 to index
    %swap3A_421 = arith.constant 80 : index
    %swap3A_422 = tpu.vector_load %arg9[%swap3A_420, %swap3A_421] {strides = array<i32>} : memref<16x128xf32, #tpu.memory_space<vmem>>, vector<1x16xf32>,
    %swap3A_423 = vector.shape_cast %swap3A_422 : vector<1x16xf32> to vector<16xf32>
    %swap3A_424 = vector.shape_cast %broadcast_in_dim3A_5 : vector<16xf32> to vector<1x16xf32>
    tpu.vector_store %arg9[%swap3A_420, %swap3A_421], %swap3A_424 {strides = array<i32>} : memref<16x128xf32, #tpu.memory_space<vmem>>, vector<1x16xf32>,
    %swap3A_425 = arith.constant 8 : i32
    %swap3A_426 = arith.index_cast %swap3A_425 : i32 to index
    %swap3A_427 = arith.constant 96 : index
    %swap3A_428 = tpu.vector_load %arg9[%swap3A_426, %swap3A_427] {strides = array<i32>} : memref<16x128xf32, #tpu.memory_space<vmem>>, vector<1x16xf32>,
    %swap3A_429 = vector.shape_cast %swap3A_428 : vector<1x16xf32> to vector<16xf32>
    %swap3A_430 = vector.shape_cast %broadcast_in_dim3A_5 : vector<16xf32> to vector<1x16xf32>
    tpu.vector_store %arg9[%swap3A_426, %swap3A_427], %swap3A_430 {strides = array<i32>} : memref<16x128xf32, #tpu.memory_space<vmem>>, vector<1x16xf32>,
    %swap3A_431 = arith.constant 8 : i32
    %swap3A_432 = arith.index_cast %swap3A_431 : i32 to index
    %swap3A_433 = arith.constant 112 : index
    %swap3A_434 = tpu.vector_load %arg9[%swap3A_432, %swap3A_433] {strides = array<i32>} : memref<16x128xf32, #tpu.memory_space<vmem>>, vector<1x16xf32>,
    %swap3A_435 = vector.shape_cast %swap3A_434 : vector<1x16xf32> to vector<16xf32>
    %swap3A_436 = vector.shape_cast %broadcast_in_dim3A_5 : vector<16xf32> to vector<1x16xf32>
    tpu.vector_store %arg9[%swap3A_432, %swap3A_433], %swap3A_436 {strides = array<i32>} : memref<16x128xf32, #tpu.memory_space<vmem>>, vector<1x16xf32>,
    %swap3A_437 = arith.constant 9 : i32
    %swap3A_438 = arith.index_cast %swap3A_437 : i32 to index
    %swap3A_439 = arith.constant 0 : index
    %swap3A_440 = tpu.vector_load %arg9[%swap3A_438, %swap3A_439] {strides = array<i32>} : memref<16x128xf32, #tpu.memory_space<vmem>>, vector<1x16xf32>,
    %swap3A_441 = vector.shape_cast %swap3A_440 : vector<1x16xf32> to vector<16xf32>
    %swap3A_442 = vector.shape_cast %broadcast_in_dim3A_5 : vector<16xf32> to vector<1x16xf32>
    tpu.vector_store %arg9[%swap3A_438, %swap3A_439], %swap3A_442 {strides = array<i32>} : memref<16x128xf32, #tpu.memory_space<vmem>>, vector<1x16xf32>,
    %swap3A_443 = arith.constant 9 : i32
    %swap3A_444 = arith.index_cast %swap3A_443 : i32 to index
    %swap3A_445 = arith.constant 16 : index
    %swap3A_446 = tpu.vector_load %arg9[%swap3A_444, %swap3A_445] {strides = array<i32>} : memref<16x128xf32, #tpu.memory_space<vmem>>, vector<1x16xf32>,
    %swap3A_447 = vector.shape_cast %swap3A_446 : vector<1x16xf32> to vector<16xf32>
    %swap3A_448 = vector.shape_cast %broadcast_in_dim3A_5 : vector<16xf32> to vector<1x16xf32>
    tpu.vector_store %arg9[%swap3A_444, %swap3A_445], %swap3A_448 {strides = array<i32>} : memref<16x128xf32, #tpu.memory_space<vmem>>, vector<1x16xf32>,
    %swap3A_449 = arith.constant 9 : i32
    %swap3A_450 = arith.index_cast %swap3A_449 : i32 to index
    %swap3A_451 = arith.constant 32 : index
    %swap3A_452 = tpu.vector_load %arg9[%swap3A_450, %swap3A_451] {strides = array<i32>} : memref<16x128xf32, #tpu.memory_space<vmem>>, vector<1x16xf32>,
    %swap3A_453 = vector.shape_cast %swap3A_452 : vector<1x16xf32> to vector<16xf32>
    %swap3A_454 = vector.shape_cast %broadcast_in_dim3A_5 : vector<16xf32> to vector<1x16xf32>
    tpu.vector_store %arg9[%swap3A_450, %swap3A_451], %swap3A_454 {strides = array<i32>} : memref<16x128xf32, #tpu.memory_space<vmem>>, vector<1x16xf32>,
    %swap3A_455 = arith.constant 9 : i32
    %swap3A_456 = arith.index_cast %swap3A_455 : i32 to index
    %swap3A_457 = arith.constant 48 : index
    %swap3A_458 = tpu.vector_load %arg9[%swap3A_456, %swap3A_457] {strides = array<i32>} : memref<16x128xf32, #tpu.memory_space<vmem>>, vector<1x16xf32>,
    %swap3A_459 = vector.shape_cast %swap3A_458 : vector<1x16xf32> to vector<16xf32>
    %swap3A_460 = vector.shape_cast %broadcast_in_dim3A_5 : vector<16xf32> to vector<1x16xf32>
    tpu.vector_store %arg9[%swap3A_456, %swap3A_457], %swap3A_460 {strides = array<i32>} : memref<16x128xf32, #tpu.memory_space<vmem>>, vector<1x16xf32>,
    %swap3A_461 = arith.constant 9 : i32
    %swap3A_462 = arith.index_cast %swap3A_461 : i32 to index
    %swap3A_463 = arith.constant 64 : index
    %swap3A_464 = tpu.vector_load %arg9[%swap3A_462, %swap3A_463] {strides = array<i32>} : memref<16x128xf32, #tpu.memory_space<vmem>>, vector<1x16xf32>,
    %swap3A_465 = vector.shape_cast %swap3A_464 : vector<1x16xf32> to vector<16xf32>
    %swap3A_466 = vector.shape_cast %broadcast_in_dim3A_5 : vector<16xf32> to vector<1x16xf32>
    tpu.vector_store %arg9[%swap3A_462, %swap3A_463], %swap3A_466 {strides = array<i32>} : memref<16x128xf32, #tpu.memory_space<vmem>>, vector<1x16xf32>,
    %swap3A_467 = arith.constant 9 : i32
    %swap3A_468 = arith.index_cast %swap3A_467 : i32 to index
    %swap3A_469 = arith.constant 80 : index
    %swap3A_470 = tpu.vector_load %arg9[%swap3A_468, %swap3A_469] {strides = array<i32>} : memref<16x128xf32, #tpu.memory_space<vmem>>, vector<1x16xf32>,
    %swap3A_471 = vector.shape_cast %swap3A_470 : vector<1x16xf32> to vector<16xf32>
    %swap3A_472 = vector.shape_cast %broadcast_in_dim3A_5 : vector<16xf32> to vector<1x16xf32>
    tpu.vector_store %arg9[%swap3A_468, %swap3A_469], %swap3A_472 {strides = array<i32>} : memref<16x128xf32, #tpu.memory_space<vmem>>, vector<1x16xf32>,
    %swap3A_473 = arith.constant 9 : i32
    %swap3A_474 = arith.index_cast %swap3A_473 : i32 to index
    %swap3A_475 = arith.constant 96 : index
    %swap3A_476 = tpu.vector_load %arg9[%swap3A_474, %swap3A_475] {strides = array<i32>} : memref<16x128xf32, #tpu.memory_space<vmem>>, vector<1x16xf32>,
    %swap3A_477 = vector.shape_cast %swap3A_476 : vector<1x16xf32> to vector<16xf32>
    %swap3A_478 = vector.shape_cast %broadcast_in_dim3A_5 : vector<16xf32> to vector<1x16xf32>
    tpu.vector_store %arg9[%swap3A_474, %swap3A_475], %swap3A_478 {strides = array<i32>} : memref<16x128xf32, #tpu.memory_space<vmem>>, vector<1x16xf32>,
    %swap3A_479 = arith.constant 9 : i32
    %swap3A_480 = arith.index_cast %swap3A_479 : i32 to index
    %swap3A_481 = arith.constant 112 : index
    %swap3A_482 = tpu.vector_load %arg9[%swap3A_480, %swap3A_481] {strides = array<i32>} : memref<16x128xf32, #tpu.memory_space<vmem>>, vector<1x16xf32>,
    %swap3A_483 = vector.shape_cast %swap3A_482 : vector<1x16xf32> to vector<16xf32>
    %swap3A_484 = vector.shape_cast %broadcast_in_dim3A_5 : vector<16xf32> to vector<1x16xf32>
    tpu.vector_store %arg9[%swap3A_480, %swap3A_481], %swap3A_484 {strides = array<i32>} : memref<16x128xf32, #tpu.memory_space<vmem>>, vector<1x16xf32>,
    %swap3A_485 = arith.constant 10 : i32
    %swap3A_486 = arith.index_cast %swap3A_485 : i32 to index
    %swap3A_487 = arith.constant 0 : index
    %swap3A_488 = tpu.vector_load %arg9[%swap3A_486, %swap3A_487] {strides = array<i32>} : memref<16x128xf32, #tpu.memory_space<vmem>>, vector<1x16xf32>,
    %swap3A_489 = vector.shape_cast %swap3A_488 : vector<1x16xf32> to vector<16xf32>
    %swap3A_490 = vector.shape_cast %broadcast_in_dim3A_5 : vector<16xf32> to vector<1x16xf32>
    tpu.vector_store %arg9[%swap3A_486, %swap3A_487], %swap3A_490 {strides = array<i32>} : memref<16x128xf32, #tpu.memory_space<vmem>>, vector<1x16xf32>,
    %swap3A_491 = arith.constant 10 : i32
    %swap3A_492 = arith.index_cast %swap3A_491 : i32 to index
    %swap3A_493 = arith.constant 16 : index
    %swap3A_494 = tpu.vector_load %arg9[%swap3A_492, %swap3A_493] {strides = array<i32>} : memref<16x128xf32, #tpu.memory_space<vmem>>, vector<1x16xf32>,
    %swap3A_495 = vector.shape_cast %swap3A_494 : vector<1x16xf32> to vector<16xf32>
    %swap3A_496 = vector.shape_cast %broadcast_in_dim3A_5 : vector<16xf32> to vector<1x16xf32>
    tpu.vector_store %arg9[%swap3A_492, %swap3A_493], %swap3A_496 {strides = array<i32>} : memref<16x128xf32, #tpu.memory_space<vmem>>, vector<1x16xf32>,
    %swap3A_497 = arith.constant 10 : i32
    %swap3A_498 = arith.index_cast %swap3A_497 : i32 to index
    %swap3A_499 = arith.constant 32 : index
    %swap3A_500 = tpu.vector_load %arg9[%swap3A_498, %swap3A_499] {strides = array<i32>} : memref<16x128xf32, #tpu.memory_space<vmem>>, vector<1x16xf32>,
    %swap3A_501 = vector.shape_cast %swap3A_500 : vector<1x16xf32> to vector<16xf32>
    %swap3A_502 = vector.shape_cast %broadcast_in_dim3A_5 : vector<16xf32> to vector<1x16xf32>
    tpu.vector_store %arg9[%swap3A_498, %swap3A_499], %swap3A_502 {strides = array<i32>} : memref<16x128xf32, #tpu.memory_space<vmem>>, vector<1x16xf32>,
    %swap3A_503 = arith.constant 10 : i32
    %swap3A_504 = arith.index_cast %swap3A_503 : i32 to index
    %swap3A_505 = arith.constant 48 : index
    %swap3A_506 = tpu.vector_load %arg9[%swap3A_504, %swap3A_505] {strides = array<i32>} : memref<16x128xf32, #tpu.memory_space<vmem>>, vector<1x16xf32>,
    %swap3A_507 = vector.shape_cast %swap3A_506 : vector<1x16xf32> to vector<16xf32>
    %swap3A_508 = vector.shape_cast %broadcast_in_dim3A_5 : vector<16xf32> to vector<1x16xf32>
    tpu.vector_store %arg9[%swap3A_504, %swap3A_505], %swap3A_508 {strides = array<i32>} : memref<16x128xf32, #tpu.memory_space<vmem>>, vector<1x16xf32>,
    %swap3A_509 = arith.constant 10 : i32
    %swap3A_510 = arith.index_cast %swap3A_509 : i32 to index
    %swap3A_511 = arith.constant 64 : index
    %swap3A_512 = tpu.vector_load %arg9[%swap3A_510, %swap3A_511] {strides = array<i32>} : memref<16x128xf32, #tpu.memory_space<vmem>>, vector<1x16xf32>,
    %swap3A_513 = vector.shape_cast %swap3A_512 : vector<1x16xf32> to vector<16xf32>
    %swap3A_514 = vector.shape_cast %broadcast_in_dim3A_5 : vector<16xf32> to vector<1x16xf32>
    tpu.vector_store %arg9[%swap3A_510, %swap3A_511], %swap3A_514 {strides = array<i32>} : memref<16x128xf32, #tpu.memory_space<vmem>>, vector<1x16xf32>,
    %swap3A_515 = arith.constant 10 : i32
    %swap3A_516 = arith.index_cast %swap3A_515 : i32 to index
    %swap3A_517 = arith.constant 80 : index
    %swap3A_518 = tpu.vector_load %arg9[%swap3A_516, %swap3A_517] {strides = array<i32>} : memref<16x128xf32, #tpu.memory_space<vmem>>, vector<1x16xf32>,
    %swap3A_519 = vector.shape_cast %swap3A_518 : vector<1x16xf32> to vector<16xf32>
    %swap3A_520 = vector.shape_cast %broadcast_in_dim3A_5 : vector<16xf32> to vector<1x16xf32>
    tpu.vector_store %arg9[%swap3A_516, %swap3A_517], %swap3A_520 {strides = array<i32>} : memref<16x128xf32, #tpu.memory_space<vmem>>, vector<1x16xf32>,
    %swap3A_521 = arith.constant 10 : i32
    %swap3A_522 = arith.index_cast %swap3A_521 : i32 to index
    %swap3A_523 = arith.constant 96 : index
    %swap3A_524 = tpu.vector_load %arg9[%swap3A_522, %swap3A_523] {strides = array<i32>} : memref<16x128xf32, #tpu.memory_space<vmem>>, vector<1x16xf32>,
    %swap3A_525 = vector.shape_cast %swap3A_524 : vector<1x16xf32> to vector<16xf32>
    %swap3A_526 = vector.shape_cast %broadcast_in_dim3A_5 : vector<16xf32> to vector<1x16xf32>
    tpu.vector_store %arg9[%swap3A_522, %swap3A_523], %swap3A_526 {strides = array<i32>} : memref<16x128xf32, #tpu.memory_space<vmem>>, vector<1x16xf32>,
    %swap3A_527 = arith.constant 10 : i32
    %swap3A_528 = arith.index_cast %swap3A_527 : i32 to index
    %swap3A_529 = arith.constant 112 : index
    %swap3A_530 = tpu.vector_load %arg9[%swap3A_528, %swap3A_529] {strides = array<i32>} : memref<16x128xf32, #tpu.memory_space<vmem>>, vector<1x16xf32>,
    %swap3A_531 = vector.shape_cast %swap3A_530 : vector<1x16xf32> to vector<16xf32>
    %swap3A_532 = vector.shape_cast %broadcast_in_dim3A_5 : vector<16xf32> to vector<1x16xf32>
    tpu.vector_store %arg9[%swap3A_528, %swap3A_529], %swap3A_532 {strides = array<i32>} : memref<16x128xf32, #tpu.memory_space<vmem>>, vector<1x16xf32>,
    %swap3A_533 = arith.constant 11 : i32
    %swap3A_534 = arith.index_cast %swap3A_533 : i32 to index
    %swap3A_535 = arith.constant 0 : index
    %swap3A_536 = tpu.vector_load %arg9[%swap3A_534, %swap3A_535] {strides = array<i32>} : memref<16x128xf32, #tpu.memory_space<vmem>>, vector<1x16xf32>,
    %swap3A_537 = vector.shape_cast %swap3A_536 : vector<1x16xf32> to vector<16xf32>
    %swap3A_538 = vector.shape_cast %broadcast_in_dim3A_5 : vector<16xf32> to vector<1x16xf32>
    tpu.vector_store %arg9[%swap3A_534, %swap3A_535], %swap3A_538 {strides = array<i32>} : memref<16x128xf32, #tpu.memory_space<vmem>>, vector<1x16xf32>,
    %swap3A_539 = arith.constant 11 : i32
    %swap3A_540 = arith.index_cast %swap3A_539 : i32 to index
    %swap3A_541 = arith.constant 16 : index
    %swap3A_542 = tpu.vector_load %arg9[%swap3A_540, %swap3A_541] {strides = array<i32>} : memref<16x128xf32, #tpu.memory_space<vmem>>, vector<1x16xf32>,
    %swap3A_543 = vector.shape_cast %swap3A_542 : vector<1x16xf32> to vector<16xf32>
    %swap3A_544 = vector.shape_cast %broadcast_in_dim3A_5 : vector<16xf32> to vector<1x16xf32>
    tpu.vector_store %arg9[%swap3A_540, %swap3A_541], %swap3A_544 {strides = array<i32>} : memref<16x128xf32, #tpu.memory_space<vmem>>, vector<1x16xf32>,
    %swap3A_545 = arith.constant 11 : i32
    %swap3A_546 = arith.index_cast %swap3A_545 : i32 to index
    %swap3A_547 = arith.constant 32 : index
    %swap3A_548 = tpu.vector_load %arg9[%swap3A_546, %swap3A_547] {strides = array<i32>} : memref<16x128xf32, #tpu.memory_space<vmem>>, vector<1x16xf32>,
    %swap3A_549 = vector.shape_cast %swap3A_548 : vector<1x16xf32> to vector<16xf32>
    %swap3A_550 = vector.shape_cast %broadcast_in_dim3A_5 : vector<16xf32> to vector<1x16xf32>
    tpu.vector_store %arg9[%swap3A_546, %swap3A_547], %swap3A_550 {strides = array<i32>} : memref<16x128xf32, #tpu.memory_space<vmem>>, vector<1x16xf32>,
    %swap3A_551 = arith.constant 11 : i32
    %swap3A_552 = arith.index_cast %swap3A_551 : i32 to index
    %swap3A_553 = arith.constant 48 : index
    %swap3A_554 = tpu.vector_load %arg9[%swap3A_552, %swap3A_553] {strides = array<i32>} : memref<16x128xf32, #tpu.memory_space<vmem>>, vector<1x16xf32>,
    %swap3A_555 = vector.shape_cast %swap3A_554 : vector<1x16xf32> to vector<16xf32>
    %swap3A_556 = vector.shape_cast %broadcast_in_dim3A_5 : vector<16xf32> to vector<1x16xf32>
    tpu.vector_store %arg9[%swap3A_552, %swap3A_553], %swap3A_556 {strides = array<i32>} : memref<16x128xf32, #tpu.memory_space<vmem>>, vector<1x16xf32>,
    %swap3A_557 = arith.constant 11 : i32
    %swap3A_558 = arith.index_cast %swap3A_557 : i32 to index
    %swap3A_559 = arith.constant 64 : index
    %swap3A_560 = tpu.vector_load %arg9[%swap3A_558, %swap3A_559] {strides = array<i32>} : memref<16x128xf32, #tpu.memory_space<vmem>>, vector<1x16xf32>,
    %swap3A_561 = vector.shape_cast %swap3A_560 : vector<1x16xf32> to vector<16xf32>
    %swap3A_562 = vector.shape_cast %broadcast_in_dim3A_5 : vector<16xf32> to vector<1x16xf32>
    tpu.vector_store %arg9[%swap3A_558, %swap3A_559], %swap3A_562 {strides = array<i32>} : memref<16x128xf32, #tpu.memory_space<vmem>>, vector<1x16xf32>,
    %swap3A_563 = arith.constant 11 : i32
    %swap3A_564 = arith.index_cast %swap3A_563 : i32 to index
    %swap3A_565 = arith.constant 80 : index
    %swap3A_566 = tpu.vector_load %arg9[%swap3A_564, %swap3A_565] {strides = array<i32>} : memref<16x128xf32, #tpu.memory_space<vmem>>, vector<1x16xf32>,
    %swap3A_567 = vector.shape_cast %swap3A_566 : vector<1x16xf32> to vector<16xf32>
    %swap3A_568 = vector.shape_cast %broadcast_in_dim3A_5 : vector<16xf32> to vector<1x16xf32>
    tpu.vector_store %arg9[%swap3A_564, %swap3A_565], %swap3A_568 {strides = array<i32>} : memref<16x128xf32, #tpu.memory_space<vmem>>, vector<1x16xf32>,
    %swap3A_569 = arith.constant 11 : i32
    %swap3A_570 = arith.index_cast %swap3A_569 : i32 to index
    %swap3A_571 = arith.constant 96 : index
    %swap3A_572 = tpu.vector_load %arg9[%swap3A_570, %swap3A_571] {strides = array<i32>} : memref<16x128xf32, #tpu.memory_space<vmem>>, vector<1x16xf32>,
    %swap3A_573 = vector.shape_cast %swap3A_572 : vector<1x16xf32> to vector<16xf32>
    %swap3A_574 = vector.shape_cast %broadcast_in_dim3A_5 : vector<16xf32> to vector<1x16xf32>
    tpu.vector_store %arg9[%swap3A_570, %swap3A_571], %swap3A_574 {strides = array<i32>} : memref<16x128xf32, #tpu.memory_space<vmem>>, vector<1x16xf32>,
    %swap3A_575 = arith.constant 11 : i32
    %swap3A_576 = arith.index_cast %swap3A_575 : i32 to index
    %swap3A_577 = arith.constant 112 : index
    %swap3A_578 = tpu.vector_load %arg9[%swap3A_576, %swap3A_577] {strides = array<i32>} : memref<16x128xf32, #tpu.memory_space<vmem>>, vector<1x16xf32>,
    %swap3A_579 = vector.shape_cast %swap3A_578 : vector<1x16xf32> to vector<16xf32>
    %swap3A_580 = vector.shape_cast %broadcast_in_dim3A_5 : vector<16xf32> to vector<1x16xf32>
    tpu.vector_store %arg9[%swap3A_576, %swap3A_577], %swap3A_580 {strides = array<i32>} : memref<16x128xf32, #tpu.memory_space<vmem>>, vector<1x16xf32>,
    %swap3A_581 = arith.constant 12 : i32
    %swap3A_582 = arith.index_cast %swap3A_581 : i32 to index
    %swap3A_583 = arith.constant 0 : index
    %swap3A_584 = tpu.vector_load %arg9[%swap3A_582, %swap3A_583] {strides = array<i32>} : memref<16x128xf32, #tpu.memory_space<vmem>>, vector<1x16xf32>,
    %swap3A_585 = vector.shape_cast %swap3A_584 : vector<1x16xf32> to vector<16xf32>
    %swap3A_586 = vector.shape_cast %broadcast_in_dim3A_5 : vector<16xf32> to vector<1x16xf32>
    tpu.vector_store %arg9[%swap3A_582, %swap3A_583], %swap3A_586 {strides = array<i32>} : memref<16x128xf32, #tpu.memory_space<vmem>>, vector<1x16xf32>,
    %swap3A_587 = arith.constant 12 : i32
    %swap3A_588 = arith.index_cast %swap3A_587 : i32 to index
    %swap3A_589 = arith.constant 16 : index
    %swap3A_590 = tpu.vector_load %arg9[%swap3A_588, %swap3A_589] {strides = array<i32>} : memref<16x128xf32, #tpu.memory_space<vmem>>, vector<1x16xf32>,
    %swap3A_591 = vector.shape_cast %swap3A_590 : vector<1x16xf32> to vector<16xf32>
    %swap3A_592 = vector.shape_cast %broadcast_in_dim3A_5 : vector<16xf32> to vector<1x16xf32>
    tpu.vector_store %arg9[%swap3A_588, %swap3A_589], %swap3A_592 {strides = array<i32>} : memref<16x128xf32, #tpu.memory_space<vmem>>, vector<1x16xf32>,
    %swap3A_593 = arith.constant 12 : i32
    %swap3A_594 = arith.index_cast %swap3A_593 : i32 to index
    %swap3A_595 = arith.constant 32 : index
    %swap3A_596 = tpu.vector_load %arg9[%swap3A_594, %swap3A_595] {strides = array<i32>} : memref<16x128xf32, #tpu.memory_space<vmem>>, vector<1x16xf32>,
    %swap3A_597 = vector.shape_cast %swap3A_596 : vector<1x16xf32> to vector<16xf32>
    %swap3A_598 = vector.shape_cast %broadcast_in_dim3A_5 : vector<16xf32> to vector<1x16xf32>
    tpu.vector_store %arg9[%swap3A_594, %swap3A_595], %swap3A_598 {strides = array<i32>} : memref<16x128xf32, #tpu.memory_space<vmem>>, vector<1x16xf32>,
    %swap3A_599 = arith.constant 12 : i32
    %swap3A_600 = arith.index_cast %swap3A_599 : i32 to index
    %swap3A_601 = arith.constant 48 : index
    %swap3A_602 = tpu.vector_load %arg9[%swap3A_600, %swap3A_601] {strides = array<i32>} : memref<16x128xf32, #tpu.memory_space<vmem>>, vector<1x16xf32>,
    %swap3A_603 = vector.shape_cast %swap3A_602 : vector<1x16xf32> to vector<16xf32>
    %swap3A_604 = vector.shape_cast %broadcast_in_dim3A_5 : vector<16xf32> to vector<1x16xf32>
    tpu.vector_store %arg9[%swap3A_600, %swap3A_601], %swap3A_604 {strides = array<i32>} : memref<16x128xf32, #tpu.memory_space<vmem>>, vector<1x16xf32>,
    %swap3A_605 = arith.constant 12 : i32
    %swap3A_606 = arith.index_cast %swap3A_605 : i32 to index
    %swap3A_607 = arith.constant 64 : index
    %swap3A_608 = tpu.vector_load %arg9[%swap3A_606, %swap3A_607] {strides = array<i32>} : memref<16x128xf32, #tpu.memory_space<vmem>>, vector<1x16xf32>,
    %swap3A_609 = vector.shape_cast %swap3A_608 : vector<1x16xf32> to vector<16xf32>
    %swap3A_610 = vector.shape_cast %broadcast_in_dim3A_5 : vector<16xf32> to vector<1x16xf32>
    tpu.vector_store %arg9[%swap3A_606, %swap3A_607], %swap3A_610 {strides = array<i32>} : memref<16x128xf32, #tpu.memory_space<vmem>>, vector<1x16xf32>,
    %swap3A_611 = arith.constant 12 : i32
    %swap3A_612 = arith.index_cast %swap3A_611 : i32 to index
    %swap3A_613 = arith.constant 80 : index
    %swap3A_614 = tpu.vector_load %arg9[%swap3A_612, %swap3A_613] {strides = array<i32>} : memref<16x128xf32, #tpu.memory_space<vmem>>, vector<1x16xf32>,
    %swap3A_615 = vector.shape_cast %swap3A_614 : vector<1x16xf32> to vector<16xf32>
    %swap3A_616 = vector.shape_cast %broadcast_in_dim3A_5 : vector<16xf32> to vector<1x16xf32>
    tpu.vector_store %arg9[%swap3A_612, %swap3A_613], %swap3A_616 {strides = array<i32>} : memref<16x128xf32, #tpu.memory_space<vmem>>, vector<1x16xf32>,
    %swap3A_617 = arith.constant 12 : i32
    %swap3A_618 = arith.index_cast %swap3A_617 : i32 to index
    %swap3A_619 = arith.constant 96 : index
    %swap3A_620 = tpu.vector_load %arg9[%swap3A_618, %swap3A_619] {strides = array<i32>} : memref<16x128xf32, #tpu.memory_space<vmem>>, vector<1x16xf32>,
    %swap3A_621 = vector.shape_cast %swap3A_620 : vector<1x16xf32> to vector<16xf32>
    %swap3A_622 = vector.shape_cast %broadcast_in_dim3A_5 : vector<16xf32> to vector<1x16xf32>
    tpu.vector_store %arg9[%swap3A_618, %swap3A_619], %swap3A_622 {strides = array<i32>} : memref<16x128xf32, #tpu.memory_space<vmem>>, vector<1x16xf32>,
    %swap3A_623 = arith.constant 12 : i32
    %swap3A_624 = arith.index_cast %swap3A_623 : i32 to index
    %swap3A_625 = arith.constant 112 : index
    %swap3A_626 = tpu.vector_load %arg9[%swap3A_624, %swap3A_625] {strides = array<i32>} : memref<16x128xf32, #tpu.memory_space<vmem>>, vector<1x16xf32>,
    %swap3A_627 = vector.shape_cast %swap3A_626 : vector<1x16xf32> to vector<16xf32>
    %swap3A_628 = vector.shape_cast %broadcast_in_dim3A_5 : vector<16xf32> to vector<1x16xf32>
    tpu.vector_store %arg9[%swap3A_624, %swap3A_625], %swap3A_628 {strides = array<i32>} : memref<16x128xf32, #tpu.memory_space<vmem>>, vector<1x16xf32>,
    %swap3A_629 = arith.constant 13 : i32
    %swap3A_630 = arith.index_cast %swap3A_629 : i32 to index
    %swap3A_631 = arith.constant 0 : index
    %swap3A_632 = tpu.vector_load %arg9[%swap3A_630, %swap3A_631] {strides = array<i32>} : memref<16x128xf32, #tpu.memory_space<vmem>>, vector<1x16xf32>,
    %swap3A_633 = vector.shape_cast %swap3A_632 : vector<1x16xf32> to vector<16xf32>
    %swap3A_634 = vector.shape_cast %broadcast_in_dim3A_5 : vector<16xf32> to vector<1x16xf32>
    tpu.vector_store %arg9[%swap3A_630, %swap3A_631], %swap3A_634 {strides = array<i32>} : memref<16x128xf32, #tpu.memory_space<vmem>>, vector<1x16xf32>,
    %swap3A_635 = arith.constant 13 : i32
    %swap3A_636 = arith.index_cast %swap3A_635 : i32 to index
    %swap3A_637 = arith.constant 16 : index
    %swap3A_638 = tpu.vector_load %arg9[%swap3A_636, %swap3A_637] {strides = array<i32>} : memref<16x128xf32, #tpu.memory_space<vmem>>, vector<1x16xf32>,
    %swap3A_639 = vector.shape_cast %swap3A_638 : vector<1x16xf32> to vector<16xf32>
    %swap3A_640 = vector.shape_cast %broadcast_in_dim3A_5 : vector<16xf32> to vector<1x16xf32>
    tpu.vector_store %arg9[%swap3A_636, %swap3A_637], %swap3A_640 {strides = array<i32>} : memref<16x128xf32, #tpu.memory_space<vmem>>, vector<1x16xf32>,
    %swap3A_641 = arith.constant 13 : i32
    %swap3A_642 = arith.index_cast %swap3A_641 : i32 to index
    %swap3A_643 = arith.constant 32 : index
    %swap3A_644 = tpu.vector_load %arg9[%swap3A_642, %swap3A_643] {strides = array<i32>} : memref<16x128xf32, #tpu.memory_space<vmem>>, vector<1x16xf32>,
    %swap3A_645 = vector.shape_cast %swap3A_644 : vector<1x16xf32> to vector<16xf32>
    %swap3A_646 = vector.shape_cast %broadcast_in_dim3A_5 : vector<16xf32> to vector<1x16xf32>
    tpu.vector_store %arg9[%swap3A_642, %swap3A_643], %swap3A_646 {strides = array<i32>} : memref<16x128xf32, #tpu.memory_space<vmem>>, vector<1x16xf32>,
    %swap3A_647 = arith.constant 13 : i32
    %swap3A_648 = arith.index_cast %swap3A_647 : i32 to index
    %swap3A_649 = arith.constant 48 : index
    %swap3A_650 = tpu.vector_load %arg9[%swap3A_648, %swap3A_649] {strides = array<i32>} : memref<16x128xf32, #tpu.memory_space<vmem>>, vector<1x16xf32>,
    %swap3A_651 = vector.shape_cast %swap3A_650 : vector<1x16xf32> to vector<16xf32>
    %swap3A_652 = vector.shape_cast %broadcast_in_dim3A_5 : vector<16xf32> to vector<1x16xf32>
    tpu.vector_store %arg9[%swap3A_648, %swap3A_649], %swap3A_652 {strides = array<i32>} : memref<16x128xf32, #tpu.memory_space<vmem>>, vector<1x16xf32>,
    %swap3A_653 = arith.constant 13 : i32
    %swap3A_654 = arith.index_cast %swap3A_653 : i32 to index
    %swap3A_655 = arith.constant 64 : index
    %swap3A_656 = tpu.vector_load %arg9[%swap3A_654, %swap3A_655] {strides = array<i32>} : memref<16x128xf32, #tpu.memory_space<vmem>>, vector<1x16xf32>,
    %swap3A_657 = vector.shape_cast %swap3A_656 : vector<1x16xf32> to vector<16xf32>
    %swap3A_658 = vector.shape_cast %broadcast_in_dim3A_5 : vector<16xf32> to vector<1x16xf32>
    tpu.vector_store %arg9[%swap3A_654, %swap3A_655], %swap3A_658 {strides = array<i32>} : memref<16x128xf32, #tpu.memory_space<vmem>>, vector<1x16xf32>,
    %swap3A_659 = arith.constant 13 : i32
    %swap3A_660 = arith.index_cast %swap3A_659 : i32 to index
    %swap3A_661 = arith.constant 80 : index
    %swap3A_662 = tpu.vector_load %arg9[%swap3A_660, %swap3A_661] {strides = array<i32>} : memref<16x128xf32, #tpu.memory_space<vmem>>, vector<1x16xf32>,
    %swap3A_663 = vector.shape_cast %swap3A_662 : vector<1x16xf32> to vector<16xf32>
    %swap3A_664 = vector.shape_cast %broadcast_in_dim3A_5 : vector<16xf32> to vector<1x16xf32>
    tpu.vector_store %arg9[%swap3A_660, %swap3A_661], %swap3A_664 {strides = array<i32>} : memref<16x128xf32, #tpu.memory_space<vmem>>, vector<1x16xf32>,
    %swap3A_665 = arith.constant 13 : i32
    %swap3A_666 = arith.index_cast %swap3A_665 : i32 to index
    %swap3A_667 = arith.constant 96 : index
    %swap3A_668 = tpu.vector_load %arg9[%swap3A_666, %swap3A_667] {strides = array<i32>} : memref<16x128xf32, #tpu.memory_space<vmem>>, vector<1x16xf32>,
    %swap3A_669 = vector.shape_cast %swap3A_668 : vector<1x16xf32> to vector<16xf32>
    %swap3A_670 = vector.shape_cast %broadcast_in_dim3A_5 : vector<16xf32> to vector<1x16xf32>
    tpu.vector_store %arg9[%swap3A_666, %swap3A_667], %swap3A_670 {strides = array<i32>} : memref<16x128xf32, #tpu.memory_space<vmem>>, vector<1x16xf32>,
    %swap3A_671 = arith.constant 13 : i32
    %swap3A_672 = arith.index_cast %swap3A_671 : i32 to index
    %swap3A_673 = arith.constant 112 : index
    %swap3A_674 = tpu.vector_load %arg9[%swap3A_672, %swap3A_673] {strides = array<i32>} : memref<16x128xf32, #tpu.memory_space<vmem>>, vector<1x16xf32>,
    %swap3A_675 = vector.shape_cast %swap3A_674 : vector<1x16xf32> to vector<16xf32>
    %swap3A_676 = vector.shape_cast %broadcast_in_dim3A_5 : vector<16xf32> to vector<1x16xf32>
    tpu.vector_store %arg9[%swap3A_672, %swap3A_673], %swap3A_676 {strides = array<i32>} : memref<16x128xf32, #tpu.memory_space<vmem>>, vector<1x16xf32>,
    %swap3A_677 = arith.constant 14 : i32
    %swap3A_678 = arith.index_cast %swap3A_677 : i32 to index
    %swap3A_679 = arith.constant 0 : index
    %swap3A_680 = tpu.vector_load %arg9[%swap3A_678, %swap3A_679] {strides = array<i32>} : memref<16x128xf32, #tpu.memory_space<vmem>>, vector<1x16xf32>,
    %swap3A_681 = vector.shape_cast %swap3A_680 : vector<1x16xf32> to vector<16xf32>
    %swap3A_682 = vector.shape_cast %broadcast_in_dim3A_5 : vector<16xf32> to vector<1x16xf32>
    tpu.vector_store %arg9[%swap3A_678, %swap3A_679], %swap3A_682 {strides = array<i32>} : memref<16x128xf32, #tpu.memory_space<vmem>>, vector<1x16xf32>,
    %swap3A_683 = arith.constant 14 : i32
    %swap3A_684 = arith.index_cast %swap3A_683 : i32 to index
    %swap3A_685 = arith.constant 16 : index
    %swap3A_686 = tpu.vector_load %arg9[%swap3A_684, %swap3A_685] {strides = array<i32>} : memref<16x128xf32, #tpu.memory_space<vmem>>, vector<1x16xf32>,
    %swap3A_687 = vector.shape_cast %swap3A_686 : vector<1x16xf32> to vector<16xf32>
    %swap3A_688 = vector.shape_cast %broadcast_in_dim3A_5 : vector<16xf32> to vector<1x16xf32>
    tpu.vector_store %arg9[%swap3A_684, %swap3A_685], %swap3A_688 {strides = array<i32>} : memref<16x128xf32, #tpu.memory_space<vmem>>, vector<1x16xf32>,
    %swap3A_689 = arith.constant 14 : i32
    %swap3A_690 = arith.index_cast %swap3A_689 : i32 to index
    %swap3A_691 = arith.constant 32 : index
    %swap3A_692 = tpu.vector_load %arg9[%swap3A_690, %swap3A_691] {strides = array<i32>} : memref<16x128xf32, #tpu.memory_space<vmem>>, vector<1x16xf32>,
    %swap3A_693 = vector.shape_cast %swap3A_692 : vector<1x16xf32> to vector<16xf32>
    %swap3A_694 = vector.shape_cast %broadcast_in_dim3A_5 : vector<16xf32> to vector<1x16xf32>
    tpu.vector_store %arg9[%swap3A_690, %swap3A_691], %swap3A_694 {strides = array<i32>} : memref<16x128xf32, #tpu.memory_space<vmem>>, vector<1x16xf32>,
    %swap3A_695 = arith.constant 14 : i32
    %swap3A_696 = arith.index_cast %swap3A_695 : i32 to index
    %swap3A_697 = arith.constant 48 : index
    %swap3A_698 = tpu.vector_load %arg9[%swap3A_696, %swap3A_697] {strides = array<i32>} : memref<16x128xf32, #tpu.memory_space<vmem>>, vector<1x16xf32>,
    %swap3A_699 = vector.shape_cast %swap3A_698 : vector<1x16xf32> to vector<16xf32>
    %swap3A_700 = vector.shape_cast %broadcast_in_dim3A_5 : vector<16xf32> to vector<1x16xf32>
    tpu.vector_store %arg9[%swap3A_696, %swap3A_697], %swap3A_700 {strides = array<i32>} : memref<16x128xf32, #tpu.memory_space<vmem>>, vector<1x16xf32>,
    %swap3A_701 = arith.constant 14 : i32
    %swap3A_702 = arith.index_cast %swap3A_701 : i32 to index
    %swap3A_703 = arith.constant 64 : index
    %swap3A_704 = tpu.vector_load %arg9[%swap3A_702, %swap3A_703] {strides = array<i32>} : memref<16x128xf32, #tpu.memory_space<vmem>>, vector<1x16xf32>,
    %swap3A_705 = vector.shape_cast %swap3A_704 : vector<1x16xf32> to vector<16xf32>
    %swap3A_706 = vector.shape_cast %broadcast_in_dim3A_5 : vector<16xf32> to vector<1x16xf32>
    tpu.vector_store %arg9[%swap3A_702, %swap3A_703], %swap3A_706 {strides = array<i32>} : memref<16x128xf32, #tpu.memory_space<vmem>>, vector<1x16xf32>,
    %swap3A_707 = arith.constant 14 : i32
    %swap3A_708 = arith.index_cast %swap3A_707 : i32 to index
    %swap3A_709 = arith.constant 80 : index
    %swap3A_710 = tpu.vector_load %arg9[%swap3A_708, %swap3A_709] {strides = array<i32>} : memref<16x128xf32, #tpu.memory_space<vmem>>, vector<1x16xf32>,
    %swap3A_711 = vector.shape_cast %swap3A_710 : vector<1x16xf32> to vector<16xf32>
    %swap3A_712 = vector.shape_cast %broadcast_in_dim3A_5 : vector<16xf32> to vector<1x16xf32>
    tpu.vector_store %arg9[%swap3A_708, %swap3A_709], %swap3A_712 {strides = array<i32>} : memref<16x128xf32, #tpu.memory_space<vmem>>, vector<1x16xf32>,
    %swap3A_713 = arith.constant 14 : i32
    %swap3A_714 = arith.index_cast %swap3A_713 : i32 to index
    %swap3A_715 = arith.constant 96 : index
    %swap3A_716 = tpu.vector_load %arg9[%swap3A_714, %swap3A_715] {strides = array<i32>} : memref<16x128xf32, #tpu.memory_space<vmem>>, vector<1x16xf32>,
    %swap3A_717 = vector.shape_cast %swap3A_716 : vector<1x16xf32> to vector<16xf32>
    %swap3A_718 = vector.shape_cast %broadcast_in_dim3A_5 : vector<16xf32> to vector<1x16xf32>
    tpu.vector_store %arg9[%swap3A_714, %swap3A_715], %swap3A_718 {strides = array<i32>} : memref<16x128xf32, #tpu.memory_space<vmem>>, vector<1x16xf32>,
    %swap3A_719 = arith.constant 14 : i32
    %swap3A_720 = arith.index_cast %swap3A_719 : i32 to index
    %swap3A_721 = arith.constant 112 : index
    %swap3A_722 = tpu.vector_load %arg9[%swap3A_720, %swap3A_721] {strides = array<i32>} : memref<16x128xf32, #tpu.memory_space<vmem>>, vector<1x16xf32>,
    %swap3A_723 = vector.shape_cast %swap3A_722 : vector<1x16xf32> to vector<16xf32>
    %swap3A_724 = vector.shape_cast %broadcast_in_dim3A_5 : vector<16xf32> to vector<1x16xf32>
    tpu.vector_store %arg9[%swap3A_720, %swap3A_721], %swap3A_724 {strides = array<i32>} : memref<16x128xf32, #tpu.memory_space<vmem>>, vector<1x16xf32>,
    %swap3A_725 = arith.constant 15 : i32
    %swap3A_726 = arith.index_cast %swap3A_725 : i32 to index
    %swap3A_727 = arith.constant 0 : index
    %swap3A_728 = tpu.vector_load %arg9[%swap3A_726, %swap3A_727] {strides = array<i32>} : memref<16x128xf32, #tpu.memory_space<vmem>>, vector<1x16xf32>,
    %swap3A_729 = vector.shape_cast %swap3A_728 : vector<1x16xf32> to vector<16xf32>
    %swap3A_730 = vector.shape_cast %broadcast_in_dim3A_5 : vector<16xf32> to vector<1x16xf32>
    tpu.vector_store %arg9[%swap3A_726, %swap3A_727], %swap3A_730 {strides = array<i32>} : memref<16x128xf32, #tpu.memory_space<vmem>>, vector<1x16xf32>,
    %swap3A_731 = arith.constant 15 : i32
    %swap3A_732 = arith.index_cast %swap3A_731 : i32 to index
    %swap3A_733 = arith.constant 16 : index
    %swap3A_734 = tpu.vector_load %arg9[%swap3A_732, %swap3A_733] {strides = array<i32>} : memref<16x128xf32, #tpu.memory_space<vmem>>, vector<1x16xf32>,
    %swap3A_735 = vector.shape_cast %swap3A_734 : vector<1x16xf32> to vector<16xf32>
    %swap3A_736 = vector.shape_cast %broadcast_in_dim3A_5 : vector<16xf32> to vector<1x16xf32>
    tpu.vector_store %arg9[%swap3A_732, %swap3A_733], %swap3A_736 {strides = array<i32>} : memref<16x128xf32, #tpu.memory_space<vmem>>, vector<1x16xf32>,
    %swap3A_737 = arith.constant 15 : i32
    %swap3A_738 = arith.index_cast %swap3A_737 : i32 to index
    %swap3A_739 = arith.constant 32 : index
    %swap3A_740 = tpu.vector_load %arg9[%swap3A_738, %swap3A_739] {strides = array<i32>} : memref<16x128xf32, #tpu.memory_space<vmem>>, vector<1x16xf32>,
    %swap3A_741 = vector.shape_cast %swap3A_740 : vector<1x16xf32> to vector<16xf32>
    %swap3A_742 = vector.shape_cast %broadcast_in_dim3A_5 : vector<16xf32> to vector<1x16xf32>
    tpu.vector_store %arg9[%swap3A_738, %swap3A_739], %swap3A_742 {strides = array<i32>} : memref<16x128xf32, #tpu.memory_space<vmem>>, vector<1x16xf32>,
    %swap3A_743 = arith.constant 15 : i32
    %swap3A_744 = arith.index_cast %swap3A_743 : i32 to index
    %swap3A_745 = arith.constant 48 : index
    %swap3A_746 = tpu.vector_load %arg9[%swap3A_744, %swap3A_745] {strides = array<i32>} : memref<16x128xf32, #tpu.memory_space<vmem>>, vector<1x16xf32>,
    %swap3A_747 = vector.shape_cast %swap3A_746 : vector<1x16xf32> to vector<16xf32>
    %swap3A_748 = vector.shape_cast %broadcast_in_dim3A_5 : vector<16xf32> to vector<1x16xf32>
    tpu.vector_store %arg9[%swap3A_744, %swap3A_745], %swap3A_748 {strides = array<i32>} : memref<16x128xf32, #tpu.memory_space<vmem>>, vector<1x16xf32>,
    %swap3A_749 = arith.constant 15 : i32
    %swap3A_750 = arith.index_cast %swap3A_749 : i32 to index
    %swap3A_751 = arith.constant 64 : index
    %swap3A_752 = tpu.vector_load %arg9[%swap3A_750, %swap3A_751] {strides = array<i32>} : memref<16x128xf32, #tpu.memory_space<vmem>>, vector<1x16xf32>,
    %swap3A_753 = vector.shape_cast %swap3A_752 : vector<1x16xf32> to vector<16xf32>
    %swap3A_754 = vector.shape_cast %broadcast_in_dim3A_5 : vector<16xf32> to vector<1x16xf32>
    tpu.vector_store %arg9[%swap3A_750, %swap3A_751], %swap3A_754 {strides = array<i32>} : memref<16x128xf32, #tpu.memory_space<vmem>>, vector<1x16xf32>,
    %swap3A_755 = arith.constant 15 : i32
    %swap3A_756 = arith.index_cast %swap3A_755 : i32 to index
    %swap3A_757 = arith.constant 80 : index
    %swap3A_758 = tpu.vector_load %arg9[%swap3A_756, %swap3A_757] {strides = array<i32>} : memref<16x128xf32, #tpu.memory_space<vmem>>, vector<1x16xf32>,
    %swap3A_759 = vector.shape_cast %swap3A_758 : vector<1x16xf32> to vector<16xf32>
    %swap3A_760 = vector.shape_cast %broadcast_in_dim3A_5 : vector<16xf32> to vector<1x16xf32>
    tpu.vector_store %arg9[%swap3A_756, %swap3A_757], %swap3A_760 {strides = array<i32>} : memref<16x128xf32, #tpu.memory_space<vmem>>, vector<1x16xf32>,
    %swap3A_761 = arith.constant 15 : i32
    %swap3A_762 = arith.index_cast %swap3A_761 : i32 to index
    %swap3A_763 = arith.constant 96 : index
    %swap3A_764 = tpu.vector_load %arg9[%swap3A_762, %swap3A_763] {strides = array<i32>} : memref<16x128xf32, #tpu.memory_space<vmem>>, vector<1x16xf32>,
    %swap3A_765 = vector.shape_cast %swap3A_764 : vector<1x16xf32> to vector<16xf32>
    %swap3A_766 = vector.shape_cast %broadcast_in_dim3A_5 : vector<16xf32> to vector<1x16xf32>
    tpu.vector_store %arg9[%swap3A_762, %swap3A_763], %swap3A_766 {strides = array<i32>} : memref<16x128xf32, #tpu.memory_space<vmem>>, vector<1x16xf32>,
    %swap3A_767 = arith.constant 15 : i32
    %swap3A_768 = arith.index_cast %swap3A_767 : i32 to index
    %swap3A_769 = arith.constant 112 : index
    %swap3A_770 = tpu.vector_load %arg9[%swap3A_768, %swap3A_769] {strides = array<i32>} : memref<16x128xf32, #tpu.memory_space<vmem>>, vector<1x16xf32>,
    %swap3A_771 = vector.shape_cast %swap3A_770 : vector<1x16xf32> to vector<16xf32>
    %swap3A_772 = vector.shape_cast %broadcast_in_dim3A_5 : vector<16xf32> to vector<1x16xf32>
    tpu.vector_store %arg9[%swap3A_768, %swap3A_769], %swap3A_772 {strides = array<i32>} : memref<16x128xf32, #tpu.memory_space<vmem>>, vector<1x16xf32>,
    %scan3A = arith.constant 0 : i32
    %scan3A_773 = arith.constant 0 : i32
    %scan3A_774 = arith.constant 40 : i32
    %scan3A_775 = arith.addi %scan3A_773, %scan3A_774 : i32
    %scan3A_776 = arith.constant 1 : i32
    scf.for %scan3A_791 = %scan3A_773 to %scan3A_775 step %scan3A_776  : i32 {
      %mul3A_792 = arith.constant 640 : i32
      %mul3A_793 = arith.muli %arg1, %mul3A_792 : i32
      %mul3A_794 = arith.constant 16 : i32
      %mul3A_795 = arith.muli %scan3A_791, %mul3A_794 : i32
      %add3A_796 = arith.addi %mul3A_793, %mul3A_795 : i32
      "tpu.region"() ({
        %run_scoped3A = tpu.sem_alloc : memref<!tpu.dma_semaphore, #tpu.memory_space<semaphore_mem>>
        %dma_start3A = arith.constant 0 : i32
        %dma_start3A_797 = tpu.memref_slice %arg11[%add3A_796, %dma_start3A] : memref<10240x128xf32, #tpu.memory_space<vmem_shared>> -> memref<16x128xf32, #tpu.memory_space<vmem_shared>>
        %dma_start3A_798 = arith.constant 0 : i32
        %dma_start3A_799 = tpu.memref_slice %arg11[%add3A_796, %dma_start3A_798] : memref<10240x128xf32, #tpu.memory_space<vmem_shared>> -> memref<16x128xf32, #tpu.memory_space<vmem_shared>>
        tpu.enqueue_dma source(%arg9 : memref<16x128xf32, #tpu.memory_space<vmem>>) target(%dma_start3A_799 : memref<16x128xf32, #tpu.memory_space<vmem_shared>>) target_semaphore(%run_scoped3A : memref<!tpu.dma_semaphore, #tpu.memory_space<semaphore_mem>>)
        %dma_wait3A = arith.constant 0 : i32
        %dma_wait3A_800 = tpu.memref_slice %arg11[%add3A_796, %dma_wait3A] : memref<10240x128xf32, #tpu.memory_space<vmem_shared>> -> memref<16x128xf32, #tpu.memory_space<vmem_shared>>
        %dma_wait3A_801 = arith.constant 0 : i32
        %dma_wait3A_802 = tpu.memref_slice %arg11[%add3A_796, %dma_wait3A_801] : memref<10240x128xf32, #tpu.memory_space<vmem_shared>> -> memref<16x128xf32, #tpu.memory_space<vmem_shared>>
        tpu.wait_dma2 semaphore(%run_scoped3A : memref<!tpu.dma_semaphore, #tpu.memory_space<semaphore_mem>>) src(%arg9 : memref<16x128xf32, #tpu.memory_space<vmem>>) dst(%dma_wait3A_802 : memref<16x128xf32, #tpu.memory_space<vmem_shared>>)
        tpu.yield
      }) : () -> ()
    }
    %scan3A_777 = arith.constant 40 : i32
    %barrier3A = arith.constant 0 : index
    tpu.barrier barrier_id(%barrier3A)
    %scan3A_778 = arith.constant 0 : i32
    %scan3A_779 = arith.constant 0 : i32
    %scan3A_780 = arith.constant 80 : i32
    %scan3A_781 = arith.addi %scan3A_779, %scan3A_780 : i32
    %scan3A_782 = arith.constant 1 : i32
    scf.for %scan3A_791 = %scan3A_779 to %scan3A_781 step %scan3A_782  : i32 {
      %dma_start3A = arith.constant 0 : i32
      %dma_start3A_792 = tpu.memref_slice %arg7[%scan3A_791, %dma_start3A] : memref<80x128xi32, #tpu.memory_space<vmem>> -> memref<1x128xi32, #tpu.memory_space<vmem>>
      %dma_start3A_793 = tpu.memref_squeeze %dma_start3A_792 : memref<1x128xi32, #tpu.memory_space<vmem>> -> memref<128xi32, #tpu.memory_space<vmem>>
      %dma_start3A_794 = arith.constant 0 : i32
      %dma_start3A_795 = arith.constant 0 : i32
      %dma_start3A_796 = tpu.memref_slice %arg2[%dma_start3A_794, %dma_start3A_795] : memref<10000x128xf32, #tpu.memory_space<hbm>> -> memref<10000x128xf32, #tpu.memory_space<hbm>>
      tpu.enqueue_indirect_dma source(%dma_start3A_796 : memref<10000x128xf32, #tpu.memory_space<hbm>>) target(%arg10 : memref<128x128xf32, #tpu.memory_space<vmem>>) offsets(%dma_start3A_793 : memref<128xi32, #tpu.memory_space<vmem>>) semaphore(%arg12 : memref<!tpu.dma_semaphore, #tpu.memory_space<semaphore_mem>>)
      %dma_wait3A = arith.constant 0 : i32
      %dma_wait3A_797 = tpu.memref_slice %arg7[%scan3A_791, %dma_wait3A] : memref<80x128xi32, #tpu.memory_space<vmem>> -> memref<1x128xi32, #tpu.memory_space<vmem>>
      %dma_wait3A_798 = tpu.memref_squeeze %dma_wait3A_797 : memref<1x128xi32, #tpu.memory_space<vmem>> -> memref<128xi32, #tpu.memory_space<vmem>>
      %dma_wait3A_799 = arith.constant 0 : i32
      %dma_wait3A_800 = arith.constant 0 : i32
      %dma_wait3A_801 = tpu.memref_slice %arg2[%dma_wait3A_799, %dma_wait3A_800] : memref<10000x128xf32, #tpu.memory_space<hbm>> -> memref<10000x128xf32, #tpu.memory_space<hbm>>
      tpu.wait_indirect_dma semaphore(%arg12 : memref<!tpu.dma_semaphore, #tpu.memory_space<semaphore_mem>>) src(%dma_wait3A_801 : memref<10000x128xf32, #tpu.memory_space<hbm>>) dst(%arg10 : memref<128x128xf32, #tpu.memory_space<vmem>>)
      "tpu.region"() ({
        %run_scoped3A = tpu.sem_alloc : memref<!tpu.dma_semaphore, #tpu.memory_space<semaphore_mem>>
        %dma_start3A_802 = arith.constant 0 : i32
        %dma_start3A_803 = tpu.memref_slice %arg8[%scan3A_791, %dma_start3A_802] : memref<80x128xi32, #tpu.memory_space<vmem>> -> memref<1x128xi32, #tpu.memory_space<vmem>>
        %dma_start3A_804 = tpu.memref_squeeze %dma_start3A_803 : memref<1x128xi32, #tpu.memory_space<vmem>> -> memref<128xi32, #tpu.memory_space<vmem>>
        %dma_start3A_805 = arith.constant 0 : i32
        %dma_start3A_806 = arith.constant 0 : i32
        %dma_start3A_807 = tpu.memref_slice %arg11[%dma_start3A_805, %dma_start3A_806] : memref<10240x128xf32, #tpu.memory_space<vmem_shared>> -> memref<10240x128xf32, #tpu.memory_space<vmem_shared>>
        tpu.enqueue_indirect_dma source(%arg10 : memref<128x128xf32, #tpu.memory_space<vmem>>) target(%dma_start3A_807 : memref<10240x128xf32, #tpu.memory_space<vmem_shared>>) offsets(%dma_start3A_804 : memref<128xi32, #tpu.memory_space<vmem>>) semaphore(%run_scoped3A : memref<!tpu.dma_semaphore, #tpu.memory_space<semaphore_mem>>) {add = true}
        %dma_wait3A_808 = arith.constant 0 : i32
        %dma_wait3A_809 = tpu.memref_slice %arg8[%scan3A_791, %dma_wait3A_808] : memref<80x128xi32, #tpu.memory_space<vmem>> -> memref<1x128xi32, #tpu.memory_space<vmem>>
        %dma_wait3A_810 = tpu.memref_squeeze %dma_wait3A_809 : memref<1x128xi32, #tpu.memory_space<vmem>> -> memref<128xi32, #tpu.memory_space<vmem>>
        %dma_wait3A_811 = arith.constant 0 : i32
        %dma_wait3A_812 = arith.constant 0 : i32
        %dma_wait3A_813 = tpu.memref_slice %arg11[%dma_wait3A_811, %dma_wait3A_812] : memref<10240x128xf32, #tpu.memory_space<vmem_shared>> -> memref<10240x128xf32, #tpu.memory_space<vmem_shared>>
        tpu.wait_indirect_dma semaphore(%run_scoped3A : memref<!tpu.dma_semaphore, #tpu.memory_space<semaphore_mem>>) src(%arg10 : memref<128x128xf32, #tpu.memory_space<vmem>>) dst(%dma_wait3A_813 : memref<10240x128xf32, #tpu.memory_space<vmem_shared>>)
        tpu.yield
      }) : () -> ()
    }
    %scan3A_783 = arith.constant 80 : i32
    %barrier3A_784 = arith.constant 0 : index
    tpu.barrier barrier_id(%barrier3A_784)
    %scan3A_785 = arith.constant 0 : i32
    %scan3A_786 = arith.constant 0 : i32
    %scan3A_787 = arith.constant 5 : i32
    %scan3A_788 = arith.addi %scan3A_786, %scan3A_787 : i32
    %scan3A_789 = arith.constant 1 : i32
    scf.for %scan3A_791 = %scan3A_786 to %scan3A_788 step %scan3A_789  : i32 {
      %mul3A_792 = arith.constant 640 : i32
      %mul3A_793 = arith.muli %arg1, %mul3A_792 : i32
      %mul3A_794 = arith.constant 128 : i32
      %mul3A_795 = arith.muli %scan3A_791, %mul3A_794 : i32
      %add3A_796 = arith.addi %mul3A_793, %mul3A_795 : i32
      "tpu.region"() ({
        %run_scoped3A = tpu.sem_alloc : memref<!tpu.dma_semaphore, #tpu.memory_space<semaphore_mem>>
        %dma_start3A = arith.constant 0 : i32
        %dma_start3A_804 = tpu.memref_slice %arg11[%add3A_796, %dma_start3A] : memref<10240x128xf32, #tpu.memory_space<vmem_shared>> -> memref<128x128xf32, #tpu.memory_space<vmem_shared>>
        %dma_start3A_805 = arith.constant 0 : i32
        %dma_start3A_806 = tpu.memref_slice %arg11[%add3A_796, %dma_start3A_805] : memref<10240x128xf32, #tpu.memory_space<vmem_shared>> -> memref<128x128xf32, #tpu.memory_space<vmem_shared>>
        tpu.enqueue_dma source(%dma_start3A_806 : memref<128x128xf32, #tpu.memory_space<vmem_shared>>) target(%arg10 : memref<128x128xf32, #tpu.memory_space<vmem>>) target_semaphore(%run_scoped3A : memref<!tpu.dma_semaphore, #tpu.memory_space<semaphore_mem>>)
        %dma_wait3A = arith.constant 0 : i32
        %dma_wait3A_807 = tpu.memref_slice %arg11[%add3A_796, %dma_wait3A] : memref<10240x128xf32, #tpu.memory_space<vmem_shared>> -> memref<128x128xf32, #tpu.memory_space<vmem_shared>>
        %dma_wait3A_808 = arith.constant 0 : i32
        %dma_wait3A_809 = tpu.memref_slice %arg11[%add3A_796, %dma_wait3A_808] : memref<10240x128xf32, #tpu.memory_space<vmem_shared>> -> memref<128x128xf32, #tpu.memory_space<vmem_shared>>
        tpu.wait_dma2 semaphore(%run_scoped3A : memref<!tpu.dma_semaphore, #tpu.memory_space<semaphore_mem>>) src(%dma_wait3A_809 : memref<128x128xf32, #tpu.memory_space<vmem_shared>>) dst(%arg10 : memref<128x128xf32, #tpu.memory_space<vmem>>)
        tpu.yield
      }) : () -> ()
      %eq3A = arith.constant 0 : i32
      %eq3A_797 = arith.cmpi eq, %arg0, %eq3A : i32
      %convert_element_type3A = arith.extui %eq3A_797 : i1 to i32
      %cond3A = arith.constant 0 : i32
      %cond3A_798 = arith.cmpi ne, %convert_element_type3A, %cond3A : i32
      scf.if %cond3A_798 {
        "tpu.region"() ({
          %run_scoped3A = tpu.sem_alloc : memref<!tpu.dma_semaphore, #tpu.memory_space<semaphore_mem>>
          %dma_start3A = arith.constant 0 : i32
          %dma_start3A_804 = tpu.memref_slice %arg5[%add3A_796, %dma_start3A] : memref<10240x128xf32, #tpu.memory_space<hbm>> -> memref<128x128xf32, #tpu.memory_space<hbm>>
          %dma_start3A_805 = arith.constant 0 : i32
          %dma_start3A_806 = tpu.memref_slice %arg5[%add3A_796, %dma_start3A_805] : memref<10240x128xf32, #tpu.memory_space<hbm>> -> memref<128x128xf32, #tpu.memory_space<hbm>>
          tpu.enqueue_dma source(%arg10 : memref<128x128xf32, #tpu.memory_space<vmem>>) target(%dma_start3A_806 : memref<128x128xf32, #tpu.memory_space<hbm>>) target_semaphore(%run_scoped3A : memref<!tpu.dma_semaphore, #tpu.memory_space<semaphore_mem>>)
          %dma_wait3A = arith.constant 0 : i32
          %dma_wait3A_807 = tpu.memref_slice %arg5[%add3A_796, %dma_wait3A] : memref<10240x128xf32, #tpu.memory_space<hbm>> -> memref<128x128xf32, #tpu.memory_space<hbm>>
          %dma_wait3A_808 = arith.constant 0 : i32
          %dma_wait3A_809 = tpu.memref_slice %arg5[%add3A_796, %dma_wait3A_808] : memref<10240x128xf32, #tpu.memory_space<hbm>> -> memref<128x128xf32, #tpu.memory_space<hbm>>
          tpu.wait_dma2 semaphore(%run_scoped3A : memref<!tpu.dma_semaphore, #tpu.memory_space<semaphore_mem>>) src(%arg10 : memref<128x128xf32, #tpu.memory_space<vmem>>) dst(%dma_wait3A_809 : memref<128x128xf32, #tpu.memory_space<hbm>>)
          tpu.yield
        }) : () -> ()
      } else {
      }
      %eq3A_799 = arith.constant 1 : i32
      %eq3A_800 = arith.cmpi eq, %arg0, %eq3A_799 : i32
      %convert_element_type3A_801 = arith.extui %eq3A_800 : i1 to i32
      %cond3A_802 = arith.constant 0 : i32
      %cond3A_803 = arith.cmpi ne, %convert_element_type3A_801, %cond3A_802 : i32
      scf.if %cond3A_803 {
        "tpu.region"() ({
          %run_scoped3A = tpu.sem_alloc : memref<!tpu.dma_semaphore, #tpu.memory_space<semaphore_mem>>
          %dma_start3A = arith.constant 0 : i32
          %dma_start3A_804 = tpu.memref_slice %arg6[%add3A_796, %dma_start3A] : memref<10240x128xf32, #tpu.memory_space<hbm>> -> memref<128x128xf32, #tpu.memory_space<hbm>>
          %dma_start3A_805 = arith.constant 0 : i32
          %dma_start3A_806 = tpu.memref_slice %arg6[%add3A_796, %dma_start3A_805] : memref<10240x128xf32, #tpu.memory_space<hbm>> -> memref<128x128xf32, #tpu.memory_space<hbm>>
          tpu.enqueue_dma source(%arg10 : memref<128x128xf32, #tpu.memory_space<vmem>>) target(%dma_start3A_806 : memref<128x128xf32, #tpu.memory_space<hbm>>) target_semaphore(%run_scoped3A : memref<!tpu.dma_semaphore, #tpu.memory_space<semaphore_mem>>)
          %dma_wait3A = arith.constant 0 : i32
          %dma_wait3A_807 = tpu.memref_slice %arg6[%add3A_796, %dma_wait3A] : memref<10240x128xf32, #tpu.memory_space<hbm>> -> memref<128x128xf32, #tpu.memory_space<hbm>>
          %dma_wait3A_808 = arith.constant 0 : i32
          %dma_wait3A_809 = tpu.memref_slice %arg6[%add3A_796, %dma_wait3A_808] : memref<10240x128xf32, #tpu.memory_space<hbm>> -> memref<128x128xf32, #tpu.memory_space<hbm>>
          tpu.wait_dma2 semaphore(%run_scoped3A : memref<!tpu.dma_semaphore, #tpu.memory_space<semaphore_mem>>) src(%arg10 : memref<128x128xf32, #tpu.memory_space<vmem>>) dst(%dma_wait3A_809 : memref<128x128xf32, #tpu.memory_space<hbm>>)
          tpu.yield
        }) : () -> ()
      } else {
      }
    }
    %scan3A_790 = arith.constant 5 : i32
    return
  }
}

module attributes {stable_mosaic.version = 14 : i64} {
  func.func @_dense_relu_body(%arg0: i32, %arg1: memref<2000x128xf32, #tpu.memory_space<vmem>>, %arg2: memref<2000x128xf32, #tpu.memory_space<vmem>>, %arg3: memref<128x128xf32, #tpu.memory_space<vmem>>, %arg4: memref<1x128xf32, #tpu.memory_space<vmem>>, %arg5: memref<2000x128xf32, #tpu.memory_space<vmem>>) attributes {dimension_semantics = [#tpu.dimension_semantics<arbitrary>], iteration_bounds = array<i64: 5>, scalar_prefetch = 0 : i64, scratch_operands = 0 : i64, tpu.core_type = #tpu.core_type<tc>, window_params = [{transform_indices = @transform_0, window_bounds = array<i64: 2000, 128>}, {transform_indices = @transform_1, window_bounds = array<i64: 2000, 128>}, {pipeline_mode = #tpu.pipeline_mode<synchronous>, transform_indices = @transform_2, window_bounds = array<i64: 128, 128>}, {pipeline_mode = #tpu.pipeline_mode<synchronous>, transform_indices = @transform_3, window_bounds = array<i64: 1, 128>}, {transform_indices = @transform_4, window_bounds = array<i64: 2000, 128>}]} {
    %get3A = arith.constant 0 : index
    %get3A_0 = arith.constant 0 : index
    %get3A_1 = vector.load %arg1[%get3A, %get3A_0] : memref<2000x128xf32, #tpu.memory_space<vmem>>, vector<2000x128xf32>
    %get3A_2 = arith.constant 0 : index
    %get3A_3 = arith.constant 0 : index
    %get3A_4 = vector.load %arg2[%get3A_2, %get3A_3] : memref<2000x128xf32, #tpu.memory_space<vmem>>, vector<2000x128xf32>
    %add3A = arith.addf %get3A_1, %get3A_4 : vector<2000x128xf32>
    %get3A_5 = arith.constant 0 : index
    %get3A_6 = arith.constant 0 : index
    %get3A_7 = vector.load %arg3[%get3A_5, %get3A_6] : memref<128x128xf32, #tpu.memory_space<vmem>>, vector<128x128xf32>
    %dot_general3A = arith.constant dense<0.000000e+00> : vector<2000x128xf32>
    %dot_general3A_8 = tpu.matmul %add3A, %get3A_7, %dot_general3A {dimension_numbers = #tpu.dot_dimension_numbers<[1], [0], [0], [1], [0, 0, 1, 1], [], []>, transpose_lhs_hint = false} : vector<2000x128xf32>, vector<128x128xf32>, vector<2000x128xf32> -> vector<2000x128xf32>
    %get3A_9 = arith.constant 0 : index
    %get3A_10 = arith.constant 0 : index
    %get3A_11 = vector.load %arg4[%get3A_9, %get3A_10] : memref<1x128xf32, #tpu.memory_space<vmem>>, vector<1x128xf32>
    %add3A_12 = vector.broadcast %get3A_11 : vector<1x128xf32> to vector<2000x128xf32>
    %add3A_13 = arith.addf %dot_general3A_8, %add3A_12 : vector<2000x128xf32>
    %max3A = arith.constant 0.000000e+00 : f32
    %max3A_14 = vector.broadcast %max3A : f32 to vector<2000x128xf32>
    %max3A_15 = arith.maximumf %add3A_13, %max3A_14 : vector<2000x128xf32>
    %swap3A = arith.constant 0 : index
    %swap3A_16 = arith.constant 0 : index
    %swap3A_17 = vector.load %arg5[%swap3A, %swap3A_16] : memref<2000x128xf32, #tpu.memory_space<vmem>>, vector<2000x128xf32>
    tpu.vector_store %arg5[%swap3A, %swap3A_16], %max3A_15 {strides = array<i32>} : memref<2000x128xf32, #tpu.memory_space<vmem>>, vector<2000x128xf32>,
    return
  }
  func.func @transform_0(%arg0: i32) -> (i32, i32) {
    %c0_i32 = arith.constant 0 : i32
    %c0_i32_0 = arith.constant 0 : i32
    return %arg0, %c0_i32 : i32, i32
  }
  func.func @transform_1(%arg0: i32) -> (i32, i32) {
    %c0_i32 = arith.constant 0 : i32
    %c0_i32_0 = arith.constant 0 : i32
    return %arg0, %c0_i32 : i32, i32
  }
  func.func @transform_2(%arg0: i32) -> (i32, i32) {
    %c0_i32 = arith.constant 0 : i32
    %c0_i32_0 = arith.constant 0 : i32
    %c0_i32_1 = arith.constant 0 : i32
    return %c0_i32, %c0_i32_0 : i32, i32
  }
  func.func @transform_3(%arg0: i32) -> (i32, i32) {
    %c0_i32 = arith.constant 0 : i32
    %c0_i32_0 = arith.constant 0 : i32
    %c0_i32_1 = arith.constant 0 : i32
    return %c0_i32, %c0_i32_0 : i32, i32
  }
  func.func @transform_4(%arg0: i32) -> (i32, i32) {
    %c0_i32 = arith.constant 0 : i32
    %c0_i32_0 = arith.constant 0 : i32
    return %arg0, %c0_i32 : i32, i32
  }
}

module attributes {stable_mosaic.version = 14 : i64} {
  func.func @_final_body(%arg0: i32, %arg1: memref<2000x128xf32, #tpu.memory_space<vmem>>, %arg2: memref<2000x128xf32, #tpu.memory_space<vmem>>, %arg3: memref<2000x128xf32, #tpu.memory_space<vmem>>, %arg4: memref<2000x128xf32, #tpu.memory_space<vmem>>, %arg5: memref<2000x1xi32, #tpu.memory_space<vmem>>, %arg6: memref<128x128xf32, #tpu.memory_space<vmem>>, %arg7: memref<1x128xf32, #tpu.memory_space<vmem>>, %arg8: memref<384x128xf32, #tpu.memory_space<vmem>>, %arg9: memref<1x128xf32, #tpu.memory_space<vmem>>, %arg10: memref<128x128xf32, #tpu.memory_space<vmem>>, %arg11: memref<1x128xf32, #tpu.memory_space<vmem>>, %arg12: memref<256x128xf32, #tpu.memory_space<vmem>>) attributes {dimension_semantics = [#tpu.dimension_semantics<arbitrary>], iteration_bounds = array<i64: 5>, scalar_prefetch = 0 : i64, scratch_operands = 0 : i64, tpu.core_type = #tpu.core_type<tc>, window_params = [{transform_indices = @transform_0, window_bounds = array<i64: 2000, 128>}, {transform_indices = @transform_1, window_bounds = array<i64: 2000, 128>}, {transform_indices = @transform_2, window_bounds = array<i64: 2000, 128>}, {transform_indices = @transform_3, window_bounds = array<i64: 2000, 128>}, {transform_indices = @transform_4, window_bounds = array<i64: 2000, 1>}, {pipeline_mode = #tpu.pipeline_mode<synchronous>, transform_indices = @transform_5, window_bounds = array<i64: 128, 128>}, {pipeline_mode = #tpu.pipeline_mode<synchronous>, transform_indices = @transform_6, window_bounds = array<i64: 1, 128>}, {pipeline_mode = #tpu.pipeline_mode<synchronous>, transform_indices = @transform_7, window_bounds = array<i64: 384, 128>}, {pipeline_mode = #tpu.pipeline_mode<synchronous>, transform_indices = @transform_8, window_bounds = array<i64: 1, 128>}, {pipeline_mode = #tpu.pipeline_mode<synchronous>, transform_indices = @transform_9, window_bounds = array<i64: 128, 128>}, {pipeline_mode = #tpu.pipeline_mode<synchronous>, transform_indices = @transform_10, window_bounds = array<i64: 1, 128>}, {pipeline_mode = #tpu.pipeline_mode<synchronous>, transform_indices = @transform_11, window_bounds = array<i64: 256, 128>}]} {
    %get3A = arith.constant 0 : index
    %get3A_0 = arith.constant 0 : index
    %get3A_1 = vector.load %arg1[%get3A, %get3A_0] : memref<2000x128xf32, #tpu.memory_space<vmem>>, vector<2000x128xf32>
    %get3A_2 = arith.constant 0 : index
    %get3A_3 = arith.constant 0 : index
    %get3A_4 = vector.load %arg2[%get3A_2, %get3A_3] : memref<2000x128xf32, #tpu.memory_space<vmem>>, vector<2000x128xf32>
    %add3A = arith.addf %get3A_1, %get3A_4 : vector<2000x128xf32>
    %get3A_5 = arith.constant 0 : index
    %get3A_6 = arith.constant 0 : index
    %get3A_7 = vector.load %arg6[%get3A_5, %get3A_6] : memref<128x128xf32, #tpu.memory_space<vmem>>, vector<128x128xf32>
    %dot_general3A = arith.constant dense<0.000000e+00> : vector<2000x128xf32>
    %dot_general3A_8 = tpu.matmul %add3A, %get3A_7, %dot_general3A {dimension_numbers = #tpu.dot_dimension_numbers<[1], [0], [0], [1], [0, 0, 1, 1], [], []>, transpose_lhs_hint = false} : vector<2000x128xf32>, vector<128x128xf32>, vector<2000x128xf32> -> vector<2000x128xf32>
    %get3A_9 = arith.constant 0 : index
    %get3A_10 = arith.constant 0 : index
    %get3A_11 = vector.load %arg7[%get3A_9, %get3A_10] : memref<1x128xf32, #tpu.memory_space<vmem>>, vector<1x128xf32>
    %add3A_12 = vector.broadcast %get3A_11 : vector<1x128xf32> to vector<2000x128xf32>
    %add3A_13 = arith.addf %dot_general3A_8, %add3A_12 : vector<2000x128xf32>
    %get3A_14 = arith.constant 0 : index
    %get3A_15 = arith.constant 0 : index
    %get3A_16 = vector.load %arg3[%get3A_14, %get3A_15] : memref<2000x128xf32, #tpu.memory_space<vmem>>, vector<2000x128xf32>
    %get3A_17 = arith.constant 0 : index
    %get3A_18 = arith.constant 0 : index
    %get3A_19 = vector.load %arg8[%get3A_17, %get3A_18] : memref<384x128xf32, #tpu.memory_space<vmem>>, vector<128x128xf32>
    %dot_general3A_20 = arith.constant dense<0.000000e+00> : vector<2000x128xf32>
    %dot_general3A_21 = tpu.matmul %get3A_16, %get3A_19, %dot_general3A_20 {dimension_numbers = #tpu.dot_dimension_numbers<[1], [0], [0], [1], [0, 0, 1, 1], [], []>, transpose_lhs_hint = false} : vector<2000x128xf32>, vector<128x128xf32>, vector<2000x128xf32> -> vector<2000x128xf32>
    %get3A_22 = arith.constant 0 : index
    %get3A_23 = arith.constant 0 : index
    %get3A_24 = vector.load %arg4[%get3A_22, %get3A_23] : memref<2000x128xf32, #tpu.memory_space<vmem>>, vector<2000x128xf32>
    %get3A_25 = arith.constant 128 : index
    %get3A_26 = arith.constant 0 : index
    %get3A_27 = vector.load %arg8[%get3A_25, %get3A_26] : memref<384x128xf32, #tpu.memory_space<vmem>>, vector<128x128xf32>
    %dot_general3A_28 = arith.constant dense<0.000000e+00> : vector<2000x128xf32>
    %dot_general3A_29 = tpu.matmul %get3A_24, %get3A_27, %dot_general3A_28 {dimension_numbers = #tpu.dot_dimension_numbers<[1], [0], [0], [1], [0, 0, 1, 1], [], []>, transpose_lhs_hint = false} : vector<2000x128xf32>, vector<128x128xf32>, vector<2000x128xf32> -> vector<2000x128xf32>
    %add3A_30 = arith.addf %dot_general3A_21, %dot_general3A_29 : vector<2000x128xf32>
    %get3A_31 = arith.constant 256 : index
    %get3A_32 = arith.constant 0 : index
    %get3A_33 = vector.load %arg8[%get3A_31, %get3A_32] : memref<384x128xf32, #tpu.memory_space<vmem>>, vector<128x128xf32>
    %dot_general3A_34 = arith.constant dense<0.000000e+00> : vector<2000x128xf32>
    %dot_general3A_35 = tpu.matmul %add3A_13, %get3A_33, %dot_general3A_34 {dimension_numbers = #tpu.dot_dimension_numbers<[1], [0], [0], [1], [0, 0, 1, 1], [], []>, transpose_lhs_hint = false} : vector<2000x128xf32>, vector<128x128xf32>, vector<2000x128xf32> -> vector<2000x128xf32>
    %add3A_36 = arith.addf %add3A_30, %dot_general3A_35 : vector<2000x128xf32>
    %get3A_37 = arith.constant 0 : index
    %get3A_38 = arith.constant 0 : index
    %get3A_39 = vector.load %arg9[%get3A_37, %get3A_38] : memref<1x128xf32, #tpu.memory_space<vmem>>, vector<1x128xf32>
    %add3A_40 = vector.broadcast %get3A_39 : vector<1x128xf32> to vector<2000x128xf32>
    %add3A_41 = arith.addf %add3A_36, %add3A_40 : vector<2000x128xf32>
    %max3A = arith.constant 0.000000e+00 : f32
    %max3A_42 = vector.broadcast %max3A : f32 to vector<2000x128xf32>
    %max3A_43 = arith.maximumf %add3A_41, %max3A_42 : vector<2000x128xf32>
    %get3A_44 = arith.constant 0 : index
    %get3A_45 = arith.constant 0 : index
    %get3A_46 = vector.load %arg10[%get3A_44, %get3A_45] : memref<128x128xf32, #tpu.memory_space<vmem>>, vector<128x128xf32>
    %dot_general3A_47 = arith.constant dense<0.000000e+00> : vector<2000x128xf32>
    %dot_general3A_48 = tpu.matmul %max3A_43, %get3A_46, %dot_general3A_47 {dimension_numbers = #tpu.dot_dimension_numbers<[1], [0], [0], [1], [0, 0, 1, 1], [], []>, transpose_lhs_hint = false} : vector<2000x128xf32>, vector<128x128xf32>, vector<2000x128xf32> -> vector<2000x128xf32>
    %get3A_49 = arith.constant 0 : index
    %get3A_50 = arith.constant 0 : index
    %get3A_51 = vector.load %arg11[%get3A_49, %get3A_50] : memref<1x128xf32, #tpu.memory_space<vmem>>, vector<1x128xf32>
    %add3A_52 = vector.broadcast %get3A_51 : vector<1x128xf32> to vector<2000x128xf32>
    %add3A_53 = arith.addf %dot_general3A_48, %add3A_52 : vector<2000x128xf32>
    %get3A_54 = arith.constant 0 : index
    %get3A_55 = arith.constant 0 : index
    %get3A_56 = vector.load %arg5[%get3A_54, %get3A_55] : memref<2000x1xi32, #tpu.memory_space<vmem>>, vector<2000x1xi32>
    %iota3A = tpu.iota {dimensions = array<i32: 1>} : vector<1x256xi32>
    %eq3A = vector.broadcast %get3A_56 : vector<2000x1xi32> to vector<2000x256xi32>
    %eq3A_57 = vector.broadcast %iota3A : vector<1x256xi32> to vector<2000x256xi32>
    %eq3A_58 = arith.cmpi eq, %eq3A, %eq3A_57 : vector<2000x256xi32>
    %convert_element_type3A = arith.extui %eq3A_58 : vector<2000x256xi1> to vector<2000x256xi32>
    %convert_element_type3A_59 = arith.sitofp %convert_element_type3A : vector<2000x256xi32> to vector<2000x256xf32>
    %dot_general3A_60 = arith.constant dense<0.000000e+00> : vector<256x128xf32>
    %dot_general3A_61 = tpu.matmul %convert_element_type3A_59, %add3A_53, %dot_general3A_60 {dimension_numbers = #tpu.dot_dimension_numbers<[0], [0], [1], [1], [0, 1, 1, 1], [], []>, transpose_lhs_hint = false} : vector<2000x256xf32>, vector<2000x128xf32>, vector<256x128xf32> -> vector<256x128xf32>
    %eq3A_62 = arith.constant 0 : i32
    %eq3A_63 = arith.cmpi eq, %arg0, %eq3A_62 : i32
    %convert_element_type3A_64 = arith.extui %eq3A_63 : i1 to i32
    %cond3A = arith.constant 0 : i32
    %cond3A_65 = arith.cmpi ne, %convert_element_type3A_64, %cond3A : i32
    scf.if %cond3A_65 {
      %broadcast_in_dim3A = arith.constant 0.000000e+00 : f32
      %broadcast_in_dim3A_72 = vector.broadcast %broadcast_in_dim3A : f32 to vector<256x128xf32>
      %swap3A_73 = arith.constant 0 : index
      %swap3A_74 = arith.constant 0 : index
      %swap3A_75 = vector.load %arg12[%swap3A_73, %swap3A_74] : memref<256x128xf32, #tpu.memory_space<vmem>>, vector<256x128xf32>
      tpu.vector_store %arg12[%swap3A_73, %swap3A_74], %broadcast_in_dim3A_72 {strides = array<i32>} : memref<256x128xf32, #tpu.memory_space<vmem>>, vector<256x128xf32>,
    } else {
    }
    %get3A_66 = arith.constant 0 : index
    %get3A_67 = arith.constant 0 : index
    %get3A_68 = vector.load %arg12[%get3A_66, %get3A_67] : memref<256x128xf32, #tpu.memory_space<vmem>>, vector<256x128xf32>
    %add3A_69 = arith.addf %get3A_68, %dot_general3A_61 : vector<256x128xf32>
    %swap3A = arith.constant 0 : index
    %swap3A_70 = arith.constant 0 : index
    %swap3A_71 = vector.load %arg12[%swap3A, %swap3A_70] : memref<256x128xf32, #tpu.memory_space<vmem>>, vector<256x128xf32>
    tpu.vector_store %arg12[%swap3A, %swap3A_70], %add3A_69 {strides = array<i32>} : memref<256x128xf32, #tpu.memory_space<vmem>>, vector<256x128xf32>,
    return
  }
  func.func @transform_0(%arg0: i32) -> (i32, i32) {
    %c0_i32 = arith.constant 0 : i32
    %c0_i32_0 = arith.constant 0 : i32
    return %arg0, %c0_i32 : i32, i32
  }
  func.func @transform_1(%arg0: i32) -> (i32, i32) {
    %c0_i32 = arith.constant 0 : i32
    %c0_i32_0 = arith.constant 0 : i32
    return %arg0, %c0_i32 : i32, i32
  }
  func.func @transform_2(%arg0: i32) -> (i32, i32) {
    %c0_i32 = arith.constant 0 : i32
    %c0_i32_0 = arith.constant 0 : i32
    return %arg0, %c0_i32 : i32, i32
  }
  func.func @transform_3(%arg0: i32) -> (i32, i32) {
    %c0_i32 = arith.constant 0 : i32
    %c0_i32_0 = arith.constant 0 : i32
    return %arg0, %c0_i32 : i32, i32
  }
  func.func @transform_4(%arg0: i32) -> (i32, i32) {
    %c0_i32 = arith.constant 0 : i32
    %c0_i32_0 = arith.constant 0 : i32
    return %arg0, %c0_i32 : i32, i32
  }
  func.func @transform_5(%arg0: i32) -> (i32, i32) {
    %c0_i32 = arith.constant 0 : i32
    %c0_i32_0 = arith.constant 0 : i32
    %c0_i32_1 = arith.constant 0 : i32
    return %c0_i32, %c0_i32_0 : i32, i32
  }
  func.func @transform_6(%arg0: i32) -> (i32, i32) {
    %c0_i32 = arith.constant 0 : i32
    %c0_i32_0 = arith.constant 0 : i32
    %c0_i32_1 = arith.constant 0 : i32
    return %c0_i32, %c0_i32_0 : i32, i32
  }
  func.func @transform_7(%arg0: i32) -> (i32, i32) {
    %c0_i32 = arith.constant 0 : i32
    %c0_i32_0 = arith.constant 0 : i32
    %c0_i32_1 = arith.constant 0 : i32
    return %c0_i32, %c0_i32_0 : i32, i32
  }
  func.func @transform_8(%arg0: i32) -> (i32, i32) {
    %c0_i32 = arith.constant 0 : i32
    %c0_i32_0 = arith.constant 0 : i32
    %c0_i32_1 = arith.constant 0 : i32
    return %c0_i32, %c0_i32_0 : i32, i32
  }
  func.func @transform_9(%arg0: i32) -> (i32, i32) {
    %c0_i32 = arith.constant 0 : i32
    %c0_i32_0 = arith.constant 0 : i32
    %c0_i32_1 = arith.constant 0 : i32
    return %c0_i32, %c0_i32_0 : i32, i32
  }
  func.func @transform_10(%arg0: i32) -> (i32, i32) {
    %c0_i32 = arith.constant 0 : i32
    %c0_i32_0 = arith.constant 0 : i32
    %c0_i32_1 = arith.constant 0 : i32
    return %c0_i32, %c0_i32_0 : i32, i32
  }
  func.func @transform_11(%arg0: i32) -> (i32, i32) {
    %c0_i32 = arith.constant 0 : i32
    %c0_i32_0 = arith.constant 0 : i32
    %c0_i32_1 = arith.constant 0 : i32
    return %c0_i32, %c0_i32_0 : i32, i32
  }
}

</mosaic_0001>

<sc_bundles>
// kernel: kernel.11.cloned.1.call-start
scs
__scs_entry_jumppad:
0x0: {  	(pc) =	sbr.rel $0x88, $3  }
0x1: {  	(tag) =	ssettag $0x0;
	lr =	simm.s32 $0x1  }
0x2: {  	[smem:$0x3F94] =	sst lr;
	_ =	strace $0xD0000000  }
0x3: {  	_ = 	snop  }
0x4: {  	_ = 	snop  }
0x5: {  	_ = 	snop  }
0x6: {  	_ = 	snop  }
0x7: {  	_ = 	snop  }
__scs_overlays_trampoline_lowered:
0x8: {  	[smem:$0x3FA3] =	sst s0  }
0x9: {  	[smem:$0x3FA4] =	sst s1  }
0xa: {  	[smem:$0x3FA5] =	sst s2  }
0xb: {  	[smem:$0x3FA6] =	sst s3  }
0xc: {  	[smem:$0x3FA7] =	sst s4  }
0xd: {  	[smem:$0x3FA8] =	sst s5  }
0xe: {  	[smem:$0x3FA9] =	sst s6  }
0xf: {  	[smem:$0x3FAA] =	sst s7  }
0x10: {  	[smem:$0x3FAB] =	sst s8  }
0x11: {  	[smem:$0x3FAC] =	sst s9;
	s0 =	simm.s32 @!p0 $0x0  }
0x12: {  	s1 =	sld [smem:$0x3F92];
	s0 =	simm.s32 @p0 $0x1  }
0x13: {  	[smem:$0x3FAD] =	sst s0;
	s0 =	simm.s32 @!p1 $0x0  }
0x14: {  	s2 =	sld [smem:$0x3F91];
	s0 =	simm.s32 @p1 $0x1  }
0x15: {  	[smem:$0x3FAE] =	sst s0;
	s0 =	simm.s32 @!p2 $0x0  }
0x16: {  	s3 =	sld [smem:$0x3FDB];
	s0 =	simm.s32 @p2 $0x1  }
0x17: {  	s4 =	simm.s32 $0x1BF5;
	[smem:$0x3FB0] =	sst s0  }
0x18: {  	s0 =	sld [smem:$0x3F93];
	_ =	swait.ge [sflag:s4], $0x0  }
0x19: {  	s7 =	sld [smem:$0x3F94]  }
0x1a: {  	s8 =	sadd.s32 $0xFFFFE003, lr  }
0x1b: {  	s9 =	sadd.s32 $0xFFFFFEF7, lr;
	s5 =	simm.s32 $0xFFFFFFFF;
	p2 =	slt.u32 s8, $0xFFFFF086  }
0x1c: {  	p1 =	slt.u32 s9, $0xF7A;
	s5 =	simm.s32 @!p2 $0x0  }
0x1d: {  	s5 =	simm.s32 @p1 $0x1;
	p0 =	seq.s32 s7, s2  }
0x1e: {  	s7 =	smul.u32 @!p0 $0xF7A, s2;
	p2 =	seq.s32 @!p0 s5, $0x0  }
0x1f: {  	s9 =	smul.u32 $0xF7A, s1;
	s8 =	simm.s32 @!p0 $0x1BF5;
	p2 =	por !p2, p0  }
0x20: {  	[sflag:s8] =	ssyncset.s32 @!p0 $0xFFFFF086;
	s6 =	sadd.s32 @!p0 s3, s7;
	s7 =	simm.s32 @!p0 $0x108  }
0x21: {  	s3 =	sadd.s32 s3, s9;
	s6 =	sadd.s32 @!p0 $0x88, s6;
	s7 =	simm.s32 @p2 $0x1082  }
0x22: {  	[simem:s7], [sflag:s8] =	dma.local @!p0 [hbm:s6], $0xF7A  }
0x23: {  	s9 =	sor.u32 $0xD0000000, s2;
	s6 =	simm.s32 $0x108;
	_ =	swait.ge @!p0 [sflag:s8], $0x0  }
0x24: {  	s3 =	sadd.s32 $0x88, s3;
	s6 =	simm.s32 @!p1 $0x1082;
	[sflag:s4] =	ssyncset.s32 $0xFFFFF086  }
0x25: {  	[simem:s6], [sflag:s4] =	dma.local [hbm:s3], $0xF7A  }
0x26: {  	[smem:$0x3F94] =	sst s1;
	(tag) =	ssettag s2;
	_ =	strace s9  }
0x27: {  	s1 =	sld [smem:$0x3FA4]  }
0x28: {  	s2 =	sld [smem:$0x3FA5]  }
0x29: {  	s4 =	sld [smem:$0x3FA7]  }
0x2a: {  	p0 =	seq.s32 s5, $0x0;
	s5 =	sld [smem:$0x3FA8]  }
0x2b: {  	s6 =	sld [smem:$0x3FA9]  }
0x2c: {  	s7 =	sld [smem:$0x3FAA]  }
0x2d: {  	s3 =	simm.s32 $0x108;
	s8 =	sld [smem:$0x3FAB]  }
0x2e: {  	s3 =	simm.s32 @!p0 $0x1082;
	s9 =	sld [smem:$0x3FAC]  }
0x2f: {  	lr =	sadd.s32 s0, s3;
	s0 =	sld [smem:$0x3FA3]  }
0x30: {  	s3 =	sld [smem:$0x3FA6]  }
0x31: {  	[smem:$0x3FAF] =	sst s10  }
0x32: {  	s10 =	sld [smem:$0x3FAD];
	_ =	sdelay $0x3  }
0x33: {  	p0 =	seq.s32 s10, $0x1;
	s10 =	sld [smem:$0x3FAF];
	_ =	sdelay $0x3  }
0x34: {  	[smem:$0x3FAF] =	sst s10  }
0x35: {  	s10 =	sld [smem:$0x3FAE];
	_ =	sdelay $0x3  }
0x36: {  	p1 =	seq.s32 s10, $0x1;
	s10 =	sld [smem:$0x3FAF];
	_ =	sdelay $0x3  }
0x37: {  	[smem:$0x3FAF] =	sst s10  }
0x38: {  	s10 =	sld [smem:$0x3FB0]  }
0x39: {  	_ = 	snop;
	(pc) =	sbr.ind lr, $3  }
0x3a: {  	_ = 	snop  }
0x3b: {  	_ = 	snop  }
0x3c: {  	p2 =	seq.s32 s10, $0x1;
	s10 =	sld [smem:$0x3FAF]  }
0x3d: {  	_ =	shalt  }
0x3e: {  	_ =	shalt  }
0x3f: {  	_ =	shalt  }
0x40: {  	_ =	shalt  }
0x41: {  	_ =	shalt  }
0x42: {  	_ =	shalt  }
0x43: {  	_ =	shalt  }
0x44: {  	_ =	shalt  }
0x45: {  	_ =	shalt  }
0x46: {  	_ =	shalt  }
0x47: {  	_ =	shalt  }
0x48: {  	_ =	shalt  }
0x49: {  	_ =	shalt  }
0x4a: {  	_ =	shalt  }
0x4b: {  	_ =	shalt  }
0x4c: {  	_ =	shalt  }
0x4d: {  	_ =	shalt  }
0x4e: {  	_ =	shalt  }
0x4f: {  	_ =	shalt  }
0x50: {  	_ =	shalt  }
0x51: {  	_ =	shalt  }
0x52: {  	_ =	shalt  }
0x53: {  	_ =	shalt  }
0x54: {  	_ =	shalt  }
0x55: {  	_ =	shalt  }
0x56: {  	_ =	shalt  }
0x57: {  	_ =	shalt  }
0x58: {  	_ =	shalt  }
0x59: {  	_ =	shalt  }
0x5a: {  	_ =	shalt  }
0x5b: {  	_ =	shalt  }
0x5c: {  	_ =	shalt  }
0x5d: {  	_ =	shalt  }
0x5e: {  	_ =	shalt  }
0x5f: {  	_ =	shalt  }
0x60: {  	_ =	shalt  }
0x61: {  	_ =	shalt  }
0x62: {  	_ =	shalt  }
0x63: {  	_ =	shalt  }
0x64: {  	_ =	shalt  }
0x65: {  	_ =	shalt  }
0x66: {  	_ =	shalt  }
0x67: {  	_ =	shalt  }
0x68: {  	_ =	shalt  }
0x69: {  	_ =	shalt  }
0x6a: {  	_ =	shalt  }
0x6b: {  	_ =	shalt  }
0x6c: {  	_ =	shalt  }
0x6d: {  	_ =	shalt  }
0x6e: {  	_ =	shalt  }
0x6f: {  	_ =	shalt  }
0x70: {  	_ =	shalt  }
0x71: {  	_ =	shalt  }
0x72: {  	_ =	shalt  }
0x73: {  	_ =	shalt  }
0x74: {  	_ =	shalt  }
0x75: {  	_ =	shalt  }
0x76: {  	_ =	shalt  }
0x77: {  	_ =	shalt  }
0x78: {  	_ =	shalt  }
0x79: {  	_ =	shalt  }
0x7a: {  	_ =	shalt  }
0x7b: {  	_ =	shalt  }
0x7c: {  	_ =	shalt  }
0x7d: {  	_ =	shalt  }
0x7e: {  	_ =	shalt  }
0x7f: {  	_ =	shalt  }
0x80: {  	_ =	shalt  }
0x81: {  	_ =	shalt  }
0x82: {  	_ =	shalt  }
0x83: {  	_ =	shalt  }
0x84: {  	_ =	shalt  }
0x85: {  	_ =	shalt  }
0x86: {  	_ =	shalt  }
0x87: {  	_ =	shalt  }
.Lfunc_end0:
.L_simem_size_0:
called_computation.1_lowered:
.L_overlay_start_0:
0x88: {  	s2 =	sld [smem:$0x3FD9]  }
0x89: {  	s3 =	sld [smem:$0x3FFE];
	_ =	sdelay $0x1  }
0x8a: {  	s1 =	srdreg.scid  }
0x8b: {  	s0 =	sand.u32 $0x1, s1  }
0x8c: {  	s16 =	sshll.u32 s0, $0xA;
	s2 =	sadd.s32 s3, s2  }
0x8d: {  	s2 =	sadd.s32 s2, s16  }
0x8e: {  	[smem:$0x3FBB] =	sst s2  }
0x8f: {  	_ = 	snop  }
0x90: {  	(tm) =	ssettm $0x1  }
0x91: {  	s17 =	sld [smem:$0x3FFB];
	_ =	sdelay $0x3  }
0x92: {  	_ =	strace s17  }
0x93: {  	s2 =	sld [smem:$0x3FFC];
	_ =	sdelay $0x3  }
0x94: {  	_ =	strace s2  }
0x95: {  	s2 =	sld [smem:$0x3FFD];
	_ =	sdelay $0x3  }
0x96: {  	_ =	strace s2  }
0x97: {  	_ =	strace $0x8FFFFFFF  }
0x98: {  	s18 =	sld [smem:$0x3FDB];
	_ =	sdelay $0x1  }
0x99: {  	s19 =	simm.s32 $_scs_section_size  }
0x9a: {  	s4 =	simm.s32 $_size__tile_overlayer_lowered;
	s5 =	simm.s32 $_tile_overlayer_lowered  }
0x9b: {  	s22 =	simm.s32 $0x1BFF;
	s21 =	sshll.u32 s5, $0x1;
	s2 =	sadd.s32 s19, s18  }
0x9c: {  	s6 =	simm.s32 $0x0;
	s20 =	sshll.u32 s4, $0x1;
	s4 =	sadd.s32 s21, s2  }
0x9d: {  	[timem:s6], [sflag:s22] =	dma.local [hbm:s4], s20  }
0x9e: {  	_ =	swait.ge [sflag:s22], s20  }
0x9f: {  	s3 =	ssub.s32 $0x0, s20;
	[sflag:s22] =	ssyncset.done $0x0  }
0xa0: {  	[sflag:s22] =	ssyncadd.s32 s3;
	_ =	sdelay $0x1  }
0xa1: {  	s23 =	simm.s32 $0x1B8B  }
0xa2: {  	_ =	swait.ge [sflag:s23], $0x1  }
0xa3: {  	[sflag:s23] =	ssyncset.done $0x0  }
0xa4: {  	s25 =	simm.s32 $0x1B8E;
	s24 =	sld [smem:$0x3FFE];
	[sflag:s23] =	ssyncadd.s32 $0xFFFFFFFF  }
0xa5: {  	s26 =	simm.s32 $execute0_lowered;
	[smem:$0x3FD2] =	sst s25  }
0xa6: {  	s4 =	sshll.u32 s26, $0x1;
	_ =	strace $0x80000049;
	[dreg:$0x1] =	wrdreg $0xFFFFFFFF  }
0xa7: {  	s28 =	simm.s32 $_size_execute0_lowered;
	s2 =	sadd.s32 s2, s4;
	[dreg:$0x0] =	wrdreg $0x0  }
0xa8: {  	s4 =	sshll.u32 s28, $0x1;
	[dreg:$0x2] =	wrdreg s2  }
0xa9: {  	[dreg:$0x3] =	wrdreg s4  }
0xaa: {  	[dreg:$0x4] =	wrdreg $0xC0  }
0xab: {  	_ =	task [dreg:s6], $0x5FFFF  }
0xac: {  	[dreg:$0x1] =	wrdreg $0xFFFFFFFF  }
0xad: {  	[dreg:$0x0] =	wrdreg $0x60  }
0xae: {  	[dreg:$0x2] =	wrdreg s24  }
0xaf: {  	[dreg:$0x3] =	wrdreg $0x98000  }
0xb0: {  	[dreg:$0x4] =	wrdreg $0x9  }
0xb1: {  	_ =	task.clear_ibuf [dreg:s6], $0x5FFFF;
	_ =	strace $0x90000049  }
0xb2: {  	s29 =	simm.s32 $0x9;
	_ =	strace $0x8000004B  }
0xb3: {  	_ =	swait.ge [sflag:s29], $0x1  }
0xb4: {  	[sflag:s29] =	ssyncadd.s32 $0xFFFFFFFF  }
0xb5: {  	_ =	strace $0x9000004B  }
0xb6: {  	_ =	sfence  }
0xb7: {  	s30 =	sld [smem:$0x0];
	_ =	sdelay $0x2  }
0xb8: {  	s31 =	sshll.u32 s1, $0xD;
	s1 =	sshrl.u32 s1, $0x2  }
0xb9: {  	s3 =	sand.u32 $0x4000, s31;
	s1 =	sadd.s32 s1, s30  }
0xba: {  	s0 =	sor.u32 s3, s0;
	s1 =	sshll.u32 s1, $0x11  }
0xbb: {  	s0 =	sor.u32 s1, s0  }
0xbc: {  	s0 =	sadd.s32 $0x8F2B, s0  }
0xbd: {  	[sflag:s0] =	ssyncadd.remote.s32 $0x1  }
0xbe: {  	_ =	sfence.sel $0xFFFF  }
0xbf: {  	[dreg:$0x0] =	wrdreg $0xFFFFFFFF;
	(pc) =	sbr.abs _section_cstart, $3  }
0xc0: {  	[dreg:$0x1] =	wrdreg $0xFFFFFFFF  }
0xc1: {  	_ =	task.clear_ibuf [dreg:s6], $0x2FFFF;
	_ =	strace $0x9FFFFFFF  }
0xc2: {  	(tm) =	ssettm $0x7FFFFFFF  }
0xc3: {  	_ =	shalt  }
tec
execute0_lowered:
.L_overlay_start_1:
0x0: {  	(tag) =	ssettag $0x1  }
0x1: {  	s12 =	rddreg [dreg:$0x0]  }
0x2: {  	s1 =	rddreg [dreg:$0x1]  }
0x3: {  	s2 =	srdreg.scid;
	s0 =	rddreg [dreg:$0x2]  }
0x4: {  	s3 =	simm.s32 $0x0;
	s18 =	simm.s32 $0x3F200;
	s21 =	simm.s32 $0x80  }
0x5: {  	s22 =	simm.s32 $0x5800;
	s8 =	sand.u32 $0x1, s2;
	s2 =	stileid.u32  }
0x6: {  	s23 =	simm.s32 $0x1;
	[smem:$0x7FF] =	sst s3;
	s9 =	smul.u32 $0x50000, s2  }
0x7: {  	s4 =	sshll.u32 s8, $0x4;
	_ =	strace $0x8000004A;
	s13 =	smul.u32 $0x280, s2  }
0x8: {  	s6 =	ssub.s32 $0x2, s8;
	p0 =	seq.s32 s8, $0x0;
	s14 =	smul.u32 $0x2800, s2  }
0x9: {  	s4 =	sor.u32 s2, s4;
	s7 =	sshrl.u32 s6, $0x1;
	s18 =	simm.s32 @!p0 $0x67200  }
0xa: {  	s5 =	smul.u32 $0x500, s4;
	s4 =	sadd.s32 $0x18000, s12;
	s11 =	ssub.s32 s6, s7  }
0xb: {  	s24 =	sshrl.u32 s9, $0x2;
	s25 =	sadd.s32 $0x80, s13;
	s28 =	sadd.s32 $0x100, s13  }
0xc: {  	s29 =	sadd.s32 $0x180, s13;
	s13 =	sadd.s32 $0x200, s13;
	s18 =	sadd.s32 s18, s12  }
0xd: {  	s7 =	sadd.s32 s24, s1;
	s8 =	smax.u32 s11, $0x1;
	s26 =	sshll.u32 s25, $0x7  }
0xe: {  	s15 =	sshll.u32 s28, $0x7;
	s16 =	sshll.u32 s25, $0x4;
	s17 =	sshll.u32 s28, $0x4  }
0xf: {  	s30 =	sshll.u32 s29, $0x7;
	s19 =	sshll.u32 s29, $0x4;
	s31 =	sshll.u32 s13, $0x7  }
0x10: {  	s20 =	sshll.u32 s13, $0x4;
	s13 =	sadd.s32 s18, s14;
	s24 =	simm.s32 $0x3  }
0x11: {  	s25 =	simm.s32 $0x0;
	s10 =	sadd.s32 s5, s12;
	s9 =	sadd.s32 s26, s1  }
0x12: {  	s11 =	sadd.s32 s30, s1;
	s12 =	sadd.s32 s31, s1;
	s14 =	sadd.s32 s18, s16  }
0x13: {  	s16 =	sadd.s32 s18, s19;
	s19 =	simm.s32 $0x2800;
	s5 =	sadd.s32 $0xE000, s10  }
0x14: {  	s6 =	sadd.s32 $0x4000, s10;
	s10 =	sadd.s32 s15, s1;
	s15 =	sadd.s32 s18, s17  }
0x15: {  	v0 =	vimm.f32 $0.0e+00;
	s17 =	sadd.s32 s18, s20;
	s18 =	simm.s32 $0x2;
	s20 =	simm.s32 $0x5000  }
.LBB2_1:
0x16: {  	[tilespmem:s3], [sflag:$0x2] =	stream.linear.gather [hbm4b:s5+s3], $0x2800, $0x38;
	[tilespmem:$0x1D800] =	vst v63  }
0x17: {  	_ =	swait.ge [sflag:s18], $0x2800  }
0x18: {  	[sflag:s18] =	ssyncset.done $0x0  }
0x19: {  	[sflag:s18] =	ssyncadd.s32 $0xFFFFD800  }
0x1a: {  	[tilespmem:s19], [sflag:$0x2] =	stream.linear.gather [hbm4b:s6+s3], $0x2800, $0x38;
	[tilespmem:$0x1D800] =	vst v63  }
0x1b: {  	_ =	swait.ge [sflag:s18], $0x2800  }
0x1c: {  	[sflag:s18] =	ssyncset.done $0x0  }
0x1d: {  	[sflag:s18] =	ssyncadd.s32 $0xFFFFD800  }
0x1e: {  	[tilespmem:$0x5000] =	vst v0  }
0x1f: {  	[tilespmem:$0x5010] =	vst v0  }
0x20: {  	[tilespmem:$0x5020] =	vst v0  }
0x21: {  	[tilespmem:$0x5030] =	vst v0  }
0x22: {  	[tilespmem:$0x5040] =	vst v0  }
0x23: {  	[tilespmem:$0x5050] =	vst v0  }
0x24: {  	[tilespmem:$0x5060] =	vst v0  }
0x25: {  	[tilespmem:$0x5070] =	vst v0  }
0x26: {  	[tilespmem:$0x5080] =	vst v0  }
0x27: {  	[tilespmem:$0x5090] =	vst v0  }
0x28: {  	[tilespmem:$0x50A0] =	vst v0  }
0x29: {  	[tilespmem:$0x50B0] =	vst v0  }
0x2a: {  	[tilespmem:$0x50C0] =	vst v0  }
0x2b: {  	[tilespmem:$0x50D0] =	vst v0  }
0x2c: {  	[tilespmem:$0x50E0] =	vst v0  }
0x2d: {  	[tilespmem:$0x50F0] =	vst v0  }
0x2e: {  	[tilespmem:$0x5100] =	vst v0  }
0x2f: {  	[tilespmem:$0x5110] =	vst v0  }
0x30: {  	[tilespmem:$0x5120] =	vst v0  }
0x31: {  	[tilespmem:$0x5130] =	vst v0  }
0x32: {  	[tilespmem:$0x5140] =	vst v0  }
0x33: {  	[tilespmem:$0x5150] =	vst v0  }
0x34: {  	[tilespmem:$0x5160] =	vst v0  }
0x35: {  	[tilespmem:$0x5170] =	vst v0  }
0x36: {  	[tilespmem:$0x5180] =	vst v0  }
0x37: {  	[tilespmem:$0x5190] =	vst v0  }
0x38: {  	[tilespmem:$0x51A0] =	vst v0  }
0x39: {  	[tilespmem:$0x51B0] =	vst v0  }
0x3a: {  	[tilespmem:$0x51C0] =	vst v0  }
0x3b: {  	[tilespmem:$0x51D0] =	vst v0  }
0x3c: {  	[tilespmem:$0x51E0] =	vst v0  }
0x3d: {  	[tilespmem:$0x51F0] =	vst v0  }
0x3e: {  	[tilespmem:$0x5200] =	vst v0  }
0x3f: {  	[tilespmem:$0x5210] =	vst v0  }
0x40: {  	[tilespmem:$0x5220] =	vst v0  }
0x41: {  	[tilespmem:$0x5230] =	vst v0  }
0x42: {  	[tilespmem:$0x5240] =	vst v0  }
0x43: {  	[tilespmem:$0x5250] =	vst v0  }
0x44: {  	[tilespmem:$0x5260] =	vst v0  }
0x45: {  	[tilespmem:$0x5270] =	vst v0  }
0x46: {  	[tilespmem:$0x5280] =	vst v0  }
0x47: {  	[tilespmem:$0x5290] =	vst v0  }
0x48: {  	[tilespmem:$0x52A0] =	vst v0  }
0x49: {  	[tilespmem:$0x52B0] =	vst v0  }
0x4a: {  	[tilespmem:$0x52C0] =	vst v0  }
0x4b: {  	[tilespmem:$0x52D0] =	vst v0  }
0x4c: {  	[tilespmem:$0x52E0] =	vst v0  }
0x4d: {  	[tilespmem:$0x52F0] =	vst v0  }
0x4e: {  	[tilespmem:$0x5300] =	vst v0  }
0x4f: {  	[tilespmem:$0x5310] =	vst v0  }
0x50: {  	[tilespmem:$0x5320] =	vst v0  }
0x51: {  	[tilespmem:$0x5330] =	vst v0  }
0x52: {  	[tilespmem:$0x5340] =	vst v0  }
0x53: {  	[tilespmem:$0x5350] =	vst v0  }
0x54: {  	[tilespmem:$0x5360] =	vst v0  }
0x55: {  	[tilespmem:$0x5370] =	vst v0  }
0x56: {  	[tilespmem:$0x5380] =	vst v0  }
0x57: {  	[tilespmem:$0x5390] =	vst v0  }
0x58: {  	[tilespmem:$0x53A0] =	vst v0  }
0x59: {  	[tilespmem:$0x53B0] =	vst v0  }
0x5a: {  	[tilespmem:$0x53C0] =	vst v0  }
0x5b: {  	[tilespmem:$0x53D0] =	vst v0  }
0x5c: {  	[tilespmem:$0x53E0] =	vst v0  }
0x5d: {  	[tilespmem:$0x53F0] =	vst v0  }
0x5e: {  	[tilespmem:$0x5400] =	vst v0  }
0x5f: {  	[tilespmem:$0x5410] =	vst v0  }
0x60: {  	[tilespmem:$0x5420] =	vst v0  }
0x61: {  	[tilespmem:$0x5430] =	vst v0  }
0x62: {  	[tilespmem:$0x5440] =	vst v0  }
0x63: {  	[tilespmem:$0x5450] =	vst v0  }
0x64: {  	[tilespmem:$0x5460] =	vst v0  }
0x65: {  	[tilespmem:$0x5470] =	vst v0  }
0x66: {  	[tilespmem:$0x5480] =	vst v0  }
0x67: {  	[tilespmem:$0x5490] =	vst v0  }
0x68: {  	[tilespmem:$0x54A0] =	vst v0  }
0x69: {  	[tilespmem:$0x54B0] =	vst v0  }
0x6a: {  	[tilespmem:$0x54C0] =	vst v0  }
0x6b: {  	[tilespmem:$0x54D0] =	vst v0  }
0x6c: {  	[tilespmem:$0x54E0] =	vst v0  }
0x6d: {  	[tilespmem:$0x54F0] =	vst v0  }
0x6e: {  	[tilespmem:$0x5500] =	vst v0  }
0x6f: {  	[tilespmem:$0x5510] =	vst v0  }
0x70: {  	[tilespmem:$0x5520] =	vst v0  }
0x71: {  	[tilespmem:$0x5530] =	vst v0  }
0x72: {  	[tilespmem:$0x5540] =	vst v0  }
0x73: {  	[tilespmem:$0x5550] =	vst v0  }
0x74: {  	[tilespmem:$0x5560] =	vst v0  }
0x75: {  	[tilespmem:$0x5570] =	vst v0  }
0x76: {  	[tilespmem:$0x5580] =	vst v0  }
0x77: {  	[tilespmem:$0x5590] =	vst v0  }
0x78: {  	[tilespmem:$0x55A0] =	vst v0  }
0x79: {  	[tilespmem:$0x55B0] =	vst v0  }
0x7a: {  	[tilespmem:$0x55C0] =	vst v0  }
0x7b: {  	[tilespmem:$0x55D0] =	vst v0  }
0x7c: {  	[tilespmem:$0x55E0] =	vst v0  }
0x7d: {  	[tilespmem:$0x55F0] =	vst v0  }
0x7e: {  	[tilespmem:$0x5600] =	vst v0  }
0x7f: {  	[tilespmem:$0x5610] =	vst v0  }
0x80: {  	[tilespmem:$0x5620] =	vst v0  }
0x81: {  	[tilespmem:$0x5630] =	vst v0  }
0x82: {  	[tilespmem:$0x5640] =	vst v0  }
0x83: {  	[tilespmem:$0x5650] =	vst v0  }
0x84: {  	[tilespmem:$0x5660] =	vst v0  }
0x85: {  	[tilespmem:$0x5670] =	vst v0  }
0x86: {  	[tilespmem:$0x5680] =	vst v0  }
0x87: {  	[tilespmem:$0x5690] =	vst v0  }
0x88: {  	[tilespmem:$0x56A0] =	vst v0  }
0x89: {  	[tilespmem:$0x56B0] =	vst v0  }
0x8a: {  	[tilespmem:$0x56C0] =	vst v0  }
0x8b: {  	[tilespmem:$0x56D0] =	vst v0  }
0x8c: {  	[tilespmem:$0x56E0] =	vst v0  }
0x8d: {  	[tilespmem:$0x56F0] =	vst v0  }
0x8e: {  	[tilespmem:$0x5700] =	vst v0  }
0x8f: {  	[tilespmem:$0x5710] =	vst v0  }
0x90: {  	[tilespmem:$0x5720] =	vst v0  }
0x91: {  	[tilespmem:$0x5730] =	vst v0  }
0x92: {  	[tilespmem:$0x5740] =	vst v0  }
0x93: {  	[tilespmem:$0x5750] =	vst v0  }
0x94: {  	[tilespmem:$0x5760] =	vst v0  }
0x95: {  	[tilespmem:$0x5770] =	vst v0  }
0x96: {  	[tilespmem:$0x5780] =	vst v0  }
0x97: {  	[tilespmem:$0x5790] =	vst v0  }
0x98: {  	[tilespmem:$0x57A0] =	vst v0  }
0x99: {  	[tilespmem:$0x57B0] =	vst v0  }
0x9a: {  	[tilespmem:$0x57C0] =	vst v0  }
0x9b: {  	[tilespmem:$0x57D0] =	vst v0  }
0x9c: {  	[tilespmem:$0x57E0] =	vst v0  }
0x9d: {  	s26 =	sadd.s32 $0x0, s7;
	[tilespmem:$0x57F0] =	vst v0  }
0x9e: {  	[spmem:s26] =	stream.linear.scatter [tilespmem:s20], [sflag:$0x2], $0x800, $0x38;
	[tilespmem:$0x1D800] =	vst v63  }
0x9f: {  	s26 =	simm.s32 $0x2000;
	_ =	swait.ge [sflag:s18], $0x800  }
.LBB2_2:
0xa0: {  	s28 =	sshra.s32 s26, $0x2;
	[sflag:s18] =	ssyncset.done $0x0;
	p1 =	sne.s32 s26, $0x4E000  }
.Ltmp0:
0xa1: {  	s28 =	sadd.s32 s28, s7;
	[sflag:s18] =	ssyncadd.s32 $0xFFFFF800;
	(pc) =	sbr.rel @p1 .LBB2_2-.Ltmp0, $3  }
0xa2: {  	[spmem:s28] =	stream.linear.scatter [tilespmem:s20], [sflag:$0x2], $0x800, $0x38;
	[tilespmem:$0x1D800] =	vst v63  }
0xa3: {  	s26 =	sadd.s32 $0x2000, s26;
	_ =	sdelay $0x1  }
0xa4: {  	_ =	swait.ge [sflag:s18], $0x800  }
0xa5: {  	[sflag:s18] =	ssyncset.done $0x0  }
0xa6: {  	[sflag:s18] =	ssyncadd.s32 $0xFFFFF800  }
0xa7: {  	s26 =	simm.s32 $0x0;
	[bflag:$0x0] =	sbarrier.arrive $0xFFFF  }
0xa8: {  	[tilespmem:s22], [sflag:$0x1] =	stream.indirect.gather [hbm4b:s4+s21], $0x80, s26, s21, $0xb8;
	[tilespmem:$0x1D800] =	vst v63  }
0xa9: {  	_ =	swait.ge [sflag:s23], $0x4000  }
0xaa: {  	[sflag:s23] =	ssyncset.done $0x0  }
0xab: {  	s31 =	simm.s32 $0x2800;
	[sflag:s23] =	ssyncadd.s32 $0xFFFFC000  }
0xac: {  	[spmem:s1] =	stream.indirect.scatter.add.f32 [tilespmem:s22], [sflag:$0x2], $0x80, s31, s21, $0xb8;
	[tilespmem:$0x1D800] =	vst v63  }
0xad: {  	_ =	swait.ge [sflag:s18], $0x4000  }
0xae: {  	s28 =	simm.s32 $0x400;
	s26 =	simm.s32 $0x200;
	[sflag:s18] =	ssyncset.done $0x0  }
.LBB2_4:
0xaf: {  	s29 =	sshra.s32 s26, $0x2  }
0xb0: {  	[sflag:s18] =	ssyncadd.s32 $0xFFFFC000;
	s26 =	smov.u32 s28;
	s30 =	sadd.s32 $0x200, s28  }
0xb1: {  	[tilespmem:s22], [sflag:$0x1] =	stream.indirect.gather [hbm4b:s4+s21], $0x80, s29, s21, $0xb8;
	[tilespmem:$0x1D800] =	vst v63  }
0xb2: {  	p1 =	sne.s32 s28, $0x9E00;
	_ =	swait.ge [sflag:s23], $0x4000  }
.Ltmp1:
0xb3: {  	[sflag:s23] =	ssyncset.done $0x0;
	(pc) =	sbr.rel @p1 .LBB2_4-.Ltmp1, $4  }
0xb4: {  	s28 =	sadd.s32 $0x2800, s29;
	[sflag:s23] =	ssyncadd.s32 $0xFFFFC000  }
0xb5: {  	[spmem:s1] =	stream.indirect.scatter.add.f32 [tilespmem:s22], [sflag:$0x2], $0x80, s28, s21, $0xb8;
	[tilespmem:$0x1D800] =	vst v63  }
0xb6: {  	_ =	swait.ge [sflag:s18], $0x4000  }
0xb7: {  	s28 =	smov.u32 s30;
	[sflag:s18] =	ssyncset.done $0x0  }
0xb8: {  	s26 =	sshra.s32 s26, $0x2;
	[sflag:s18] =	ssyncadd.s32 $0xFFFFC000  }
0xb9: {  	[tilespmem:s22], [sflag:$0x1] =	stream.indirect.gather [hbm4b:s4+s21], $0x80, s26, s21, $0xb8;
	[tilespmem:$0x1D800] =	vst v63  }
0xba: {  	_ =	swait.ge [sflag:s23], $0x4000  }
0xbb: {  	[sflag:s23] =	ssyncset.done $0x0  }
0xbc: {  	s26 =	sadd.s32 $0x2800, s26;
	[sflag:s23] =	ssyncadd.s32 $0xFFFFC000  }
0xbd: {  	[spmem:s1] =	stream.indirect.scatter.add.f32 [tilespmem:s22], [sflag:$0x2], $0x80, s26, s21, $0xb8;
	[tilespmem:$0x1D800] =	vst v63  }
0xbe: {  	_ =	swait.ge [sflag:s18], $0x4000  }
0xbf: {  	[sflag:s18] =	ssyncset.done $0x0  }
0xc0: {  	[sflag:s18] =	ssyncadd.s32 $0xFFFFC000  }
0xc1: {  	[bflag:$0x0] =	sbarrier.arrive $0xFFFF  }
0xc2: {  	[tilespmem:s22], [sflag:$0x3] =	stream.linear.gather [spmem:s7], $0x4000, $0x38;
	[tilespmem:$0x1D800] =	vst v63  }
0xc3: {  	_ =	swait.ge [sflag:s24], $0x4000  }
0xc4: {  	s26 =	simm.s32 $0x3;
	[sflag:s24] =	ssyncset.done $0x0  }
0xc5: {  	s26 =	simm.s32 @!p0 $0x2;
	[sflag:s24] =	ssyncadd.s32 $0xFFFFC000  }
0xc6: {  	[hbm4b:s13+s3] =	stream.linear.scatter [tilespmem:s22], [sflag:s26], $0x4000, $0x38;
	[tilespmem:$0x1D800] =	vst v63  }
0xc7: {  	_ =	swait.ge [sflag:s26], $0x4000  }
0xc8: {  	[sflag:s26] =	ssyncset.done $0x0  }
0xc9: {  	[sflag:s26] =	ssyncadd.s32 $0xFFFFC000  }
0xca: {  	[tilespmem:s22], [sflag:$0x3] =	stream.linear.gather [spmem:s9], $0x4000, $0x38;
	[tilespmem:$0x1D800] =	vst v63  }
0xcb: {  	_ =	swait.ge [sflag:s24], $0x4000  }
0xcc: {  	[sflag:s24] =	ssyncset.done $0x0  }
0xcd: {  	[sflag:s24] =	ssyncadd.s32 $0xFFFFC000  }
0xce: {  	[hbm4b:s14+s3] =	stream.linear.scatter [tilespmem:s22], [sflag:s26], $0x4000, $0x38;
	[tilespmem:$0x1D800] =	vst v63  }
0xcf: {  	_ =	swait.ge [sflag:s26], $0x4000  }
0xd0: {  	[sflag:s26] =	ssyncset.done $0x0  }
0xd1: {  	[sflag:s26] =	ssyncadd.s32 $0xFFFFC000  }
0xd2: {  	[tilespmem:s22], [sflag:$0x3] =	stream.linear.gather [spmem:s10], $0x4000, $0x38;
	[tilespmem:$0x1D800] =	vst v63  }
0xd3: {  	_ =	swait.ge [sflag:s24], $0x4000  }
0xd4: {  	[sflag:s24] =	ssyncset.done $0x0  }
0xd5: {  	[sflag:s24] =	ssyncadd.s32 $0xFFFFC000  }
0xd6: {  	[hbm4b:s15+s3] =	stream.linear.scatter [tilespmem:s22], [sflag:s26], $0x4000, $0x38;
	[tilespmem:$0x1D800] =	vst v63  }
0xd7: {  	_ =	swait.ge [sflag:s26], $0x4000  }
0xd8: {  	[sflag:s26] =	ssyncset.done $0x0  }
0xd9: {  	[sflag:s26] =	ssyncadd.s32 $0xFFFFC000  }
0xda: {  	[tilespmem:s22], [sflag:$0x3] =	stream.linear.gather [spmem:s11], $0x4000, $0x38;
	[tilespmem:$0x1D800] =	vst v63  }
0xdb: {  	_ =	swait.ge [sflag:s24], $0x4000  }
0xdc: {  	[sflag:s24] =	ssyncset.done $0x0  }
0xdd: {  	[sflag:s24] =	ssyncadd.s32 $0xFFFFC000  }
0xde: {  	[hbm4b:s16+s3] =	stream.linear.scatter [tilespmem:s22], [sflag:s26], $0x4000, $0x38;
	[tilespmem:$0x1D800] =	vst v63  }
0xdf: {  	_ =	swait.ge [sflag:s26], $0x4000  }
0xe0: {  	[sflag:s26] =	ssyncset.done $0x0  }
0xe1: {  	[sflag:s26] =	ssyncadd.s32 $0xFFFFC000  }
0xe2: {  	[tilespmem:s22], [sflag:$0x3] =	stream.linear.gather [spmem:s12], $0x4000, $0x38;
	[tilespmem:$0x1D800] =	vst v63  }
0xe3: {  	s25 =	sadd.s32 $0x1, s25;
	_ =	swait.ge [sflag:s24], $0x4000  }
0xe4: {  	p1 =	sne.s32 s25, s8;
	[sflag:s24] =	ssyncset.done $0x0  }
.Ltmp2:
0xe5: {  	[sflag:s24] =	ssyncadd.s32 $0xFFFFC000;
	(pc) =	sbr.rel @p1 .LBB2_1-.Ltmp2, $4  }
0xe6: {  	[hbm4b:s17+s3] =	stream.linear.scatter [tilespmem:s22], [sflag:s26], $0x4000, $0x38;
	[tilespmem:$0x1D800] =	vst v63  }
0xe7: {  	_ =	swait.ge [sflag:s26], $0x4000  }
0xe8: {  	[sflag:s26] =	ssyncset.done $0x0  }
0xe9: {  	[sflag:s26] =	ssyncadd.s32 $0xFFFFC000  }
0xea: {  	_ =	sfence.sel $0x180000  }
0xeb: {  	[bflag:$0x0] =	sbarrier.arrive $0xFFFF  }
0xec: {  	p0 =	sne.s32 s2, $0x0;
	_ =	strace $0x9000004A  }
0xed: {  	s0 =	sadd.s32 @!p0 $0x100000, s0;
	[bflag:$0x2] =	sbarrier.arrive $0xFFFF  }
0xee: {  	[sflag:s0] =	ssyncadd.tile.s32 @!p0 $0x1;
	_ =	shalt  }
.Lfunc_end2:
_tile_overlayer_lowered:
.L_overlay_start_2:
0xef: {  	(tag) =	ssettag $0x2  }
0xf0: {  	s0 =	rddreg [dreg:$0x0];
	s2 =	stileid.u32  }
0xf1: {  	s1 =	rddreg [dreg:$0x1];
	p0 =	sne.s32 s2, $0x0  }
0xf2: {  	s3 =	rddreg [dreg:$0x2];
	[bflag:$0x3] =	sbarrier.arrive $0xFFFF;
	s2 =	simm.s32 @!p0 $0x1C02  }
0xf3: {  	[timem:s3], [sflag:s2] =	dma.local @!p0 [hbm:s0], s1  }
0xf4: {  	s0 =	simm.s32 @!p0 $0x2  }
0xf5: {  	_ =	swait.ge @!p0 [sflag:s0], s1  }
0xf6: {  	s1 =	ssub.s32 @!p0 $0x0, s1;
	[sflag:s0] =	ssyncset.done @!p0 $0x0  }
0xf7: {  	[sflag:s0] =	ssyncadd.s32 @!p0 s1  }
0xf8: {  	[bflag:$0x3] =	sbarrier.arrive $0xFFFF  }
0xf9: {  	_ =	shalt  }

// kernel: kernel.14.cloned.1.call-start
scs
__scs_entry_jumppad:
0x0: {  	(pc) =	sbr.rel $0x88, $3  }
0x1: {  	(tag) =	ssettag $0x0;
	lr =	simm.s32 $0x1  }
0x2: {  	[smem:$0x3F94] =	sst lr;
	_ =	strace $0xD0000000  }
0x3: {  	_ = 	snop  }
0x4: {  	_ = 	snop  }
0x5: {  	_ = 	snop  }
0x6: {  	_ = 	snop  }
0x7: {  	_ = 	snop  }
__scs_overlays_trampoline_lowered:
0x8: {  	[smem:$0x3FA3] =	sst s0  }
0x9: {  	[smem:$0x3FA4] =	sst s1  }
0xa: {  	[smem:$0x3FA5] =	sst s2  }
0xb: {  	[smem:$0x3FA6] =	sst s3  }
0xc: {  	[smem:$0x3FA7] =	sst s4  }
0xd: {  	[smem:$0x3FA8] =	sst s5  }
0xe: {  	[smem:$0x3FA9] =	sst s6  }
0xf: {  	[smem:$0x3FAA] =	sst s7  }
0x10: {  	[smem:$0x3FAB] =	sst s8  }
0x11: {  	[smem:$0x3FAC] =	sst s9;
	s0 =	simm.s32 @!p0 $0x0  }
0x12: {  	s1 =	sld [smem:$0x3F92];
	s0 =	simm.s32 @p0 $0x1  }
0x13: {  	[smem:$0x3FAD] =	sst s0;
	s0 =	simm.s32 @!p1 $0x0  }
0x14: {  	s2 =	sld [smem:$0x3F91];
	s0 =	simm.s32 @p1 $0x1  }
0x15: {  	[smem:$0x3FAE] =	sst s0;
	s0 =	simm.s32 @!p2 $0x0  }
0x16: {  	s3 =	sld [smem:$0x3FDB];
	s0 =	simm.s32 @p2 $0x1  }
0x17: {  	s4 =	simm.s32 $0x1BF5;
	[smem:$0x3FB0] =	sst s0  }
0x18: {  	s0 =	sld [smem:$0x3F93];
	_ =	swait.ge [sflag:s4], $0x0  }
0x19: {  	s7 =	sld [smem:$0x3F94]  }
0x1a: {  	s8 =	sadd.s32 $0xFFFFE003, lr  }
0x1b: {  	s9 =	sadd.s32 $0xFFFFFEF7, lr;
	s5 =	simm.s32 $0xFFFFFFFF;
	p2 =	slt.u32 s8, $0xFFFFF086  }
0x1c: {  	p1 =	slt.u32 s9, $0xF7A;
	s5 =	simm.s32 @!p2 $0x0  }
0x1d: {  	s5 =	simm.s32 @p1 $0x1;
	p0 =	seq.s32 s7, s2  }
0x1e: {  	s7 =	smul.u32 @!p0 $0xF7A, s2;
	p2 =	seq.s32 @!p0 s5, $0x0  }
0x1f: {  	s9 =	smul.u32 $0xF7A, s1;
	s8 =	simm.s32 @!p0 $0x1BF5;
	p2 =	por !p2, p0  }
0x20: {  	[sflag:s8] =	ssyncset.s32 @!p0 $0xFFFFF086;
	s6 =	sadd.s32 @!p0 s3, s7;
	s7 =	simm.s32 @!p0 $0x108  }
0x21: {  	s3 =	sadd.s32 s3, s9;
	s6 =	sadd.s32 @!p0 $0x88, s6;
	s7 =	simm.s32 @p2 $0x1082  }
0x22: {  	[simem:s7], [sflag:s8] =	dma.local @!p0 [hbm:s6], $0xF7A  }
0x23: {  	s9 =	sor.u32 $0xD0000000, s2;
	s6 =	simm.s32 $0x108;
	_ =	swait.ge @!p0 [sflag:s8], $0x0  }
0x24: {  	s3 =	sadd.s32 $0x88, s3;
	s6 =	simm.s32 @!p1 $0x1082;
	[sflag:s4] =	ssyncset.s32 $0xFFFFF086  }
0x25: {  	[simem:s6], [sflag:s4] =	dma.local [hbm:s3], $0xF7A  }
0x26: {  	[smem:$0x3F94] =	sst s1;
	(tag) =	ssettag s2;
	_ =	strace s9  }
0x27: {  	s1 =	sld [smem:$0x3FA4]  }
0x28: {  	s2 =	sld [smem:$0x3FA5]  }
0x29: {  	s4 =	sld [smem:$0x3FA7]  }
0x2a: {  	p0 =	seq.s32 s5, $0x0;
	s5 =	sld [smem:$0x3FA8]  }
0x2b: {  	s6 =	sld [smem:$0x3FA9]  }
0x2c: {  	s7 =	sld [smem:$0x3FAA]  }
0x2d: {  	s3 =	simm.s32 $0x108;
	s8 =	sld [smem:$0x3FAB]  }
0x2e: {  	s3 =	simm.s32 @!p0 $0x1082;
	s9 =	sld [smem:$0x3FAC]  }
0x2f: {  	lr =	sadd.s32 s0, s3;
	s0 =	sld [smem:$0x3FA3]  }
0x30: {  	s3 =	sld [smem:$0x3FA6]  }
0x31: {  	[smem:$0x3FAF] =	sst s10  }
0x32: {  	s10 =	sld [smem:$0x3FAD];
	_ =	sdelay $0x3  }
0x33: {  	p0 =	seq.s32 s10, $0x1;
	s10 =	sld [smem:$0x3FAF];
	_ =	sdelay $0x3  }
0x34: {  	[smem:$0x3FAF] =	sst s10  }
0x35: {  	s10 =	sld [smem:$0x3FAE];
	_ =	sdelay $0x3  }
0x36: {  	p1 =	seq.s32 s10, $0x1;
	s10 =	sld [smem:$0x3FAF];
	_ =	sdelay $0x3  }
0x37: {  	[smem:$0x3FAF] =	sst s10  }
0x38: {  	s10 =	sld [smem:$0x3FB0]  }
0x39: {  	_ = 	snop;
	(pc) =	sbr.ind lr, $3  }
0x3a: {  	_ = 	snop  }
0x3b: {  	_ = 	snop  }
0x3c: {  	p2 =	seq.s32 s10, $0x1;
	s10 =	sld [smem:$0x3FAF]  }
0x3d: {  	_ =	shalt  }
0x3e: {  	_ =	shalt  }
0x3f: {  	_ =	shalt  }
0x40: {  	_ =	shalt  }
0x41: {  	_ =	shalt  }
0x42: {  	_ =	shalt  }
0x43: {  	_ =	shalt  }
0x44: {  	_ =	shalt  }
0x45: {  	_ =	shalt  }
0x46: {  	_ =	shalt  }
0x47: {  	_ =	shalt  }
0x48: {  	_ =	shalt  }
0x49: {  	_ =	shalt  }
0x4a: {  	_ =	shalt  }
0x4b: {  	_ =	shalt  }
0x4c: {  	_ =	shalt  }
0x4d: {  	_ =	shalt  }
0x4e: {  	_ =	shalt  }
0x4f: {  	_ =	shalt  }
0x50: {  	_ =	shalt  }
0x51: {  	_ =	shalt  }
0x52: {  	_ =	shalt  }
0x53: {  	_ =	shalt  }
0x54: {  	_ =	shalt  }
0x55: {  	_ =	shalt  }
0x56: {  	_ =	shalt  }
0x57: {  	_ =	shalt  }
0x58: {  	_ =	shalt  }
0x59: {  	_ =	shalt  }
0x5a: {  	_ =	shalt  }
0x5b: {  	_ =	shalt  }
0x5c: {  	_ =	shalt  }
0x5d: {  	_ =	shalt  }
0x5e: {  	_ =	shalt  }
0x5f: {  	_ =	shalt  }
0x60: {  	_ =	shalt  }
0x61: {  	_ =	shalt  }
0x62: {  	_ =	shalt  }
0x63: {  	_ =	shalt  }
0x64: {  	_ =	shalt  }
0x65: {  	_ =	shalt  }
0x66: {  	_ =	shalt  }
0x67: {  	_ =	shalt  }
0x68: {  	_ =	shalt  }
0x69: {  	_ =	shalt  }
0x6a: {  	_ =	shalt  }
0x6b: {  	_ =	shalt  }
0x6c: {  	_ =	shalt  }
0x6d: {  	_ =	shalt  }
0x6e: {  	_ =	shalt  }
0x6f: {  	_ =	shalt  }
0x70: {  	_ =	shalt  }
0x71: {  	_ =	shalt  }
0x72: {  	_ =	shalt  }
0x73: {  	_ =	shalt  }
0x74: {  	_ =	shalt  }
0x75: {  	_ =	shalt  }
0x76: {  	_ =	shalt  }
0x77: {  	_ =	shalt  }
0x78: {  	_ =	shalt  }
0x79: {  	_ =	shalt  }
0x7a: {  	_ =	shalt  }
0x7b: {  	_ =	shalt  }
0x7c: {  	_ =	shalt  }
0x7d: {  	_ =	shalt  }
0x7e: {  	_ =	shalt  }
0x7f: {  	_ =	shalt  }
0x80: {  	_ =	shalt  }
0x81: {  	_ =	shalt  }
0x82: {  	_ =	shalt  }
0x83: {  	_ =	shalt  }
0x84: {  	_ =	shalt  }
0x85: {  	_ =	shalt  }
0x86: {  	_ =	shalt  }
0x87: {  	_ =	shalt  }
.Lfunc_end0:
.L_simem_size_0:
called_computation.2_lowered:
.L_overlay_start_0:
0x88: {  	s2 =	sld [smem:$0x3FD9]  }
0x89: {  	s3 =	sld [smem:$0x3FFE];
	_ =	sdelay $0x1  }
0x8a: {  	s1 =	srdreg.scid  }
0x8b: {  	s0 =	sand.u32 $0x1, s1  }
0x8c: {  	s16 =	sshll.u32 s0, $0xA;
	s2 =	sadd.s32 s3, s2  }
0x8d: {  	s2 =	sadd.s32 s2, s16  }
0x8e: {  	[smem:$0x3FBB] =	sst s2  }
0x8f: {  	_ = 	snop  }
0x90: {  	(tm) =	ssettm $0x1  }
0x91: {  	s17 =	sld [smem:$0x3FFB];
	_ =	sdelay $0x3  }
0x92: {  	_ =	strace s17  }
0x93: {  	s2 =	sld [smem:$0x3FFC];
	_ =	sdelay $0x3  }
0x94: {  	_ =	strace s2  }
0x95: {  	s2 =	sld [smem:$0x3FFD];
	_ =	sdelay $0x3  }
0x96: {  	_ =	strace s2  }
0x97: {  	_ =	strace $0x8FFFFFFF  }
0x98: {  	s18 =	sld [smem:$0x3FDB];
	_ =	sdelay $0x1  }
0x99: {  	s19 =	simm.s32 $_scs_section_size  }
0x9a: {  	s4 =	simm.s32 $_size__tile_overlayer_lowered;
	s5 =	simm.s32 $_tile_overlayer_lowered  }
0x9b: {  	s22 =	simm.s32 $0x1BFF;
	s21 =	sshll.u32 s5, $0x1;
	s2 =	sadd.s32 s19, s18  }
0x9c: {  	s6 =	simm.s32 $0x0;
	s20 =	sshll.u32 s4, $0x1;
	s4 =	sadd.s32 s21, s2  }
0x9d: {  	[timem:s6], [sflag:s22] =	dma.local [hbm:s4], s20  }
0x9e: {  	_ =	swait.ge [sflag:s22], s20  }
0x9f: {  	s3 =	ssub.s32 $0x0, s20;
	[sflag:s22] =	ssyncset.done $0x0  }
0xa0: {  	[sflag:s22] =	ssyncadd.s32 s3;
	_ =	sdelay $0x1  }
0xa1: {  	s23 =	simm.s32 $0x1B8B  }
0xa2: {  	_ =	swait.ge [sflag:s23], $0x1  }
0xa3: {  	[sflag:s23] =	ssyncset.done $0x0  }
0xa4: {  	s25 =	simm.s32 $0x1B8E;
	s24 =	sld [smem:$0x3FFE];
	[sflag:s23] =	ssyncadd.s32 $0xFFFFFFFF  }
0xa5: {  	s26 =	simm.s32 $execute0_lowered;
	[smem:$0x3FD2] =	sst s25  }
0xa6: {  	s4 =	sshll.u32 s26, $0x1;
	_ =	strace $0x8000004C;
	[dreg:$0x1] =	wrdreg $0xFFFFFFFF  }
0xa7: {  	s28 =	simm.s32 $_size_execute0_lowered;
	s2 =	sadd.s32 s2, s4;
	[dreg:$0x0] =	wrdreg $0x0  }
0xa8: {  	s4 =	sshll.u32 s28, $0x1;
	[dreg:$0x2] =	wrdreg s2  }
0xa9: {  	[dreg:$0x3] =	wrdreg s4  }
0xaa: {  	[dreg:$0x4] =	wrdreg $0xC0  }
0xab: {  	_ =	task [dreg:s6], $0x5FFFF  }
0xac: {  	[dreg:$0x1] =	wrdreg $0xFFFFFFFF  }
0xad: {  	[dreg:$0x0] =	wrdreg $0x60  }
0xae: {  	[dreg:$0x2] =	wrdreg s24  }
0xaf: {  	[dreg:$0x3] =	wrdreg $0x98000  }
0xb0: {  	[dreg:$0x4] =	wrdreg $0x9  }
0xb1: {  	_ =	task.clear_ibuf [dreg:s6], $0x5FFFF;
	_ =	strace $0x9000004C  }
0xb2: {  	s29 =	simm.s32 $0x9;
	_ =	strace $0x8000004E  }
0xb3: {  	_ =	swait.ge [sflag:s29], $0x1  }
0xb4: {  	[sflag:s29] =	ssyncadd.s32 $0xFFFFFFFF  }
0xb5: {  	_ =	strace $0x9000004E  }
0xb6: {  	_ =	sfence  }
0xb7: {  	s30 =	sld [smem:$0x0];
	_ =	sdelay $0x2  }
0xb8: {  	s31 =	sshll.u32 s1, $0xD;
	s1 =	sshrl.u32 s1, $0x2  }
0xb9: {  	s3 =	sand.u32 $0x4000, s31;
	s1 =	sadd.s32 s1, s30  }
0xba: {  	s0 =	sor.u32 s3, s0;
	s1 =	sshll.u32 s1, $0x11  }
0xbb: {  	s0 =	sor.u32 s1, s0  }
0xbc: {  	s0 =	sadd.s32 $0x8F2B, s0  }
0xbd: {  	[sflag:s0] =	ssyncadd.remote.s32 $0x1  }
0xbe: {  	_ =	sfence.sel $0xFFFF  }
0xbf: {  	[dreg:$0x0] =	wrdreg $0xFFFFFFFF;
	(pc) =	sbr.abs _section_cstart, $3  }
0xc0: {  	[dreg:$0x1] =	wrdreg $0xFFFFFFFF  }
0xc1: {  	_ =	task.clear_ibuf [dreg:s6], $0x2FFFF;
	_ =	strace $0x9FFFFFFF  }
0xc2: {  	(tm) =	ssettm $0x7FFFFFFF  }
0xc3: {  	_ =	shalt  }
tec
execute0_lowered:
.L_overlay_start_1:
0x0: {  	(tag) =	ssettag $0x1  }
0x1: {  	s12 =	rddreg [dreg:$0x0]  }
0x2: {  	s1 =	rddreg [dreg:$0x1]  }
0x3: {  	s2 =	srdreg.scid;
	s0 =	rddreg [dreg:$0x2]  }
0x4: {  	s3 =	simm.s32 $0x0;
	s18 =	simm.s32 $0x66400;
	s21 =	simm.s32 $0x80  }
0x5: {  	s22 =	simm.s32 $0x5800;
	s8 =	sand.u32 $0x1, s2;
	s2 =	stileid.u32  }
0x6: {  	s23 =	simm.s32 $0x1;
	[smem:$0x7FF] =	sst s3;
	s9 =	smul.u32 $0x50000, s2  }
0x7: {  	s4 =	sshll.u32 s8, $0x4;
	_ =	strace $0x8000004D;
	s13 =	smul.u32 $0x280, s2  }
0x8: {  	s6 =	ssub.s32 $0x2, s8;
	p0 =	seq.s32 s8, $0x0;
	s14 =	smul.u32 $0x2800, s2  }
0x9: {  	s4 =	sor.u32 s2, s4;
	s7 =	sshrl.u32 s6, $0x1;
	s18 =	simm.s32 @!p0 $0x8E400  }
0xa: {  	s5 =	smul.u32 $0x500, s4;
	s4 =	sadd.s32 $0x3F200, s12;
	s11 =	ssub.s32 s6, s7  }
0xb: {  	s24 =	sshrl.u32 s9, $0x2;
	s25 =	sadd.s32 $0x80, s13;
	s28 =	sadd.s32 $0x100, s13  }
0xc: {  	s29 =	sadd.s32 $0x180, s13;
	s13 =	sadd.s32 $0x200, s13;
	s18 =	sadd.s32 s18, s12  }
0xd: {  	s7 =	sadd.s32 s24, s1;
	s8 =	smax.u32 s11, $0x1;
	s26 =	sshll.u32 s25, $0x7  }
0xe: {  	s15 =	sshll.u32 s28, $0x7;
	s16 =	sshll.u32 s25, $0x4;
	s17 =	sshll.u32 s28, $0x4  }
0xf: {  	s30 =	sshll.u32 s29, $0x7;
	s19 =	sshll.u32 s29, $0x4;
	s31 =	sshll.u32 s13, $0x7  }
0x10: {  	s20 =	sshll.u32 s13, $0x4;
	s13 =	sadd.s32 s18, s14;
	s24 =	simm.s32 $0x3  }
0x11: {  	s25 =	simm.s32 $0x0;
	s10 =	sadd.s32 s5, s12;
	s9 =	sadd.s32 s26, s1  }
0x12: {  	s11 =	sadd.s32 s30, s1;
	s12 =	sadd.s32 s31, s1;
	s14 =	sadd.s32 s18, s16  }
0x13: {  	s16 =	sadd.s32 s18, s19;
	s19 =	simm.s32 $0x2800;
	s5 =	sadd.s32 $0xE000, s10  }
0x14: {  	s6 =	sadd.s32 $0x4000, s10;
	s10 =	sadd.s32 s15, s1;
	s15 =	sadd.s32 s18, s17  }
0x15: {  	v0 =	vimm.f32 $0.0e+00;
	s17 =	sadd.s32 s18, s20;
	s18 =	simm.s32 $0x2;
	s20 =	simm.s32 $0x5000  }
.LBB2_1:
0x16: {  	[tilespmem:s3], [sflag:$0x2] =	stream.linear.gather [hbm4b:s5+s3], $0x2800, $0x38;
	[tilespmem:$0x1D800] =	vst v63  }
0x17: {  	_ =	swait.ge [sflag:s18], $0x2800  }
0x18: {  	[sflag:s18] =	ssyncset.done $0x0  }
0x19: {  	[sflag:s18] =	ssyncadd.s32 $0xFFFFD800  }
0x1a: {  	[tilespmem:s19], [sflag:$0x2] =	stream.linear.gather [hbm4b:s6+s3], $0x2800, $0x38;
	[tilespmem:$0x1D800] =	vst v63  }
0x1b: {  	_ =	swait.ge [sflag:s18], $0x2800  }
0x1c: {  	[sflag:s18] =	ssyncset.done $0x0  }
0x1d: {  	[sflag:s18] =	ssyncadd.s32 $0xFFFFD800  }
0x1e: {  	[tilespmem:$0x5000] =	vst v0  }
0x1f: {  	[tilespmem:$0x5010] =	vst v0  }
0x20: {  	[tilespmem:$0x5020] =	vst v0  }
0x21: {  	[tilespmem:$0x5030] =	vst v0  }
0x22: {  	[tilespmem:$0x5040] =	vst v0  }
0x23: {  	[tilespmem:$0x5050] =	vst v0  }
0x24: {  	[tilespmem:$0x5060] =	vst v0  }
0x25: {  	[tilespmem:$0x5070] =	vst v0  }
0x26: {  	[tilespmem:$0x5080] =	vst v0  }
0x27: {  	[tilespmem:$0x5090] =	vst v0  }
0x28: {  	[tilespmem:$0x50A0] =	vst v0  }
0x29: {  	[tilespmem:$0x50B0] =	vst v0  }
0x2a: {  	[tilespmem:$0x50C0] =	vst v0  }
0x2b: {  	[tilespmem:$0x50D0] =	vst v0  }
0x2c: {  	[tilespmem:$0x50E0] =	vst v0  }
0x2d: {  	[tilespmem:$0x50F0] =	vst v0  }
0x2e: {  	[tilespmem:$0x5100] =	vst v0  }
0x2f: {  	[tilespmem:$0x5110] =	vst v0  }
0x30: {  	[tilespmem:$0x5120] =	vst v0  }
0x31: {  	[tilespmem:$0x5130] =	vst v0  }
0x32: {  	[tilespmem:$0x5140] =	vst v0  }
0x33: {  	[tilespmem:$0x5150] =	vst v0  }
0x34: {  	[tilespmem:$0x5160] =	vst v0  }
0x35: {  	[tilespmem:$0x5170] =	vst v0  }
0x36: {  	[tilespmem:$0x5180] =	vst v0  }
0x37: {  	[tilespmem:$0x5190] =	vst v0  }
0x38: {  	[tilespmem:$0x51A0] =	vst v0  }
0x39: {  	[tilespmem:$0x51B0] =	vst v0  }
0x3a: {  	[tilespmem:$0x51C0] =	vst v0  }
0x3b: {  	[tilespmem:$0x51D0] =	vst v0  }
0x3c: {  	[tilespmem:$0x51E0] =	vst v0  }
0x3d: {  	[tilespmem:$0x51F0] =	vst v0  }
0x3e: {  	[tilespmem:$0x5200] =	vst v0  }
0x3f: {  	[tilespmem:$0x5210] =	vst v0  }
0x40: {  	[tilespmem:$0x5220] =	vst v0  }
0x41: {  	[tilespmem:$0x5230] =	vst v0  }
0x42: {  	[tilespmem:$0x5240] =	vst v0  }
0x43: {  	[tilespmem:$0x5250] =	vst v0  }
0x44: {  	[tilespmem:$0x5260] =	vst v0  }
0x45: {  	[tilespmem:$0x5270] =	vst v0  }
0x46: {  	[tilespmem:$0x5280] =	vst v0  }
0x47: {  	[tilespmem:$0x5290] =	vst v0  }
0x48: {  	[tilespmem:$0x52A0] =	vst v0  }
0x49: {  	[tilespmem:$0x52B0] =	vst v0  }
0x4a: {  	[tilespmem:$0x52C0] =	vst v0  }
0x4b: {  	[tilespmem:$0x52D0] =	vst v0  }
0x4c: {  	[tilespmem:$0x52E0] =	vst v0  }
0x4d: {  	[tilespmem:$0x52F0] =	vst v0  }
0x4e: {  	[tilespmem:$0x5300] =	vst v0  }
0x4f: {  	[tilespmem:$0x5310] =	vst v0  }
0x50: {  	[tilespmem:$0x5320] =	vst v0  }
0x51: {  	[tilespmem:$0x5330] =	vst v0  }
0x52: {  	[tilespmem:$0x5340] =	vst v0  }
0x53: {  	[tilespmem:$0x5350] =	vst v0  }
0x54: {  	[tilespmem:$0x5360] =	vst v0  }
0x55: {  	[tilespmem:$0x5370] =	vst v0  }
0x56: {  	[tilespmem:$0x5380] =	vst v0  }
0x57: {  	[tilespmem:$0x5390] =	vst v0  }
0x58: {  	[tilespmem:$0x53A0] =	vst v0  }
0x59: {  	[tilespmem:$0x53B0] =	vst v0  }
0x5a: {  	[tilespmem:$0x53C0] =	vst v0  }
0x5b: {  	[tilespmem:$0x53D0] =	vst v0  }
0x5c: {  	[tilespmem:$0x53E0] =	vst v0  }
0x5d: {  	[tilespmem:$0x53F0] =	vst v0  }
0x5e: {  	[tilespmem:$0x5400] =	vst v0  }
0x5f: {  	[tilespmem:$0x5410] =	vst v0  }
0x60: {  	[tilespmem:$0x5420] =	vst v0  }
0x61: {  	[tilespmem:$0x5430] =	vst v0  }
0x62: {  	[tilespmem:$0x5440] =	vst v0  }
0x63: {  	[tilespmem:$0x5450] =	vst v0  }
0x64: {  	[tilespmem:$0x5460] =	vst v0  }
0x65: {  	[tilespmem:$0x5470] =	vst v0  }
0x66: {  	[tilespmem:$0x5480] =	vst v0  }
0x67: {  	[tilespmem:$0x5490] =	vst v0  }
0x68: {  	[tilespmem:$0x54A0] =	vst v0  }
0x69: {  	[tilespmem:$0x54B0] =	vst v0  }
0x6a: {  	[tilespmem:$0x54C0] =	vst v0  }
0x6b: {  	[tilespmem:$0x54D0] =	vst v0  }
0x6c: {  	[tilespmem:$0x54E0] =	vst v0  }
0x6d: {  	[tilespmem:$0x54F0] =	vst v0  }
0x6e: {  	[tilespmem:$0x5500] =	vst v0  }
0x6f: {  	[tilespmem:$0x5510] =	vst v0  }
0x70: {  	[tilespmem:$0x5520] =	vst v0  }
0x71: {  	[tilespmem:$0x5530] =	vst v0  }
0x72: {  	[tilespmem:$0x5540] =	vst v0  }
0x73: {  	[tilespmem:$0x5550] =	vst v0  }
0x74: {  	[tilespmem:$0x5560] =	vst v0  }
0x75: {  	[tilespmem:$0x5570] =	vst v0  }
0x76: {  	[tilespmem:$0x5580] =	vst v0  }
0x77: {  	[tilespmem:$0x5590] =	vst v0  }
0x78: {  	[tilespmem:$0x55A0] =	vst v0  }
0x79: {  	[tilespmem:$0x55B0] =	vst v0  }
0x7a: {  	[tilespmem:$0x55C0] =	vst v0  }
0x7b: {  	[tilespmem:$0x55D0] =	vst v0  }
0x7c: {  	[tilespmem:$0x55E0] =	vst v0  }
0x7d: {  	[tilespmem:$0x55F0] =	vst v0  }
0x7e: {  	[tilespmem:$0x5600] =	vst v0  }
0x7f: {  	[tilespmem:$0x5610] =	vst v0  }
0x80: {  	[tilespmem:$0x5620] =	vst v0  }
0x81: {  	[tilespmem:$0x5630] =	vst v0  }
0x82: {  	[tilespmem:$0x5640] =	vst v0  }
0x83: {  	[tilespmem:$0x5650] =	vst v0  }
0x84: {  	[tilespmem:$0x5660] =	vst v0  }
0x85: {  	[tilespmem:$0x5670] =	vst v0  }
0x86: {  	[tilespmem:$0x5680] =	vst v0  }
0x87: {  	[tilespmem:$0x5690] =	vst v0  }
0x88: {  	[tilespmem:$0x56A0] =	vst v0  }
0x89: {  	[tilespmem:$0x56B0] =	vst v0  }
0x8a: {  	[tilespmem:$0x56C0] =	vst v0  }
0x8b: {  	[tilespmem:$0x56D0] =	vst v0  }
0x8c: {  	[tilespmem:$0x56E0] =	vst v0  }
0x8d: {  	[tilespmem:$0x56F0] =	vst v0  }
0x8e: {  	[tilespmem:$0x5700] =	vst v0  }
0x8f: {  	[tilespmem:$0x5710] =	vst v0  }
0x90: {  	[tilespmem:$0x5720] =	vst v0  }
0x91: {  	[tilespmem:$0x5730] =	vst v0  }
0x92: {  	[tilespmem:$0x5740] =	vst v0  }
0x93: {  	[tilespmem:$0x5750] =	vst v0  }
0x94: {  	[tilespmem:$0x5760] =	vst v0  }
0x95: {  	[tilespmem:$0x5770] =	vst v0  }
0x96: {  	[tilespmem:$0x5780] =	vst v0  }
0x97: {  	[tilespmem:$0x5790] =	vst v0  }
0x98: {  	[tilespmem:$0x57A0] =	vst v0  }
0x99: {  	[tilespmem:$0x57B0] =	vst v0  }
0x9a: {  	[tilespmem:$0x57C0] =	vst v0  }
0x9b: {  	[tilespmem:$0x57D0] =	vst v0  }
0x9c: {  	[tilespmem:$0x57E0] =	vst v0  }
0x9d: {  	s26 =	sadd.s32 $0x0, s7;
	[tilespmem:$0x57F0] =	vst v0  }
0x9e: {  	[spmem:s26] =	stream.linear.scatter [tilespmem:s20], [sflag:$0x2], $0x800, $0x38;
	[tilespmem:$0x1D800] =	vst v63  }
0x9f: {  	s26 =	simm.s32 $0x2000;
	_ =	swait.ge [sflag:s18], $0x800  }
.LBB2_2:
0xa0: {  	s28 =	sshra.s32 s26, $0x2;
	[sflag:s18] =	ssyncset.done $0x0;
	p1 =	sne.s32 s26, $0x4E000  }
.Ltmp0:
0xa1: {  	s28 =	sadd.s32 s28, s7;
	[sflag:s18] =	ssyncadd.s32 $0xFFFFF800;
	(pc) =	sbr.rel @p1 .LBB2_2-.Ltmp0, $3  }
0xa2: {  	[spmem:s28] =	stream.linear.scatter [tilespmem:s20], [sflag:$0x2], $0x800, $0x38;
	[tilespmem:$0x1D800] =	vst v63  }
0xa3: {  	s26 =	sadd.s32 $0x2000, s26;
	_ =	sdelay $0x1  }
0xa4: {  	_ =	swait.ge [sflag:s18], $0x800  }
0xa5: {  	[sflag:s18] =	ssyncset.done $0x0  }
0xa6: {  	[sflag:s18] =	ssyncadd.s32 $0xFFFFF800  }
0xa7: {  	s26 =	simm.s32 $0x0;
	[bflag:$0x0] =	sbarrier.arrive $0xFFFF  }
0xa8: {  	[tilespmem:s22], [sflag:$0x1] =	stream.indirect.gather [hbm4b:s4+s21], $0x80, s26, s21, $0xb8;
	[tilespmem:$0x1D800] =	vst v63  }
0xa9: {  	_ =	swait.ge [sflag:s23], $0x4000  }
0xaa: {  	[sflag:s23] =	ssyncset.done $0x0  }
0xab: {  	s31 =	simm.s32 $0x2800;
	[sflag:s23] =	ssyncadd.s32 $0xFFFFC000  }
0xac: {  	[spmem:s1] =	stream.indirect.scatter.add.f32 [tilespmem:s22], [sflag:$0x2], $0x80, s31, s21, $0xb8;
	[tilespmem:$0x1D800] =	vst v63  }
0xad: {  	_ =	swait.ge [sflag:s18], $0x4000  }
0xae: {  	s28 =	simm.s32 $0x400;
	s26 =	simm.s32 $0x200;
	[sflag:s18] =	ssyncset.done $0x0  }
.LBB2_4:
0xaf: {  	s29 =	sshra.s32 s26, $0x2  }
0xb0: {  	[sflag:s18] =	ssyncadd.s32 $0xFFFFC000;
	s26 =	smov.u32 s28;
	s30 =	sadd.s32 $0x200, s28  }
0xb1: {  	[tilespmem:s22], [sflag:$0x1] =	stream.indirect.gather [hbm4b:s4+s21], $0x80, s29, s21, $0xb8;
	[tilespmem:$0x1D800] =	vst v63  }
0xb2: {  	p1 =	sne.s32 s28, $0x9E00;
	_ =	swait.ge [sflag:s23], $0x4000  }
.Ltmp1:
0xb3: {  	[sflag:s23] =	ssyncset.done $0x0;
	(pc) =	sbr.rel @p1 .LBB2_4-.Ltmp1, $4  }
0xb4: {  	s28 =	sadd.s32 $0x2800, s29;
	[sflag:s23] =	ssyncadd.s32 $0xFFFFC000  }
0xb5: {  	[spmem:s1] =	stream.indirect.scatter.add.f32 [tilespmem:s22], [sflag:$0x2], $0x80, s28, s21, $0xb8;
	[tilespmem:$0x1D800] =	vst v63  }
0xb6: {  	_ =	swait.ge [sflag:s18], $0x4000  }
0xb7: {  	s28 =	smov.u32 s30;
	[sflag:s18] =	ssyncset.done $0x0  }
0xb8: {  	s26 =	sshra.s32 s26, $0x2;
	[sflag:s18] =	ssyncadd.s32 $0xFFFFC000  }
0xb9: {  	[tilespmem:s22], [sflag:$0x1] =	stream.indirect.gather [hbm4b:s4+s21], $0x80, s26, s21, $0xb8;
	[tilespmem:$0x1D800] =	vst v63  }
0xba: {  	_ =	swait.ge [sflag:s23], $0x4000  }
0xbb: {  	[sflag:s23] =	ssyncset.done $0x0  }
0xbc: {  	s26 =	sadd.s32 $0x2800, s26;
	[sflag:s23] =	ssyncadd.s32 $0xFFFFC000  }
0xbd: {  	[spmem:s1] =	stream.indirect.scatter.add.f32 [tilespmem:s22], [sflag:$0x2], $0x80, s26, s21, $0xb8;
	[tilespmem:$0x1D800] =	vst v63  }
0xbe: {  	_ =	swait.ge [sflag:s18], $0x4000  }
0xbf: {  	[sflag:s18] =	ssyncset.done $0x0  }
0xc0: {  	[sflag:s18] =	ssyncadd.s32 $0xFFFFC000  }
0xc1: {  	[bflag:$0x0] =	sbarrier.arrive $0xFFFF  }
0xc2: {  	[tilespmem:s22], [sflag:$0x3] =	stream.linear.gather [spmem:s7], $0x4000, $0x38;
	[tilespmem:$0x1D800] =	vst v63  }
0xc3: {  	_ =	swait.ge [sflag:s24], $0x4000  }
0xc4: {  	s26 =	simm.s32 $0x3;
	[sflag:s24] =	ssyncset.done $0x0  }
0xc5: {  	s26 =	simm.s32 @!p0 $0x2;
	[sflag:s24] =	ssyncadd.s32 $0xFFFFC000  }
0xc6: {  	[hbm4b:s13+s3] =	stream.linear.scatter [tilespmem:s22], [sflag:s26], $0x4000, $0x38;
	[tilespmem:$0x1D800] =	vst v63  }
0xc7: {  	_ =	swait.ge [sflag:s26], $0x4000  }
0xc8: {  	[sflag:s26] =	ssyncset.done $0x0  }
0xc9: {  	[sflag:s26] =	ssyncadd.s32 $0xFFFFC000  }
0xca: {  	[tilespmem:s22], [sflag:$0x3] =	stream.linear.gather [spmem:s9], $0x4000, $0x38;
	[tilespmem:$0x1D800] =	vst v63  }
0xcb: {  	_ =	swait.ge [sflag:s24], $0x4000  }
0xcc: {  	[sflag:s24] =	ssyncset.done $0x0  }
0xcd: {  	[sflag:s24] =	ssyncadd.s32 $0xFFFFC000  }
0xce: {  	[hbm4b:s14+s3] =	stream.linear.scatter [tilespmem:s22], [sflag:s26], $0x4000, $0x38;
	[tilespmem:$0x1D800] =	vst v63  }
0xcf: {  	_ =	swait.ge [sflag:s26], $0x4000  }
0xd0: {  	[sflag:s26] =	ssyncset.done $0x0  }
0xd1: {  	[sflag:s26] =	ssyncadd.s32 $0xFFFFC000  }
0xd2: {  	[tilespmem:s22], [sflag:$0x3] =	stream.linear.gather [spmem:s10], $0x4000, $0x38;
	[tilespmem:$0x1D800] =	vst v63  }
0xd3: {  	_ =	swait.ge [sflag:s24], $0x4000  }
0xd4: {  	[sflag:s24] =	ssyncset.done $0x0  }
0xd5: {  	[sflag:s24] =	ssyncadd.s32 $0xFFFFC000  }
0xd6: {  	[hbm4b:s15+s3] =	stream.linear.scatter [tilespmem:s22], [sflag:s26], $0x4000, $0x38;
	[tilespmem:$0x1D800] =	vst v63  }
0xd7: {  	_ =	swait.ge [sflag:s26], $0x4000  }
0xd8: {  	[sflag:s26] =	ssyncset.done $0x0  }
0xd9: {  	[sflag:s26] =	ssyncadd.s32 $0xFFFFC000  }
0xda: {  	[tilespmem:s22], [sflag:$0x3] =	stream.linear.gather [spmem:s11], $0x4000, $0x38;
	[tilespmem:$0x1D800] =	vst v63  }
0xdb: {  	_ =	swait.ge [sflag:s24], $0x4000  }
0xdc: {  	[sflag:s24] =	ssyncset.done $0x0  }
0xdd: {  	[sflag:s24] =	ssyncadd.s32 $0xFFFFC000  }
0xde: {  	[hbm4b:s16+s3] =	stream.linear.scatter [tilespmem:s22], [sflag:s26], $0x4000, $0x38;
	[tilespmem:$0x1D800] =	vst v63  }
0xdf: {  	_ =	swait.ge [sflag:s26], $0x4000  }
0xe0: {  	[sflag:s26] =	ssyncset.done $0x0  }
0xe1: {  	[sflag:s26] =	ssyncadd.s32 $0xFFFFC000  }
0xe2: {  	[tilespmem:s22], [sflag:$0x3] =	stream.linear.gather [spmem:s12], $0x4000, $0x38;
	[tilespmem:$0x1D800] =	vst v63  }
0xe3: {  	s25 =	sadd.s32 $0x1, s25;
	_ =	swait.ge [sflag:s24], $0x4000  }
0xe4: {  	p1 =	sne.s32 s25, s8;
	[sflag:s24] =	ssyncset.done $0x0  }
.Ltmp2:
0xe5: {  	[sflag:s24] =	ssyncadd.s32 $0xFFFFC000;
	(pc) =	sbr.rel @p1 .LBB2_1-.Ltmp2, $4  }
0xe6: {  	[hbm4b:s17+s3] =	stream.linear.scatter [tilespmem:s22], [sflag:s26], $0x4000, $0x38;
	[tilespmem:$0x1D800] =	vst v63  }
0xe7: {  	_ =	swait.ge [sflag:s26], $0x4000  }
0xe8: {  	[sflag:s26] =	ssyncset.done $0x0  }
0xe9: {  	[sflag:s26] =	ssyncadd.s32 $0xFFFFC000  }
0xea: {  	_ =	sfence.sel $0x180000  }
0xeb: {  	[bflag:$0x0] =	sbarrier.arrive $0xFFFF  }
0xec: {  	p0 =	sne.s32 s2, $0x0;
	_ =	strace $0x9000004D  }
0xed: {  	s0 =	sadd.s32 @!p0 $0x100000, s0;
	[bflag:$0x2] =	sbarrier.arrive $0xFFFF  }
0xee: {  	[sflag:s0] =	ssyncadd.tile.s32 @!p0 $0x1;
	_ =	shalt  }
.Lfunc_end2:
_tile_overlayer_lowered:
.L_overlay_start_2:
0xef: {  	(tag) =	ssettag $0x2  }
0xf0: {  	s0 =	rddreg [dreg:$0x0];
	s2 =	stileid.u32  }
0xf1: {  	s1 =	rddreg [dreg:$0x1];
	p0 =	sne.s32 s2, $0x0  }
0xf2: {  	s3 =	rddreg [dreg:$0x2];
	[bflag:$0x3] =	sbarrier.arrive $0xFFFF;
	s2 =	simm.s32 @!p0 $0x1C02  }
0xf3: {  	[timem:s3], [sflag:s2] =	dma.local @!p0 [hbm:s0], s1  }
0xf4: {  	s0 =	simm.s32 @!p0 $0x2  }
0xf5: {  	_ =	swait.ge @!p0 [sflag:s0], s1  }
0xf6: {  	s1 =	ssub.s32 @!p0 $0x0, s1;
	[sflag:s0] =	ssyncset.done @!p0 $0x0  }
0xf7: {  	[sflag:s0] =	ssyncadd.s32 @!p0 s1  }
0xf8: {  	[bflag:$0x3] =	sbarrier.arrive $0xFFFF  }
0xf9: {  	_ =	shalt  }

// kernel: kernel.8.cloned.1.call-start
scs
__scs_entry_jumppad:
0x0: {  	(pc) =	sbr.rel $0x88, $3  }
0x1: {  	(tag) =	ssettag $0x0;
	lr =	simm.s32 $0x1  }
0x2: {  	[smem:$0x3F94] =	sst lr;
	_ =	strace $0xD0000000  }
0x3: {  	_ = 	snop  }
0x4: {  	_ = 	snop  }
0x5: {  	_ = 	snop  }
0x6: {  	_ = 	snop  }
0x7: {  	_ = 	snop  }
__scs_overlays_trampoline_lowered:
0x8: {  	[smem:$0x3FA3] =	sst s0  }
0x9: {  	[smem:$0x3FA4] =	sst s1  }
0xa: {  	[smem:$0x3FA5] =	sst s2  }
0xb: {  	[smem:$0x3FA6] =	sst s3  }
0xc: {  	[smem:$0x3FA7] =	sst s4  }
0xd: {  	[smem:$0x3FA8] =	sst s5  }
0xe: {  	[smem:$0x3FA9] =	sst s6  }
0xf: {  	[smem:$0x3FAA] =	sst s7  }
0x10: {  	[smem:$0x3FAB] =	sst s8  }
0x11: {  	[smem:$0x3FAC] =	sst s9;
	s0 =	simm.s32 @!p0 $0x0  }
0x12: {  	s1 =	sld [smem:$0x3F92];
	s0 =	simm.s32 @p0 $0x1  }
0x13: {  	[smem:$0x3FAD] =	sst s0;
	s0 =	simm.s32 @!p1 $0x0  }
0x14: {  	s2 =	sld [smem:$0x3F91];
	s0 =	simm.s32 @p1 $0x1  }
0x15: {  	[smem:$0x3FAE] =	sst s0;
	s0 =	simm.s32 @!p2 $0x0  }
0x16: {  	s3 =	sld [smem:$0x3FDB];
	s0 =	simm.s32 @p2 $0x1  }
0x17: {  	s4 =	simm.s32 $0x1BF5;
	[smem:$0x3FB0] =	sst s0  }
0x18: {  	s0 =	sld [smem:$0x3F93];
	_ =	swait.ge [sflag:s4], $0x0  }
0x19: {  	s7 =	sld [smem:$0x3F94]  }
0x1a: {  	s8 =	sadd.s32 $0xFFFFE003, lr  }
0x1b: {  	s9 =	sadd.s32 $0xFFFFFEF7, lr;
	s5 =	simm.s32 $0xFFFFFFFF;
	p2 =	slt.u32 s8, $0xFFFFF086  }
0x1c: {  	p1 =	slt.u32 s9, $0xF7A;
	s5 =	simm.s32 @!p2 $0x0  }
0x1d: {  	s5 =	simm.s32 @p1 $0x1;
	p0 =	seq.s32 s7, s2  }
0x1e: {  	s7 =	smul.u32 @!p0 $0xF7A, s2;
	p2 =	seq.s32 @!p0 s5, $0x0  }
0x1f: {  	s9 =	smul.u32 $0xF7A, s1;
	s8 =	simm.s32 @!p0 $0x1BF5;
	p2 =	por !p2, p0  }
0x20: {  	[sflag:s8] =	ssyncset.s32 @!p0 $0xFFFFF086;
	s6 =	sadd.s32 @!p0 s3, s7;
	s7 =	simm.s32 @!p0 $0x108  }
0x21: {  	s3 =	sadd.s32 s3, s9;
	s6 =	sadd.s32 @!p0 $0x88, s6;
	s7 =	simm.s32 @p2 $0x1082  }
0x22: {  	[simem:s7], [sflag:s8] =	dma.local @!p0 [hbm:s6], $0xF7A  }
0x23: {  	s9 =	sor.u32 $0xD0000000, s2;
	s6 =	simm.s32 $0x108;
	_ =	swait.ge @!p0 [sflag:s8], $0x0  }
0x24: {  	s3 =	sadd.s32 $0x88, s3;
	s6 =	simm.s32 @!p1 $0x1082;
	[sflag:s4] =	ssyncset.s32 $0xFFFFF086  }
0x25: {  	[simem:s6], [sflag:s4] =	dma.local [hbm:s3], $0xF7A  }
0x26: {  	[smem:$0x3F94] =	sst s1;
	(tag) =	ssettag s2;
	_ =	strace s9  }
0x27: {  	s1 =	sld [smem:$0x3FA4]  }
0x28: {  	s2 =	sld [smem:$0x3FA5]  }
0x29: {  	s4 =	sld [smem:$0x3FA7]  }
0x2a: {  	p0 =	seq.s32 s5, $0x0;
	s5 =	sld [smem:$0x3FA8]  }
0x2b: {  	s6 =	sld [smem:$0x3FA9]  }
0x2c: {  	s7 =	sld [smem:$0x3FAA]  }
0x2d: {  	s3 =	simm.s32 $0x108;
	s8 =	sld [smem:$0x3FAB]  }
0x2e: {  	s3 =	simm.s32 @!p0 $0x1082;
	s9 =	sld [smem:$0x3FAC]  }
0x2f: {  	lr =	sadd.s32 s0, s3;
	s0 =	sld [smem:$0x3FA3]  }
0x30: {  	s3 =	sld [smem:$0x3FA6]  }
0x31: {  	[smem:$0x3FAF] =	sst s10  }
0x32: {  	s10 =	sld [smem:$0x3FAD];
	_ =	sdelay $0x3  }
0x33: {  	p0 =	seq.s32 s10, $0x1;
	s10 =	sld [smem:$0x3FAF];
	_ =	sdelay $0x3  }
0x34: {  	[smem:$0x3FAF] =	sst s10  }
0x35: {  	s10 =	sld [smem:$0x3FAE];
	_ =	sdelay $0x3  }
0x36: {  	p1 =	seq.s32 s10, $0x1;
	s10 =	sld [smem:$0x3FAF];
	_ =	sdelay $0x3  }
0x37: {  	[smem:$0x3FAF] =	sst s10  }
0x38: {  	s10 =	sld [smem:$0x3FB0]  }
0x39: {  	_ = 	snop;
	(pc) =	sbr.ind lr, $3  }
0x3a: {  	_ = 	snop  }
0x3b: {  	_ = 	snop  }
0x3c: {  	p2 =	seq.s32 s10, $0x1;
	s10 =	sld [smem:$0x3FAF]  }
0x3d: {  	_ =	shalt  }
0x3e: {  	_ =	shalt  }
0x3f: {  	_ =	shalt  }
0x40: {  	_ =	shalt  }
0x41: {  	_ =	shalt  }
0x42: {  	_ =	shalt  }
0x43: {  	_ =	shalt  }
0x44: {  	_ =	shalt  }
0x45: {  	_ =	shalt  }
0x46: {  	_ =	shalt  }
0x47: {  	_ =	shalt  }
0x48: {  	_ =	shalt  }
0x49: {  	_ =	shalt  }
0x4a: {  	_ =	shalt  }
0x4b: {  	_ =	shalt  }
0x4c: {  	_ =	shalt  }
0x4d: {  	_ =	shalt  }
0x4e: {  	_ =	shalt  }
0x4f: {  	_ =	shalt  }
0x50: {  	_ =	shalt  }
0x51: {  	_ =	shalt  }
0x52: {  	_ =	shalt  }
0x53: {  	_ =	shalt  }
0x54: {  	_ =	shalt  }
0x55: {  	_ =	shalt  }
0x56: {  	_ =	shalt  }
0x57: {  	_ =	shalt  }
0x58: {  	_ =	shalt  }
0x59: {  	_ =	shalt  }
0x5a: {  	_ =	shalt  }
0x5b: {  	_ =	shalt  }
0x5c: {  	_ =	shalt  }
0x5d: {  	_ =	shalt  }
0x5e: {  	_ =	shalt  }
0x5f: {  	_ =	shalt  }
0x60: {  	_ =	shalt  }
0x61: {  	_ =	shalt  }
0x62: {  	_ =	shalt  }
0x63: {  	_ =	shalt  }
0x64: {  	_ =	shalt  }
0x65: {  	_ =	shalt  }
0x66: {  	_ =	shalt  }
0x67: {  	_ =	shalt  }
0x68: {  	_ =	shalt  }
0x69: {  	_ =	shalt  }
0x6a: {  	_ =	shalt  }
0x6b: {  	_ =	shalt  }
0x6c: {  	_ =	shalt  }
0x6d: {  	_ =	shalt  }
0x6e: {  	_ =	shalt  }
0x6f: {  	_ =	shalt  }
0x70: {  	_ =	shalt  }
0x71: {  	_ =	shalt  }
0x72: {  	_ =	shalt  }
0x73: {  	_ =	shalt  }
0x74: {  	_ =	shalt  }
0x75: {  	_ =	shalt  }
0x76: {  	_ =	shalt  }
0x77: {  	_ =	shalt  }
0x78: {  	_ =	shalt  }
0x79: {  	_ =	shalt  }
0x7a: {  	_ =	shalt  }
0x7b: {  	_ =	shalt  }
0x7c: {  	_ =	shalt  }
0x7d: {  	_ =	shalt  }
0x7e: {  	_ =	shalt  }
0x7f: {  	_ =	shalt  }
0x80: {  	_ =	shalt  }
0x81: {  	_ =	shalt  }
0x82: {  	_ =	shalt  }
0x83: {  	_ =	shalt  }
0x84: {  	_ =	shalt  }
0x85: {  	_ =	shalt  }
0x86: {  	_ =	shalt  }
0x87: {  	_ =	shalt  }
.Lfunc_end0:
.L_simem_size_0:
called_computation_lowered:
.L_overlay_start_0:
0x88: {  	s2 =	sld [smem:$0x3FD9]  }
0x89: {  	s3 =	sld [smem:$0x3FFE];
	_ =	sdelay $0x1  }
0x8a: {  	s1 =	srdreg.scid  }
0x8b: {  	s0 =	sand.u32 $0x1, s1  }
0x8c: {  	s17 =	sshll.u32 s0, $0xA;
	s2 =	sadd.s32 s3, s2  }
0x8d: {  	s2 =	sadd.s32 s2, s17  }
0x8e: {  	[smem:$0x3FBB] =	sst s2  }
0x8f: {  	_ = 	snop  }
0x90: {  	s2 =	sld [smem:$0x3FC9];
	(tm) =	ssettm $0x1  }
0x91: {  	s18 =	sld [smem:$0x3FFB];
	_ =	sdelay $0x3  }
0x92: {  	_ =	strace s18  }
0x93: {  	s3 =	sld [smem:$0x3FFC];
	_ =	sdelay $0x3  }
0x94: {  	_ =	strace s3  }
0x95: {  	s3 =	sld [smem:$0x3FFD];
	_ =	sdelay $0x3  }
0x96: {  	_ =	strace s3  }
0x97: {  	_ =	strace $0x8FFFFFFF  }
0x98: {  	s19 =	sld [smem:$0x3FDB];
	_ =	sdelay $0x1  }
0x99: {  	s4 =	simm.s32 $_scs_section_size  }
0x9a: {  	s5 =	simm.s32 $_size__tile_overlayer_lowered;
	s6 =	simm.s32 $_tile_overlayer_lowered  }
0x9b: {  	s22 =	simm.s32 $0x1BFF;
	s21 =	sshll.u32 s6, $0x1;
	s3 =	sadd.s32 s4, s19  }
0x9c: {  	s7 =	simm.s32 $0x0;
	s20 =	sshll.u32 s5, $0x1;
	s5 =	sadd.s32 s21, s3  }
0x9d: {  	[timem:s7], [sflag:s22] =	dma.local [hbm:s5], s20  }
0x9e: {  	_ =	swait.ge [sflag:s22], s20  }
0x9f: {  	s4 =	ssub.s32 $0x0, s20;
	[sflag:s22] =	ssyncset.done $0x0  }
0xa0: {  	[sflag:s22] =	ssyncadd.s32 s4;
	_ =	sdelay $0x1  }
0xa1: {  	s23 =	simm.s32 $0x1B8B  }
0xa2: {  	_ =	swait.ge [sflag:s23], $0x1  }
0xa3: {  	[sflag:s23] =	ssyncset.done $0x0  }
0xa4: {  	s25 =	simm.s32 $0x1B8E;
	s24 =	sld [smem:$0x3FFE];
	[sflag:s23] =	ssyncadd.s32 $0xFFFFFFFF  }
0xa5: {  	s26 =	simm.s32 $execute0_lowered;
	[smem:$0x3FD2] =	sst s25  }
0xa6: {  	s5 =	sshll.u32 s26, $0x1;
	_ =	strace $0x80000046;
	[dreg:$0x1] =	wrdreg $0xFFFFFFFF  }
0xa7: {  	s28 =	simm.s32 $_size_execute0_lowered;
	s3 =	sadd.s32 s3, s5;
	[dreg:$0x0] =	wrdreg $0x0  }
0xa8: {  	s5 =	sshll.u32 s28, $0x1;
	[dreg:$0x2] =	wrdreg s3  }
0xa9: {  	[dreg:$0x3] =	wrdreg s5  }
0xaa: {  	[dreg:$0x4] =	wrdreg $0xC0  }
0xab: {  	_ =	task [dreg:s7], $0x5FFFF  }
0xac: {  	[dreg:$0x1] =	wrdreg $0xFFFFFFFF  }
0xad: {  	[dreg:$0x0] =	wrdreg $0x60  }
0xae: {  	[dreg:$0x2] =	wrdreg s2  }
0xaf: {  	[dreg:$0x3] =	wrdreg s24  }
0xb0: {  	[dreg:$0x4] =	wrdreg $0x98000  }
0xb1: {  	[dreg:$0x5] =	wrdreg $0x9  }
0xb2: {  	_ =	task.clear_ibuf [dreg:s7], $0x6FFFF;
	_ =	strace $0x90000046  }
0xb3: {  	s29 =	simm.s32 $0x9;
	_ =	strace $0x80000048  }
0xb4: {  	_ =	swait.ge [sflag:s29], $0x1  }
0xb5: {  	[sflag:s29] =	ssyncadd.s32 $0xFFFFFFFF  }
0xb6: {  	_ =	strace $0x90000048  }
0xb7: {  	_ =	sfence  }
0xb8: {  	s30 =	sld [smem:$0x0];
	_ =	sdelay $0x2  }
0xb9: {  	s31 =	sshll.u32 s1, $0xD;
	s1 =	sshrl.u32 s1, $0x2  }
0xba: {  	s3 =	sand.u32 $0x4000, s31;
	s1 =	sadd.s32 s1, s30  }
0xbb: {  	s0 =	sor.u32 s3, s0;
	s1 =	sshll.u32 s1, $0x11  }
0xbc: {  	s0 =	sor.u32 s1, s0  }
0xbd: {  	s0 =	sadd.s32 $0x8F2B, s0  }
0xbe: {  	[sflag:s0] =	ssyncadd.remote.s32 $0x1  }
0xbf: {  	_ =	sfence.sel $0xFFFF  }
0xc0: {  	[dreg:$0x0] =	wrdreg $0xFFFFFFFF;
	(pc) =	sbr.abs _section_cstart, $3  }
0xc1: {  	[dreg:$0x1] =	wrdreg $0xFFFFFFFF  }
0xc2: {  	_ =	task.clear_ibuf [dreg:s7], $0x2FFFF;
	_ =	strace $0x9FFFFFFF  }
0xc3: {  	(tm) =	ssettm $0x7FFFFFFF  }
tec
execute0_lowered:
.L_overlay_start_1:
0x0: {  	(tag) =	ssettag $0x1  }
0x1: {  	s0 =	rddreg [dreg:$0x0]  }
0x2: {  	s12 =	rddreg [dreg:$0x1]  }
0x3: {  	s1 =	srdreg.scid;
	s3 =	rddreg [dreg:$0x2]  }
0x4: {  	s2 =	stileid.u32;
	s4 =	simm.s32 $0x0;
	s18 =	simm.s32 $0x18000  }
0x5: {  	s21 =	simm.s32 $0x80;
	s22 =	simm.s32 $0x5800;
	s9 =	smul.u32 $0x50000, s2  }
0x6: {  	s8 =	sand.u32 $0x1, s1;
	s1 =	rddreg [dreg:$0x3];
	s13 =	smul.u32 $0x280, s2  }
0x7: {  	s23 =	simm.s32 $0x1;
	[smem:$0x7FF] =	sst s4;
	s14 =	smul.u32 $0x2800, s2  }
0x8: {  	s5 =	sshll.u32 s8, $0x4;
	s6 =	ssub.s32 $0x2, s8;
	_ =	strace $0x80000047  }
0x9: {  	p0 =	seq.s32 s8, $0x0;
	s5 =	sor.u32 s2, s5;
	s7 =	sshrl.u32 s6, $0x1  }
0xa: {  	s24 =	sshrl.u32 s9, $0x2;
	s25 =	sadd.s32 $0x80, s13;
	s28 =	sadd.s32 $0x100, s13  }
0xb: {  	s29 =	sadd.s32 $0x180, s13;
	s13 =	sadd.s32 $0x200, s13;
	s18 =	simm.s32 @!p0 $0x40000  }
0xc: {  	s5 =	smul.u32 $0x500, s5;
	s11 =	ssub.s32 s6, s7;
	s7 =	sadd.s32 s24, s3  }
0xd: {  	s26 =	sshll.u32 s25, $0x7;
	s15 =	sshll.u32 s28, $0x7;
	s16 =	sshll.u32 s25, $0x4  }
0xe: {  	s17 =	sshll.u32 s28, $0x4;
	s30 =	sshll.u32 s29, $0x7;
	s19 =	sshll.u32 s29, $0x4  }
0xf: {  	s31 =	sshll.u32 s13, $0x7;
	s18 =	sadd.s32 s18, s12;
	s20 =	sshll.u32 s13, $0x4  }
0x10: {  	s24 =	simm.s32 $0x3;
	s25 =	simm.s32 $0x0;
	s8 =	smax.u32 s11, $0x1  }
0x11: {  	s9 =	sadd.s32 s26, s3;
	s11 =	sadd.s32 s30, s3;
	s13 =	sadd.s32 s18, s14  }
0x12: {  	s14 =	sadd.s32 s18, s16;
	s16 =	sadd.s32 s18, s19;
	s10 =	sadd.s32 s5, s12  }
0x13: {  	s19 =	simm.s32 $0x2800;
	s12 =	sadd.s32 s31, s3;
	s5 =	sadd.s32 $0xE000, s10  }
0x14: {  	s6 =	sadd.s32 $0x4000, s10;
	s10 =	sadd.s32 s15, s3;
	s15 =	sadd.s32 s18, s17  }
0x15: {  	v0 =	vimm.f32 $0.0e+00;
	s17 =	sadd.s32 s18, s20;
	s18 =	simm.s32 $0x2;
	s20 =	simm.s32 $0x5000  }
.LBB2_1:
0x16: {  	[tilespmem:s4], [sflag:$0x2] =	stream.linear.gather [hbm4b:s5+s4], $0x2800, $0x38;
	[tilespmem:$0x1D800] =	vst v63  }
0x17: {  	_ =	swait.ge [sflag:s18], $0x2800  }
0x18: {  	[sflag:s18] =	ssyncset.done $0x0  }
0x19: {  	[sflag:s18] =	ssyncadd.s32 $0xFFFFD800  }
0x1a: {  	[tilespmem:s19], [sflag:$0x2] =	stream.linear.gather [hbm4b:s6+s4], $0x2800, $0x38;
	[tilespmem:$0x1D800] =	vst v63  }
0x1b: {  	_ =	swait.ge [sflag:s18], $0x2800  }
0x1c: {  	[sflag:s18] =	ssyncset.done $0x0  }
0x1d: {  	[sflag:s18] =	ssyncadd.s32 $0xFFFFD800  }
0x1e: {  	[tilespmem:$0x5000] =	vst v0  }
0x1f: {  	[tilespmem:$0x5010] =	vst v0  }
0x20: {  	[tilespmem:$0x5020] =	vst v0  }
0x21: {  	[tilespmem:$0x5030] =	vst v0  }
0x22: {  	[tilespmem:$0x5040] =	vst v0  }
0x23: {  	[tilespmem:$0x5050] =	vst v0  }
0x24: {  	[tilespmem:$0x5060] =	vst v0  }
0x25: {  	[tilespmem:$0x5070] =	vst v0  }
0x26: {  	[tilespmem:$0x5080] =	vst v0  }
0x27: {  	[tilespmem:$0x5090] =	vst v0  }
0x28: {  	[tilespmem:$0x50A0] =	vst v0  }
0x29: {  	[tilespmem:$0x50B0] =	vst v0  }
0x2a: {  	[tilespmem:$0x50C0] =	vst v0  }
0x2b: {  	[tilespmem:$0x50D0] =	vst v0  }
0x2c: {  	[tilespmem:$0x50E0] =	vst v0  }
0x2d: {  	[tilespmem:$0x50F0] =	vst v0  }
0x2e: {  	[tilespmem:$0x5100] =	vst v0  }
0x2f: {  	[tilespmem:$0x5110] =	vst v0  }
0x30: {  	[tilespmem:$0x5120] =	vst v0  }
0x31: {  	[tilespmem:$0x5130] =	vst v0  }
0x32: {  	[tilespmem:$0x5140] =	vst v0  }
0x33: {  	[tilespmem:$0x5150] =	vst v0  }
0x34: {  	[tilespmem:$0x5160] =	vst v0  }
0x35: {  	[tilespmem:$0x5170] =	vst v0  }
0x36: {  	[tilespmem:$0x5180] =	vst v0  }
0x37: {  	[tilespmem:$0x5190] =	vst v0  }
0x38: {  	[tilespmem:$0x51A0] =	vst v0  }
0x39: {  	[tilespmem:$0x51B0] =	vst v0  }
0x3a: {  	[tilespmem:$0x51C0] =	vst v0  }
0x3b: {  	[tilespmem:$0x51D0] =	vst v0  }
0x3c: {  	[tilespmem:$0x51E0] =	vst v0  }
0x3d: {  	[tilespmem:$0x51F0] =	vst v0  }
0x3e: {  	[tilespmem:$0x5200] =	vst v0  }
0x3f: {  	[tilespmem:$0x5210] =	vst v0  }
0x40: {  	[tilespmem:$0x5220] =	vst v0  }
0x41: {  	[tilespmem:$0x5230] =	vst v0  }
0x42: {  	[tilespmem:$0x5240] =	vst v0  }
0x43: {  	[tilespmem:$0x5250] =	vst v0  }
0x44: {  	[tilespmem:$0x5260] =	vst v0  }
0x45: {  	[tilespmem:$0x5270] =	vst v0  }
0x46: {  	[tilespmem:$0x5280] =	vst v0  }
0x47: {  	[tilespmem:$0x5290] =	vst v0  }
0x48: {  	[tilespmem:$0x52A0] =	vst v0  }
0x49: {  	[tilespmem:$0x52B0] =	vst v0  }
0x4a: {  	[tilespmem:$0x52C0] =	vst v0  }
0x4b: {  	[tilespmem:$0x52D0] =	vst v0  }
0x4c: {  	[tilespmem:$0x52E0] =	vst v0  }
0x4d: {  	[tilespmem:$0x52F0] =	vst v0  }
0x4e: {  	[tilespmem:$0x5300] =	vst v0  }
0x4f: {  	[tilespmem:$0x5310] =	vst v0  }
0x50: {  	[tilespmem:$0x5320] =	vst v0  }
0x51: {  	[tilespmem:$0x5330] =	vst v0  }
0x52: {  	[tilespmem:$0x5340] =	vst v0  }
0x53: {  	[tilespmem:$0x5350] =	vst v0  }
0x54: {  	[tilespmem:$0x5360] =	vst v0  }
0x55: {  	[tilespmem:$0x5370] =	vst v0  }
0x56: {  	[tilespmem:$0x5380] =	vst v0  }
0x57: {  	[tilespmem:$0x5390] =	vst v0  }
0x58: {  	[tilespmem:$0x53A0] =	vst v0  }
0x59: {  	[tilespmem:$0x53B0] =	vst v0  }
0x5a: {  	[tilespmem:$0x53C0] =	vst v0  }
0x5b: {  	[tilespmem:$0x53D0] =	vst v0  }
0x5c: {  	[tilespmem:$0x53E0] =	vst v0  }
0x5d: {  	[tilespmem:$0x53F0] =	vst v0  }
0x5e: {  	[tilespmem:$0x5400] =	vst v0  }
0x5f: {  	[tilespmem:$0x5410] =	vst v0  }
0x60: {  	[tilespmem:$0x5420] =	vst v0  }
0x61: {  	[tilespmem:$0x5430] =	vst v0  }
0x62: {  	[tilespmem:$0x5440] =	vst v0  }
0x63: {  	[tilespmem:$0x5450] =	vst v0  }
0x64: {  	[tilespmem:$0x5460] =	vst v0  }
0x65: {  	[tilespmem:$0x5470] =	vst v0  }
0x66: {  	[tilespmem:$0x5480] =	vst v0  }
0x67: {  	[tilespmem:$0x5490] =	vst v0  }
0x68: {  	[tilespmem:$0x54A0] =	vst v0  }
0x69: {  	[tilespmem:$0x54B0] =	vst v0  }
0x6a: {  	[tilespmem:$0x54C0] =	vst v0  }
0x6b: {  	[tilespmem:$0x54D0] =	vst v0  }
0x6c: {  	[tilespmem:$0x54E0] =	vst v0  }
0x6d: {  	[tilespmem:$0x54F0] =	vst v0  }
0x6e: {  	[tilespmem:$0x5500] =	vst v0  }
0x6f: {  	[tilespmem:$0x5510] =	vst v0  }
0x70: {  	[tilespmem:$0x5520] =	vst v0  }
0x71: {  	[tilespmem:$0x5530] =	vst v0  }
0x72: {  	[tilespmem:$0x5540] =	vst v0  }
0x73: {  	[tilespmem:$0x5550] =	vst v0  }
0x74: {  	[tilespmem:$0x5560] =	vst v0  }
0x75: {  	[tilespmem:$0x5570] =	vst v0  }
0x76: {  	[tilespmem:$0x5580] =	vst v0  }
0x77: {  	[tilespmem:$0x5590] =	vst v0  }
0x78: {  	[tilespmem:$0x55A0] =	vst v0  }
0x79: {  	[tilespmem:$0x55B0] =	vst v0  }
0x7a: {  	[tilespmem:$0x55C0] =	vst v0  }
0x7b: {  	[tilespmem:$0x55D0] =	vst v0  }
0x7c: {  	[tilespmem:$0x55E0] =	vst v0  }
0x7d: {  	[tilespmem:$0x55F0] =	vst v0  }
0x7e: {  	[tilespmem:$0x5600] =	vst v0  }
0x7f: {  	[tilespmem:$0x5610] =	vst v0  }
0x80: {  	[tilespmem:$0x5620] =	vst v0  }
0x81: {  	[tilespmem:$0x5630] =	vst v0  }
0x82: {  	[tilespmem:$0x5640] =	vst v0  }
0x83: {  	[tilespmem:$0x5650] =	vst v0  }
0x84: {  	[tilespmem:$0x5660] =	vst v0  }
0x85: {  	[tilespmem:$0x5670] =	vst v0  }
0x86: {  	[tilespmem:$0x5680] =	vst v0  }
0x87: {  	[tilespmem:$0x5690] =	vst v0  }
0x88: {  	[tilespmem:$0x56A0] =	vst v0  }
0x89: {  	[tilespmem:$0x56B0] =	vst v0  }
0x8a: {  	[tilespmem:$0x56C0] =	vst v0  }
0x8b: {  	[tilespmem:$0x56D0] =	vst v0  }
0x8c: {  	[tilespmem:$0x56E0] =	vst v0  }
0x8d: {  	[tilespmem:$0x56F0] =	vst v0  }
0x8e: {  	[tilespmem:$0x5700] =	vst v0  }
0x8f: {  	[tilespmem:$0x5710] =	vst v0  }
0x90: {  	[tilespmem:$0x5720] =	vst v0  }
0x91: {  	[tilespmem:$0x5730] =	vst v0  }
0x92: {  	[tilespmem:$0x5740] =	vst v0  }
0x93: {  	[tilespmem:$0x5750] =	vst v0  }
0x94: {  	[tilespmem:$0x5760] =	vst v0  }
0x95: {  	[tilespmem:$0x5770] =	vst v0  }
0x96: {  	[tilespmem:$0x5780] =	vst v0  }
0x97: {  	[tilespmem:$0x5790] =	vst v0  }
0x98: {  	[tilespmem:$0x57A0] =	vst v0  }
0x99: {  	[tilespmem:$0x57B0] =	vst v0  }
0x9a: {  	[tilespmem:$0x57C0] =	vst v0  }
0x9b: {  	[tilespmem:$0x57D0] =	vst v0  }
0x9c: {  	[tilespmem:$0x57E0] =	vst v0  }
0x9d: {  	s26 =	sadd.s32 $0x0, s7;
	[tilespmem:$0x57F0] =	vst v0  }
0x9e: {  	[spmem:s26] =	stream.linear.scatter [tilespmem:s20], [sflag:$0x2], $0x800, $0x38;
	[tilespmem:$0x1D800] =	vst v63  }
0x9f: {  	s26 =	simm.s32 $0x2000;
	_ =	swait.ge [sflag:s18], $0x800  }
.LBB2_2:
0xa0: {  	s28 =	sshra.s32 s26, $0x2;
	[sflag:s18] =	ssyncset.done $0x0;
	p1 =	sne.s32 s26, $0x4E000  }
.Ltmp0:
0xa1: {  	s28 =	sadd.s32 s28, s7;
	[sflag:s18] =	ssyncadd.s32 $0xFFFFF800;
	(pc) =	sbr.rel @p1 .LBB2_2-.Ltmp0, $3  }
0xa2: {  	[spmem:s28] =	stream.linear.scatter [tilespmem:s20], [sflag:$0x2], $0x800, $0x38;
	[tilespmem:$0x1D800] =	vst v63  }
0xa3: {  	s26 =	sadd.s32 $0x2000, s26;
	_ =	sdelay $0x1  }
0xa4: {  	_ =	swait.ge [sflag:s18], $0x800  }
0xa5: {  	[sflag:s18] =	ssyncset.done $0x0  }
0xa6: {  	[sflag:s18] =	ssyncadd.s32 $0xFFFFF800  }
0xa7: {  	s26 =	simm.s32 $0x0;
	[bflag:$0x0] =	sbarrier.arrive $0xFFFF  }
0xa8: {  	[tilespmem:s22], [sflag:$0x1] =	stream.indirect.gather [hbm4b:s0+s21], $0x80, s26, s21, $0xb8;
	[tilespmem:$0x1D800] =	vst v63  }
0xa9: {  	_ =	swait.ge [sflag:s23], $0x4000  }
0xaa: {  	[sflag:s23] =	ssyncset.done $0x0  }
0xab: {  	s31 =	simm.s32 $0x2800;
	[sflag:s23] =	ssyncadd.s32 $0xFFFFC000  }
0xac: {  	[spmem:s3] =	stream.indirect.scatter.add.f32 [tilespmem:s22], [sflag:$0x2], $0x80, s31, s21, $0xb8;
	[tilespmem:$0x1D800] =	vst v63  }
0xad: {  	_ =	swait.ge [sflag:s18], $0x4000  }
0xae: {  	s28 =	simm.s32 $0x400;
	s26 =	simm.s32 $0x200;
	[sflag:s18] =	ssyncset.done $0x0  }
.LBB2_4:
0xaf: {  	s29 =	sshra.s32 s26, $0x2  }
0xb0: {  	[sflag:s18] =	ssyncadd.s32 $0xFFFFC000;
	s26 =	smov.u32 s28;
	s30 =	sadd.s32 $0x200, s28  }
0xb1: {  	[tilespmem:s22], [sflag:$0x1] =	stream.indirect.gather [hbm4b:s0+s21], $0x80, s29, s21, $0xb8;
	[tilespmem:$0x1D800] =	vst v63  }
0xb2: {  	p1 =	sne.s32 s28, $0x9E00;
	_ =	swait.ge [sflag:s23], $0x4000  }
.Ltmp1:
0xb3: {  	[sflag:s23] =	ssyncset.done $0x0;
	(pc) =	sbr.rel @p1 .LBB2_4-.Ltmp1, $4  }
0xb4: {  	s28 =	sadd.s32 $0x2800, s29;
	[sflag:s23] =	ssyncadd.s32 $0xFFFFC000  }
0xb5: {  	[spmem:s3] =	stream.indirect.scatter.add.f32 [tilespmem:s22], [sflag:$0x2], $0x80, s28, s21, $0xb8;
	[tilespmem:$0x1D800] =	vst v63  }
0xb6: {  	_ =	swait.ge [sflag:s18], $0x4000  }
0xb7: {  	s28 =	smov.u32 s30;
	[sflag:s18] =	ssyncset.done $0x0  }
0xb8: {  	s26 =	sshra.s32 s26, $0x2;
	[sflag:s18] =	ssyncadd.s32 $0xFFFFC000  }
0xb9: {  	[tilespmem:s22], [sflag:$0x1] =	stream.indirect.gather [hbm4b:s0+s21], $0x80, s26, s21, $0xb8;
	[tilespmem:$0x1D800] =	vst v63  }
0xba: {  	_ =	swait.ge [sflag:s23], $0x4000  }
0xbb: {  	[sflag:s23] =	ssyncset.done $0x0  }
0xbc: {  	s26 =	sadd.s32 $0x2800, s26;
	[sflag:s23] =	ssyncadd.s32 $0xFFFFC000  }
0xbd: {  	[spmem:s3] =	stream.indirect.scatter.add.f32 [tilespmem:s22], [sflag:$0x2], $0x80, s26, s21, $0xb8;
	[tilespmem:$0x1D800] =	vst v63  }
0xbe: {  	_ =	swait.ge [sflag:s18], $0x4000  }
0xbf: {  	[sflag:s18] =	ssyncset.done $0x0  }
0xc0: {  	[sflag:s18] =	ssyncadd.s32 $0xFFFFC000  }
0xc1: {  	[bflag:$0x0] =	sbarrier.arrive $0xFFFF  }
0xc2: {  	[tilespmem:s22], [sflag:$0x3] =	stream.linear.gather [spmem:s7], $0x4000, $0x38;
	[tilespmem:$0x1D800] =	vst v63  }
0xc3: {  	_ =	swait.ge [sflag:s24], $0x4000  }
0xc4: {  	s26 =	simm.s32 $0x3;
	[sflag:s24] =	ssyncset.done $0x0  }
0xc5: {  	s26 =	simm.s32 @!p0 $0x2;
	[sflag:s24] =	ssyncadd.s32 $0xFFFFC000  }
0xc6: {  	[hbm4b:s13+s4] =	stream.linear.scatter [tilespmem:s22], [sflag:s26], $0x4000, $0x38;
	[tilespmem:$0x1D800] =	vst v63  }
0xc7: {  	_ =	swait.ge [sflag:s26], $0x4000  }
0xc8: {  	[sflag:s26] =	ssyncset.done $0x0  }
0xc9: {  	[sflag:s26] =	ssyncadd.s32 $0xFFFFC000  }
0xca: {  	[tilespmem:s22], [sflag:$0x3] =	stream.linear.gather [spmem:s9], $0x4000, $0x38;
	[tilespmem:$0x1D800] =	vst v63  }
0xcb: {  	_ =	swait.ge [sflag:s24], $0x4000  }
0xcc: {  	[sflag:s24] =	ssyncset.done $0x0  }
0xcd: {  	[sflag:s24] =	ssyncadd.s32 $0xFFFFC000  }
0xce: {  	[hbm4b:s14+s4] =	stream.linear.scatter [tilespmem:s22], [sflag:s26], $0x4000, $0x38;
	[tilespmem:$0x1D800] =	vst v63  }
0xcf: {  	_ =	swait.ge [sflag:s26], $0x4000  }
0xd0: {  	[sflag:s26] =	ssyncset.done $0x0  }
0xd1: {  	[sflag:s26] =	ssyncadd.s32 $0xFFFFC000  }
0xd2: {  	[tilespmem:s22], [sflag:$0x3] =	stream.linear.gather [spmem:s10], $0x4000, $0x38;
	[tilespmem:$0x1D800] =	vst v63  }
0xd3: {  	_ =	swait.ge [sflag:s24], $0x4000  }
0xd4: {  	[sflag:s24] =	ssyncset.done $0x0  }
0xd5: {  	[sflag:s24] =	ssyncadd.s32 $0xFFFFC000  }
0xd6: {  	[hbm4b:s15+s4] =	stream.linear.scatter [tilespmem:s22], [sflag:s26], $0x4000, $0x38;
	[tilespmem:$0x1D800] =	vst v63  }
0xd7: {  	_ =	swait.ge [sflag:s26], $0x4000  }
0xd8: {  	[sflag:s26] =	ssyncset.done $0x0  }
0xd9: {  	[sflag:s26] =	ssyncadd.s32 $0xFFFFC000  }
0xda: {  	[tilespmem:s22], [sflag:$0x3] =	stream.linear.gather [spmem:s11], $0x4000, $0x38;
	[tilespmem:$0x1D800] =	vst v63  }
0xdb: {  	_ =	swait.ge [sflag:s24], $0x4000  }
0xdc: {  	[sflag:s24] =	ssyncset.done $0x0  }
0xdd: {  	[sflag:s24] =	ssyncadd.s32 $0xFFFFC000  }
0xde: {  	[hbm4b:s16+s4] =	stream.linear.scatter [tilespmem:s22], [sflag:s26], $0x4000, $0x38;
	[tilespmem:$0x1D800] =	vst v63  }
0xdf: {  	_ =	swait.ge [sflag:s26], $0x4000  }
0xe0: {  	[sflag:s26] =	ssyncset.done $0x0  }
0xe1: {  	[sflag:s26] =	ssyncadd.s32 $0xFFFFC000  }
0xe2: {  	[tilespmem:s22], [sflag:$0x3] =	stream.linear.gather [spmem:s12], $0x4000, $0x38;
	[tilespmem:$0x1D800] =	vst v63  }
0xe3: {  	s25 =	sadd.s32 $0x1, s25;
	_ =	swait.ge [sflag:s24], $0x4000  }
0xe4: {  	p1 =	sne.s32 s25, s8;
	[sflag:s24] =	ssyncset.done $0x0  }
.Ltmp2:
0xe5: {  	[sflag:s24] =	ssyncadd.s32 $0xFFFFC000;
	(pc) =	sbr.rel @p1 .LBB2_1-.Ltmp2, $4  }
0xe6: {  	[hbm4b:s17+s4] =	stream.linear.scatter [tilespmem:s22], [sflag:s26], $0x4000, $0x38;
	[tilespmem:$0x1D800] =	vst v63  }
0xe7: {  	_ =	swait.ge [sflag:s26], $0x4000  }
0xe8: {  	[sflag:s26] =	ssyncset.done $0x0  }
0xe9: {  	[sflag:s26] =	ssyncadd.s32 $0xFFFFC000  }
0xea: {  	_ =	sfence.sel $0x180000  }
0xeb: {  	[bflag:$0x0] =	sbarrier.arrive $0xFFFF  }
0xec: {  	p0 =	sne.s32 s2, $0x0;
	_ =	strace $0x90000047  }
0xed: {  	s0 =	sadd.s32 @!p0 $0x100000, s1;
	[bflag:$0x2] =	sbarrier.arrive $0xFFFF  }
0xee: {  	[sflag:s0] =	ssyncadd.tile.s32 @!p0 $0x1;
	_ =	shalt  }
.Lfunc_end2:
_tile_overlayer_lowered:
.L_overlay_start_2:
0xef: {  	(tag) =	ssettag $0x2  }
0xf0: {  	s0 =	rddreg [dreg:$0x0];
	s2 =	stileid.u32  }
0xf1: {  	s1 =	rddreg [dreg:$0x1];
	p0 =	sne.s32 s2, $0x0  }
0xf2: {  	s3 =	rddreg [dreg:$0x2];
	[bflag:$0x3] =	sbarrier.arrive $0xFFFF;
	s2 =	simm.s32 @!p0 $0x1C02  }
0xf3: {  	[timem:s3], [sflag:s2] =	dma.local @!p0 [hbm:s0], s1  }
0xf4: {  	s0 =	simm.s32 @!p0 $0x2  }
0xf5: {  	_ =	swait.ge @!p0 [sflag:s0], s1  }
0xf6: {  	s1 =	ssub.s32 @!p0 $0x0, s1;
	[sflag:s0] =	ssyncset.done @!p0 $0x0  }
0xf7: {  	[sflag:s0] =	ssyncadd.s32 @!p0 s1  }
0xf8: {  	[bflag:$0x3] =	sbarrier.arrive $0xFFFF  }
0xf9: {  	_ =	shalt  }

</sc_bundles>
